<compile_context>
chip_gen: v7x
topology: tpu7x:2x2x1
jax: 0.10.2.dev20260603
libtpu: 0.0.44.dev20260713+nightly
codegen_flags: <defaults>
</compile_context>

<pallas_src>
import functools

import jax
import jax.numpy as jnp
from jax import lax
from jax.experimental import pallas as pl
from jax.experimental.pallas import tpu as pltpu
from jax.experimental.pallas import tpu_sc as plsc

NN = 10000
EE = 320000
DD = 128
HH = 64
CC = 3
GG = 128

NC = 2
NS = 16
NT = NC * NS
K = 128
CHUNKS = (-(-EE // (NT * K)) + 7) // 8 * 8
EP = NT * K * CHUNKS
NP = 10240
NROW = NP // NS
DSLC = NP // NS

_f32 = jnp.float32
_i32 = jnp.int32


def _mesh():
    return plsc.VectorSubcoreMesh(core_axis_name="c", subcore_axis_name="s")


def _sc_deg(d2d, w2d):
    @functools.partial(
        pl.kernel,
        out_type=jax.ShapeDtypeStruct((NC, NP), _f32),
        mesh=_mesh(),
        scratch_types=[
            pltpu.VMEM((CHUNKS, K), _i32),
            pltpu.VMEM((CHUNKS, K), _f32),
            pltpu.VMEM((DSLC,), _f32),
            pltpu.VMEM_SHARED((NP,), _f32),
            pltpu.SemaphoreType.DMA,
        ],
    )
    def deg_kernel(d_hbm, w_hbm, out_hbm, dv, wv, zb, wsum_sp, sem):
        c = lax.axis_index("c")
        s = lax.axis_index("s")
        wid = c * NS + s
        pltpu.async_copy(d_hbm.at[pl.ds(wid * CHUNKS, CHUNKS)], dv, sem).wait()
        pltpu.async_copy(w_hbm.at[pl.ds(wid * CHUNKS, CHUNKS)], wv, sem).wait()
        zeros = jnp.zeros((16,), _f32)

        @pl.loop(0, DSLC, step=16)
        def _(i):
            zb[pl.ds(i, 16)] = zeros

        pltpu.sync_copy(zb, wsum_sp.at[pl.ds(s * DSLC, DSLC)])
        plsc.subcore_barrier()

        @pl.loop(0, CHUNKS)
        def _(k):
            pltpu.sync_copy(wv.at[k], wsum_sp.at[dv.at[k]], add=True)

        plsc.subcore_barrier()
        pltpu.sync_copy(wsum_sp.at[pl.ds(s * DSLC, DSLC)], zb)
        pltpu.sync_copy(zb, out_hbm.at[c, pl.ds(s * DSLC, DSLC)])

    return deg_kernel(d2d, w2d)


def _sc_spmm(table, s2d, d2d, w2d):
    @functools.partial(
        pl.kernel,
        out_type=jax.ShapeDtypeStruct((NC, NP, HH), _f32),
        mesh=_mesh(),
        scratch_types=[
            pltpu.VMEM((CHUNKS, K), _i32),
            pltpu.VMEM((CHUNKS, K), _i32),
            pltpu.VMEM((CHUNKS, K), _f32),
            pltpu.VMEM((3, K, HH), _f32),
            pltpu.VMEM((K, HH), _f32),
            pltpu.VMEM_SHARED((NP, HH), _f32),
            pltpu.SemaphoreType.DMA,
            pltpu.SemaphoreType.DMA,
            pltpu.SemaphoreType.DMA,
        ],
        compiler_params=pltpu.CompilerParams(use_tc_tiling_on_sc=False),
    )
    def spmm_kernel(t_hbm, s_hbm, d_hbm, w_hbm, out_hbm,
                    sv, dv, wv, rows, stage, acc_sp, sem, sem2, sem3):
        c = lax.axis_index("c")
        s = lax.axis_index("s")
        wid = c * NS + s
        row0 = s * NROW

        ce1 = pltpu.async_copy(s_hbm.at[pl.ds(wid * CHUNKS, CHUNKS)], sv, sem)
        ce2 = pltpu.async_copy(d_hbm.at[pl.ds(wid * CHUNKS, CHUNKS)], dv, sem)
        ce3 = pltpu.async_copy(w_hbm.at[pl.ds(wid * CHUNKS, CHUNKS)], wv, sem)
        zeros = jnp.zeros((16,), _f32)

        @pl.loop(0, K)
        def _(r):
            for j in range(HH // 16):
                stage[r, pl.ds(j * 16, 16)] = zeros

        for t in range(NROW // K):
            pltpu.sync_copy(stage, acc_sp.at[pl.ds(row0 + t * K, K)])
        ce1.wait()
        ce2.wait()
        ce3.wait()
        plsc.subcore_barrier()

        pltpu.async_copy(t_hbm.at[sv.at[0]], rows.at[0], sem2)
        pltpu.async_copy(t_hbm.at[sv.at[1]], rows.at[1], sem2)

        @pl.loop(0, CHUNKS)
        def _(k):
            b = lax.rem(k, 3)
            pltpu.make_async_copy(t_hbm.at[sv.at[k]], rows.at[b], sem2).wait()
            rb = rows.at[b]

            @pl.loop(0, K, step=16)
            def _(e0):
                wg = wv[k, pl.ds(e0, 16)]
                for i in range(16):
                    w = wg[i]
                    for j in range(HH // 16):
                        sl = pl.ds(j * 16, 16)
                        rb[e0 + i, sl] = rb[e0 + i, sl] * w

            @pl.when(k > 0)
            def _():
                pltpu.make_async_copy(
                    rows.at[lax.rem(k + 2, 3)],
                    acc_sp.at[dv.at[k - 1]], sem3).wait()

            @pl.when(k < CHUNKS - 2)
            def _():
                pltpu.async_copy(t_hbm.at[sv.at[k + 2]],
                                 rows.at[lax.rem(k + 2, 3)], sem2)

            pltpu.async_copy(rb, acc_sp.at[dv.at[k]], sem3, add=True)

        pltpu.make_async_copy(rows.at[lax.rem(CHUNKS - 1, 3)],
                              acc_sp.at[dv.at[CHUNKS - 1]], sem3).wait()
        plsc.subcore_barrier()
        for t in range(NROW // K):
            pltpu.sync_copy(acc_sp.at[pl.ds(row0 + t * K, K)], stage)
            pltpu.sync_copy(stage, out_hbm.at[c, pl.ds(row0 + t * K, K)])

    return spmm_kernel(table, s2d, d2d, w2d)


def _tc_matmul1(x, W1):
    def body(x_ref, w_ref, o_ref):
        o_ref[...] = jnp.dot(x_ref[...], w_ref[...],
                             preferred_element_type=_f32)

    return pl.pallas_call(
        body, out_shape=jax.ShapeDtypeStruct((NP, HH), _f32))(x, W1)


def _tc_scale(h0, ws):
    def body(h_ref, ws_ref, hs_ref, dinv_ref):
        deg = ws_ref[0] + ws_ref[1] + 1.0
        dinv = 1.0 / jnp.sqrt(deg)
        dinv_ref[...] = dinv
        hs_ref[...] = h_ref[...] * dinv

    return pl.pallas_call(
        body,
        out_shape=(jax.ShapeDtypeStruct((NP, HH), _f32),
                   jax.ShapeDtypeStruct((NP, 1), _f32)))(h0, ws)


def _tc_mid(p, h0s, dinv, b1, W2):
    def body(p_ref, hs_ref, di_ref, b_ref, w_ref, o_ref):
        dinv = di_ref[...]
        h1 = jnp.maximum((p_ref[0] + p_ref[1] + hs_ref[...]) * dinv
                         + b_ref[...], 0.0)
        o_ref[...] = jnp.dot(h1, w_ref[...],
                             preferred_element_type=_f32) * dinv

    return pl.pallas_call(
        body, out_shape=jax.ShapeDtypeStruct((NP, HH), _f32))(
            p, h0s, dinv, b1, W2)


def _tc_final(q, h1s, dinv, b2, batch_row, Wf1, bf1, Wf2, bf2):
    def body(q_ref, hs_ref, di_ref, b2_ref, bt_ref,
             wf1_ref, bf1_ref, wf2_ref, bf2_ref, o_ref):
        h2 = jnp.maximum((q_ref[0] + q_ref[1] + hs_ref[...]) * di_ref[...]
                         + b2_ref[...], 0.0)
        gids = lax.broadcasted_iota(_i32, (GG, NP), 0)
        onehot = (gids == bt_ref[...]).astype(_f32)
        sums = jnp.dot(onehot, h2, preferred_element_type=_f32,
                       precision=lax.Precision.HIGHEST)
        counts = jnp.sum(onehot, axis=1, keepdims=True)
        pooled = sums / jnp.maximum(counts, 1.0)
        hm = jnp.maximum(
            jnp.dot(pooled, wf1_ref[...], preferred_element_type=_f32)
            + bf1_ref[...], 0.0)
        o_ref[...] = (jnp.dot(hm, wf2_ref[...], preferred_element_type=_f32)
                      + bf2_ref[...])

    return pl.pallas_call(
        body, out_shape=jax.ShapeDtypeStruct((GG, CC), _f32))(
            q, h1s, dinv, b2, batch_row, Wf1, bf1, Wf2, bf2)


def kernel(x, edge_index, edge_weight, batch, W1, b1, W2, b2,
           Wf1, bf1, Wf2, bf2):
    src = edge_index[0]
    dst = edge_index[1]
    pad = EP - EE
    s2d = jnp.pad(src, (0, pad)).reshape(NT * CHUNKS, K)
    d2d = jnp.pad(dst, (0, pad)).reshape(NT * CHUNKS, K)
    w2d = jnp.pad(edge_weight, (0, pad)).reshape(NT * CHUNKS, K)
    x_p = jnp.pad(x, ((0, NP - NN), (0, 0)))
    batch_p = jnp.pad(batch, (0, NP - NN),
                      constant_values=GG).reshape(1, NP)

    ws = _sc_deg(d2d, w2d)
    h0 = _tc_matmul1(x_p, W1)
    h0s, dinv = _tc_scale(h0, ws[:, :, None])
    p = _sc_spmm(h0s, s2d, d2d, w2d)
    h1s = _tc_mid(p, h0s, dinv, b1.reshape(1, HH), W2)
    q = _sc_spmm(h1s, s2d, d2d, w2d)
    out = _tc_final(q, h1s, dinv, b2.reshape(1, HH), batch_p,
                    Wf1, bf1.reshape(1, HH), Wf2, bf2.reshape(1, CC))
    return out

# --- scband reference (transcript-rebuilt; emitter-appended) ---
"""Pipeline reference for scband-game-outcome-predictor-3324304687518 (READ-ONLY COPY).

The authoritative reference and input builder live on the scoring server;
editing this copy changes nothing except your own understanding.
"""

import jax, jax.numpy as jnp
import numpy as np

N = 10000   # nodes
E = 320000  # edges
D = 128     # in_channels
H = 64      # hidden_channels
C = 3       # num_classes
G = 128     # graphs in batch


def setup_inputs(seed: int = 0) -> dict:
    key = jax.random.key(seed)
    ks = jax.random.split(key, 12)
    x = jax.random.normal(ks[0], (N, D), dtype=jnp.float32)
    edge_index = jax.random.randint(ks[1], (2, E), 0, N, dtype=jnp.int32)
    edge_weight = jax.random.uniform(ks[2], (E,), dtype=jnp.float32)
    batch = jnp.sort(jax.random.randint(ks[3], (N,), 0, G, dtype=jnp.int32))
    W1 = jax.random.normal(ks[4], (D, H), dtype=jnp.float32) * (1.0 / np.sqrt(D))
    b1 = jnp.zeros((H,), dtype=jnp.float32)
    W2 = jax.random.normal(ks[5], (H, H), dtype=jnp.float32) * (1.0 / np.sqrt(H))
    b2 = jnp.zeros((H,), dtype=jnp.float32)
    Wf1 = jax.random.normal(ks[6], (H, H), dtype=jnp.float32) * (1.0 / np.sqrt(H))
    bf1 = jnp.zeros((H,), dtype=jnp.float32)
    Wf2 = jax.random.normal(ks[7], (H, C), dtype=jnp.float32) * (1.0 / np.sqrt(H))
    bf2 = jnp.zeros((C,), dtype=jnp.float32)
    return {"x": x, "edge_index": edge_index, "edge_weight": edge_weight, "batch": batch,
            "W1": W1, "b1": b1, "W2": W2, "b2": b2, "Wf1": Wf1, "bf1": bf1, "Wf2": Wf2, "bf2": bf2}


def _gcn_conv(x, src, dst, ew, W, b, num_nodes):
    # GCNConv with self-loops and symmetric normalization (PyG semantics)
    loop = jnp.arange(num_nodes, dtype=src.dtype)
    s = jnp.concatenate([src, loop])
    d = jnp.concatenate([dst, loop])
    w = jnp.concatenate([ew, jnp.ones((num_nodes,), dtype=ew.dtype)])
    deg = jnp.zeros((num_nodes,), dtype=x.dtype).at[d].add(w)
    dinv = jnp.where(deg > 0, deg ** -0.5, 0.0)
    norm = dinv[s] * w * dinv[d]
    h = x @ W
    msg = h[s] * norm[:, None]
    out = jnp.zeros((num_nodes, W.shape[1]), dtype=x.dtype).at[d].add(msg)
    return out + b


def reference(x, edge_index, edge_weight, batch, W1, b1, W2, b2, Wf1, bf1, Wf2, bf2):
    src, dst = edge_index[0], edge_index[1]
    h = jax.nn.relu(_gcn_conv(x, src, dst, edge_weight, W1, b1, N))
    h = jax.nn.relu(_gcn_conv(h, src, dst, edge_weight, W2, b2, N))
    sums = jax.ops.segment_sum(h, batch, num_segments=G)
    counts = jax.ops.segment_sum(jnp.ones((N, 1), dtype=h.dtype), batch, num_segments=G)
    pooled = sums / jnp.maximum(counts, 1.0)
    h = jax.nn.relu(pooled @ Wf1 + bf1)
    out = h @ Wf2 + bf2
    return out

if __name__ == "__main__":
    import jax
    _d = setup_inputs()
    print(jax.jit(kernel)(*tuple(_d.values())))

</pallas_src>

<mosaic_0001>
#map = affine_map<(d0, d1) -> (0, 0)>
module attributes {stable_mosaic.version = 14 : i64} {
  func.func @deg_kernel(%arg0: i32, %arg1: i32, %arg2: memref<2560x128xi32, #tpu.memory_space<hbm>>, %arg3: memref<2560x128xf32, #tpu.memory_space<hbm>>, %arg4: memref<2x10240xf32, #tpu.memory_space<hbm>>, %arg5: memref<80x128xi32, #tpu.memory_space<vmem>>, %arg6: memref<80x128xf32, #tpu.memory_space<vmem>>, %arg7: memref<640xf32, #tpu.memory_space<vmem>>, %arg8: memref<10240xf32, #tpu.memory_space<vmem_shared>>, %arg9: memref<!tpu.dma_semaphore, #tpu.memory_space<semaphore_mem>>) attributes {dimension_semantics = [#tpu.dimension_semantics<core_parallel>, #tpu.dimension_semantics<subcore_parallel>], iteration_bounds = array<i64: 2, 16>, scalar_prefetch = 0 : i64, scratch_operands = 5 : i64, tpu.core_type = #tpu.core_type<sc_vector_subcore>, window_params = [{transform_indices = #map}, {transform_indices = #map}, {transform_indices = #map}]} {
    %mul3A = arith.constant 16 : i32
    %mul3A_0 = arith.muli %arg0, %mul3A : i32
    %add3A = arith.addi %mul3A_0, %arg1 : i32
    %mul3A_1 = arith.constant 80 : i32
    %mul3A_2 = arith.muli %add3A, %mul3A_1 : i32
    %dma_start3A = arith.constant 0 : i32
    %dma_start3A_3 = tpu.memref_slice %arg2[%mul3A_2, %dma_start3A] : memref<2560x128xi32, #tpu.memory_space<hbm>> -> memref<80x128xi32, #tpu.memory_space<hbm>>
    %dma_start3A_4 = arith.constant 0 : i32
    %dma_start3A_5 = tpu.memref_slice %arg2[%mul3A_2, %dma_start3A_4] : memref<2560x128xi32, #tpu.memory_space<hbm>> -> memref<80x128xi32, #tpu.memory_space<hbm>>
    tpu.enqueue_dma source(%dma_start3A_5 : memref<80x128xi32, #tpu.memory_space<hbm>>) target(%arg5 : memref<80x128xi32, #tpu.memory_space<vmem>>) target_semaphore(%arg9 : memref<!tpu.dma_semaphore, #tpu.memory_space<semaphore_mem>>)
    %dma_wait3A = arith.constant 0 : i32
    %dma_wait3A_6 = tpu.memref_slice %arg2[%mul3A_2, %dma_wait3A] : memref<2560x128xi32, #tpu.memory_space<hbm>> -> memref<80x128xi32, #tpu.memory_space<hbm>>
    %dma_wait3A_7 = arith.constant 0 : i32
    %dma_wait3A_8 = tpu.memref_slice %arg2[%mul3A_2, %dma_wait3A_7] : memref<2560x128xi32, #tpu.memory_space<hbm>> -> memref<80x128xi32, #tpu.memory_space<hbm>>
    tpu.wait_dma2 semaphore(%arg9 : memref<!tpu.dma_semaphore, #tpu.memory_space<semaphore_mem>>) src(%dma_wait3A_8 : memref<80x128xi32, #tpu.memory_space<hbm>>) dst(%arg5 : memref<80x128xi32, #tpu.memory_space<vmem>>)
    %mul3A_9 = arith.constant 80 : i32
    %mul3A_10 = arith.muli %add3A, %mul3A_9 : i32
    %dma_start3A_11 = arith.constant 0 : i32
    %dma_start3A_12 = tpu.memref_slice %arg3[%mul3A_10, %dma_start3A_11] : memref<2560x128xf32, #tpu.memory_space<hbm>> -> memref<80x128xf32, #tpu.memory_space<hbm>>
    %dma_start3A_13 = arith.constant 0 : i32
    %dma_start3A_14 = tpu.memref_slice %arg3[%mul3A_10, %dma_start3A_13] : memref<2560x128xf32, #tpu.memory_space<hbm>> -> memref<80x128xf32, #tpu.memory_space<hbm>>
    tpu.enqueue_dma source(%dma_start3A_14 : memref<80x128xf32, #tpu.memory_space<hbm>>) target(%arg6 : memref<80x128xf32, #tpu.memory_space<vmem>>) target_semaphore(%arg9 : memref<!tpu.dma_semaphore, #tpu.memory_space<semaphore_mem>>)
    %dma_wait3A_15 = arith.constant 0 : i32
    %dma_wait3A_16 = tpu.memref_slice %arg3[%mul3A_10, %dma_wait3A_15] : memref<2560x128xf32, #tpu.memory_space<hbm>> -> memref<80x128xf32, #tpu.memory_space<hbm>>
    %dma_wait3A_17 = arith.constant 0 : i32
    %dma_wait3A_18 = tpu.memref_slice %arg3[%mul3A_10, %dma_wait3A_17] : memref<2560x128xf32, #tpu.memory_space<hbm>> -> memref<80x128xf32, #tpu.memory_space<hbm>>
    tpu.wait_dma2 semaphore(%arg9 : memref<!tpu.dma_semaphore, #tpu.memory_space<semaphore_mem>>) src(%dma_wait3A_18 : memref<80x128xf32, #tpu.memory_space<hbm>>) dst(%arg6 : memref<80x128xf32, #tpu.memory_space<vmem>>)
    %broadcast_in_dim3A = arith.constant 0.000000e+00 : f32
    %broadcast_in_dim3A_19 = vector.broadcast %broadcast_in_dim3A : f32 to vector<16xf32>
    %scan3A = arith.constant 0 : i32
    %scan3A_20 = arith.constant 40 : i32
    %scan3A_21 = arith.addi %scan3A, %scan3A_20 : i32
    %scan3A_22 = arith.constant 1 : i32
    scf.for %scan3A_36 = %scan3A to %scan3A_21 step %scan3A_22  : i32 {
      %mul3A_37 = arith.constant 16 : i32
      %mul3A_38 = arith.muli %scan3A_36, %mul3A_37 : i32
      %add3A_39 = arith.constant 0 : i32
      %add3A_40 = arith.addi %add3A_39, %mul3A_38 : i32
      %swap3A = arith.index_cast %add3A_40 : i32 to index
      %swap3A_41 = tpu.vector_load %arg7[%swap3A] {strides = array<i32>} : memref<640xf32, #tpu.memory_space<vmem>>, vector<16xf32>,
      %swap3A_42 = vector.shape_cast %swap3A_41 : vector<16xf32> to vector<16xf32>
      %swap3A_43 = vector.shape_cast %broadcast_in_dim3A_19 : vector<16xf32> to vector<16xf32>
      tpu.vector_store %arg7[%swap3A], %swap3A_43 {strides = array<i32>} : memref<640xf32, #tpu.memory_space<vmem>>, vector<16xf32>,
    }
    %scan3A_23 = arith.constant 40 : i32
    %mul3A_24 = arith.constant 640 : i32
    %mul3A_25 = arith.muli %arg1, %mul3A_24 : i32
    "tpu.region"() ({
      %run_scoped3A = tpu.sem_alloc : memref<!tpu.dma_semaphore, #tpu.memory_space<semaphore_mem>>
      %dma_start3A_36 = tpu.memref_slice %arg8[%mul3A_25] : memref<10240xf32, #tpu.memory_space<vmem_shared>> -> memref<640xf32, #tpu.memory_space<vmem_shared>>
      %dma_start3A_37 = tpu.memref_slice %arg8[%mul3A_25] : memref<10240xf32, #tpu.memory_space<vmem_shared>> -> memref<640xf32, #tpu.memory_space<vmem_shared>>
      tpu.enqueue_dma source(%arg7 : memref<640xf32, #tpu.memory_space<vmem>>) target(%dma_start3A_37 : memref<640xf32, #tpu.memory_space<vmem_shared>>) target_semaphore(%run_scoped3A : memref<!tpu.dma_semaphore, #tpu.memory_space<semaphore_mem>>)
      %dma_wait3A_38 = tpu.memref_slice %arg8[%mul3A_25] : memref<10240xf32, #tpu.memory_space<vmem_shared>> -> memref<640xf32, #tpu.memory_space<vmem_shared>>
      %dma_wait3A_39 = tpu.memref_slice %arg8[%mul3A_25] : memref<10240xf32, #tpu.memory_space<vmem_shared>> -> memref<640xf32, #tpu.memory_space<vmem_shared>>
      tpu.wait_dma2 semaphore(%run_scoped3A : memref<!tpu.dma_semaphore, #tpu.memory_space<semaphore_mem>>) src(%arg7 : memref<640xf32, #tpu.memory_space<vmem>>) dst(%dma_wait3A_39 : memref<640xf32, #tpu.memory_space<vmem_shared>>)
      tpu.yield
    }) : () -> ()
    %barrier3A = arith.constant 0 : index
    tpu.barrier barrier_id(%barrier3A)
    %scan3A_26 = arith.constant 0 : i32
    %scan3A_27 = arith.constant 80 : i32
    %scan3A_28 = arith.addi %scan3A_26, %scan3A_27 : i32
    %scan3A_29 = arith.constant 1 : i32
    scf.for %scan3A_36 = %scan3A_26 to %scan3A_28 step %scan3A_29  : i32 {
      %mul3A_37 = arith.constant 1 : i32
      %mul3A_38 = arith.muli %scan3A_36, %mul3A_37 : i32
      %add3A_39 = arith.constant 0 : i32
      %add3A_40 = arith.addi %add3A_39, %mul3A_38 : i32
      "tpu.region"() ({
        %run_scoped3A = tpu.sem_alloc : memref<!tpu.dma_semaphore, #tpu.memory_space<semaphore_mem>>
        %dma_start3A_41 = arith.constant 0 : i32
        %dma_start3A_42 = tpu.memref_slice %arg6[%add3A_40, %dma_start3A_41] : memref<80x128xf32, #tpu.memory_space<vmem>> -> memref<1x128xf32, #tpu.memory_space<vmem>>
        %dma_start3A_43 = tpu.memref_squeeze %dma_start3A_42 : memref<1x128xf32, #tpu.memory_space<vmem>> -> memref<128xf32, #tpu.memory_space<vmem>>
        %dma_start3A_44 = arith.constant 0 : i32
        %dma_start3A_45 = tpu.memref_slice %arg5[%add3A_40, %dma_start3A_44] : memref<80x128xi32, #tpu.memory_space<vmem>> -> memref<1x128xi32, #tpu.memory_space<vmem>>
        %dma_start3A_46 = tpu.memref_squeeze %dma_start3A_45 : memref<1x128xi32, #tpu.memory_space<vmem>> -> memref<128xi32, #tpu.memory_space<vmem>>
        %dma_start3A_47 = arith.constant 0 : i32
        %dma_start3A_48 = tpu.memref_slice %arg8[%dma_start3A_47] : memref<10240xf32, #tpu.memory_space<vmem_shared>> -> memref<10240xf32, #tpu.memory_space<vmem_shared>>
        tpu.enqueue_indirect_dma source(%dma_start3A_43 : memref<128xf32, #tpu.memory_space<vmem>>) target(%dma_start3A_48 : memref<10240xf32, #tpu.memory_space<vmem_shared>>) offsets(%dma_start3A_46 : memref<128xi32, #tpu.memory_space<vmem>>) semaphore(%run_scoped3A : memref<!tpu.dma_semaphore, #tpu.memory_space<semaphore_mem>>) {add = true}
        %dma_wait3A_49 = arith.constant 0 : i32
        %dma_wait3A_50 = tpu.memref_slice %arg6[%add3A_40, %dma_wait3A_49] : memref<80x128xf32, #tpu.memory_space<vmem>> -> memref<1x128xf32, #tpu.memory_space<vmem>>
        %dma_wait3A_51 = tpu.memref_squeeze %dma_wait3A_50 : memref<1x128xf32, #tpu.memory_space<vmem>> -> memref<128xf32, #tpu.memory_space<vmem>>
        %dma_wait3A_52 = arith.constant 0 : i32
        %dma_wait3A_53 = tpu.memref_slice %arg5[%add3A_40, %dma_wait3A_52] : memref<80x128xi32, #tpu.memory_space<vmem>> -> memref<1x128xi32, #tpu.memory_space<vmem>>
        %dma_wait3A_54 = tpu.memref_squeeze %dma_wait3A_53 : memref<1x128xi32, #tpu.memory_space<vmem>> -> memref<128xi32, #tpu.memory_space<vmem>>
        %dma_wait3A_55 = arith.constant 0 : i32
        %dma_wait3A_56 = tpu.memref_slice %arg8[%dma_wait3A_55] : memref<10240xf32, #tpu.memory_space<vmem_shared>> -> memref<10240xf32, #tpu.memory_space<vmem_shared>>
        tpu.wait_indirect_dma semaphore(%run_scoped3A : memref<!tpu.dma_semaphore, #tpu.memory_space<semaphore_mem>>) src(%dma_wait3A_51 : memref<128xf32, #tpu.memory_space<vmem>>) dst(%dma_wait3A_56 : memref<10240xf32, #tpu.memory_space<vmem_shared>>)
        tpu.yield
      }) : () -> ()
    }
    %scan3A_30 = arith.constant 80 : i32
    %barrier3A_31 = arith.constant 0 : index
    tpu.barrier barrier_id(%barrier3A_31)
    %mul3A_32 = arith.constant 640 : i32
    %mul3A_33 = arith.muli %arg1, %mul3A_32 : i32
    "tpu.region"() ({
      %run_scoped3A = tpu.sem_alloc : memref<!tpu.dma_semaphore, #tpu.memory_space<semaphore_mem>>
      %dma_start3A_36 = tpu.memref_slice %arg8[%mul3A_33] : memref<10240xf32, #tpu.memory_space<vmem_shared>> -> memref<640xf32, #tpu.memory_space<vmem_shared>>
      %dma_start3A_37 = tpu.memref_slice %arg8[%mul3A_33] : memref<10240xf32, #tpu.memory_space<vmem_shared>> -> memref<640xf32, #tpu.memory_space<vmem_shared>>
      tpu.enqueue_dma source(%dma_start3A_37 : memref<640xf32, #tpu.memory_space<vmem_shared>>) target(%arg7 : memref<640xf32, #tpu.memory_space<vmem>>) target_semaphore(%run_scoped3A : memref<!tpu.dma_semaphore, #tpu.memory_space<semaphore_mem>>)
      %dma_wait3A_38 = tpu.memref_slice %arg8[%mul3A_33] : memref<10240xf32, #tpu.memory_space<vmem_shared>> -> memref<640xf32, #tpu.memory_space<vmem_shared>>
      %dma_wait3A_39 = tpu.memref_slice %arg8[%mul3A_33] : memref<10240xf32, #tpu.memory_space<vmem_shared>> -> memref<640xf32, #tpu.memory_space<vmem_shared>>
      tpu.wait_dma2 semaphore(%run_scoped3A : memref<!tpu.dma_semaphore, #tpu.memory_space<semaphore_mem>>) src(%dma_wait3A_39 : memref<640xf32, #tpu.memory_space<vmem_shared>>) dst(%arg7 : memref<640xf32, #tpu.memory_space<vmem>>)
      tpu.yield
    }) : () -> ()
    %mul3A_34 = arith.constant 640 : i32
    %mul3A_35 = arith.muli %arg1, %mul3A_34 : i32
    "tpu.region"() ({
      %run_scoped3A = tpu.sem_alloc : memref<!tpu.dma_semaphore, #tpu.memory_space<semaphore_mem>>
      %dma_start3A_36 = tpu.memref_slice %arg4[%arg0, %mul3A_35] : memref<2x10240xf32, #tpu.memory_space<hbm>> -> memref<1x640xf32, #tpu.memory_space<hbm>>
      %dma_start3A_37 = tpu.memref_squeeze %dma_start3A_36 : memref<1x640xf32, #tpu.memory_space<hbm>> -> memref<640xf32, #tpu.memory_space<hbm>>
      %dma_start3A_38 = tpu.memref_slice %arg4[%arg0, %mul3A_35] : memref<2x10240xf32, #tpu.memory_space<hbm>> -> memref<1x640xf32, #tpu.memory_space<hbm>>
      %dma_start3A_39 = tpu.memref_squeeze %dma_start3A_38 : memref<1x640xf32, #tpu.memory_space<hbm>> -> memref<640xf32, #tpu.memory_space<hbm>>
      tpu.enqueue_dma source(%arg7 : memref<640xf32, #tpu.memory_space<vmem>>) target(%dma_start3A_39 : memref<640xf32, #tpu.memory_space<hbm>>) target_semaphore(%run_scoped3A : memref<!tpu.dma_semaphore, #tpu.memory_space<semaphore_mem>>)
      %dma_wait3A_40 = tpu.memref_slice %arg4[%arg0, %mul3A_35] : memref<2x10240xf32, #tpu.memory_space<hbm>> -> memref<1x640xf32, #tpu.memory_space<hbm>>
      %dma_wait3A_41 = tpu.memref_squeeze %dma_wait3A_40 : memref<1x640xf32, #tpu.memory_space<hbm>> -> memref<640xf32, #tpu.memory_space<hbm>>
      %dma_wait3A_42 = tpu.memref_slice %arg4[%arg0, %mul3A_35] : memref<2x10240xf32, #tpu.memory_space<hbm>> -> memref<1x640xf32, #tpu.memory_space<hbm>>
      %dma_wait3A_43 = tpu.memref_squeeze %dma_wait3A_42 : memref<1x640xf32, #tpu.memory_space<hbm>> -> memref<640xf32, #tpu.memory_space<hbm>>
      tpu.wait_dma2 semaphore(%run_scoped3A : memref<!tpu.dma_semaphore, #tpu.memory_space<semaphore_mem>>) src(%arg7 : memref<640xf32, #tpu.memory_space<vmem>>) dst(%dma_wait3A_43 : memref<640xf32, #tpu.memory_space<hbm>>)
      tpu.yield
    }) : () -> ()
    return
  }
}

#map = affine_map<(d0, d1) -> (0, 0)>
#map1 = affine_map<(d0, d1) -> (0, 0, 0)>
module attributes {stable_mosaic.version = 14 : i64} {
  func.func @spmm_kernel(%arg0: i32, %arg1: i32, %arg2: memref<10240x64xf32, #tpu.memory_space<hbm>>, %arg3: memref<2560x128xi32, #tpu.memory_space<hbm>>, %arg4: memref<2560x128xi32, #tpu.memory_space<hbm>>, %arg5: memref<2560x128xf32, #tpu.memory_space<hbm>>, %arg6: memref<2x10240x64xf32, #tpu.memory_space<hbm>>, %arg7: memref<80x128xi32, #tpu.memory_space<vmem>>, %arg8: memref<80x128xi32, #tpu.memory_space<vmem>>, %arg9: memref<80x128xf32, #tpu.memory_space<vmem>>, %arg10: memref<3x128x64xf32, #tpu.memory_space<vmem>>, %arg11: memref<128x64xf32, #tpu.memory_space<vmem>>, %arg12: memref<10240x64xf32, #tpu.memory_space<vmem_shared>>, %arg13: memref<!tpu.dma_semaphore, #tpu.memory_space<semaphore_mem>>, %arg14: memref<!tpu.dma_semaphore, #tpu.memory_space<semaphore_mem>>, %arg15: memref<!tpu.dma_semaphore, #tpu.memory_space<semaphore_mem>>) attributes {dimension_semantics = [#tpu.dimension_semantics<core_parallel>, #tpu.dimension_semantics<subcore_parallel>], iteration_bounds = array<i64: 2, 16>, scalar_prefetch = 0 : i64, scratch_operands = 9 : i64, tpu.core_type = #tpu.core_type<sc_vector_subcore>, window_params = [{transform_indices = #map}, {transform_indices = #map}, {transform_indices = #map}, {transform_indices = #map}, {transform_indices = #map1}]} {
    %mul3A = arith.constant 16 : i32
    %mul3A_0 = arith.muli %arg0, %mul3A : i32
    %add3A = arith.addi %mul3A_0, %arg1 : i32
    %mul3A_1 = arith.constant 640 : i32
    %mul3A_2 = arith.muli %arg1, %mul3A_1 : i32
    %mul3A_3 = arith.constant 80 : i32
    %mul3A_4 = arith.muli %add3A, %mul3A_3 : i32
    %dma_start3A = arith.constant 0 : i32
    %dma_start3A_5 = tpu.memref_slice %arg3[%mul3A_4, %dma_start3A] : memref<2560x128xi32, #tpu.memory_space<hbm>> -> memref<80x128xi32, #tpu.memory_space<hbm>>
    %dma_start3A_6 = arith.constant 0 : i32
    %dma_start3A_7 = tpu.memref_slice %arg3[%mul3A_4, %dma_start3A_6] : memref<2560x128xi32, #tpu.memory_space<hbm>> -> memref<80x128xi32, #tpu.memory_space<hbm>>
    tpu.enqueue_dma source(%dma_start3A_7 : memref<80x128xi32, #tpu.memory_space<hbm>>) target(%arg7 : memref<80x128xi32, #tpu.memory_space<vmem>>) target_semaphore(%arg13 : memref<!tpu.dma_semaphore, #tpu.memory_space<semaphore_mem>>)
    %mul3A_8 = arith.constant 80 : i32
    %mul3A_9 = arith.muli %add3A, %mul3A_8 : i32
    %dma_start3A_10 = arith.constant 0 : i32
    %dma_start3A_11 = tpu.memref_slice %arg4[%mul3A_9, %dma_start3A_10] : memref<2560x128xi32, #tpu.memory_space<hbm>> -> memref<80x128xi32, #tpu.memory_space<hbm>>
    %dma_start3A_12 = arith.constant 0 : i32
    %dma_start3A_13 = tpu.memref_slice %arg4[%mul3A_9, %dma_start3A_12] : memref<2560x128xi32, #tpu.memory_space<hbm>> -> memref<80x128xi32, #tpu.memory_space<hbm>>
    tpu.enqueue_dma source(%dma_start3A_13 : memref<80x128xi32, #tpu.memory_space<hbm>>) target(%arg8 : memref<80x128xi32, #tpu.memory_space<vmem>>) target_semaphore(%arg13 : memref<!tpu.dma_semaphore, #tpu.memory_space<semaphore_mem>>)
    %mul3A_14 = arith.constant 80 : i32
    %mul3A_15 = arith.muli %add3A, %mul3A_14 : i32
    %dma_start3A_16 = arith.constant 0 : i32
    %dma_start3A_17 = tpu.memref_slice %arg5[%mul3A_15, %dma_start3A_16] : memref<2560x128xf32, #tpu.memory_space<hbm>> -> memref<80x128xf32, #tpu.memory_space<hbm>>
    %dma_start3A_18 = arith.constant 0 : i32
    %dma_start3A_19 = tpu.memref_slice %arg5[%mul3A_15, %dma_start3A_18] : memref<2560x128xf32, #tpu.memory_space<hbm>> -> memref<80x128xf32, #tpu.memory_space<hbm>>
    tpu.enqueue_dma source(%dma_start3A_19 : memref<80x128xf32, #tpu.memory_space<hbm>>) target(%arg9 : memref<80x128xf32, #tpu.memory_space<vmem>>) target_semaphore(%arg13 : memref<!tpu.dma_semaphore, #tpu.memory_space<semaphore_mem>>)
    %broadcast_in_dim3A = arith.constant 0.000000e+00 : f32
    %broadcast_in_dim3A_20 = vector.broadcast %broadcast_in_dim3A : f32 to vector<16xf32>
    %scan3A = arith.constant 0 : i32
    %scan3A_21 = arith.constant 128 : i32
    %scan3A_22 = arith.addi %scan3A, %scan3A_21 : i32
    %scan3A_23 = arith.constant 1 : i32
    scf.for %scan3A_109 = %scan3A to %scan3A_22 step %scan3A_23  : i32 {
      %mul3A_110 = arith.constant 1 : i32
      %mul3A_111 = arith.muli %scan3A_109, %mul3A_110 : i32
      %add3A_112 = arith.constant 0 : i32
      %add3A_113 = arith.addi %add3A_112, %mul3A_111 : i32
      %swap3A = arith.index_cast %add3A_113 : i32 to index
      %swap3A_114 = arith.constant 0 : index
      %swap3A_115 = tpu.vector_load %arg11[%swap3A, %swap3A_114] {strides = array<i32>} : memref<128x64xf32, #tpu.memory_space<vmem>>, vector<1x16xf32>,
      %swap3A_116 = vector.shape_cast %swap3A_115 : vector<1x16xf32> to vector<16xf32>
      %swap3A_117 = vector.shape_cast %broadcast_in_dim3A_20 : vector<16xf32> to vector<1x16xf32>
      tpu.vector_store %arg11[%swap3A, %swap3A_114], %swap3A_117 {strides = array<i32>} : memref<128x64xf32, #tpu.memory_space<vmem>>, vector<1x16xf32>,
      %swap3A_118 = arith.index_cast %add3A_113 : i32 to index
      %swap3A_119 = arith.constant 16 : index
      %swap3A_120 = tpu.vector_load %arg11[%swap3A_118, %swap3A_119] {strides = array<i32>} : memref<128x64xf32, #tpu.memory_space<vmem>>, vector<1x16xf32>,
      %swap3A_121 = vector.shape_cast %swap3A_120 : vector<1x16xf32> to vector<16xf32>
      %swap3A_122 = vector.shape_cast %broadcast_in_dim3A_20 : vector<16xf32> to vector<1x16xf32>
      tpu.vector_store %arg11[%swap3A_118, %swap3A_119], %swap3A_122 {strides = array<i32>} : memref<128x64xf32, #tpu.memory_space<vmem>>, vector<1x16xf32>,
      %swap3A_123 = arith.index_cast %add3A_113 : i32 to index
      %swap3A_124 = arith.constant 32 : index
      %swap3A_125 = tpu.vector_load %arg11[%swap3A_123, %swap3A_124] {strides = array<i32>} : memref<128x64xf32, #tpu.memory_space<vmem>>, vector<1x16xf32>,
      %swap3A_126 = vector.shape_cast %swap3A_125 : vector<1x16xf32> to vector<16xf32>
      %swap3A_127 = vector.shape_cast %broadcast_in_dim3A_20 : vector<16xf32> to vector<1x16xf32>
      tpu.vector_store %arg11[%swap3A_123, %swap3A_124], %swap3A_127 {strides = array<i32>} : memref<128x64xf32, #tpu.memory_space<vmem>>, vector<1x16xf32>,
      %swap3A_128 = arith.index_cast %add3A_113 : i32 to index
      %swap3A_129 = arith.constant 48 : index
      %swap3A_130 = tpu.vector_load %arg11[%swap3A_128, %swap3A_129] {strides = array<i32>} : memref<128x64xf32, #tpu.memory_space<vmem>>, vector<1x16xf32>,
      %swap3A_131 = vector.shape_cast %swap3A_130 : vector<1x16xf32> to vector<16xf32>
      %swap3A_132 = vector.shape_cast %broadcast_in_dim3A_20 : vector<16xf32> to vector<1x16xf32>
      tpu.vector_store %arg11[%swap3A_128, %swap3A_129], %swap3A_132 {strides = array<i32>} : memref<128x64xf32, #tpu.memory_space<vmem>>, vector<1x16xf32>,
    }
    %scan3A_24 = arith.constant 128 : i32
    %add3A_25 = arith.constant 0 : i32
    %add3A_26 = arith.addi %mul3A_2, %add3A_25 : i32
    "tpu.region"() ({
      %run_scoped3A = tpu.sem_alloc : memref<!tpu.dma_semaphore, #tpu.memory_space<semaphore_mem>>
      %dma_start3A_109 = arith.constant 0 : i32
      %dma_start3A_110 = tpu.memref_slice %arg12[%add3A_26, %dma_start3A_109] : memref<10240x64xf32, #tpu.memory_space<vmem_shared>> -> memref<128x64xf32, #tpu.memory_space<vmem_shared>>
      %dma_start3A_111 = arith.constant 0 : i32
      %dma_start3A_112 = tpu.memref_slice %arg12[%add3A_26, %dma_start3A_111] : memref<10240x64xf32, #tpu.memory_space<vmem_shared>> -> memref<128x64xf32, #tpu.memory_space<vmem_shared>>
      tpu.enqueue_dma source(%arg11 : memref<128x64xf32, #tpu.memory_space<vmem>>) target(%dma_start3A_112 : memref<128x64xf32, #tpu.memory_space<vmem_shared>>) target_semaphore(%run_scoped3A : memref<!tpu.dma_semaphore, #tpu.memory_space<semaphore_mem>>)
      %dma_wait3A_113 = arith.constant 0 : i32
      %dma_wait3A_114 = tpu.memref_slice %arg12[%add3A_26, %dma_wait3A_113] : memref<10240x64xf32, #tpu.memory_space<vmem_shared>> -> memref<128x64xf32, #tpu.memory_space<vmem_shared>>
      %dma_wait3A_115 = arith.constant 0 : i32
      %dma_wait3A_116 = tpu.memref_slice %arg12[%add3A_26, %dma_wait3A_115] : memref<10240x64xf32, #tpu.memory_space<vmem_shared>> -> memref<128x64xf32, #tpu.memory_space<vmem_shared>>
      tpu.wait_dma2 semaphore(%run_scoped3A : memref<!tpu.dma_semaphore, #tpu.memory_space<semaphore_mem>>) src(%arg11 : memref<128x64xf32, #tpu.memory_space<vmem>>) dst(%dma_wait3A_116 : memref<128x64xf32, #tpu.memory_space<vmem_shared>>)
      tpu.yield
    }) : () -> ()
    %add3A_27 = arith.constant 128 : i32
    %add3A_28 = arith.addi %mul3A_2, %add3A_27 : i32
    "tpu.region"() ({
      %run_scoped3A = tpu.sem_alloc : memref<!tpu.dma_semaphore, #tpu.memory_space<semaphore_mem>>
      %dma_start3A_109 = arith.constant 0 : i32
      %dma_start3A_110 = tpu.memref_slice %arg12[%add3A_28, %dma_start3A_109] : memref<10240x64xf32, #tpu.memory_space<vmem_shared>> -> memref<128x64xf32, #tpu.memory_space<vmem_shared>>
      %dma_start3A_111 = arith.constant 0 : i32
      %dma_start3A_112 = tpu.memref_slice %arg12[%add3A_28, %dma_start3A_111] : memref<10240x64xf32, #tpu.memory_space<vmem_shared>> -> memref<128x64xf32, #tpu.memory_space<vmem_shared>>
      tpu.enqueue_dma source(%arg11 : memref<128x64xf32, #tpu.memory_space<vmem>>) target(%dma_start3A_112 : memref<128x64xf32, #tpu.memory_space<vmem_shared>>) target_semaphore(%run_scoped3A : memref<!tpu.dma_semaphore, #tpu.memory_space<semaphore_mem>>)
      %dma_wait3A_113 = arith.constant 0 : i32
      %dma_wait3A_114 = tpu.memref_slice %arg12[%add3A_28, %dma_wait3A_113] : memref<10240x64xf32, #tpu.memory_space<vmem_shared>> -> memref<128x64xf32, #tpu.memory_space<vmem_shared>>
      %dma_wait3A_115 = arith.constant 0 : i32
      %dma_wait3A_116 = tpu.memref_slice %arg12[%add3A_28, %dma_wait3A_115] : memref<10240x64xf32, #tpu.memory_space<vmem_shared>> -> memref<128x64xf32, #tpu.memory_space<vmem_shared>>
      tpu.wait_dma2 semaphore(%run_scoped3A : memref<!tpu.dma_semaphore, #tpu.memory_space<semaphore_mem>>) src(%arg11 : memref<128x64xf32, #tpu.memory_space<vmem>>) dst(%dma_wait3A_116 : memref<128x64xf32, #tpu.memory_space<vmem_shared>>)
      tpu.yield
    }) : () -> ()
    %add3A_29 = arith.constant 256 : i32
    %add3A_30 = arith.addi %mul3A_2, %add3A_29 : i32
    "tpu.region"() ({
      %run_scoped3A = tpu.sem_alloc : memref<!tpu.dma_semaphore, #tpu.memory_space<semaphore_mem>>
      %dma_start3A_109 = arith.constant 0 : i32
      %dma_start3A_110 = tpu.memref_slice %arg12[%add3A_30, %dma_start3A_109] : memref<10240x64xf32, #tpu.memory_space<vmem_shared>> -> memref<128x64xf32, #tpu.memory_space<vmem_shared>>
      %dma_start3A_111 = arith.constant 0 : i32
      %dma_start3A_112 = tpu.memref_slice %arg12[%add3A_30, %dma_start3A_111] : memref<10240x64xf32, #tpu.memory_space<vmem_shared>> -> memref<128x64xf32, #tpu.memory_space<vmem_shared>>
      tpu.enqueue_dma source(%arg11 : memref<128x64xf32, #tpu.memory_space<vmem>>) target(%dma_start3A_112 : memref<128x64xf32, #tpu.memory_space<vmem_shared>>) target_semaphore(%run_scoped3A : memref<!tpu.dma_semaphore, #tpu.memory_space<semaphore_mem>>)
      %dma_wait3A_113 = arith.constant 0 : i32
      %dma_wait3A_114 = tpu.memref_slice %arg12[%add3A_30, %dma_wait3A_113] : memref<10240x64xf32, #tpu.memory_space<vmem_shared>> -> memref<128x64xf32, #tpu.memory_space<vmem_shared>>
      %dma_wait3A_115 = arith.constant 0 : i32
      %dma_wait3A_116 = tpu.memref_slice %arg12[%add3A_30, %dma_wait3A_115] : memref<10240x64xf32, #tpu.memory_space<vmem_shared>> -> memref<128x64xf32, #tpu.memory_space<vmem_shared>>
      tpu.wait_dma2 semaphore(%run_scoped3A : memref<!tpu.dma_semaphore, #tpu.memory_space<semaphore_mem>>) src(%arg11 : memref<128x64xf32, #tpu.memory_space<vmem>>) dst(%dma_wait3A_116 : memref<128x64xf32, #tpu.memory_space<vmem_shared>>)
      tpu.yield
    }) : () -> ()
    %add3A_31 = arith.constant 384 : i32
    %add3A_32 = arith.addi %mul3A_2, %add3A_31 : i32
    "tpu.region"() ({
      %run_scoped3A = tpu.sem_alloc : memref<!tpu.dma_semaphore, #tpu.memory_space<semaphore_mem>>
      %dma_start3A_109 = arith.constant 0 : i32
      %dma_start3A_110 = tpu.memref_slice %arg12[%add3A_32, %dma_start3A_109] : memref<10240x64xf32, #tpu.memory_space<vmem_shared>> -> memref<128x64xf32, #tpu.memory_space<vmem_shared>>
      %dma_start3A_111 = arith.constant 0 : i32
      %dma_start3A_112 = tpu.memref_slice %arg12[%add3A_32, %dma_start3A_111] : memref<10240x64xf32, #tpu.memory_space<vmem_shared>> -> memref<128x64xf32, #tpu.memory_space<vmem_shared>>
      tpu.enqueue_dma source(%arg11 : memref<128x64xf32, #tpu.memory_space<vmem>>) target(%dma_start3A_112 : memref<128x64xf32, #tpu.memory_space<vmem_shared>>) target_semaphore(%run_scoped3A : memref<!tpu.dma_semaphore, #tpu.memory_space<semaphore_mem>>)
      %dma_wait3A_113 = arith.constant 0 : i32
      %dma_wait3A_114 = tpu.memref_slice %arg12[%add3A_32, %dma_wait3A_113] : memref<10240x64xf32, #tpu.memory_space<vmem_shared>> -> memref<128x64xf32, #tpu.memory_space<vmem_shared>>
      %dma_wait3A_115 = arith.constant 0 : i32
      %dma_wait3A_116 = tpu.memref_slice %arg12[%add3A_32, %dma_wait3A_115] : memref<10240x64xf32, #tpu.memory_space<vmem_shared>> -> memref<128x64xf32, #tpu.memory_space<vmem_shared>>
      tpu.wait_dma2 semaphore(%run_scoped3A : memref<!tpu.dma_semaphore, #tpu.memory_space<semaphore_mem>>) src(%arg11 : memref<128x64xf32, #tpu.memory_space<vmem>>) dst(%dma_wait3A_116 : memref<128x64xf32, #tpu.memory_space<vmem_shared>>)
      tpu.yield
    }) : () -> ()
    %add3A_33 = arith.constant 512 : i32
    %add3A_34 = arith.addi %mul3A_2, %add3A_33 : i32
    "tpu.region"() ({
      %run_scoped3A = tpu.sem_alloc : memref<!tpu.dma_semaphore, #tpu.memory_space<semaphore_mem>>
      %dma_start3A_109 = arith.constant 0 : i32
      %dma_start3A_110 = tpu.memref_slice %arg12[%add3A_34, %dma_start3A_109] : memref<10240x64xf32, #tpu.memory_space<vmem_shared>> -> memref<128x64xf32, #tpu.memory_space<vmem_shared>>
      %dma_start3A_111 = arith.constant 0 : i32
      %dma_start3A_112 = tpu.memref_slice %arg12[%add3A_34, %dma_start3A_111] : memref<10240x64xf32, #tpu.memory_space<vmem_shared>> -> memref<128x64xf32, #tpu.memory_space<vmem_shared>>
      tpu.enqueue_dma source(%arg11 : memref<128x64xf32, #tpu.memory_space<vmem>>) target(%dma_start3A_112 : memref<128x64xf32, #tpu.memory_space<vmem_shared>>) target_semaphore(%run_scoped3A : memref<!tpu.dma_semaphore, #tpu.memory_space<semaphore_mem>>)
      %dma_wait3A_113 = arith.constant 0 : i32
      %dma_wait3A_114 = tpu.memref_slice %arg12[%add3A_34, %dma_wait3A_113] : memref<10240x64xf32, #tpu.memory_space<vmem_shared>> -> memref<128x64xf32, #tpu.memory_space<vmem_shared>>
      %dma_wait3A_115 = arith.constant 0 : i32
      %dma_wait3A_116 = tpu.memref_slice %arg12[%add3A_34, %dma_wait3A_115] : memref<10240x64xf32, #tpu.memory_space<vmem_shared>> -> memref<128x64xf32, #tpu.memory_space<vmem_shared>>
      tpu.wait_dma2 semaphore(%run_scoped3A : memref<!tpu.dma_semaphore, #tpu.memory_space<semaphore_mem>>) src(%arg11 : memref<128x64xf32, #tpu.memory_space<vmem>>) dst(%dma_wait3A_116 : memref<128x64xf32, #tpu.memory_space<vmem_shared>>)
      tpu.yield
    }) : () -> ()
    %dma_wait3A = arith.constant 0 : i32
    %dma_wait3A_35 = tpu.memref_slice %arg3[%mul3A_4, %dma_wait3A] : memref<2560x128xi32, #tpu.memory_space<hbm>> -> memref<80x128xi32, #tpu.memory_space<hbm>>
    %dma_wait3A_36 = arith.constant 0 : i32
    %dma_wait3A_37 = tpu.memref_slice %arg3[%mul3A_4, %dma_wait3A_36] : memref<2560x128xi32, #tpu.memory_space<hbm>> -> memref<80x128xi32, #tpu.memory_space<hbm>>
    tpu.wait_dma2 semaphore(%arg13 : memref<!tpu.dma_semaphore, #tpu.memory_space<semaphore_mem>>) src(%dma_wait3A_37 : memref<80x128xi32, #tpu.memory_space<hbm>>) dst(%arg7 : memref<80x128xi32, #tpu.memory_space<vmem>>)
    %dma_wait3A_38 = arith.constant 0 : i32
    %dma_wait3A_39 = tpu.memref_slice %arg4[%mul3A_9, %dma_wait3A_38] : memref<2560x128xi32, #tpu.memory_space<hbm>> -> memref<80x128xi32, #tpu.memory_space<hbm>>
    %dma_wait3A_40 = arith.constant 0 : i32
    %dma_wait3A_41 = tpu.memref_slice %arg4[%mul3A_9, %dma_wait3A_40] : memref<2560x128xi32, #tpu.memory_space<hbm>> -> memref<80x128xi32, #tpu.memory_space<hbm>>
    tpu.wait_dma2 semaphore(%arg13 : memref<!tpu.dma_semaphore, #tpu.memory_space<semaphore_mem>>) src(%dma_wait3A_41 : memref<80x128xi32, #tpu.memory_space<hbm>>) dst(%arg8 : memref<80x128xi32, #tpu.memory_space<vmem>>)
    %dma_wait3A_42 = arith.constant 0 : i32
    %dma_wait3A_43 = tpu.memref_slice %arg5[%mul3A_15, %dma_wait3A_42] : memref<2560x128xf32, #tpu.memory_space<hbm>> -> memref<80x128xf32, #tpu.memory_space<hbm>>
    %dma_wait3A_44 = arith.constant 0 : i32
    %dma_wait3A_45 = tpu.memref_slice %arg5[%mul3A_15, %dma_wait3A_44] : memref<2560x128xf32, #tpu.memory_space<hbm>> -> memref<80x128xf32, #tpu.memory_space<hbm>>
    tpu.wait_dma2 semaphore(%arg13 : memref<!tpu.dma_semaphore, #tpu.memory_space<semaphore_mem>>) src(%dma_wait3A_45 : memref<80x128xf32, #tpu.memory_space<hbm>>) dst(%arg9 : memref<80x128xf32, #tpu.memory_space<vmem>>)
    %barrier3A = arith.constant 0 : index
    tpu.barrier barrier_id(%barrier3A)
    %dma_start3A_46 = arith.constant 0 : i32
    %dma_start3A_47 = arith.constant 0 : i32
    %dma_start3A_48 = arith.constant 0 : i32
    %dma_start3A_49 = arith.constant 0 : i32
    %dma_start3A_50 = tpu.memref_slice %arg10[%dma_start3A_47, %dma_start3A_48, %dma_start3A_49] : memref<3x128x64xf32, #tpu.memory_space<vmem>> -> memref<1x128x64xf32, #tpu.memory_space<vmem>>
    %dma_start3A_51 = tpu.memref_squeeze %dma_start3A_50 : memref<1x128x64xf32, #tpu.memory_space<vmem>> -> memref<128x64xf32, #tpu.memory_space<vmem>>
    %dma_start3A_52 = arith.constant 0 : i32
    %dma_start3A_53 = tpu.memref_slice %arg7[%dma_start3A_46, %dma_start3A_52] : memref<80x128xi32, #tpu.memory_space<vmem>> -> memref<1x128xi32, #tpu.memory_space<vmem>>
    %dma_start3A_54 = tpu.memref_squeeze %dma_start3A_53 : memref<1x128xi32, #tpu.memory_space<vmem>> -> memref<128xi32, #tpu.memory_space<vmem>>
    %dma_start3A_55 = arith.constant 0 : i32
    %dma_start3A_56 = arith.constant 0 : i32
    %dma_start3A_57 = tpu.memref_slice %arg2[%dma_start3A_55, %dma_start3A_56] : memref<10240x64xf32, #tpu.memory_space<hbm>> -> memref<10240x64xf32, #tpu.memory_space<hbm>>
    tpu.enqueue_indirect_dma source(%dma_start3A_57 : memref<10240x64xf32, #tpu.memory_space<hbm>>) target(%dma_start3A_51 : memref<128x64xf32, #tpu.memory_space<vmem>>) offsets(%dma_start3A_54 : memref<128xi32, #tpu.memory_space<vmem>>) semaphore(%arg14 : memref<!tpu.dma_semaphore, #tpu.memory_space<semaphore_mem>>)
    %dma_start3A_58 = arith.constant 1 : i32
    %dma_start3A_59 = arith.constant 1 : i32
    %dma_start3A_60 = arith.constant 0 : i32
    %dma_start3A_61 = arith.constant 0 : i32
    %dma_start3A_62 = tpu.memref_slice %arg10[%dma_start3A_59, %dma_start3A_60, %dma_start3A_61] : memref<3x128x64xf32, #tpu.memory_space<vmem>> -> memref<1x128x64xf32, #tpu.memory_space<vmem>>
    %dma_start3A_63 = tpu.memref_squeeze %dma_start3A_62 : memref<1x128x64xf32, #tpu.memory_space<vmem>> -> memref<128x64xf32, #tpu.memory_space<vmem>>
    %dma_start3A_64 = arith.constant 0 : i32
    %dma_start3A_65 = tpu.memref_slice %arg7[%dma_start3A_58, %dma_start3A_64] : memref<80x128xi32, #tpu.memory_space<vmem>> -> memref<1x128xi32, #tpu.memory_space<vmem>>
    %dma_start3A_66 = tpu.memref_squeeze %dma_start3A_65 : memref<1x128xi32, #tpu.memory_space<vmem>> -> memref<128xi32, #tpu.memory_space<vmem>>
    %dma_start3A_67 = arith.constant 0 : i32
    %dma_start3A_68 = arith.constant 0 : i32
    %dma_start3A_69 = tpu.memref_slice %arg2[%dma_start3A_67, %dma_start3A_68] : memref<10240x64xf32, #tpu.memory_space<hbm>> -> memref<10240x64xf32, #tpu.memory_space<hbm>>
    tpu.enqueue_indirect_dma source(%dma_start3A_69 : memref<10240x64xf32, #tpu.memory_space<hbm>>) target(%dma_start3A_63 : memref<128x64xf32, #tpu.memory_space<vmem>>) offsets(%dma_start3A_66 : memref<128xi32, #tpu.memory_space<vmem>>) semaphore(%arg14 : memref<!tpu.dma_semaphore, #tpu.memory_space<semaphore_mem>>)
    %scan3A_70 = arith.constant 0 : i32
    %scan3A_71 = arith.constant 80 : i32
    %scan3A_72 = arith.addi %scan3A_70, %scan3A_71 : i32
    %scan3A_73 = arith.constant 1 : i32
    scf.for %scan3A_109 = %scan3A_70 to %scan3A_72 step %scan3A_73  : i32 {
      %mul3A_110 = arith.constant 1 : i32
      %mul3A_111 = arith.muli %scan3A_109, %mul3A_110 : i32
      %add3A_112 = arith.constant 0 : i32
      %add3A_113 = arith.addi %add3A_112, %mul3A_111 : i32
      %rem3A_114 = arith.constant 3 : i32
      %rem3A_115 = arith.remsi %add3A_113, %rem3A_114 : i32
      %dma_wait3A_116 = arith.constant 0 : i32
      %dma_wait3A_117 = arith.constant 0 : i32
      %dma_wait3A_118 = tpu.memref_slice %arg10[%rem3A_115, %dma_wait3A_116, %dma_wait3A_117] : memref<3x128x64xf32, #tpu.memory_space<vmem>> -> memref<1x128x64xf32, #tpu.memory_space<vmem>>
      %dma_wait3A_119 = tpu.memref_squeeze %dma_wait3A_118 : memref<1x128x64xf32, #tpu.memory_space<vmem>> -> memref<128x64xf32, #tpu.memory_space<vmem>>
      %dma_wait3A_120 = arith.constant 0 : i32
      %dma_wait3A_121 = tpu.memref_slice %arg7[%add3A_113, %dma_wait3A_120] : memref<80x128xi32, #tpu.memory_space<vmem>> -> memref<1x128xi32, #tpu.memory_space<vmem>>
      %dma_wait3A_122 = tpu.memref_squeeze %dma_wait3A_121 : memref<1x128xi32, #tpu.memory_space<vmem>> -> memref<128xi32, #tpu.memory_space<vmem>>
      %dma_wait3A_123 = arith.constant 0 : i32
      %dma_wait3A_124 = arith.constant 0 : i32
      %dma_wait3A_125 = tpu.memref_slice %arg2[%dma_wait3A_123, %dma_wait3A_124] : memref<10240x64xf32, #tpu.memory_space<hbm>> -> memref<10240x64xf32, #tpu.memory_space<hbm>>
      tpu.wait_indirect_dma semaphore(%arg14 : memref<!tpu.dma_semaphore, #tpu.memory_space<semaphore_mem>>) src(%dma_wait3A_125 : memref<10240x64xf32, #tpu.memory_space<hbm>>) dst(%dma_wait3A_119 : memref<128x64xf32, #tpu.memory_space<vmem>>)
      %scan3A_126 = arith.constant 0 : i32
      %scan3A_127 = arith.constant 8 : i32
      %scan3A_128 = arith.addi %scan3A_126, %scan3A_127 : i32
      %scan3A_129 = arith.constant 1 : i32
      scf.for %scan3A_147 = %scan3A_126 to %scan3A_128 step %scan3A_129  : i32 {
        %mul3A_148 = arith.constant 16 : i32
        %mul3A_149 = arith.muli %scan3A_147, %mul3A_148 : i32
        %add3A_150 = arith.constant 0 : i32
        %add3A_151 = arith.addi %add3A_150, %mul3A_149 : i32
        %get3A = arith.index_cast %add3A_113 : i32 to index
        %get3A_152 = arith.index_cast %add3A_151 : i32 to index
        %get3A_153 = tpu.vector_load %arg9[%get3A, %get3A_152] {strides = array<i32>} : memref<80x128xf32, #tpu.memory_space<vmem>>, vector<1x16xf32>,
        %get3A_154 = vector.shape_cast %get3A_153 : vector<1x16xf32> to vector<16xf32>
        %slice3A = vector.extract_strided_slice %get3A_154 {offsets = [0], sizes = [1], strides = [1]} : vector<16xf32> to vector<1xf32>
        %squeeze3A = vector.extract %slice3A[0] : f32 from vector<1xf32>
        %add3A_155 = arith.constant 0 : i32
        %add3A_156 = arith.addi %add3A_151, %add3A_155 : i32
        %get3A_157 = arith.constant 0 : i32
        %get3A_158 = arith.constant 0 : i32
        %get3A_159 = tpu.memref_slice %arg10[%rem3A_115, %get3A_157, %get3A_158] : memref<3x128x64xf32, #tpu.memory_space<vmem>> -> memref<1x128x64xf32, #tpu.memory_space<vmem>>
        %get3A_160 = tpu.memref_squeeze %get3A_159 : memref<1x128x64xf32, #tpu.memory_space<vmem>> -> memref<128x64xf32, #tpu.memory_space<vmem>>
        %get3A_161 = arith.index_cast %add3A_156 : i32 to index
        %get3A_162 = arith.constant 0 : index
        %get3A_163 = tpu.vector_load %get3A_160[%get3A_161, %get3A_162] {strides = array<i32>} : memref<128x64xf32, #tpu.memory_space<vmem>>, vector<1x16xf32>,
        %get3A_164 = vector.shape_cast %get3A_163 : vector<1x16xf32> to vector<16xf32>
        %mul3A_165 = vector.broadcast %squeeze3A : f32 to vector<16xf32>
        %mul3A_166 = arith.mulf %get3A_164, %mul3A_165 : vector<16xf32>
        %add3A_167 = arith.constant 0 : i32
        %add3A_168 = arith.addi %add3A_151, %add3A_167 : i32
        %swap3A = arith.constant 0 : i32
        %swap3A_169 = arith.constant 0 : i32
        %swap3A_170 = tpu.memref_slice %arg10[%rem3A_115, %swap3A, %swap3A_169] : memref<3x128x64xf32, #tpu.memory_space<vmem>> -> memref<1x128x64xf32, #tpu.memory_space<vmem>>
        %swap3A_171 = tpu.memref_squeeze %swap3A_170 : memref<1x128x64xf32, #tpu.memory_space<vmem>> -> memref<128x64xf32, #tpu.memory_space<vmem>>
        %swap3A_172 = arith.index_cast %add3A_168 : i32 to index
        %swap3A_173 = arith.constant 0 : index
        %swap3A_174 = tpu.vector_load %swap3A_171[%swap3A_172, %swap3A_173] {strides = array<i32>} : memref<128x64xf32, #tpu.memory_space<vmem>>, vector<1x16xf32>,
        %swap3A_175 = vector.shape_cast %swap3A_174 : vector<1x16xf32> to vector<16xf32>
        %swap3A_176 = vector.shape_cast %mul3A_166 : vector<16xf32> to vector<1x16xf32>
        tpu.vector_store %swap3A_171[%swap3A_172, %swap3A_173], %swap3A_176 {strides = array<i32>} : memref<128x64xf32, #tpu.memory_space<vmem>>, vector<1x16xf32>,
        %add3A_177 = arith.constant 0 : i32
        %add3A_178 = arith.addi %add3A_151, %add3A_177 : i32
        %get3A_179 = arith.constant 0 : i32
        %get3A_180 = arith.constant 0 : i32
        %get3A_181 = tpu.memref_slice %arg10[%rem3A_115, %get3A_179, %get3A_180] : memref<3x128x64xf32, #tpu.memory_space<vmem>> -> memref<1x128x64xf32, #tpu.memory_space<vmem>>
        %get3A_182 = tpu.memref_squeeze %get3A_181 : memref<1x128x64xf32, #tpu.memory_space<vmem>> -> memref<128x64xf32, #tpu.memory_space<vmem>>
        %get3A_183 = arith.index_cast %add3A_178 : i32 to index
        %get3A_184 = arith.constant 16 : index
        %get3A_185 = tpu.vector_load %get3A_182[%get3A_183, %get3A_184] {strides = array<i32>} : memref<128x64xf32, #tpu.memory_space<vmem>>, vector<1x16xf32>,
        %get3A_186 = vector.shape_cast %get3A_185 : vector<1x16xf32> to vector<16xf32>
        %mul3A_187 = vector.broadcast %squeeze3A : f32 to vector<16xf32>
        %mul3A_188 = arith.mulf %get3A_186, %mul3A_187 : vector<16xf32>
        %add3A_189 = arith.constant 0 : i32
        %add3A_190 = arith.addi %add3A_151, %add3A_189 : i32
        %swap3A_191 = arith.constant 0 : i32
        %swap3A_192 = arith.constant 0 : i32
        %swap3A_193 = tpu.memref_slice %arg10[%rem3A_115, %swap3A_191, %swap3A_192] : memref<3x128x64xf32, #tpu.memory_space<vmem>> -> memref<1x128x64xf32, #tpu.memory_space<vmem>>
        %swap3A_194 = tpu.memref_squeeze %swap3A_193 : memref<1x128x64xf32, #tpu.memory_space<vmem>> -> memref<128x64xf32, #tpu.memory_space<vmem>>
        %swap3A_195 = arith.index_cast %add3A_190 : i32 to index
        %swap3A_196 = arith.constant 16 : index
        %swap3A_197 = tpu.vector_load %swap3A_194[%swap3A_195, %swap3A_196] {strides = array<i32>} : memref<128x64xf32, #tpu.memory_space<vmem>>, vector<1x16xf32>,
        %swap3A_198 = vector.shape_cast %swap3A_197 : vector<1x16xf32> to vector<16xf32>
        %swap3A_199 = vector.shape_cast %mul3A_188 : vector<16xf32> to vector<1x16xf32>
        tpu.vector_store %swap3A_194[%swap3A_195, %swap3A_196], %swap3A_199 {strides = array<i32>} : memref<128x64xf32, #tpu.memory_space<vmem>>, vector<1x16xf32>,
        %add3A_200 = arith.constant 0 : i32
        %add3A_201 = arith.addi %add3A_151, %add3A_200 : i32
        %get3A_202 = arith.constant 0 : i32
        %get3A_203 = arith.constant 0 : i32
        %get3A_204 = tpu.memref_slice %arg10[%rem3A_115, %get3A_202, %get3A_203] : memref<3x128x64xf32, #tpu.memory_space<vmem>> -> memref<1x128x64xf32, #tpu.memory_space<vmem>>
        %get3A_205 = tpu.memref_squeeze %get3A_204 : memref<1x128x64xf32, #tpu.memory_space<vmem>> -> memref<128x64xf32, #tpu.memory_space<vmem>>
        %get3A_206 = arith.index_cast %add3A_201 : i32 to index
        %get3A_207 = arith.constant 32 : index
        %get3A_208 = tpu.vector_load %get3A_205[%get3A_206, %get3A_207] {strides = array<i32>} : memref<128x64xf32, #tpu.memory_space<vmem>>, vector<1x16xf32>,
        %get3A_209 = vector.shape_cast %get3A_208 : vector<1x16xf32> to vector<16xf32>
        %mul3A_210 = vector.broadcast %squeeze3A : f32 to vector<16xf32>
        %mul3A_211 = arith.mulf %get3A_209, %mul3A_210 : vector<16xf32>
        %add3A_212 = arith.constant 0 : i32
        %add3A_213 = arith.addi %add3A_151, %add3A_212 : i32
        %swap3A_214 = arith.constant 0 : i32
        %swap3A_215 = arith.constant 0 : i32
        %swap3A_216 = tpu.memref_slice %arg10[%rem3A_115, %swap3A_214, %swap3A_215] : memref<3x128x64xf32, #tpu.memory_space<vmem>> -> memref<1x128x64xf32, #tpu.memory_space<vmem>>
        %swap3A_217 = tpu.memref_squeeze %swap3A_216 : memref<1x128x64xf32, #tpu.memory_space<vmem>> -> memref<128x64xf32, #tpu.memory_space<vmem>>
        %swap3A_218 = arith.index_cast %add3A_213 : i32 to index
        %swap3A_219 = arith.constant 32 : index
        %swap3A_220 = tpu.vector_load %swap3A_217[%swap3A_218, %swap3A_219] {strides = array<i32>} : memref<128x64xf32, #tpu.memory_space<vmem>>, vector<1x16xf32>,
        %swap3A_221 = vector.shape_cast %swap3A_220 : vector<1x16xf32> to vector<16xf32>
        %swap3A_222 = vector.shape_cast %mul3A_211 : vector<16xf32> to vector<1x16xf32>
        tpu.vector_store %swap3A_217[%swap3A_218, %swap3A_219], %swap3A_222 {strides = array<i32>} : memref<128x64xf32, #tpu.memory_space<vmem>>, vector<1x16xf32>,
        %add3A_223 = arith.constant 0 : i32
        %add3A_224 = arith.addi %add3A_151, %add3A_223 : i32
        %get3A_225 = arith.constant 0 : i32
        %get3A_226 = arith.constant 0 : i32
        %get3A_227 = tpu.memref_slice %arg10[%rem3A_115, %get3A_225, %get3A_226] : memref<3x128x64xf32, #tpu.memory_space<vmem>> -> memref<1x128x64xf32, #tpu.memory_space<vmem>>
        %get3A_228 = tpu.memref_squeeze %get3A_227 : memref<1x128x64xf32, #tpu.memory_space<vmem>> -> memref<128x64xf32, #tpu.memory_space<vmem>>
        %get3A_229 = arith.index_cast %add3A_224 : i32 to index
        %get3A_230 = arith.constant 48 : index
        %get3A_231 = tpu.vector_load %get3A_228[%get3A_229, %get3A_230] {strides = array<i32>} : memref<128x64xf32, #tpu.memory_space<vmem>>, vector<1x16xf32>,
        %get3A_232 = vector.shape_cast %get3A_231 : vector<1x16xf32> to vector<16xf32>
        %mul3A_233 = vector.broadcast %squeeze3A : f32 to vector<16xf32>
        %mul3A_234 = arith.mulf %get3A_232, %mul3A_233 : vector<16xf32>
        %add3A_235 = arith.constant 0 : i32
        %add3A_236 = arith.addi %add3A_151, %add3A_235 : i32
        %swap3A_237 = arith.constant 0 : i32
        %swap3A_238 = arith.constant 0 : i32
        %swap3A_239 = tpu.memref_slice %arg10[%rem3A_115, %swap3A_237, %swap3A_238] : memref<3x128x64xf32, #tpu.memory_space<vmem>> -> memref<1x128x64xf32, #tpu.memory_space<vmem>>
        %swap3A_240 = tpu.memref_squeeze %swap3A_239 : memref<1x128x64xf32, #tpu.memory_space<vmem>> -> memref<128x64xf32, #tpu.memory_space<vmem>>
        %swap3A_241 = arith.index_cast %add3A_236 : i32 to index
        %swap3A_242 = arith.constant 48 : index
        %swap3A_243 = tpu.vector_load %swap3A_240[%swap3A_241, %swap3A_242] {strides = array<i32>} : memref<128x64xf32, #tpu.memory_space<vmem>>, vector<1x16xf32>,
        %swap3A_244 = vector.shape_cast %swap3A_243 : vector<1x16xf32> to vector<16xf32>
        %swap3A_245 = vector.shape_cast %mul3A_234 : vector<16xf32> to vector<1x16xf32>
        tpu.vector_store %swap3A_240[%swap3A_241, %swap3A_242], %swap3A_245 {strides = array<i32>} : memref<128x64xf32, #tpu.memory_space<vmem>>, vector<1x16xf32>,
        %slice3A_246 = vector.extract_strided_slice %get3A_154 {offsets = [1], sizes = [1], strides = [1]} : vector<16xf32> to vector<1xf32>
        %squeeze3A_247 = vector.extract %slice3A_246[0] : f32 from vector<1xf32>
        %add3A_248 = arith.constant 1 : i32
        %add3A_249 = arith.addi %add3A_151, %add3A_248 : i32
        %get3A_250 = arith.constant 0 : i32
        %get3A_251 = arith.constant 0 : i32
        %get3A_252 = tpu.memref_slice %arg10[%rem3A_115, %get3A_250, %get3A_251] : memref<3x128x64xf32, #tpu.memory_space<vmem>> -> memref<1x128x64xf32, #tpu.memory_space<vmem>>
        %get3A_253 = tpu.memref_squeeze %get3A_252 : memref<1x128x64xf32, #tpu.memory_space<vmem>> -> memref<128x64xf32, #tpu.memory_space<vmem>>
        %get3A_254 = arith.index_cast %add3A_249 : i32 to index
        %get3A_255 = arith.constant 0 : index
        %get3A_256 = tpu.vector_load %get3A_253[%get3A_254, %get3A_255] {strides = array<i32>} : memref<128x64xf32, #tpu.memory_space<vmem>>, vector<1x16xf32>,
        %get3A_257 = vector.shape_cast %get3A_256 : vector<1x16xf32> to vector<16xf32>
        %mul3A_258 = vector.broadcast %squeeze3A_247 : f32 to vector<16xf32>
        %mul3A_259 = arith.mulf %get3A_257, %mul3A_258 : vector<16xf32>
        %add3A_260 = arith.constant 1 : i32
        %add3A_261 = arith.addi %add3A_151, %add3A_260 : i32
        %swap3A_262 = arith.constant 0 : i32
        %swap3A_263 = arith.constant 0 : i32
        %swap3A_264 = tpu.memref_slice %arg10[%rem3A_115, %swap3A_262, %swap3A_263] : memref<3x128x64xf32, #tpu.memory_space<vmem>> -> memref<1x128x64xf32, #tpu.memory_space<vmem>>
        %swap3A_265 = tpu.memref_squeeze %swap3A_264 : memref<1x128x64xf32, #tpu.memory_space<vmem>> -> memref<128x64xf32, #tpu.memory_space<vmem>>
        %swap3A_266 = arith.index_cast %add3A_261 : i32 to index
        %swap3A_267 = arith.constant 0 : index
        %swap3A_268 = tpu.vector_load %swap3A_265[%swap3A_266, %swap3A_267] {strides = array<i32>} : memref<128x64xf32, #tpu.memory_space<vmem>>, vector<1x16xf32>,
        %swap3A_269 = vector.shape_cast %swap3A_268 : vector<1x16xf32> to vector<16xf32>
        %swap3A_270 = vector.shape_cast %mul3A_259 : vector<16xf32> to vector<1x16xf32>
        tpu.vector_store %swap3A_265[%swap3A_266, %swap3A_267], %swap3A_270 {strides = array<i32>} : memref<128x64xf32, #tpu.memory_space<vmem>>, vector<1x16xf32>,
        %add3A_271 = arith.constant 1 : i32
        %add3A_272 = arith.addi %add3A_151, %add3A_271 : i32
        %get3A_273 = arith.constant 0 : i32
        %get3A_274 = arith.constant 0 : i32
        %get3A_275 = tpu.memref_slice %arg10[%rem3A_115, %get3A_273, %get3A_274] : memref<3x128x64xf32, #tpu.memory_space<vmem>> -> memref<1x128x64xf32, #tpu.memory_space<vmem>>
        %get3A_276 = tpu.memref_squeeze %get3A_275 : memref<1x128x64xf32, #tpu.memory_space<vmem>> -> memref<128x64xf32, #tpu.memory_space<vmem>>
        %get3A_277 = arith.index_cast %add3A_272 : i32 to index
        %get3A_278 = arith.constant 16 : index
        %get3A_279 = tpu.vector_load %get3A_276[%get3A_277, %get3A_278] {strides = array<i32>} : memref<128x64xf32, #tpu.memory_space<vmem>>, vector<1x16xf32>,
        %get3A_280 = vector.shape_cast %get3A_279 : vector<1x16xf32> to vector<16xf32>
        %mul3A_281 = vector.broadcast %squeeze3A_247 : f32 to vector<16xf32>
        %mul3A_282 = arith.mulf %get3A_280, %mul3A_281 : vector<16xf32>
        %add3A_283 = arith.constant 1 : i32
        %add3A_284 = arith.addi %add3A_151, %add3A_283 : i32
        %swap3A_285 = arith.constant 0 : i32
        %swap3A_286 = arith.constant 0 : i32
        %swap3A_287 = tpu.memref_slice %arg10[%rem3A_115, %swap3A_285, %swap3A_286] : memref<3x128x64xf32, #tpu.memory_space<vmem>> -> memref<1x128x64xf32, #tpu.memory_space<vmem>>
        %swap3A_288 = tpu.memref_squeeze %swap3A_287 : memref<1x128x64xf32, #tpu.memory_space<vmem>> -> memref<128x64xf32, #tpu.memory_space<vmem>>
        %swap3A_289 = arith.index_cast %add3A_284 : i32 to index
        %swap3A_290 = arith.constant 16 : index
        %swap3A_291 = tpu.vector_load %swap3A_288[%swap3A_289, %swap3A_290] {strides = array<i32>} : memref<128x64xf32, #tpu.memory_space<vmem>>, vector<1x16xf32>,
        %swap3A_292 = vector.shape_cast %swap3A_291 : vector<1x16xf32> to vector<16xf32>
        %swap3A_293 = vector.shape_cast %mul3A_282 : vector<16xf32> to vector<1x16xf32>
        tpu.vector_store %swap3A_288[%swap3A_289, %swap3A_290], %swap3A_293 {strides = array<i32>} : memref<128x64xf32, #tpu.memory_space<vmem>>, vector<1x16xf32>,
        %add3A_294 = arith.constant 1 : i32
        %add3A_295 = arith.addi %add3A_151, %add3A_294 : i32
        %get3A_296 = arith.constant 0 : i32
        %get3A_297 = arith.constant 0 : i32
        %get3A_298 = tpu.memref_slice %arg10[%rem3A_115, %get3A_296, %get3A_297] : memref<3x128x64xf32, #tpu.memory_space<vmem>> -> memref<1x128x64xf32, #tpu.memory_space<vmem>>
        %get3A_299 = tpu.memref_squeeze %get3A_298 : memref<1x128x64xf32, #tpu.memory_space<vmem>> -> memref<128x64xf32, #tpu.memory_space<vmem>>
        %get3A_300 = arith.index_cast %add3A_295 : i32 to index
        %get3A_301 = arith.constant 32 : index
        %get3A_302 = tpu.vector_load %get3A_299[%get3A_300, %get3A_301] {strides = array<i32>} : memref<128x64xf32, #tpu.memory_space<vmem>>, vector<1x16xf32>,
        %get3A_303 = vector.shape_cast %get3A_302 : vector<1x16xf32> to vector<16xf32>
        %mul3A_304 = vector.broadcast %squeeze3A_247 : f32 to vector<16xf32>
        %mul3A_305 = arith.mulf %get3A_303, %mul3A_304 : vector<16xf32>
        %add3A_306 = arith.constant 1 : i32
        %add3A_307 = arith.addi %add3A_151, %add3A_306 : i32
        %swap3A_308 = arith.constant 0 : i32
        %swap3A_309 = arith.constant 0 : i32
        %swap3A_310 = tpu.memref_slice %arg10[%rem3A_115, %swap3A_308, %swap3A_309] : memref<3x128x64xf32, #tpu.memory_space<vmem>> -> memref<1x128x64xf32, #tpu.memory_space<vmem>>
        %swap3A_311 = tpu.memref_squeeze %swap3A_310 : memref<1x128x64xf32, #tpu.memory_space<vmem>> -> memref<128x64xf32, #tpu.memory_space<vmem>>
        %swap3A_312 = arith.index_cast %add3A_307 : i32 to index
        %swap3A_313 = arith.constant 32 : index
        %swap3A_314 = tpu.vector_load %swap3A_311[%swap3A_312, %swap3A_313] {strides = array<i32>} : memref<128x64xf32, #tpu.memory_space<vmem>>, vector<1x16xf32>,
        %swap3A_315 = vector.shape_cast %swap3A_314 : vector<1x16xf32> to vector<16xf32>
        %swap3A_316 = vector.shape_cast %mul3A_305 : vector<16xf32> to vector<1x16xf32>
        tpu.vector_store %swap3A_311[%swap3A_312, %swap3A_313], %swap3A_316 {strides = array<i32>} : memref<128x64xf32, #tpu.memory_space<vmem>>, vector<1x16xf32>,
        %add3A_317 = arith.constant 1 : i32
        %add3A_318 = arith.addi %add3A_151, %add3A_317 : i32
        %get3A_319 = arith.constant 0 : i32
        %get3A_320 = arith.constant 0 : i32
        %get3A_321 = tpu.memref_slice %arg10[%rem3A_115, %get3A_319, %get3A_320] : memref<3x128x64xf32, #tpu.memory_space<vmem>> -> memref<1x128x64xf32, #tpu.memory_space<vmem>>
        %get3A_322 = tpu.memref_squeeze %get3A_321 : memref<1x128x64xf32, #tpu.memory_space<vmem>> -> memref<128x64xf32, #tpu.memory_space<vmem>>
        %get3A_323 = arith.index_cast %add3A_318 : i32 to index
        %get3A_324 = arith.constant 48 : index
        %get3A_325 = tpu.vector_load %get3A_322[%get3A_323, %get3A_324] {strides = array<i32>} : memref<128x64xf32, #tpu.memory_space<vmem>>, vector<1x16xf32>,
        %get3A_326 = vector.shape_cast %get3A_325 : vector<1x16xf32> to vector<16xf32>
        %mul3A_327 = vector.broadcast %squeeze3A_247 : f32 to vector<16xf32>
        %mul3A_328 = arith.mulf %get3A_326, %mul3A_327 : vector<16xf32>
        %add3A_329 = arith.constant 1 : i32
        %add3A_330 = arith.addi %add3A_151, %add3A_329 : i32
        %swap3A_331 = arith.constant 0 : i32
        %swap3A_332 = arith.constant 0 : i32
        %swap3A_333 = tpu.memref_slice %arg10[%rem3A_115, %swap3A_331, %swap3A_332] : memref<3x128x64xf32, #tpu.memory_space<vmem>> -> memref<1x128x64xf32, #tpu.memory_space<vmem>>
        %swap3A_334 = tpu.memref_squeeze %swap3A_333 : memref<1x128x64xf32, #tpu.memory_space<vmem>> -> memref<128x64xf32, #tpu.memory_space<vmem>>
        %swap3A_335 = arith.index_cast %add3A_330 : i32 to index
        %swap3A_336 = arith.constant 48 : index
        %swap3A_337 = tpu.vector_load %swap3A_334[%swap3A_335, %swap3A_336] {strides = array<i32>} : memref<128x64xf32, #tpu.memory_space<vmem>>, vector<1x16xf32>,
        %swap3A_338 = vector.shape_cast %swap3A_337 : vector<1x16xf32> to vector<16xf32>
        %swap3A_339 = vector.shape_cast %mul3A_328 : vector<16xf32> to vector<1x16xf32>
        tpu.vector_store %swap3A_334[%swap3A_335, %swap3A_336], %swap3A_339 {strides = array<i32>} : memref<128x64xf32, #tpu.memory_space<vmem>>, vector<1x16xf32>,
        %slice3A_340 = vector.extract_strided_slice %get3A_154 {offsets = [2], sizes = [1], strides = [1]} : vector<16xf32> to vector<1xf32>
        %squeeze3A_341 = vector.extract %slice3A_340[0] : f32 from vector<1xf32>
        %add3A_342 = arith.constant 2 : i32
        %add3A_343 = arith.addi %add3A_151, %add3A_342 : i32
        %get3A_344 = arith.constant 0 : i32
        %get3A_345 = arith.constant 0 : i32
        %get3A_346 = tpu.memref_slice %arg10[%rem3A_115, %get3A_344, %get3A_345] : memref<3x128x64xf32, #tpu.memory_space<vmem>> -> memref<1x128x64xf32, #tpu.memory_space<vmem>>
        %get3A_347 = tpu.memref_squeeze %get3A_346 : memref<1x128x64xf32, #tpu.memory_space<vmem>> -> memref<128x64xf32, #tpu.memory_space<vmem>>
        %get3A_348 = arith.index_cast %add3A_343 : i32 to index
        %get3A_349 = arith.constant 0 : index
        %get3A_350 = tpu.vector_load %get3A_347[%get3A_348, %get3A_349] {strides = array<i32>} : memref<128x64xf32, #tpu.memory_space<vmem>>, vector<1x16xf32>,
        %get3A_351 = vector.shape_cast %get3A_350 : vector<1x16xf32> to vector<16xf32>
        %mul3A_352 = vector.broadcast %squeeze3A_341 : f32 to vector<16xf32>
        %mul3A_353 = arith.mulf %get3A_351, %mul3A_352 : vector<16xf32>
        %add3A_354 = arith.constant 2 : i32
        %add3A_355 = arith.addi %add3A_151, %add3A_354 : i32
        %swap3A_356 = arith.constant 0 : i32
        %swap3A_357 = arith.constant 0 : i32
        %swap3A_358 = tpu.memref_slice %arg10[%rem3A_115, %swap3A_356, %swap3A_357] : memref<3x128x64xf32, #tpu.memory_space<vmem>> -> memref<1x128x64xf32, #tpu.memory_space<vmem>>
        %swap3A_359 = tpu.memref_squeeze %swap3A_358 : memref<1x128x64xf32, #tpu.memory_space<vmem>> -> memref<128x64xf32, #tpu.memory_space<vmem>>
        %swap3A_360 = arith.index_cast %add3A_355 : i32 to index
        %swap3A_361 = arith.constant 0 : index
        %swap3A_362 = tpu.vector_load %swap3A_359[%swap3A_360, %swap3A_361] {strides = array<i32>} : memref<128x64xf32, #tpu.memory_space<vmem>>, vector<1x16xf32>,
        %swap3A_363 = vector.shape_cast %swap3A_362 : vector<1x16xf32> to vector<16xf32>
        %swap3A_364 = vector.shape_cast %mul3A_353 : vector<16xf32> to vector<1x16xf32>
        tpu.vector_store %swap3A_359[%swap3A_360, %swap3A_361], %swap3A_364 {strides = array<i32>} : memref<128x64xf32, #tpu.memory_space<vmem>>, vector<1x16xf32>,
        %add3A_365 = arith.constant 2 : i32
        %add3A_366 = arith.addi %add3A_151, %add3A_365 : i32
        %get3A_367 = arith.constant 0 : i32
        %get3A_368 = arith.constant 0 : i32
        %get3A_369 = tpu.memref_slice %arg10[%rem3A_115, %get3A_367, %get3A_368] : memref<3x128x64xf32, #tpu.memory_space<vmem>> -> memref<1x128x64xf32, #tpu.memory_space<vmem>>
        %get3A_370 = tpu.memref_squeeze %get3A_369 : memref<1x128x64xf32, #tpu.memory_space<vmem>> -> memref<128x64xf32, #tpu.memory_space<vmem>>
        %get3A_371 = arith.index_cast %add3A_366 : i32 to index
        %get3A_372 = arith.constant 16 : index
        %get3A_373 = tpu.vector_load %get3A_370[%get3A_371, %get3A_372] {strides = array<i32>} : memref<128x64xf32, #tpu.memory_space<vmem>>, vector<1x16xf32>,
        %get3A_374 = vector.shape_cast %get3A_373 : vector<1x16xf32> to vector<16xf32>
        %mul3A_375 = vector.broadcast %squeeze3A_341 : f32 to vector<16xf32>
        %mul3A_376 = arith.mulf %get3A_374, %mul3A_375 : vector<16xf32>
        %add3A_377 = arith.constant 2 : i32
        %add3A_378 = arith.addi %add3A_151, %add3A_377 : i32
        %swap3A_379 = arith.constant 0 : i32
        %swap3A_380 = arith.constant 0 : i32
        %swap3A_381 = tpu.memref_slice %arg10[%rem3A_115, %swap3A_379, %swap3A_380] : memref<3x128x64xf32, #tpu.memory_space<vmem>> -> memref<1x128x64xf32, #tpu.memory_space<vmem>>
        %swap3A_382 = tpu.memref_squeeze %swap3A_381 : memref<1x128x64xf32, #tpu.memory_space<vmem>> -> memref<128x64xf32, #tpu.memory_space<vmem>>
        %swap3A_383 = arith.index_cast %add3A_378 : i32 to index
        %swap3A_384 = arith.constant 16 : index
        %swap3A_385 = tpu.vector_load %swap3A_382[%swap3A_383, %swap3A_384] {strides = array<i32>} : memref<128x64xf32, #tpu.memory_space<vmem>>, vector<1x16xf32>,
        %swap3A_386 = vector.shape_cast %swap3A_385 : vector<1x16xf32> to vector<16xf32>
        %swap3A_387 = vector.shape_cast %mul3A_376 : vector<16xf32> to vector<1x16xf32>
        tpu.vector_store %swap3A_382[%swap3A_383, %swap3A_384], %swap3A_387 {strides = array<i32>} : memref<128x64xf32, #tpu.memory_space<vmem>>, vector<1x16xf32>,
        %add3A_388 = arith.constant 2 : i32
        %add3A_389 = arith.addi %add3A_151, %add3A_388 : i32
        %get3A_390 = arith.constant 0 : i32
        %get3A_391 = arith.constant 0 : i32
        %get3A_392 = tpu.memref_slice %arg10[%rem3A_115, %get3A_390, %get3A_391] : memref<3x128x64xf32, #tpu.memory_space<vmem>> -> memref<1x128x64xf32, #tpu.memory_space<vmem>>
        %get3A_393 = tpu.memref_squeeze %get3A_392 : memref<1x128x64xf32, #tpu.memory_space<vmem>> -> memref<128x64xf32, #tpu.memory_space<vmem>>
        %get3A_394 = arith.index_cast %add3A_389 : i32 to index
        %get3A_395 = arith.constant 32 : index
        %get3A_396 = tpu.vector_load %get3A_393[%get3A_394, %get3A_395] {strides = array<i32>} : memref<128x64xf32, #tpu.memory_space<vmem>>, vector<1x16xf32>,
        %get3A_397 = vector.shape_cast %get3A_396 : vector<1x16xf32> to vector<16xf32>
        %mul3A_398 = vector.broadcast %squeeze3A_341 : f32 to vector<16xf32>
        %mul3A_399 = arith.mulf %get3A_397, %mul3A_398 : vector<16xf32>
        %add3A_400 = arith.constant 2 : i32
        %add3A_401 = arith.addi %add3A_151, %add3A_400 : i32
        %swap3A_402 = arith.constant 0 : i32
        %swap3A_403 = arith.constant 0 : i32
        %swap3A_404 = tpu.memref_slice %arg10[%rem3A_115, %swap3A_402, %swap3A_403] : memref<3x128x64xf32, #tpu.memory_space<vmem>> -> memref<1x128x64xf32, #tpu.memory_space<vmem>>
        %swap3A_405 = tpu.memref_squeeze %swap3A_404 : memref<1x128x64xf32, #tpu.memory_space<vmem>> -> memref<128x64xf32, #tpu.memory_space<vmem>>
        %swap3A_406 = arith.index_cast %add3A_401 : i32 to index
        %swap3A_407 = arith.constant 32 : index
        %swap3A_408 = tpu.vector_load %swap3A_405[%swap3A_406, %swap3A_407] {strides = array<i32>} : memref<128x64xf32, #tpu.memory_space<vmem>>, vector<1x16xf32>,
        %swap3A_409 = vector.shape_cast %swap3A_408 : vector<1x16xf32> to vector<16xf32>
        %swap3A_410 = vector.shape_cast %mul3A_399 : vector<16xf32> to vector<1x16xf32>
        tpu.vector_store %swap3A_405[%swap3A_406, %swap3A_407], %swap3A_410 {strides = array<i32>} : memref<128x64xf32, #tpu.memory_space<vmem>>, vector<1x16xf32>,
        %add3A_411 = arith.constant 2 : i32
        %add3A_412 = arith.addi %add3A_151, %add3A_411 : i32
        %get3A_413 = arith.constant 0 : i32
        %get3A_414 = arith.constant 0 : i32
        %get3A_415 = tpu.memref_slice %arg10[%rem3A_115, %get3A_413, %get3A_414] : memref<3x128x64xf32, #tpu.memory_space<vmem>> -> memref<1x128x64xf32, #tpu.memory_space<vmem>>
        %get3A_416 = tpu.memref_squeeze %get3A_415 : memref<1x128x64xf32, #tpu.memory_space<vmem>> -> memref<128x64xf32, #tpu.memory_space<vmem>>
        %get3A_417 = arith.index_cast %add3A_412 : i32 to index
        %get3A_418 = arith.constant 48 : index
        %get3A_419 = tpu.vector_load %get3A_416[%get3A_417, %get3A_418] {strides = array<i32>} : memref<128x64xf32, #tpu.memory_space<vmem>>, vector<1x16xf32>,
        %get3A_420 = vector.shape_cast %get3A_419 : vector<1x16xf32> to vector<16xf32>
        %mul3A_421 = vector.broadcast %squeeze3A_341 : f32 to vector<16xf32>
        %mul3A_422 = arith.mulf %get3A_420, %mul3A_421 : vector<16xf32>
        %add3A_423 = arith.constant 2 : i32
        %add3A_424 = arith.addi %add3A_151, %add3A_423 : i32
        %swap3A_425 = arith.constant 0 : i32
        %swap3A_426 = arith.constant 0 : i32
        %swap3A_427 = tpu.memref_slice %arg10[%rem3A_115, %swap3A_425, %swap3A_426] : memref<3x128x64xf32, #tpu.memory_space<vmem>> -> memref<1x128x64xf32, #tpu.memory_space<vmem>>
        %swap3A_428 = tpu.memref_squeeze %swap3A_427 : memref<1x128x64xf32, #tpu.memory_space<vmem>> -> memref<128x64xf32, #tpu.memory_space<vmem>>
        %swap3A_429 = arith.index_cast %add3A_424 : i32 to index
        %swap3A_430 = arith.constant 48 : index
        %swap3A_431 = tpu.vector_load %swap3A_428[%swap3A_429, %swap3A_430] {strides = array<i32>} : memref<128x64xf32, #tpu.memory_space<vmem>>, vector<1x16xf32>,
        %swap3A_432 = vector.shape_cast %swap3A_431 : vector<1x16xf32> to vector<16xf32>
        %swap3A_433 = vector.shape_cast %mul3A_422 : vector<16xf32> to vector<1x16xf32>
        tpu.vector_store %swap3A_428[%swap3A_429, %swap3A_430], %swap3A_433 {strides = array<i32>} : memref<128x64xf32, #tpu.memory_space<vmem>>, vector<1x16xf32>,
        %slice3A_434 = vector.extract_strided_slice %get3A_154 {offsets = [3], sizes = [1], strides = [1]} : vector<16xf32> to vector<1xf32>
        %squeeze3A_435 = vector.extract %slice3A_434[0] : f32 from vector<1xf32>
        %add3A_436 = arith.constant 3 : i32
        %add3A_437 = arith.addi %add3A_151, %add3A_436 : i32
        %get3A_438 = arith.constant 0 : i32
        %get3A_439 = arith.constant 0 : i32
        %get3A_440 = tpu.memref_slice %arg10[%rem3A_115, %get3A_438, %get3A_439] : memref<3x128x64xf32, #tpu.memory_space<vmem>> -> memref<1x128x64xf32, #tpu.memory_space<vmem>>
        %get3A_441 = tpu.memref_squeeze %get3A_440 : memref<1x128x64xf32, #tpu.memory_space<vmem>> -> memref<128x64xf32, #tpu.memory_space<vmem>>
        %get3A_442 = arith.index_cast %add3A_437 : i32 to index
        %get3A_443 = arith.constant 0 : index
        %get3A_444 = tpu.vector_load %get3A_441[%get3A_442, %get3A_443] {strides = array<i32>} : memref<128x64xf32, #tpu.memory_space<vmem>>, vector<1x16xf32>,
        %get3A_445 = vector.shape_cast %get3A_444 : vector<1x16xf32> to vector<16xf32>
        %mul3A_446 = vector.broadcast %squeeze3A_435 : f32 to vector<16xf32>
        %mul3A_447 = arith.mulf %get3A_445, %mul3A_446 : vector<16xf32>
        %add3A_448 = arith.constant 3 : i32
        %add3A_449 = arith.addi %add3A_151, %add3A_448 : i32
        %swap3A_450 = arith.constant 0 : i32
        %swap3A_451 = arith.constant 0 : i32
        %swap3A_452 = tpu.memref_slice %arg10[%rem3A_115, %swap3A_450, %swap3A_451] : memref<3x128x64xf32, #tpu.memory_space<vmem>> -> memref<1x128x64xf32, #tpu.memory_space<vmem>>
        %swap3A_453 = tpu.memref_squeeze %swap3A_452 : memref<1x128x64xf32, #tpu.memory_space<vmem>> -> memref<128x64xf32, #tpu.memory_space<vmem>>
        %swap3A_454 = arith.index_cast %add3A_449 : i32 to index
        %swap3A_455 = arith.constant 0 : index
        %swap3A_456 = tpu.vector_load %swap3A_453[%swap3A_454, %swap3A_455] {strides = array<i32>} : memref<128x64xf32, #tpu.memory_space<vmem>>, vector<1x16xf32>,
        %swap3A_457 = vector.shape_cast %swap3A_456 : vector<1x16xf32> to vector<16xf32>
        %swap3A_458 = vector.shape_cast %mul3A_447 : vector<16xf32> to vector<1x16xf32>
        tpu.vector_store %swap3A_453[%swap3A_454, %swap3A_455], %swap3A_458 {strides = array<i32>} : memref<128x64xf32, #tpu.memory_space<vmem>>, vector<1x16xf32>,
        %add3A_459 = arith.constant 3 : i32
        %add3A_460 = arith.addi %add3A_151, %add3A_459 : i32
        %get3A_461 = arith.constant 0 : i32
        %get3A_462 = arith.constant 0 : i32
        %get3A_463 = tpu.memref_slice %arg10[%rem3A_115, %get3A_461, %get3A_462] : memref<3x128x64xf32, #tpu.memory_space<vmem>> -> memref<1x128x64xf32, #tpu.memory_space<vmem>>
        %get3A_464 = tpu.memref_squeeze %get3A_463 : memref<1x128x64xf32, #tpu.memory_space<vmem>> -> memref<128x64xf32, #tpu.memory_space<vmem>>
        %get3A_465 = arith.index_cast %add3A_460 : i32 to index
        %get3A_466 = arith.constant 16 : index
        %get3A_467 = tpu.vector_load %get3A_464[%get3A_465, %get3A_466] {strides = array<i32>} : memref<128x64xf32, #tpu.memory_space<vmem>>, vector<1x16xf32>,
        %get3A_468 = vector.shape_cast %get3A_467 : vector<1x16xf32> to vector<16xf32>
        %mul3A_469 = vector.broadcast %squeeze3A_435 : f32 to vector<16xf32>
        %mul3A_470 = arith.mulf %get3A_468, %mul3A_469 : vector<16xf32>
        %add3A_471 = arith.constant 3 : i32
        %add3A_472 = arith.addi %add3A_151, %add3A_471 : i32
        %swap3A_473 = arith.constant 0 : i32
        %swap3A_474 = arith.constant 0 : i32
        %swap3A_475 = tpu.memref_slice %arg10[%rem3A_115, %swap3A_473, %swap3A_474] : memref<3x128x64xf32, #tpu.memory_space<vmem>> -> memref<1x128x64xf32, #tpu.memory_space<vmem>>
        %swap3A_476 = tpu.memref_squeeze %swap3A_475 : memref<1x128x64xf32, #tpu.memory_space<vmem>> -> memref<128x64xf32, #tpu.memory_space<vmem>>
        %swap3A_477 = arith.index_cast %add3A_472 : i32 to index
        %swap3A_478 = arith.constant 16 : index
        %swap3A_479 = tpu.vector_load %swap3A_476[%swap3A_477, %swap3A_478] {strides = array<i32>} : memref<128x64xf32, #tpu.memory_space<vmem>>, vector<1x16xf32>,
        %swap3A_480 = vector.shape_cast %swap3A_479 : vector<1x16xf32> to vector<16xf32>
        %swap3A_481 = vector.shape_cast %mul3A_470 : vector<16xf32> to vector<1x16xf32>
        tpu.vector_store %swap3A_476[%swap3A_477, %swap3A_478], %swap3A_481 {strides = array<i32>} : memref<128x64xf32, #tpu.memory_space<vmem>>, vector<1x16xf32>,
        %add3A_482 = arith.constant 3 : i32
        %add3A_483 = arith.addi %add3A_151, %add3A_482 : i32
        %get3A_484 = arith.constant 0 : i32
        %get3A_485 = arith.constant 0 : i32
        %get3A_486 = tpu.memref_slice %arg10[%rem3A_115, %get3A_484, %get3A_485] : memref<3x128x64xf32, #tpu.memory_space<vmem>> -> memref<1x128x64xf32, #tpu.memory_space<vmem>>
        %get3A_487 = tpu.memref_squeeze %get3A_486 : memref<1x128x64xf32, #tpu.memory_space<vmem>> -> memref<128x64xf32, #tpu.memory_space<vmem>>
        %get3A_488 = arith.index_cast %add3A_483 : i32 to index
        %get3A_489 = arith.constant 32 : index
        %get3A_490 = tpu.vector_load %get3A_487[%get3A_488, %get3A_489] {strides = array<i32>} : memref<128x64xf32, #tpu.memory_space<vmem>>, vector<1x16xf32>,
        %get3A_491 = vector.shape_cast %get3A_490 : vector<1x16xf32> to vector<16xf32>
        %mul3A_492 = vector.broadcast %squeeze3A_435 : f32 to vector<16xf32>
        %mul3A_493 = arith.mulf %get3A_491, %mul3A_492 : vector<16xf32>
        %add3A_494 = arith.constant 3 : i32
        %add3A_495 = arith.addi %add3A_151, %add3A_494 : i32
        %swap3A_496 = arith.constant 0 : i32
        %swap3A_497 = arith.constant 0 : i32
        %swap3A_498 = tpu.memref_slice %arg10[%rem3A_115, %swap3A_496, %swap3A_497] : memref<3x128x64xf32, #tpu.memory_space<vmem>> -> memref<1x128x64xf32, #tpu.memory_space<vmem>>
        %swap3A_499 = tpu.memref_squeeze %swap3A_498 : memref<1x128x64xf32, #tpu.memory_space<vmem>> -> memref<128x64xf32, #tpu.memory_space<vmem>>
        %swap3A_500 = arith.index_cast %add3A_495 : i32 to index
        %swap3A_501 = arith.constant 32 : index
        %swap3A_502 = tpu.vector_load %swap3A_499[%swap3A_500, %swap3A_501] {strides = array<i32>} : memref<128x64xf32, #tpu.memory_space<vmem>>, vector<1x16xf32>,
        %swap3A_503 = vector.shape_cast %swap3A_502 : vector<1x16xf32> to vector<16xf32>
        %swap3A_504 = vector.shape_cast %mul3A_493 : vector<16xf32> to vector<1x16xf32>
        tpu.vector_store %swap3A_499[%swap3A_500, %swap3A_501], %swap3A_504 {strides = array<i32>} : memref<128x64xf32, #tpu.memory_space<vmem>>, vector<1x16xf32>,
        %add3A_505 = arith.constant 3 : i32
        %add3A_506 = arith.addi %add3A_151, %add3A_505 : i32
        %get3A_507 = arith.constant 0 : i32
        %get3A_508 = arith.constant 0 : i32
        %get3A_509 = tpu.memref_slice %arg10[%rem3A_115, %get3A_507, %get3A_508] : memref<3x128x64xf32, #tpu.memory_space<vmem>> -> memref<1x128x64xf32, #tpu.memory_space<vmem>>
        %get3A_510 = tpu.memref_squeeze %get3A_509 : memref<1x128x64xf32, #tpu.memory_space<vmem>> -> memref<128x64xf32, #tpu.memory_space<vmem>>
        %get3A_511 = arith.index_cast %add3A_506 : i32 to index
        %get3A_512 = arith.constant 48 : index
        %get3A_513 = tpu.vector_load %get3A_510[%get3A_511, %get3A_512] {strides = array<i32>} : memref<128x64xf32, #tpu.memory_space<vmem>>, vector<1x16xf32>,
        %get3A_514 = vector.shape_cast %get3A_513 : vector<1x16xf32> to vector<16xf32>
        %mul3A_515 = vector.broadcast %squeeze3A_435 : f32 to vector<16xf32>
        %mul3A_516 = arith.mulf %get3A_514, %mul3A_515 : vector<16xf32>
        %add3A_517 = arith.constant 3 : i32
        %add3A_518 = arith.addi %add3A_151, %add3A_517 : i32
        %swap3A_519 = arith.constant 0 : i32
        %swap3A_520 = arith.constant 0 : i32
        %swap3A_521 = tpu.memref_slice %arg10[%rem3A_115, %swap3A_519, %swap3A_520] : memref<3x128x64xf32, #tpu.memory_space<vmem>> -> memref<1x128x64xf32, #tpu.memory_space<vmem>>
        %swap3A_522 = tpu.memref_squeeze %swap3A_521 : memref<1x128x64xf32, #tpu.memory_space<vmem>> -> memref<128x64xf32, #tpu.memory_space<vmem>>
        %swap3A_523 = arith.index_cast %add3A_518 : i32 to index
        %swap3A_524 = arith.constant 48 : index
        %swap3A_525 = tpu.vector_load %swap3A_522[%swap3A_523, %swap3A_524] {strides = array<i32>} : memref<128x64xf32, #tpu.memory_space<vmem>>, vector<1x16xf32>,
        %swap3A_526 = vector.shape_cast %swap3A_525 : vector<1x16xf32> to vector<16xf32>
        %swap3A_527 = vector.shape_cast %mul3A_516 : vector<16xf32> to vector<1x16xf32>
        tpu.vector_store %swap3A_522[%swap3A_523, %swap3A_524], %swap3A_527 {strides = array<i32>} : memref<128x64xf32, #tpu.memory_space<vmem>>, vector<1x16xf32>,
        %slice3A_528 = vector.extract_strided_slice %get3A_154 {offsets = [4], sizes = [1], strides = [1]} : vector<16xf32> to vector<1xf32>
        %squeeze3A_529 = vector.extract %slice3A_528[0] : f32 from vector<1xf32>
        %add3A_530 = arith.constant 4 : i32
        %add3A_531 = arith.addi %add3A_151, %add3A_530 : i32
        %get3A_532 = arith.constant 0 : i32
        %get3A_533 = arith.constant 0 : i32
        %get3A_534 = tpu.memref_slice %arg10[%rem3A_115, %get3A_532, %get3A_533] : memref<3x128x64xf32, #tpu.memory_space<vmem>> -> memref<1x128x64xf32, #tpu.memory_space<vmem>>
        %get3A_535 = tpu.memref_squeeze %get3A_534 : memref<1x128x64xf32, #tpu.memory_space<vmem>> -> memref<128x64xf32, #tpu.memory_space<vmem>>
        %get3A_536 = arith.index_cast %add3A_531 : i32 to index
        %get3A_537 = arith.constant 0 : index
        %get3A_538 = tpu.vector_load %get3A_535[%get3A_536, %get3A_537] {strides = array<i32>} : memref<128x64xf32, #tpu.memory_space<vmem>>, vector<1x16xf32>,
        %get3A_539 = vector.shape_cast %get3A_538 : vector<1x16xf32> to vector<16xf32>
        %mul3A_540 = vector.broadcast %squeeze3A_529 : f32 to vector<16xf32>
        %mul3A_541 = arith.mulf %get3A_539, %mul3A_540 : vector<16xf32>
        %add3A_542 = arith.constant 4 : i32
        %add3A_543 = arith.addi %add3A_151, %add3A_542 : i32
        %swap3A_544 = arith.constant 0 : i32
        %swap3A_545 = arith.constant 0 : i32
        %swap3A_546 = tpu.memref_slice %arg10[%rem3A_115, %swap3A_544, %swap3A_545] : memref<3x128x64xf32, #tpu.memory_space<vmem>> -> memref<1x128x64xf32, #tpu.memory_space<vmem>>
        %swap3A_547 = tpu.memref_squeeze %swap3A_546 : memref<1x128x64xf32, #tpu.memory_space<vmem>> -> memref<128x64xf32, #tpu.memory_space<vmem>>
        %swap3A_548 = arith.index_cast %add3A_543 : i32 to index
        %swap3A_549 = arith.constant 0 : index
        %swap3A_550 = tpu.vector_load %swap3A_547[%swap3A_548, %swap3A_549] {strides = array<i32>} : memref<128x64xf32, #tpu.memory_space<vmem>>, vector<1x16xf32>,
        %swap3A_551 = vector.shape_cast %swap3A_550 : vector<1x16xf32> to vector<16xf32>
        %swap3A_552 = vector.shape_cast %mul3A_541 : vector<16xf32> to vector<1x16xf32>
        tpu.vector_store %swap3A_547[%swap3A_548, %swap3A_549], %swap3A_552 {strides = array<i32>} : memref<128x64xf32, #tpu.memory_space<vmem>>, vector<1x16xf32>,
        %add3A_553 = arith.constant 4 : i32
        %add3A_554 = arith.addi %add3A_151, %add3A_553 : i32
        %get3A_555 = arith.constant 0 : i32
        %get3A_556 = arith.constant 0 : i32
        %get3A_557 = tpu.memref_slice %arg10[%rem3A_115, %get3A_555, %get3A_556] : memref<3x128x64xf32, #tpu.memory_space<vmem>> -> memref<1x128x64xf32, #tpu.memory_space<vmem>>
        %get3A_558 = tpu.memref_squeeze %get3A_557 : memref<1x128x64xf32, #tpu.memory_space<vmem>> -> memref<128x64xf32, #tpu.memory_space<vmem>>
        %get3A_559 = arith.index_cast %add3A_554 : i32 to index
        %get3A_560 = arith.constant 16 : index
        %get3A_561 = tpu.vector_load %get3A_558[%get3A_559, %get3A_560] {strides = array<i32>} : memref<128x64xf32, #tpu.memory_space<vmem>>, vector<1x16xf32>,
        %get3A_562 = vector.shape_cast %get3A_561 : vector<1x16xf32> to vector<16xf32>
        %mul3A_563 = vector.broadcast %squeeze3A_529 : f32 to vector<16xf32>
        %mul3A_564 = arith.mulf %get3A_562, %mul3A_563 : vector<16xf32>
        %add3A_565 = arith.constant 4 : i32
        %add3A_566 = arith.addi %add3A_151, %add3A_565 : i32
        %swap3A_567 = arith.constant 0 : i32
        %swap3A_568 = arith.constant 0 : i32
        %swap3A_569 = tpu.memref_slice %arg10[%rem3A_115, %swap3A_567, %swap3A_568] : memref<3x128x64xf32, #tpu.memory_space<vmem>> -> memref<1x128x64xf32, #tpu.memory_space<vmem>>
        %swap3A_570 = tpu.memref_squeeze %swap3A_569 : memref<1x128x64xf32, #tpu.memory_space<vmem>> -> memref<128x64xf32, #tpu.memory_space<vmem>>
        %swap3A_571 = arith.index_cast %add3A_566 : i32 to index
        %swap3A_572 = arith.constant 16 : index
        %swap3A_573 = tpu.vector_load %swap3A_570[%swap3A_571, %swap3A_572] {strides = array<i32>} : memref<128x64xf32, #tpu.memory_space<vmem>>, vector<1x16xf32>,
        %swap3A_574 = vector.shape_cast %swap3A_573 : vector<1x16xf32> to vector<16xf32>
        %swap3A_575 = vector.shape_cast %mul3A_564 : vector<16xf32> to vector<1x16xf32>
        tpu.vector_store %swap3A_570[%swap3A_571, %swap3A_572], %swap3A_575 {strides = array<i32>} : memref<128x64xf32, #tpu.memory_space<vmem>>, vector<1x16xf32>,
        %add3A_576 = arith.constant 4 : i32
        %add3A_577 = arith.addi %add3A_151, %add3A_576 : i32
        %get3A_578 = arith.constant 0 : i32
        %get3A_579 = arith.constant 0 : i32
        %get3A_580 = tpu.memref_slice %arg10[%rem3A_115, %get3A_578, %get3A_579] : memref<3x128x64xf32, #tpu.memory_space<vmem>> -> memref<1x128x64xf32, #tpu.memory_space<vmem>>
        %get3A_581 = tpu.memref_squeeze %get3A_580 : memref<1x128x64xf32, #tpu.memory_space<vmem>> -> memref<128x64xf32, #tpu.memory_space<vmem>>
        %get3A_582 = arith.index_cast %add3A_577 : i32 to index
        %get3A_583 = arith.constant 32 : index
        %get3A_584 = tpu.vector_load %get3A_581[%get3A_582, %get3A_583] {strides = array<i32>} : memref<128x64xf32, #tpu.memory_space<vmem>>, vector<1x16xf32>,
        %get3A_585 = vector.shape_cast %get3A_584 : vector<1x16xf32> to vector<16xf32>
        %mul3A_586 = vector.broadcast %squeeze3A_529 : f32 to vector<16xf32>
        %mul3A_587 = arith.mulf %get3A_585, %mul3A_586 : vector<16xf32>
        %add3A_588 = arith.constant 4 : i32
        %add3A_589 = arith.addi %add3A_151, %add3A_588 : i32
        %swap3A_590 = arith.constant 0 : i32
        %swap3A_591 = arith.constant 0 : i32
        %swap3A_592 = tpu.memref_slice %arg10[%rem3A_115, %swap3A_590, %swap3A_591] : memref<3x128x64xf32, #tpu.memory_space<vmem>> -> memref<1x128x64xf32, #tpu.memory_space<vmem>>
        %swap3A_593 = tpu.memref_squeeze %swap3A_592 : memref<1x128x64xf32, #tpu.memory_space<vmem>> -> memref<128x64xf32, #tpu.memory_space<vmem>>
        %swap3A_594 = arith.index_cast %add3A_589 : i32 to index
        %swap3A_595 = arith.constant 32 : index
        %swap3A_596 = tpu.vector_load %swap3A_593[%swap3A_594, %swap3A_595] {strides = array<i32>} : memref<128x64xf32, #tpu.memory_space<vmem>>, vector<1x16xf32>,
        %swap3A_597 = vector.shape_cast %swap3A_596 : vector<1x16xf32> to vector<16xf32>
        %swap3A_598 = vector.shape_cast %mul3A_587 : vector<16xf32> to vector<1x16xf32>
        tpu.vector_store %swap3A_593[%swap3A_594, %swap3A_595], %swap3A_598 {strides = array<i32>} : memref<128x64xf32, #tpu.memory_space<vmem>>, vector<1x16xf32>,
        %add3A_599 = arith.constant 4 : i32
        %add3A_600 = arith.addi %add3A_151, %add3A_599 : i32
        %get3A_601 = arith.constant 0 : i32
        %get3A_602 = arith.constant 0 : i32
        %get3A_603 = tpu.memref_slice %arg10[%rem3A_115, %get3A_601, %get3A_602] : memref<3x128x64xf32, #tpu.memory_space<vmem>> -> memref<1x128x64xf32, #tpu.memory_space<vmem>>
        %get3A_604 = tpu.memref_squeeze %get3A_603 : memref<1x128x64xf32, #tpu.memory_space<vmem>> -> memref<128x64xf32, #tpu.memory_space<vmem>>
        %get3A_605 = arith.index_cast %add3A_600 : i32 to index
        %get3A_606 = arith.constant 48 : index
        %get3A_607 = tpu.vector_load %get3A_604[%get3A_605, %get3A_606] {strides = array<i32>} : memref<128x64xf32, #tpu.memory_space<vmem>>, vector<1x16xf32>,
        %get3A_608 = vector.shape_cast %get3A_607 : vector<1x16xf32> to vector<16xf32>
        %mul3A_609 = vector.broadcast %squeeze3A_529 : f32 to vector<16xf32>
        %mul3A_610 = arith.mulf %get3A_608, %mul3A_609 : vector<16xf32>
        %add3A_611 = arith.constant 4 : i32
        %add3A_612 = arith.addi %add3A_151, %add3A_611 : i32
        %swap3A_613 = arith.constant 0 : i32
        %swap3A_614 = arith.constant 0 : i32
        %swap3A_615 = tpu.memref_slice %arg10[%rem3A_115, %swap3A_613, %swap3A_614] : memref<3x128x64xf32, #tpu.memory_space<vmem>> -> memref<1x128x64xf32, #tpu.memory_space<vmem>>
        %swap3A_616 = tpu.memref_squeeze %swap3A_615 : memref<1x128x64xf32, #tpu.memory_space<vmem>> -> memref<128x64xf32, #tpu.memory_space<vmem>>
        %swap3A_617 = arith.index_cast %add3A_612 : i32 to index
        %swap3A_618 = arith.constant 48 : index
        %swap3A_619 = tpu.vector_load %swap3A_616[%swap3A_617, %swap3A_618] {strides = array<i32>} : memref<128x64xf32, #tpu.memory_space<vmem>>, vector<1x16xf32>,
        %swap3A_620 = vector.shape_cast %swap3A_619 : vector<1x16xf32> to vector<16xf32>
        %swap3A_621 = vector.shape_cast %mul3A_610 : vector<16xf32> to vector<1x16xf32>
        tpu.vector_store %swap3A_616[%swap3A_617, %swap3A_618], %swap3A_621 {strides = array<i32>} : memref<128x64xf32, #tpu.memory_space<vmem>>, vector<1x16xf32>,
        %slice3A_622 = vector.extract_strided_slice %get3A_154 {offsets = [5], sizes = [1], strides = [1]} : vector<16xf32> to vector<1xf32>
        %squeeze3A_623 = vector.extract %slice3A_622[0] : f32 from vector<1xf32>
        %add3A_624 = arith.constant 5 : i32
        %add3A_625 = arith.addi %add3A_151, %add3A_624 : i32
        %get3A_626 = arith.constant 0 : i32
        %get3A_627 = arith.constant 0 : i32
        %get3A_628 = tpu.memref_slice %arg10[%rem3A_115, %get3A_626, %get3A_627] : memref<3x128x64xf32, #tpu.memory_space<vmem>> -> memref<1x128x64xf32, #tpu.memory_space<vmem>>
        %get3A_629 = tpu.memref_squeeze %get3A_628 : memref<1x128x64xf32, #tpu.memory_space<vmem>> -> memref<128x64xf32, #tpu.memory_space<vmem>>
        %get3A_630 = arith.index_cast %add3A_625 : i32 to index
        %get3A_631 = arith.constant 0 : index
        %get3A_632 = tpu.vector_load %get3A_629[%get3A_630, %get3A_631] {strides = array<i32>} : memref<128x64xf32, #tpu.memory_space<vmem>>, vector<1x16xf32>,
        %get3A_633 = vector.shape_cast %get3A_632 : vector<1x16xf32> to vector<16xf32>
        %mul3A_634 = vector.broadcast %squeeze3A_623 : f32 to vector<16xf32>
        %mul3A_635 = arith.mulf %get3A_633, %mul3A_634 : vector<16xf32>
        %add3A_636 = arith.constant 5 : i32
        %add3A_637 = arith.addi %add3A_151, %add3A_636 : i32
        %swap3A_638 = arith.constant 0 : i32
        %swap3A_639 = arith.constant 0 : i32
        %swap3A_640 = tpu.memref_slice %arg10[%rem3A_115, %swap3A_638, %swap3A_639] : memref<3x128x64xf32, #tpu.memory_space<vmem>> -> memref<1x128x64xf32, #tpu.memory_space<vmem>>
        %swap3A_641 = tpu.memref_squeeze %swap3A_640 : memref<1x128x64xf32, #tpu.memory_space<vmem>> -> memref<128x64xf32, #tpu.memory_space<vmem>>
        %swap3A_642 = arith.index_cast %add3A_637 : i32 to index
        %swap3A_643 = arith.constant 0 : index
        %swap3A_644 = tpu.vector_load %swap3A_641[%swap3A_642, %swap3A_643] {strides = array<i32>} : memref<128x64xf32, #tpu.memory_space<vmem>>, vector<1x16xf32>,
        %swap3A_645 = vector.shape_cast %swap3A_644 : vector<1x16xf32> to vector<16xf32>
        %swap3A_646 = vector.shape_cast %mul3A_635 : vector<16xf32> to vector<1x16xf32>
        tpu.vector_store %swap3A_641[%swap3A_642, %swap3A_643], %swap3A_646 {strides = array<i32>} : memref<128x64xf32, #tpu.memory_space<vmem>>, vector<1x16xf32>,
        %add3A_647 = arith.constant 5 : i32
        %add3A_648 = arith.addi %add3A_151, %add3A_647 : i32
        %get3A_649 = arith.constant 0 : i32
        %get3A_650 = arith.constant 0 : i32
        %get3A_651 = tpu.memref_slice %arg10[%rem3A_115, %get3A_649, %get3A_650] : memref<3x128x64xf32, #tpu.memory_space<vmem>> -> memref<1x128x64xf32, #tpu.memory_space<vmem>>
        %get3A_652 = tpu.memref_squeeze %get3A_651 : memref<1x128x64xf32, #tpu.memory_space<vmem>> -> memref<128x64xf32, #tpu.memory_space<vmem>>
        %get3A_653 = arith.index_cast %add3A_648 : i32 to index
        %get3A_654 = arith.constant 16 : index
        %get3A_655 = tpu.vector_load %get3A_652[%get3A_653, %get3A_654] {strides = array<i32>} : memref<128x64xf32, #tpu.memory_space<vmem>>, vector<1x16xf32>,
        %get3A_656 = vector.shape_cast %get3A_655 : vector<1x16xf32> to vector<16xf32>
        %mul3A_657 = vector.broadcast %squeeze3A_623 : f32 to vector<16xf32>
        %mul3A_658 = arith.mulf %get3A_656, %mul3A_657 : vector<16xf32>
        %add3A_659 = arith.constant 5 : i32
        %add3A_660 = arith.addi %add3A_151, %add3A_659 : i32
        %swap3A_661 = arith.constant 0 : i32
        %swap3A_662 = arith.constant 0 : i32
        %swap3A_663 = tpu.memref_slice %arg10[%rem3A_115, %swap3A_661, %swap3A_662] : memref<3x128x64xf32, #tpu.memory_space<vmem>> -> memref<1x128x64xf32, #tpu.memory_space<vmem>>
        %swap3A_664 = tpu.memref_squeeze %swap3A_663 : memref<1x128x64xf32, #tpu.memory_space<vmem>> -> memref<128x64xf32, #tpu.memory_space<vmem>>
        %swap3A_665 = arith.index_cast %add3A_660 : i32 to index
        %swap3A_666 = arith.constant 16 : index
        %swap3A_667 = tpu.vector_load %swap3A_664[%swap3A_665, %swap3A_666] {strides = array<i32>} : memref<128x64xf32, #tpu.memory_space<vmem>>, vector<1x16xf32>,
        %swap3A_668 = vector.shape_cast %swap3A_667 : vector<1x16xf32> to vector<16xf32>
        %swap3A_669 = vector.shape_cast %mul3A_658 : vector<16xf32> to vector<1x16xf32>
        tpu.vector_store %swap3A_664[%swap3A_665, %swap3A_666], %swap3A_669 {strides = array<i32>} : memref<128x64xf32, #tpu.memory_space<vmem>>, vector<1x16xf32>,
        %add3A_670 = arith.constant 5 : i32
        %add3A_671 = arith.addi %add3A_151, %add3A_670 : i32
        %get3A_672 = arith.constant 0 : i32
        %get3A_673 = arith.constant 0 : i32
        %get3A_674 = tpu.memref_slice %arg10[%rem3A_115, %get3A_672, %get3A_673] : memref<3x128x64xf32, #tpu.memory_space<vmem>> -> memref<1x128x64xf32, #tpu.memory_space<vmem>>
        %get3A_675 = tpu.memref_squeeze %get3A_674 : memref<1x128x64xf32, #tpu.memory_space<vmem>> -> memref<128x64xf32, #tpu.memory_space<vmem>>
        %get3A_676 = arith.index_cast %add3A_671 : i32 to index
        %get3A_677 = arith.constant 32 : index
        %get3A_678 = tpu.vector_load %get3A_675[%get3A_676, %get3A_677] {strides = array<i32>} : memref<128x64xf32, #tpu.memory_space<vmem>>, vector<1x16xf32>,
        %get3A_679 = vector.shape_cast %get3A_678 : vector<1x16xf32> to vector<16xf32>
        %mul3A_680 = vector.broadcast %squeeze3A_623 : f32 to vector<16xf32>
        %mul3A_681 = arith.mulf %get3A_679, %mul3A_680 : vector<16xf32>
        %add3A_682 = arith.constant 5 : i32
        %add3A_683 = arith.addi %add3A_151, %add3A_682 : i32
        %swap3A_684 = arith.constant 0 : i32
        %swap3A_685 = arith.constant 0 : i32
        %swap3A_686 = tpu.memref_slice %arg10[%rem3A_115, %swap3A_684, %swap3A_685] : memref<3x128x64xf32, #tpu.memory_space<vmem>> -> memref<1x128x64xf32, #tpu.memory_space<vmem>>
        %swap3A_687 = tpu.memref_squeeze %swap3A_686 : memref<1x128x64xf32, #tpu.memory_space<vmem>> -> memref<128x64xf32, #tpu.memory_space<vmem>>
        %swap3A_688 = arith.index_cast %add3A_683 : i32 to index
        %swap3A_689 = arith.constant 32 : index
        %swap3A_690 = tpu.vector_load %swap3A_687[%swap3A_688, %swap3A_689] {strides = array<i32>} : memref<128x64xf32, #tpu.memory_space<vmem>>, vector<1x16xf32>,
        %swap3A_691 = vector.shape_cast %swap3A_690 : vector<1x16xf32> to vector<16xf32>
        %swap3A_692 = vector.shape_cast %mul3A_681 : vector<16xf32> to vector<1x16xf32>
        tpu.vector_store %swap3A_687[%swap3A_688, %swap3A_689], %swap3A_692 {strides = array<i32>} : memref<128x64xf32, #tpu.memory_space<vmem>>, vector<1x16xf32>,
        %add3A_693 = arith.constant 5 : i32
        %add3A_694 = arith.addi %add3A_151, %add3A_693 : i32
        %get3A_695 = arith.constant 0 : i32
        %get3A_696 = arith.constant 0 : i32
        %get3A_697 = tpu.memref_slice %arg10[%rem3A_115, %get3A_695, %get3A_696] : memref<3x128x64xf32, #tpu.memory_space<vmem>> -> memref<1x128x64xf32, #tpu.memory_space<vmem>>
        %get3A_698 = tpu.memref_squeeze %get3A_697 : memref<1x128x64xf32, #tpu.memory_space<vmem>> -> memref<128x64xf32, #tpu.memory_space<vmem>>
        %get3A_699 = arith.index_cast %add3A_694 : i32 to index
        %get3A_700 = arith.constant 48 : index
        %get3A_701 = tpu.vector_load %get3A_698[%get3A_699, %get3A_700] {strides = array<i32>} : memref<128x64xf32, #tpu.memory_space<vmem>>, vector<1x16xf32>,
        %get3A_702 = vector.shape_cast %get3A_701 : vector<1x16xf32> to vector<16xf32>
        %mul3A_703 = vector.broadcast %squeeze3A_623 : f32 to vector<16xf32>
        %mul3A_704 = arith.mulf %get3A_702, %mul3A_703 : vector<16xf32>
        %add3A_705 = arith.constant 5 : i32
        %add3A_706 = arith.addi %add3A_151, %add3A_705 : i32
        %swap3A_707 = arith.constant 0 : i32
        %swap3A_708 = arith.constant 0 : i32
        %swap3A_709 = tpu.memref_slice %arg10[%rem3A_115, %swap3A_707, %swap3A_708] : memref<3x128x64xf32, #tpu.memory_space<vmem>> -> memref<1x128x64xf32, #tpu.memory_space<vmem>>
        %swap3A_710 = tpu.memref_squeeze %swap3A_709 : memref<1x128x64xf32, #tpu.memory_space<vmem>> -> memref<128x64xf32, #tpu.memory_space<vmem>>
        %swap3A_711 = arith.index_cast %add3A_706 : i32 to index
        %swap3A_712 = arith.constant 48 : index
        %swap3A_713 = tpu.vector_load %swap3A_710[%swap3A_711, %swap3A_712] {strides = array<i32>} : memref<128x64xf32, #tpu.memory_space<vmem>>, vector<1x16xf32>,
        %swap3A_714 = vector.shape_cast %swap3A_713 : vector<1x16xf32> to vector<16xf32>
        %swap3A_715 = vector.shape_cast %mul3A_704 : vector<16xf32> to vector<1x16xf32>
        tpu.vector_store %swap3A_710[%swap3A_711, %swap3A_712], %swap3A_715 {strides = array<i32>} : memref<128x64xf32, #tpu.memory_space<vmem>>, vector<1x16xf32>,
        %slice3A_716 = vector.extract_strided_slice %get3A_154 {offsets = [6], sizes = [1], strides = [1]} : vector<16xf32> to vector<1xf32>
        %squeeze3A_717 = vector.extract %slice3A_716[0] : f32 from vector<1xf32>
        %add3A_718 = arith.constant 6 : i32
        %add3A_719 = arith.addi %add3A_151, %add3A_718 : i32
        %get3A_720 = arith.constant 0 : i32
        %get3A_721 = arith.constant 0 : i32
        %get3A_722 = tpu.memref_slice %arg10[%rem3A_115, %get3A_720, %get3A_721] : memref<3x128x64xf32, #tpu.memory_space<vmem>> -> memref<1x128x64xf32, #tpu.memory_space<vmem>>
        %get3A_723 = tpu.memref_squeeze %get3A_722 : memref<1x128x64xf32, #tpu.memory_space<vmem>> -> memref<128x64xf32, #tpu.memory_space<vmem>>
        %get3A_724 = arith.index_cast %add3A_719 : i32 to index
        %get3A_725 = arith.constant 0 : index
        %get3A_726 = tpu.vector_load %get3A_723[%get3A_724, %get3A_725] {strides = array<i32>} : memref<128x64xf32, #tpu.memory_space<vmem>>, vector<1x16xf32>,
        %get3A_727 = vector.shape_cast %get3A_726 : vector<1x16xf32> to vector<16xf32>
        %mul3A_728 = vector.broadcast %squeeze3A_717 : f32 to vector<16xf32>
        %mul3A_729 = arith.mulf %get3A_727, %mul3A_728 : vector<16xf32>
        %add3A_730 = arith.constant 6 : i32
        %add3A_731 = arith.addi %add3A_151, %add3A_730 : i32
        %swap3A_732 = arith.constant 0 : i32
        %swap3A_733 = arith.constant 0 : i32
        %swap3A_734 = tpu.memref_slice %arg10[%rem3A_115, %swap3A_732, %swap3A_733] : memref<3x128x64xf32, #tpu.memory_space<vmem>> -> memref<1x128x64xf32, #tpu.memory_space<vmem>>
        %swap3A_735 = tpu.memref_squeeze %swap3A_734 : memref<1x128x64xf32, #tpu.memory_space<vmem>> -> memref<128x64xf32, #tpu.memory_space<vmem>>
        %swap3A_736 = arith.index_cast %add3A_731 : i32 to index
        %swap3A_737 = arith.constant 0 : index
        %swap3A_738 = tpu.vector_load %swap3A_735[%swap3A_736, %swap3A_737] {strides = array<i32>} : memref<128x64xf32, #tpu.memory_space<vmem>>, vector<1x16xf32>,
        %swap3A_739 = vector.shape_cast %swap3A_738 : vector<1x16xf32> to vector<16xf32>
        %swap3A_740 = vector.shape_cast %mul3A_729 : vector<16xf32> to vector<1x16xf32>
        tpu.vector_store %swap3A_735[%swap3A_736, %swap3A_737], %swap3A_740 {strides = array<i32>} : memref<128x64xf32, #tpu.memory_space<vmem>>, vector<1x16xf32>,
        %add3A_741 = arith.constant 6 : i32
        %add3A_742 = arith.addi %add3A_151, %add3A_741 : i32
        %get3A_743 = arith.constant 0 : i32
        %get3A_744 = arith.constant 0 : i32
        %get3A_745 = tpu.memref_slice %arg10[%rem3A_115, %get3A_743, %get3A_744] : memref<3x128x64xf32, #tpu.memory_space<vmem>> -> memref<1x128x64xf32, #tpu.memory_space<vmem>>
        %get3A_746 = tpu.memref_squeeze %get3A_745 : memref<1x128x64xf32, #tpu.memory_space<vmem>> -> memref<128x64xf32, #tpu.memory_space<vmem>>
        %get3A_747 = arith.index_cast %add3A_742 : i32 to index
        %get3A_748 = arith.constant 16 : index
        %get3A_749 = tpu.vector_load %get3A_746[%get3A_747, %get3A_748] {strides = array<i32>} : memref<128x64xf32, #tpu.memory_space<vmem>>, vector<1x16xf32>,
        %get3A_750 = vector.shape_cast %get3A_749 : vector<1x16xf32> to vector<16xf32>
        %mul3A_751 = vector.broadcast %squeeze3A_717 : f32 to vector<16xf32>
        %mul3A_752 = arith.mulf %get3A_750, %mul3A_751 : vector<16xf32>
        %add3A_753 = arith.constant 6 : i32
        %add3A_754 = arith.addi %add3A_151, %add3A_753 : i32
        %swap3A_755 = arith.constant 0 : i32
        %swap3A_756 = arith.constant 0 : i32
        %swap3A_757 = tpu.memref_slice %arg10[%rem3A_115, %swap3A_755, %swap3A_756] : memref<3x128x64xf32, #tpu.memory_space<vmem>> -> memref<1x128x64xf32, #tpu.memory_space<vmem>>
        %swap3A_758 = tpu.memref_squeeze %swap3A_757 : memref<1x128x64xf32, #tpu.memory_space<vmem>> -> memref<128x64xf32, #tpu.memory_space<vmem>>
        %swap3A_759 = arith.index_cast %add3A_754 : i32 to index
        %swap3A_760 = arith.constant 16 : index
        %swap3A_761 = tpu.vector_load %swap3A_758[%swap3A_759, %swap3A_760] {strides = array<i32>} : memref<128x64xf32, #tpu.memory_space<vmem>>, vector<1x16xf32>,
        %swap3A_762 = vector.shape_cast %swap3A_761 : vector<1x16xf32> to vector<16xf32>
        %swap3A_763 = vector.shape_cast %mul3A_752 : vector<16xf32> to vector<1x16xf32>
        tpu.vector_store %swap3A_758[%swap3A_759, %swap3A_760], %swap3A_763 {strides = array<i32>} : memref<128x64xf32, #tpu.memory_space<vmem>>, vector<1x16xf32>,
        %add3A_764 = arith.constant 6 : i32
        %add3A_765 = arith.addi %add3A_151, %add3A_764 : i32
        %get3A_766 = arith.constant 0 : i32
        %get3A_767 = arith.constant 0 : i32
        %get3A_768 = tpu.memref_slice %arg10[%rem3A_115, %get3A_766, %get3A_767] : memref<3x128x64xf32, #tpu.memory_space<vmem>> -> memref<1x128x64xf32, #tpu.memory_space<vmem>>
        %get3A_769 = tpu.memref_squeeze %get3A_768 : memref<1x128x64xf32, #tpu.memory_space<vmem>> -> memref<128x64xf32, #tpu.memory_space<vmem>>
        %get3A_770 = arith.index_cast %add3A_765 : i32 to index
        %get3A_771 = arith.constant 32 : index
        %get3A_772 = tpu.vector_load %get3A_769[%get3A_770, %get3A_771] {strides = array<i32>} : memref<128x64xf32, #tpu.memory_space<vmem>>, vector<1x16xf32>,
        %get3A_773 = vector.shape_cast %get3A_772 : vector<1x16xf32> to vector<16xf32>
        %mul3A_774 = vector.broadcast %squeeze3A_717 : f32 to vector<16xf32>
        %mul3A_775 = arith.mulf %get3A_773, %mul3A_774 : vector<16xf32>
        %add3A_776 = arith.constant 6 : i32
        %add3A_777 = arith.addi %add3A_151, %add3A_776 : i32
        %swap3A_778 = arith.constant 0 : i32
        %swap3A_779 = arith.constant 0 : i32
        %swap3A_780 = tpu.memref_slice %arg10[%rem3A_115, %swap3A_778, %swap3A_779] : memref<3x128x64xf32, #tpu.memory_space<vmem>> -> memref<1x128x64xf32, #tpu.memory_space<vmem>>
        %swap3A_781 = tpu.memref_squeeze %swap3A_780 : memref<1x128x64xf32, #tpu.memory_space<vmem>> -> memref<128x64xf32, #tpu.memory_space<vmem>>
        %swap3A_782 = arith.index_cast %add3A_777 : i32 to index
        %swap3A_783 = arith.constant 32 : index
        %swap3A_784 = tpu.vector_load %swap3A_781[%swap3A_782, %swap3A_783] {strides = array<i32>} : memref<128x64xf32, #tpu.memory_space<vmem>>, vector<1x16xf32>,
        %swap3A_785 = vector.shape_cast %swap3A_784 : vector<1x16xf32> to vector<16xf32>
        %swap3A_786 = vector.shape_cast %mul3A_775 : vector<16xf32> to vector<1x16xf32>
        tpu.vector_store %swap3A_781[%swap3A_782, %swap3A_783], %swap3A_786 {strides = array<i32>} : memref<128x64xf32, #tpu.memory_space<vmem>>, vector<1x16xf32>,
        %add3A_787 = arith.constant 6 : i32
        %add3A_788 = arith.addi %add3A_151, %add3A_787 : i32
        %get3A_789 = arith.constant 0 : i32
        %get3A_790 = arith.constant 0 : i32
        %get3A_791 = tpu.memref_slice %arg10[%rem3A_115, %get3A_789, %get3A_790] : memref<3x128x64xf32, #tpu.memory_space<vmem>> -> memref<1x128x64xf32, #tpu.memory_space<vmem>>
        %get3A_792 = tpu.memref_squeeze %get3A_791 : memref<1x128x64xf32, #tpu.memory_space<vmem>> -> memref<128x64xf32, #tpu.memory_space<vmem>>
        %get3A_793 = arith.index_cast %add3A_788 : i32 to index
        %get3A_794 = arith.constant 48 : index
        %get3A_795 = tpu.vector_load %get3A_792[%get3A_793, %get3A_794] {strides = array<i32>} : memref<128x64xf32, #tpu.memory_space<vmem>>, vector<1x16xf32>,
        %get3A_796 = vector.shape_cast %get3A_795 : vector<1x16xf32> to vector<16xf32>
        %mul3A_797 = vector.broadcast %squeeze3A_717 : f32 to vector<16xf32>
        %mul3A_798 = arith.mulf %get3A_796, %mul3A_797 : vector<16xf32>
        %add3A_799 = arith.constant 6 : i32
        %add3A_800 = arith.addi %add3A_151, %add3A_799 : i32
        %swap3A_801 = arith.constant 0 : i32
        %swap3A_802 = arith.constant 0 : i32
        %swap3A_803 = tpu.memref_slice %arg10[%rem3A_115, %swap3A_801, %swap3A_802] : memref<3x128x64xf32, #tpu.memory_space<vmem>> -> memref<1x128x64xf32, #tpu.memory_space<vmem>>
        %swap3A_804 = tpu.memref_squeeze %swap3A_803 : memref<1x128x64xf32, #tpu.memory_space<vmem>> -> memref<128x64xf32, #tpu.memory_space<vmem>>
        %swap3A_805 = arith.index_cast %add3A_800 : i32 to index
        %swap3A_806 = arith.constant 48 : index
        %swap3A_807 = tpu.vector_load %swap3A_804[%swap3A_805, %swap3A_806] {strides = array<i32>} : memref<128x64xf32, #tpu.memory_space<vmem>>, vector<1x16xf32>,
        %swap3A_808 = vector.shape_cast %swap3A_807 : vector<1x16xf32> to vector<16xf32>
        %swap3A_809 = vector.shape_cast %mul3A_798 : vector<16xf32> to vector<1x16xf32>
        tpu.vector_store %swap3A_804[%swap3A_805, %swap3A_806], %swap3A_809 {strides = array<i32>} : memref<128x64xf32, #tpu.memory_space<vmem>>, vector<1x16xf32>,
        %slice3A_810 = vector.extract_strided_slice %get3A_154 {offsets = [7], sizes = [1], strides = [1]} : vector<16xf32> to vector<1xf32>
        %squeeze3A_811 = vector.extract %slice3A_810[0] : f32 from vector<1xf32>
        %add3A_812 = arith.constant 7 : i32
        %add3A_813 = arith.addi %add3A_151, %add3A_812 : i32
        %get3A_814 = arith.constant 0 : i32
        %get3A_815 = arith.constant 0 : i32
        %get3A_816 = tpu.memref_slice %arg10[%rem3A_115, %get3A_814, %get3A_815] : memref<3x128x64xf32, #tpu.memory_space<vmem>> -> memref<1x128x64xf32, #tpu.memory_space<vmem>>
        %get3A_817 = tpu.memref_squeeze %get3A_816 : memref<1x128x64xf32, #tpu.memory_space<vmem>> -> memref<128x64xf32, #tpu.memory_space<vmem>>
        %get3A_818 = arith.index_cast %add3A_813 : i32 to index
        %get3A_819 = arith.constant 0 : index
        %get3A_820 = tpu.vector_load %get3A_817[%get3A_818, %get3A_819] {strides = array<i32>} : memref<128x64xf32, #tpu.memory_space<vmem>>, vector<1x16xf32>,
        %get3A_821 = vector.shape_cast %get3A_820 : vector<1x16xf32> to vector<16xf32>
        %mul3A_822 = vector.broadcast %squeeze3A_811 : f32 to vector<16xf32>
        %mul3A_823 = arith.mulf %get3A_821, %mul3A_822 : vector<16xf32>
        %add3A_824 = arith.constant 7 : i32
        %add3A_825 = arith.addi %add3A_151, %add3A_824 : i32
        %swap3A_826 = arith.constant 0 : i32
        %swap3A_827 = arith.constant 0 : i32
        %swap3A_828 = tpu.memref_slice %arg10[%rem3A_115, %swap3A_826, %swap3A_827] : memref<3x128x64xf32, #tpu.memory_space<vmem>> -> memref<1x128x64xf32, #tpu.memory_space<vmem>>
        %swap3A_829 = tpu.memref_squeeze %swap3A_828 : memref<1x128x64xf32, #tpu.memory_space<vmem>> -> memref<128x64xf32, #tpu.memory_space<vmem>>
        %swap3A_830 = arith.index_cast %add3A_825 : i32 to index
        %swap3A_831 = arith.constant 0 : index
        %swap3A_832 = tpu.vector_load %swap3A_829[%swap3A_830, %swap3A_831] {strides = array<i32>} : memref<128x64xf32, #tpu.memory_space<vmem>>, vector<1x16xf32>,
        %swap3A_833 = vector.shape_cast %swap3A_832 : vector<1x16xf32> to vector<16xf32>
        %swap3A_834 = vector.shape_cast %mul3A_823 : vector<16xf32> to vector<1x16xf32>
        tpu.vector_store %swap3A_829[%swap3A_830, %swap3A_831], %swap3A_834 {strides = array<i32>} : memref<128x64xf32, #tpu.memory_space<vmem>>, vector<1x16xf32>,
        %add3A_835 = arith.constant 7 : i32
        %add3A_836 = arith.addi %add3A_151, %add3A_835 : i32
        %get3A_837 = arith.constant 0 : i32
        %get3A_838 = arith.constant 0 : i32
        %get3A_839 = tpu.memref_slice %arg10[%rem3A_115, %get3A_837, %get3A_838] : memref<3x128x64xf32, #tpu.memory_space<vmem>> -> memref<1x128x64xf32, #tpu.memory_space<vmem>>
        %get3A_840 = tpu.memref_squeeze %get3A_839 : memref<1x128x64xf32, #tpu.memory_space<vmem>> -> memref<128x64xf32, #tpu.memory_space<vmem>>
        %get3A_841 = arith.index_cast %add3A_836 : i32 to index
        %get3A_842 = arith.constant 16 : index
        %get3A_843 = tpu.vector_load %get3A_840[%get3A_841, %get3A_842] {strides = array<i32>} : memref<128x64xf32, #tpu.memory_space<vmem>>, vector<1x16xf32>,
        %get3A_844 = vector.shape_cast %get3A_843 : vector<1x16xf32> to vector<16xf32>
        %mul3A_845 = vector.broadcast %squeeze3A_811 : f32 to vector<16xf32>
        %mul3A_846 = arith.mulf %get3A_844, %mul3A_845 : vector<16xf32>
        %add3A_847 = arith.constant 7 : i32
        %add3A_848 = arith.addi %add3A_151, %add3A_847 : i32
        %swap3A_849 = arith.constant 0 : i32
        %swap3A_850 = arith.constant 0 : i32
        %swap3A_851 = tpu.memref_slice %arg10[%rem3A_115, %swap3A_849, %swap3A_850] : memref<3x128x64xf32, #tpu.memory_space<vmem>> -> memref<1x128x64xf32, #tpu.memory_space<vmem>>
        %swap3A_852 = tpu.memref_squeeze %swap3A_851 : memref<1x128x64xf32, #tpu.memory_space<vmem>> -> memref<128x64xf32, #tpu.memory_space<vmem>>
        %swap3A_853 = arith.index_cast %add3A_848 : i32 to index
        %swap3A_854 = arith.constant 16 : index
        %swap3A_855 = tpu.vector_load %swap3A_852[%swap3A_853, %swap3A_854] {strides = array<i32>} : memref<128x64xf32, #tpu.memory_space<vmem>>, vector<1x16xf32>,
        %swap3A_856 = vector.shape_cast %swap3A_855 : vector<1x16xf32> to vector<16xf32>
        %swap3A_857 = vector.shape_cast %mul3A_846 : vector<16xf32> to vector<1x16xf32>
        tpu.vector_store %swap3A_852[%swap3A_853, %swap3A_854], %swap3A_857 {strides = array<i32>} : memref<128x64xf32, #tpu.memory_space<vmem>>, vector<1x16xf32>,
        %add3A_858 = arith.constant 7 : i32
        %add3A_859 = arith.addi %add3A_151, %add3A_858 : i32
        %get3A_860 = arith.constant 0 : i32
        %get3A_861 = arith.constant 0 : i32
        %get3A_862 = tpu.memref_slice %arg10[%rem3A_115, %get3A_860, %get3A_861] : memref<3x128x64xf32, #tpu.memory_space<vmem>> -> memref<1x128x64xf32, #tpu.memory_space<vmem>>
        %get3A_863 = tpu.memref_squeeze %get3A_862 : memref<1x128x64xf32, #tpu.memory_space<vmem>> -> memref<128x64xf32, #tpu.memory_space<vmem>>
        %get3A_864 = arith.index_cast %add3A_859 : i32 to index
        %get3A_865 = arith.constant 32 : index
        %get3A_866 = tpu.vector_load %get3A_863[%get3A_864, %get3A_865] {strides = array<i32>} : memref<128x64xf32, #tpu.memory_space<vmem>>, vector<1x16xf32>,
        %get3A_867 = vector.shape_cast %get3A_866 : vector<1x16xf32> to vector<16xf32>
        %mul3A_868 = vector.broadcast %squeeze3A_811 : f32 to vector<16xf32>
        %mul3A_869 = arith.mulf %get3A_867, %mul3A_868 : vector<16xf32>
        %add3A_870 = arith.constant 7 : i32
        %add3A_871 = arith.addi %add3A_151, %add3A_870 : i32
        %swap3A_872 = arith.constant 0 : i32
        %swap3A_873 = arith.constant 0 : i32
        %swap3A_874 = tpu.memref_slice %arg10[%rem3A_115, %swap3A_872, %swap3A_873] : memref<3x128x64xf32, #tpu.memory_space<vmem>> -> memref<1x128x64xf32, #tpu.memory_space<vmem>>
        %swap3A_875 = tpu.memref_squeeze %swap3A_874 : memref<1x128x64xf32, #tpu.memory_space<vmem>> -> memref<128x64xf32, #tpu.memory_space<vmem>>
        %swap3A_876 = arith.index_cast %add3A_871 : i32 to index
        %swap3A_877 = arith.constant 32 : index
        %swap3A_878 = tpu.vector_load %swap3A_875[%swap3A_876, %swap3A_877] {strides = array<i32>} : memref<128x64xf32, #tpu.memory_space<vmem>>, vector<1x16xf32>,
        %swap3A_879 = vector.shape_cast %swap3A_878 : vector<1x16xf32> to vector<16xf32>
        %swap3A_880 = vector.shape_cast %mul3A_869 : vector<16xf32> to vector<1x16xf32>
        tpu.vector_store %swap3A_875[%swap3A_876, %swap3A_877], %swap3A_880 {strides = array<i32>} : memref<128x64xf32, #tpu.memory_space<vmem>>, vector<1x16xf32>,
        %add3A_881 = arith.constant 7 : i32
        %add3A_882 = arith.addi %add3A_151, %add3A_881 : i32
        %get3A_883 = arith.constant 0 : i32
        %get3A_884 = arith.constant 0 : i32
        %get3A_885 = tpu.memref_slice %arg10[%rem3A_115, %get3A_883, %get3A_884] : memref<3x128x64xf32, #tpu.memory_space<vmem>> -> memref<1x128x64xf32, #tpu.memory_space<vmem>>
        %get3A_886 = tpu.memref_squeeze %get3A_885 : memref<1x128x64xf32, #tpu.memory_space<vmem>> -> memref<128x64xf32, #tpu.memory_space<vmem>>
        %get3A_887 = arith.index_cast %add3A_882 : i32 to index
        %get3A_888 = arith.constant 48 : index
        %get3A_889 = tpu.vector_load %get3A_886[%get3A_887, %get3A_888] {strides = array<i32>} : memref<128x64xf32, #tpu.memory_space<vmem>>, vector<1x16xf32>,
        %get3A_890 = vector.shape_cast %get3A_889 : vector<1x16xf32> to vector<16xf32>
        %mul3A_891 = vector.broadcast %squeeze3A_811 : f32 to vector<16xf32>
        %mul3A_892 = arith.mulf %get3A_890, %mul3A_891 : vector<16xf32>
        %add3A_893 = arith.constant 7 : i32
        %add3A_894 = arith.addi %add3A_151, %add3A_893 : i32
        %swap3A_895 = arith.constant 0 : i32
        %swap3A_896 = arith.constant 0 : i32
        %swap3A_897 = tpu.memref_slice %arg10[%rem3A_115, %swap3A_895, %swap3A_896] : memref<3x128x64xf32, #tpu.memory_space<vmem>> -> memref<1x128x64xf32, #tpu.memory_space<vmem>>
        %swap3A_898 = tpu.memref_squeeze %swap3A_897 : memref<1x128x64xf32, #tpu.memory_space<vmem>> -> memref<128x64xf32, #tpu.memory_space<vmem>>
        %swap3A_899 = arith.index_cast %add3A_894 : i32 to index
        %swap3A_900 = arith.constant 48 : index
        %swap3A_901 = tpu.vector_load %swap3A_898[%swap3A_899, %swap3A_900] {strides = array<i32>} : memref<128x64xf32, #tpu.memory_space<vmem>>, vector<1x16xf32>,
        %swap3A_902 = vector.shape_cast %swap3A_901 : vector<1x16xf32> to vector<16xf32>
        %swap3A_903 = vector.shape_cast %mul3A_892 : vector<16xf32> to vector<1x16xf32>
        tpu.vector_store %swap3A_898[%swap3A_899, %swap3A_900], %swap3A_903 {strides = array<i32>} : memref<128x64xf32, #tpu.memory_space<vmem>>, vector<1x16xf32>,
        %slice3A_904 = vector.extract_strided_slice %get3A_154 {offsets = [8], sizes = [1], strides = [1]} : vector<16xf32> to vector<1xf32>
        %squeeze3A_905 = vector.extract %slice3A_904[0] : f32 from vector<1xf32>
        %add3A_906 = arith.constant 8 : i32
        %add3A_907 = arith.addi %add3A_151, %add3A_906 : i32
        %get3A_908 = arith.constant 0 : i32
        %get3A_909 = arith.constant 0 : i32
        %get3A_910 = tpu.memref_slice %arg10[%rem3A_115, %get3A_908, %get3A_909] : memref<3x128x64xf32, #tpu.memory_space<vmem>> -> memref<1x128x64xf32, #tpu.memory_space<vmem>>
        %get3A_911 = tpu.memref_squeeze %get3A_910 : memref<1x128x64xf32, #tpu.memory_space<vmem>> -> memref<128x64xf32, #tpu.memory_space<vmem>>
        %get3A_912 = arith.index_cast %add3A_907 : i32 to index
        %get3A_913 = arith.constant 0 : index
        %get3A_914 = tpu.vector_load %get3A_911[%get3A_912, %get3A_913] {strides = array<i32>} : memref<128x64xf32, #tpu.memory_space<vmem>>, vector<1x16xf32>,
        %get3A_915 = vector.shape_cast %get3A_914 : vector<1x16xf32> to vector<16xf32>
        %mul3A_916 = vector.broadcast %squeeze3A_905 : f32 to vector<16xf32>
        %mul3A_917 = arith.mulf %get3A_915, %mul3A_916 : vector<16xf32>
        %add3A_918 = arith.constant 8 : i32
        %add3A_919 = arith.addi %add3A_151, %add3A_918 : i32
        %swap3A_920 = arith.constant 0 : i32
        %swap3A_921 = arith.constant 0 : i32
        %swap3A_922 = tpu.memref_slice %arg10[%rem3A_115, %swap3A_920, %swap3A_921] : memref<3x128x64xf32, #tpu.memory_space<vmem>> -> memref<1x128x64xf32, #tpu.memory_space<vmem>>
        %swap3A_923 = tpu.memref_squeeze %swap3A_922 : memref<1x128x64xf32, #tpu.memory_space<vmem>> -> memref<128x64xf32, #tpu.memory_space<vmem>>
        %swap3A_924 = arith.index_cast %add3A_919 : i32 to index
        %swap3A_925 = arith.constant 0 : index
        %swap3A_926 = tpu.vector_load %swap3A_923[%swap3A_924, %swap3A_925] {strides = array<i32>} : memref<128x64xf32, #tpu.memory_space<vmem>>, vector<1x16xf32>,
        %swap3A_927 = vector.shape_cast %swap3A_926 : vector<1x16xf32> to vector<16xf32>
        %swap3A_928 = vector.shape_cast %mul3A_917 : vector<16xf32> to vector<1x16xf32>
        tpu.vector_store %swap3A_923[%swap3A_924, %swap3A_925], %swap3A_928 {strides = array<i32>} : memref<128x64xf32, #tpu.memory_space<vmem>>, vector<1x16xf32>,
        %add3A_929 = arith.constant 8 : i32
        %add3A_930 = arith.addi %add3A_151, %add3A_929 : i32
        %get3A_931 = arith.constant 0 : i32
        %get3A_932 = arith.constant 0 : i32
        %get3A_933 = tpu.memref_slice %arg10[%rem3A_115, %get3A_931, %get3A_932] : memref<3x128x64xf32, #tpu.memory_space<vmem>> -> memref<1x128x64xf32, #tpu.memory_space<vmem>>
        %get3A_934 = tpu.memref_squeeze %get3A_933 : memref<1x128x64xf32, #tpu.memory_space<vmem>> -> memref<128x64xf32, #tpu.memory_space<vmem>>
        %get3A_935 = arith.index_cast %add3A_930 : i32 to index
        %get3A_936 = arith.constant 16 : index
        %get3A_937 = tpu.vector_load %get3A_934[%get3A_935, %get3A_936] {strides = array<i32>} : memref<128x64xf32, #tpu.memory_space<vmem>>, vector<1x16xf32>,
        %get3A_938 = vector.shape_cast %get3A_937 : vector<1x16xf32> to vector<16xf32>
        %mul3A_939 = vector.broadcast %squeeze3A_905 : f32 to vector<16xf32>
        %mul3A_940 = arith.mulf %get3A_938, %mul3A_939 : vector<16xf32>
        %add3A_941 = arith.constant 8 : i32
        %add3A_942 = arith.addi %add3A_151, %add3A_941 : i32
        %swap3A_943 = arith.constant 0 : i32
        %swap3A_944 = arith.constant 0 : i32
        %swap3A_945 = tpu.memref_slice %arg10[%rem3A_115, %swap3A_943, %swap3A_944] : memref<3x128x64xf32, #tpu.memory_space<vmem>> -> memref<1x128x64xf32, #tpu.memory_space<vmem>>
        %swap3A_946 = tpu.memref_squeeze %swap3A_945 : memref<1x128x64xf32, #tpu.memory_space<vmem>> -> memref<128x64xf32, #tpu.memory_space<vmem>>
        %swap3A_947 = arith.index_cast %add3A_942 : i32 to index
        %swap3A_948 = arith.constant 16 : index
        %swap3A_949 = tpu.vector_load %swap3A_946[%swap3A_947, %swap3A_948] {strides = array<i32>} : memref<128x64xf32, #tpu.memory_space<vmem>>, vector<1x16xf32>,
        %swap3A_950 = vector.shape_cast %swap3A_949 : vector<1x16xf32> to vector<16xf32>
        %swap3A_951 = vector.shape_cast %mul3A_940 : vector<16xf32> to vector<1x16xf32>
        tpu.vector_store %swap3A_946[%swap3A_947, %swap3A_948], %swap3A_951 {strides = array<i32>} : memref<128x64xf32, #tpu.memory_space<vmem>>, vector<1x16xf32>,
        %add3A_952 = arith.constant 8 : i32
        %add3A_953 = arith.addi %add3A_151, %add3A_952 : i32
        %get3A_954 = arith.constant 0 : i32
        %get3A_955 = arith.constant 0 : i32
        %get3A_956 = tpu.memref_slice %arg10[%rem3A_115, %get3A_954, %get3A_955] : memref<3x128x64xf32, #tpu.memory_space<vmem>> -> memref<1x128x64xf32, #tpu.memory_space<vmem>>
        %get3A_957 = tpu.memref_squeeze %get3A_956 : memref<1x128x64xf32, #tpu.memory_space<vmem>> -> memref<128x64xf32, #tpu.memory_space<vmem>>
        %get3A_958 = arith.index_cast %add3A_953 : i32 to index
        %get3A_959 = arith.constant 32 : index
        %get3A_960 = tpu.vector_load %get3A_957[%get3A_958, %get3A_959] {strides = array<i32>} : memref<128x64xf32, #tpu.memory_space<vmem>>, vector<1x16xf32>,
        %get3A_961 = vector.shape_cast %get3A_960 : vector<1x16xf32> to vector<16xf32>
        %mul3A_962 = vector.broadcast %squeeze3A_905 : f32 to vector<16xf32>
        %mul3A_963 = arith.mulf %get3A_961, %mul3A_962 : vector<16xf32>
        %add3A_964 = arith.constant 8 : i32
        %add3A_965 = arith.addi %add3A_151, %add3A_964 : i32
        %swap3A_966 = arith.constant 0 : i32
        %swap3A_967 = arith.constant 0 : i32
        %swap3A_968 = tpu.memref_slice %arg10[%rem3A_115, %swap3A_966, %swap3A_967] : memref<3x128x64xf32, #tpu.memory_space<vmem>> -> memref<1x128x64xf32, #tpu.memory_space<vmem>>
        %swap3A_969 = tpu.memref_squeeze %swap3A_968 : memref<1x128x64xf32, #tpu.memory_space<vmem>> -> memref<128x64xf32, #tpu.memory_space<vmem>>
        %swap3A_970 = arith.index_cast %add3A_965 : i32 to index
        %swap3A_971 = arith.constant 32 : index
        %swap3A_972 = tpu.vector_load %swap3A_969[%swap3A_970, %swap3A_971] {strides = array<i32>} : memref<128x64xf32, #tpu.memory_space<vmem>>, vector<1x16xf32>,
        %swap3A_973 = vector.shape_cast %swap3A_972 : vector<1x16xf32> to vector<16xf32>
        %swap3A_974 = vector.shape_cast %mul3A_963 : vector<16xf32> to vector<1x16xf32>
        tpu.vector_store %swap3A_969[%swap3A_970, %swap3A_971], %swap3A_974 {strides = array<i32>} : memref<128x64xf32, #tpu.memory_space<vmem>>, vector<1x16xf32>,
        %add3A_975 = arith.constant 8 : i32
        %add3A_976 = arith.addi %add3A_151, %add3A_975 : i32
        %get3A_977 = arith.constant 0 : i32
        %get3A_978 = arith.constant 0 : i32
        %get3A_979 = tpu.memref_slice %arg10[%rem3A_115, %get3A_977, %get3A_978] : memref<3x128x64xf32, #tpu.memory_space<vmem>> -> memref<1x128x64xf32, #tpu.memory_space<vmem>>
        %get3A_980 = tpu.memref_squeeze %get3A_979 : memref<1x128x64xf32, #tpu.memory_space<vmem>> -> memref<128x64xf32, #tpu.memory_space<vmem>>
        %get3A_981 = arith.index_cast %add3A_976 : i32 to index
        %get3A_982 = arith.constant 48 : index
        %get3A_983 = tpu.vector_load %get3A_980[%get3A_981, %get3A_982] {strides = array<i32>} : memref<128x64xf32, #tpu.memory_space<vmem>>, vector<1x16xf32>,
        %get3A_984 = vector.shape_cast %get3A_983 : vector<1x16xf32> to vector<16xf32>
        %mul3A_985 = vector.broadcast %squeeze3A_905 : f32 to vector<16xf32>
        %mul3A_986 = arith.mulf %get3A_984, %mul3A_985 : vector<16xf32>
        %add3A_987 = arith.constant 8 : i32
        %add3A_988 = arith.addi %add3A_151, %add3A_987 : i32
        %swap3A_989 = arith.constant 0 : i32
        %swap3A_990 = arith.constant 0 : i32
        %swap3A_991 = tpu.memref_slice %arg10[%rem3A_115, %swap3A_989, %swap3A_990] : memref<3x128x64xf32, #tpu.memory_space<vmem>> -> memref<1x128x64xf32, #tpu.memory_space<vmem>>
        %swap3A_992 = tpu.memref_squeeze %swap3A_991 : memref<1x128x64xf32, #tpu.memory_space<vmem>> -> memref<128x64xf32, #tpu.memory_space<vmem>>
        %swap3A_993 = arith.index_cast %add3A_988 : i32 to index
        %swap3A_994 = arith.constant 48 : index
        %swap3A_995 = tpu.vector_load %swap3A_992[%swap3A_993, %swap3A_994] {strides = array<i32>} : memref<128x64xf32, #tpu.memory_space<vmem>>, vector<1x16xf32>,
        %swap3A_996 = vector.shape_cast %swap3A_995 : vector<1x16xf32> to vector<16xf32>
        %swap3A_997 = vector.shape_cast %mul3A_986 : vector<16xf32> to vector<1x16xf32>
        tpu.vector_store %swap3A_992[%swap3A_993, %swap3A_994], %swap3A_997 {strides = array<i32>} : memref<128x64xf32, #tpu.memory_space<vmem>>, vector<1x16xf32>,
        %slice3A_998 = vector.extract_strided_slice %get3A_154 {offsets = [9], sizes = [1], strides = [1]} : vector<16xf32> to vector<1xf32>
        %squeeze3A_999 = vector.extract %slice3A_998[0] : f32 from vector<1xf32>
        %add3A_1000 = arith.constant 9 : i32
        %add3A_1001 = arith.addi %add3A_151, %add3A_1000 : i32
        %get3A_1002 = arith.constant 0 : i32
        %get3A_1003 = arith.constant 0 : i32
        %get3A_1004 = tpu.memref_slice %arg10[%rem3A_115, %get3A_1002, %get3A_1003] : memref<3x128x64xf32, #tpu.memory_space<vmem>> -> memref<1x128x64xf32, #tpu.memory_space<vmem>>
        %get3A_1005 = tpu.memref_squeeze %get3A_1004 : memref<1x128x64xf32, #tpu.memory_space<vmem>> -> memref<128x64xf32, #tpu.memory_space<vmem>>
        %get3A_1006 = arith.index_cast %add3A_1001 : i32 to index
        %get3A_1007 = arith.constant 0 : index
        %get3A_1008 = tpu.vector_load %get3A_1005[%get3A_1006, %get3A_1007] {strides = array<i32>} : memref<128x64xf32, #tpu.memory_space<vmem>>, vector<1x16xf32>,
        %get3A_1009 = vector.shape_cast %get3A_1008 : vector<1x16xf32> to vector<16xf32>
        %mul3A_1010 = vector.broadcast %squeeze3A_999 : f32 to vector<16xf32>
        %mul3A_1011 = arith.mulf %get3A_1009, %mul3A_1010 : vector<16xf32>
        %add3A_1012 = arith.constant 9 : i32
        %add3A_1013 = arith.addi %add3A_151, %add3A_1012 : i32
        %swap3A_1014 = arith.constant 0 : i32
        %swap3A_1015 = arith.constant 0 : i32
        %swap3A_1016 = tpu.memref_slice %arg10[%rem3A_115, %swap3A_1014, %swap3A_1015] : memref<3x128x64xf32, #tpu.memory_space<vmem>> -> memref<1x128x64xf32, #tpu.memory_space<vmem>>
        %swap3A_1017 = tpu.memref_squeeze %swap3A_1016 : memref<1x128x64xf32, #tpu.memory_space<vmem>> -> memref<128x64xf32, #tpu.memory_space<vmem>>
        %swap3A_1018 = arith.index_cast %add3A_1013 : i32 to index
        %swap3A_1019 = arith.constant 0 : index
        %swap3A_1020 = tpu.vector_load %swap3A_1017[%swap3A_1018, %swap3A_1019] {strides = array<i32>} : memref<128x64xf32, #tpu.memory_space<vmem>>, vector<1x16xf32>,
        %swap3A_1021 = vector.shape_cast %swap3A_1020 : vector<1x16xf32> to vector<16xf32>
        %swap3A_1022 = vector.shape_cast %mul3A_1011 : vector<16xf32> to vector<1x16xf32>
        tpu.vector_store %swap3A_1017[%swap3A_1018, %swap3A_1019], %swap3A_1022 {strides = array<i32>} : memref<128x64xf32, #tpu.memory_space<vmem>>, vector<1x16xf32>,
        %add3A_1023 = arith.constant 9 : i32
        %add3A_1024 = arith.addi %add3A_151, %add3A_1023 : i32
        %get3A_1025 = arith.constant 0 : i32
        %get3A_1026 = arith.constant 0 : i32
        %get3A_1027 = tpu.memref_slice %arg10[%rem3A_115, %get3A_1025, %get3A_1026] : memref<3x128x64xf32, #tpu.memory_space<vmem>> -> memref<1x128x64xf32, #tpu.memory_space<vmem>>
        %get3A_1028 = tpu.memref_squeeze %get3A_1027 : memref<1x128x64xf32, #tpu.memory_space<vmem>> -> memref<128x64xf32, #tpu.memory_space<vmem>>
        %get3A_1029 = arith.index_cast %add3A_1024 : i32 to index
        %get3A_1030 = arith.constant 16 : index
        %get3A_1031 = tpu.vector_load %get3A_1028[%get3A_1029, %get3A_1030] {strides = array<i32>} : memref<128x64xf32, #tpu.memory_space<vmem>>, vector<1x16xf32>,
        %get3A_1032 = vector.shape_cast %get3A_1031 : vector<1x16xf32> to vector<16xf32>
        %mul3A_1033 = vector.broadcast %squeeze3A_999 : f32 to vector<16xf32>
        %mul3A_1034 = arith.mulf %get3A_1032, %mul3A_1033 : vector<16xf32>
        %add3A_1035 = arith.constant 9 : i32
        %add3A_1036 = arith.addi %add3A_151, %add3A_1035 : i32
        %swap3A_1037 = arith.constant 0 : i32
        %swap3A_1038 = arith.constant 0 : i32
        %swap3A_1039 = tpu.memref_slice %arg10[%rem3A_115, %swap3A_1037, %swap3A_1038] : memref<3x128x64xf32, #tpu.memory_space<vmem>> -> memref<1x128x64xf32, #tpu.memory_space<vmem>>
        %swap3A_1040 = tpu.memref_squeeze %swap3A_1039 : memref<1x128x64xf32, #tpu.memory_space<vmem>> -> memref<128x64xf32, #tpu.memory_space<vmem>>
        %swap3A_1041 = arith.index_cast %add3A_1036 : i32 to index
        %swap3A_1042 = arith.constant 16 : index
        %swap3A_1043 = tpu.vector_load %swap3A_1040[%swap3A_1041, %swap3A_1042] {strides = array<i32>} : memref<128x64xf32, #tpu.memory_space<vmem>>, vector<1x16xf32>,
        %swap3A_1044 = vector.shape_cast %swap3A_1043 : vector<1x16xf32> to vector<16xf32>
        %swap3A_1045 = vector.shape_cast %mul3A_1034 : vector<16xf32> to vector<1x16xf32>
        tpu.vector_store %swap3A_1040[%swap3A_1041, %swap3A_1042], %swap3A_1045 {strides = array<i32>} : memref<128x64xf32, #tpu.memory_space<vmem>>, vector<1x16xf32>,
        %add3A_1046 = arith.constant 9 : i32
        %add3A_1047 = arith.addi %add3A_151, %add3A_1046 : i32
        %get3A_1048 = arith.constant 0 : i32
        %get3A_1049 = arith.constant 0 : i32
        %get3A_1050 = tpu.memref_slice %arg10[%rem3A_115, %get3A_1048, %get3A_1049] : memref<3x128x64xf32, #tpu.memory_space<vmem>> -> memref<1x128x64xf32, #tpu.memory_space<vmem>>
        %get3A_1051 = tpu.memref_squeeze %get3A_1050 : memref<1x128x64xf32, #tpu.memory_space<vmem>> -> memref<128x64xf32, #tpu.memory_space<vmem>>
        %get3A_1052 = arith.index_cast %add3A_1047 : i32 to index
        %get3A_1053 = arith.constant 32 : index
        %get3A_1054 = tpu.vector_load %get3A_1051[%get3A_1052, %get3A_1053] {strides = array<i32>} : memref<128x64xf32, #tpu.memory_space<vmem>>, vector<1x16xf32>,
        %get3A_1055 = vector.shape_cast %get3A_1054 : vector<1x16xf32> to vector<16xf32>
        %mul3A_1056 = vector.broadcast %squeeze3A_999 : f32 to vector<16xf32>
        %mul3A_1057 = arith.mulf %get3A_1055, %mul3A_1056 : vector<16xf32>
        %add3A_1058 = arith.constant 9 : i32
        %add3A_1059 = arith.addi %add3A_151, %add3A_1058 : i32
        %swap3A_1060 = arith.constant 0 : i32
        %swap3A_1061 = arith.constant 0 : i32
        %swap3A_1062 = tpu.memref_slice %arg10[%rem3A_115, %swap3A_1060, %swap3A_1061] : memref<3x128x64xf32, #tpu.memory_space<vmem>> -> memref<1x128x64xf32, #tpu.memory_space<vmem>>
        %swap3A_1063 = tpu.memref_squeeze %swap3A_1062 : memref<1x128x64xf32, #tpu.memory_space<vmem>> -> memref<128x64xf32, #tpu.memory_space<vmem>>
        %swap3A_1064 = arith.index_cast %add3A_1059 : i32 to index
        %swap3A_1065 = arith.constant 32 : index
        %swap3A_1066 = tpu.vector_load %swap3A_1063[%swap3A_1064, %swap3A_1065] {strides = array<i32>} : memref<128x64xf32, #tpu.memory_space<vmem>>, vector<1x16xf32>,
        %swap3A_1067 = vector.shape_cast %swap3A_1066 : vector<1x16xf32> to vector<16xf32>
        %swap3A_1068 = vector.shape_cast %mul3A_1057 : vector<16xf32> to vector<1x16xf32>
        tpu.vector_store %swap3A_1063[%swap3A_1064, %swap3A_1065], %swap3A_1068 {strides = array<i32>} : memref<128x64xf32, #tpu.memory_space<vmem>>, vector<1x16xf32>,
        %add3A_1069 = arith.constant 9 : i32
        %add3A_1070 = arith.addi %add3A_151, %add3A_1069 : i32
        %get3A_1071 = arith.constant 0 : i32
        %get3A_1072 = arith.constant 0 : i32
        %get3A_1073 = tpu.memref_slice %arg10[%rem3A_115, %get3A_1071, %get3A_1072] : memref<3x128x64xf32, #tpu.memory_space<vmem>> -> memref<1x128x64xf32, #tpu.memory_space<vmem>>
        %get3A_1074 = tpu.memref_squeeze %get3A_1073 : memref<1x128x64xf32, #tpu.memory_space<vmem>> -> memref<128x64xf32, #tpu.memory_space<vmem>>
        %get3A_1075 = arith.index_cast %add3A_1070 : i32 to index
        %get3A_1076 = arith.constant 48 : index
        %get3A_1077 = tpu.vector_load %get3A_1074[%get3A_1075, %get3A_1076] {strides = array<i32>} : memref<128x64xf32, #tpu.memory_space<vmem>>, vector<1x16xf32>,
        %get3A_1078 = vector.shape_cast %get3A_1077 : vector<1x16xf32> to vector<16xf32>
        %mul3A_1079 = vector.broadcast %squeeze3A_999 : f32 to vector<16xf32>
        %mul3A_1080 = arith.mulf %get3A_1078, %mul3A_1079 : vector<16xf32>
        %add3A_1081 = arith.constant 9 : i32
        %add3A_1082 = arith.addi %add3A_151, %add3A_1081 : i32
        %swap3A_1083 = arith.constant 0 : i32
        %swap3A_1084 = arith.constant 0 : i32
        %swap3A_1085 = tpu.memref_slice %arg10[%rem3A_115, %swap3A_1083, %swap3A_1084] : memref<3x128x64xf32, #tpu.memory_space<vmem>> -> memref<1x128x64xf32, #tpu.memory_space<vmem>>
        %swap3A_1086 = tpu.memref_squeeze %swap3A_1085 : memref<1x128x64xf32, #tpu.memory_space<vmem>> -> memref<128x64xf32, #tpu.memory_space<vmem>>
        %swap3A_1087 = arith.index_cast %add3A_1082 : i32 to index
        %swap3A_1088 = arith.constant 48 : index
        %swap3A_1089 = tpu.vector_load %swap3A_1086[%swap3A_1087, %swap3A_1088] {strides = array<i32>} : memref<128x64xf32, #tpu.memory_space<vmem>>, vector<1x16xf32>,
        %swap3A_1090 = vector.shape_cast %swap3A_1089 : vector<1x16xf32> to vector<16xf32>
        %swap3A_1091 = vector.shape_cast %mul3A_1080 : vector<16xf32> to vector<1x16xf32>
        tpu.vector_store %swap3A_1086[%swap3A_1087, %swap3A_1088], %swap3A_1091 {strides = array<i32>} : memref<128x64xf32, #tpu.memory_space<vmem>>, vector<1x16xf32>,
        %slice3A_1092 = vector.extract_strided_slice %get3A_154 {offsets = [10], sizes = [1], strides = [1]} : vector<16xf32> to vector<1xf32>
        %squeeze3A_1093 = vector.extract %slice3A_1092[0] : f32 from vector<1xf32>
        %add3A_1094 = arith.constant 10 : i32
        %add3A_1095 = arith.addi %add3A_151, %add3A_1094 : i32
        %get3A_1096 = arith.constant 0 : i32
        %get3A_1097 = arith.constant 0 : i32
        %get3A_1098 = tpu.memref_slice %arg10[%rem3A_115, %get3A_1096, %get3A_1097] : memref<3x128x64xf32, #tpu.memory_space<vmem>> -> memref<1x128x64xf32, #tpu.memory_space<vmem>>
        %get3A_1099 = tpu.memref_squeeze %get3A_1098 : memref<1x128x64xf32, #tpu.memory_space<vmem>> -> memref<128x64xf32, #tpu.memory_space<vmem>>
        %get3A_1100 = arith.index_cast %add3A_1095 : i32 to index
        %get3A_1101 = arith.constant 0 : index
        %get3A_1102 = tpu.vector_load %get3A_1099[%get3A_1100, %get3A_1101] {strides = array<i32>} : memref<128x64xf32, #tpu.memory_space<vmem>>, vector<1x16xf32>,
        %get3A_1103 = vector.shape_cast %get3A_1102 : vector<1x16xf32> to vector<16xf32>
        %mul3A_1104 = vector.broadcast %squeeze3A_1093 : f32 to vector<16xf32>
        %mul3A_1105 = arith.mulf %get3A_1103, %mul3A_1104 : vector<16xf32>
        %add3A_1106 = arith.constant 10 : i32
        %add3A_1107 = arith.addi %add3A_151, %add3A_1106 : i32
        %swap3A_1108 = arith.constant 0 : i32
        %swap3A_1109 = arith.constant 0 : i32
        %swap3A_1110 = tpu.memref_slice %arg10[%rem3A_115, %swap3A_1108, %swap3A_1109] : memref<3x128x64xf32, #tpu.memory_space<vmem>> -> memref<1x128x64xf32, #tpu.memory_space<vmem>>
        %swap3A_1111 = tpu.memref_squeeze %swap3A_1110 : memref<1x128x64xf32, #tpu.memory_space<vmem>> -> memref<128x64xf32, #tpu.memory_space<vmem>>
        %swap3A_1112 = arith.index_cast %add3A_1107 : i32 to index
        %swap3A_1113 = arith.constant 0 : index
        %swap3A_1114 = tpu.vector_load %swap3A_1111[%swap3A_1112, %swap3A_1113] {strides = array<i32>} : memref<128x64xf32, #tpu.memory_space<vmem>>, vector<1x16xf32>,
        %swap3A_1115 = vector.shape_cast %swap3A_1114 : vector<1x16xf32> to vector<16xf32>
        %swap3A_1116 = vector.shape_cast %mul3A_1105 : vector<16xf32> to vector<1x16xf32>
        tpu.vector_store %swap3A_1111[%swap3A_1112, %swap3A_1113], %swap3A_1116 {strides = array<i32>} : memref<128x64xf32, #tpu.memory_space<vmem>>, vector<1x16xf32>,
        %add3A_1117 = arith.constant 10 : i32
        %add3A_1118 = arith.addi %add3A_151, %add3A_1117 : i32
        %get3A_1119 = arith.constant 0 : i32
        %get3A_1120 = arith.constant 0 : i32
        %get3A_1121 = tpu.memref_slice %arg10[%rem3A_115, %get3A_1119, %get3A_1120] : memref<3x128x64xf32, #tpu.memory_space<vmem>> -> memref<1x128x64xf32, #tpu.memory_space<vmem>>
        %get3A_1122 = tpu.memref_squeeze %get3A_1121 : memref<1x128x64xf32, #tpu.memory_space<vmem>> -> memref<128x64xf32, #tpu.memory_space<vmem>>
        %get3A_1123 = arith.index_cast %add3A_1118 : i32 to index
        %get3A_1124 = arith.constant 16 : index
        %get3A_1125 = tpu.vector_load %get3A_1122[%get3A_1123, %get3A_1124] {strides = array<i32>} : memref<128x64xf32, #tpu.memory_space<vmem>>, vector<1x16xf32>,
        %get3A_1126 = vector.shape_cast %get3A_1125 : vector<1x16xf32> to vector<16xf32>
        %mul3A_1127 = vector.broadcast %squeeze3A_1093 : f32 to vector<16xf32>
        %mul3A_1128 = arith.mulf %get3A_1126, %mul3A_1127 : vector<16xf32>
        %add3A_1129 = arith.constant 10 : i32
        %add3A_1130 = arith.addi %add3A_151, %add3A_1129 : i32
        %swap3A_1131 = arith.constant 0 : i32
        %swap3A_1132 = arith.constant 0 : i32
        %swap3A_1133 = tpu.memref_slice %arg10[%rem3A_115, %swap3A_1131, %swap3A_1132] : memref<3x128x64xf32, #tpu.memory_space<vmem>> -> memref<1x128x64xf32, #tpu.memory_space<vmem>>
        %swap3A_1134 = tpu.memref_squeeze %swap3A_1133 : memref<1x128x64xf32, #tpu.memory_space<vmem>> -> memref<128x64xf32, #tpu.memory_space<vmem>>
        %swap3A_1135 = arith.index_cast %add3A_1130 : i32 to index
        %swap3A_1136 = arith.constant 16 : index
        %swap3A_1137 = tpu.vector_load %swap3A_1134[%swap3A_1135, %swap3A_1136] {strides = array<i32>} : memref<128x64xf32, #tpu.memory_space<vmem>>, vector<1x16xf32>,
        %swap3A_1138 = vector.shape_cast %swap3A_1137 : vector<1x16xf32> to vector<16xf32>
        %swap3A_1139 = vector.shape_cast %mul3A_1128 : vector<16xf32> to vector<1x16xf32>
        tpu.vector_store %swap3A_1134[%swap3A_1135, %swap3A_1136], %swap3A_1139 {strides = array<i32>} : memref<128x64xf32, #tpu.memory_space<vmem>>, vector<1x16xf32>,
        %add3A_1140 = arith.constant 10 : i32
        %add3A_1141 = arith.addi %add3A_151, %add3A_1140 : i32
        %get3A_1142 = arith.constant 0 : i32
        %get3A_1143 = arith.constant 0 : i32
        %get3A_1144 = tpu.memref_slice %arg10[%rem3A_115, %get3A_1142, %get3A_1143] : memref<3x128x64xf32, #tpu.memory_space<vmem>> -> memref<1x128x64xf32, #tpu.memory_space<vmem>>
        %get3A_1145 = tpu.memref_squeeze %get3A_1144 : memref<1x128x64xf32, #tpu.memory_space<vmem>> -> memref<128x64xf32, #tpu.memory_space<vmem>>
        %get3A_1146 = arith.index_cast %add3A_1141 : i32 to index
        %get3A_1147 = arith.constant 32 : index
        %get3A_1148 = tpu.vector_load %get3A_1145[%get3A_1146, %get3A_1147] {strides = array<i32>} : memref<128x64xf32, #tpu.memory_space<vmem>>, vector<1x16xf32>,
        %get3A_1149 = vector.shape_cast %get3A_1148 : vector<1x16xf32> to vector<16xf32>
        %mul3A_1150 = vector.broadcast %squeeze3A_1093 : f32 to vector<16xf32>
        %mul3A_1151 = arith.mulf %get3A_1149, %mul3A_1150 : vector<16xf32>
        %add3A_1152 = arith.constant 10 : i32
        %add3A_1153 = arith.addi %add3A_151, %add3A_1152 : i32
        %swap3A_1154 = arith.constant 0 : i32
        %swap3A_1155 = arith.constant 0 : i32
        %swap3A_1156 = tpu.memref_slice %arg10[%rem3A_115, %swap3A_1154, %swap3A_1155] : memref<3x128x64xf32, #tpu.memory_space<vmem>> -> memref<1x128x64xf32, #tpu.memory_space<vmem>>
        %swap3A_1157 = tpu.memref_squeeze %swap3A_1156 : memref<1x128x64xf32, #tpu.memory_space<vmem>> -> memref<128x64xf32, #tpu.memory_space<vmem>>
        %swap3A_1158 = arith.index_cast %add3A_1153 : i32 to index
        %swap3A_1159 = arith.constant 32 : index
        %swap3A_1160 = tpu.vector_load %swap3A_1157[%swap3A_1158, %swap3A_1159] {strides = array<i32>} : memref<128x64xf32, #tpu.memory_space<vmem>>, vector<1x16xf32>,
        %swap3A_1161 = vector.shape_cast %swap3A_1160 : vector<1x16xf32> to vector<16xf32>
        %swap3A_1162 = vector.shape_cast %mul3A_1151 : vector<16xf32> to vector<1x16xf32>
        tpu.vector_store %swap3A_1157[%swap3A_1158, %swap3A_1159], %swap3A_1162 {strides = array<i32>} : memref<128x64xf32, #tpu.memory_space<vmem>>, vector<1x16xf32>,
        %add3A_1163 = arith.constant 10 : i32
        %add3A_1164 = arith.addi %add3A_151, %add3A_1163 : i32
        %get3A_1165 = arith.constant 0 : i32
        %get3A_1166 = arith.constant 0 : i32
        %get3A_1167 = tpu.memref_slice %arg10[%rem3A_115, %get3A_1165, %get3A_1166] : memref<3x128x64xf32, #tpu.memory_space<vmem>> -> memref<1x128x64xf32, #tpu.memory_space<vmem>>
        %get3A_1168 = tpu.memref_squeeze %get3A_1167 : memref<1x128x64xf32, #tpu.memory_space<vmem>> -> memref<128x64xf32, #tpu.memory_space<vmem>>
        %get3A_1169 = arith.index_cast %add3A_1164 : i32 to index
        %get3A_1170 = arith.constant 48 : index
        %get3A_1171 = tpu.vector_load %get3A_1168[%get3A_1169, %get3A_1170] {strides = array<i32>} : memref<128x64xf32, #tpu.memory_space<vmem>>, vector<1x16xf32>,
        %get3A_1172 = vector.shape_cast %get3A_1171 : vector<1x16xf32> to vector<16xf32>
        %mul3A_1173 = vector.broadcast %squeeze3A_1093 : f32 to vector<16xf32>
        %mul3A_1174 = arith.mulf %get3A_1172, %mul3A_1173 : vector<16xf32>
        %add3A_1175 = arith.constant 10 : i32
        %add3A_1176 = arith.addi %add3A_151, %add3A_1175 : i32
        %swap3A_1177 = arith.constant 0 : i32
        %swap3A_1178 = arith.constant 0 : i32
        %swap3A_1179 = tpu.memref_slice %arg10[%rem3A_115, %swap3A_1177, %swap3A_1178] : memref<3x128x64xf32, #tpu.memory_space<vmem>> -> memref<1x128x64xf32, #tpu.memory_space<vmem>>
        %swap3A_1180 = tpu.memref_squeeze %swap3A_1179 : memref<1x128x64xf32, #tpu.memory_space<vmem>> -> memref<128x64xf32, #tpu.memory_space<vmem>>
        %swap3A_1181 = arith.index_cast %add3A_1176 : i32 to index
        %swap3A_1182 = arith.constant 48 : index
        %swap3A_1183 = tpu.vector_load %swap3A_1180[%swap3A_1181, %swap3A_1182] {strides = array<i32>} : memref<128x64xf32, #tpu.memory_space<vmem>>, vector<1x16xf32>,
        %swap3A_1184 = vector.shape_cast %swap3A_1183 : vector<1x16xf32> to vector<16xf32>
        %swap3A_1185 = vector.shape_cast %mul3A_1174 : vector<16xf32> to vector<1x16xf32>
        tpu.vector_store %swap3A_1180[%swap3A_1181, %swap3A_1182], %swap3A_1185 {strides = array<i32>} : memref<128x64xf32, #tpu.memory_space<vmem>>, vector<1x16xf32>,
        %slice3A_1186 = vector.extract_strided_slice %get3A_154 {offsets = [11], sizes = [1], strides = [1]} : vector<16xf32> to vector<1xf32>
        %squeeze3A_1187 = vector.extract %slice3A_1186[0] : f32 from vector<1xf32>
        %add3A_1188 = arith.constant 11 : i32
        %add3A_1189 = arith.addi %add3A_151, %add3A_1188 : i32
        %get3A_1190 = arith.constant 0 : i32
        %get3A_1191 = arith.constant 0 : i32
        %get3A_1192 = tpu.memref_slice %arg10[%rem3A_115, %get3A_1190, %get3A_1191] : memref<3x128x64xf32, #tpu.memory_space<vmem>> -> memref<1x128x64xf32, #tpu.memory_space<vmem>>
        %get3A_1193 = tpu.memref_squeeze %get3A_1192 : memref<1x128x64xf32, #tpu.memory_space<vmem>> -> memref<128x64xf32, #tpu.memory_space<vmem>>
        %get3A_1194 = arith.index_cast %add3A_1189 : i32 to index
        %get3A_1195 = arith.constant 0 : index
        %get3A_1196 = tpu.vector_load %get3A_1193[%get3A_1194, %get3A_1195] {strides = array<i32>} : memref<128x64xf32, #tpu.memory_space<vmem>>, vector<1x16xf32>,
        %get3A_1197 = vector.shape_cast %get3A_1196 : vector<1x16xf32> to vector<16xf32>
        %mul3A_1198 = vector.broadcast %squeeze3A_1187 : f32 to vector<16xf32>
        %mul3A_1199 = arith.mulf %get3A_1197, %mul3A_1198 : vector<16xf32>
        %add3A_1200 = arith.constant 11 : i32
        %add3A_1201 = arith.addi %add3A_151, %add3A_1200 : i32
        %swap3A_1202 = arith.constant 0 : i32
        %swap3A_1203 = arith.constant 0 : i32
        %swap3A_1204 = tpu.memref_slice %arg10[%rem3A_115, %swap3A_1202, %swap3A_1203] : memref<3x128x64xf32, #tpu.memory_space<vmem>> -> memref<1x128x64xf32, #tpu.memory_space<vmem>>
        %swap3A_1205 = tpu.memref_squeeze %swap3A_1204 : memref<1x128x64xf32, #tpu.memory_space<vmem>> -> memref<128x64xf32, #tpu.memory_space<vmem>>
        %swap3A_1206 = arith.index_cast %add3A_1201 : i32 to index
        %swap3A_1207 = arith.constant 0 : index
        %swap3A_1208 = tpu.vector_load %swap3A_1205[%swap3A_1206, %swap3A_1207] {strides = array<i32>} : memref<128x64xf32, #tpu.memory_space<vmem>>, vector<1x16xf32>,
        %swap3A_1209 = vector.shape_cast %swap3A_1208 : vector<1x16xf32> to vector<16xf32>
        %swap3A_1210 = vector.shape_cast %mul3A_1199 : vector<16xf32> to vector<1x16xf32>
        tpu.vector_store %swap3A_1205[%swap3A_1206, %swap3A_1207], %swap3A_1210 {strides = array<i32>} : memref<128x64xf32, #tpu.memory_space<vmem>>, vector<1x16xf32>,
        %add3A_1211 = arith.constant 11 : i32
        %add3A_1212 = arith.addi %add3A_151, %add3A_1211 : i32
        %get3A_1213 = arith.constant 0 : i32
        %get3A_1214 = arith.constant 0 : i32
        %get3A_1215 = tpu.memref_slice %arg10[%rem3A_115, %get3A_1213, %get3A_1214] : memref<3x128x64xf32, #tpu.memory_space<vmem>> -> memref<1x128x64xf32, #tpu.memory_space<vmem>>
        %get3A_1216 = tpu.memref_squeeze %get3A_1215 : memref<1x128x64xf32, #tpu.memory_space<vmem>> -> memref<128x64xf32, #tpu.memory_space<vmem>>
        %get3A_1217 = arith.index_cast %add3A_1212 : i32 to index
        %get3A_1218 = arith.constant 16 : index
        %get3A_1219 = tpu.vector_load %get3A_1216[%get3A_1217, %get3A_1218] {strides = array<i32>} : memref<128x64xf32, #tpu.memory_space<vmem>>, vector<1x16xf32>,
        %get3A_1220 = vector.shape_cast %get3A_1219 : vector<1x16xf32> to vector<16xf32>
        %mul3A_1221 = vector.broadcast %squeeze3A_1187 : f32 to vector<16xf32>
        %mul3A_1222 = arith.mulf %get3A_1220, %mul3A_1221 : vector<16xf32>
        %add3A_1223 = arith.constant 11 : i32
        %add3A_1224 = arith.addi %add3A_151, %add3A_1223 : i32
        %swap3A_1225 = arith.constant 0 : i32
        %swap3A_1226 = arith.constant 0 : i32
        %swap3A_1227 = tpu.memref_slice %arg10[%rem3A_115, %swap3A_1225, %swap3A_1226] : memref<3x128x64xf32, #tpu.memory_space<vmem>> -> memref<1x128x64xf32, #tpu.memory_space<vmem>>
        %swap3A_1228 = tpu.memref_squeeze %swap3A_1227 : memref<1x128x64xf32, #tpu.memory_space<vmem>> -> memref<128x64xf32, #tpu.memory_space<vmem>>
        %swap3A_1229 = arith.index_cast %add3A_1224 : i32 to index
        %swap3A_1230 = arith.constant 16 : index
        %swap3A_1231 = tpu.vector_load %swap3A_1228[%swap3A_1229, %swap3A_1230] {strides = array<i32>} : memref<128x64xf32, #tpu.memory_space<vmem>>, vector<1x16xf32>,
        %swap3A_1232 = vector.shape_cast %swap3A_1231 : vector<1x16xf32> to vector<16xf32>
        %swap3A_1233 = vector.shape_cast %mul3A_1222 : vector<16xf32> to vector<1x16xf32>
        tpu.vector_store %swap3A_1228[%swap3A_1229, %swap3A_1230], %swap3A_1233 {strides = array<i32>} : memref<128x64xf32, #tpu.memory_space<vmem>>, vector<1x16xf32>,
        %add3A_1234 = arith.constant 11 : i32
        %add3A_1235 = arith.addi %add3A_151, %add3A_1234 : i32
        %get3A_1236 = arith.constant 0 : i32
        %get3A_1237 = arith.constant 0 : i32
        %get3A_1238 = tpu.memref_slice %arg10[%rem3A_115, %get3A_1236, %get3A_1237] : memref<3x128x64xf32, #tpu.memory_space<vmem>> -> memref<1x128x64xf32, #tpu.memory_space<vmem>>
        %get3A_1239 = tpu.memref_squeeze %get3A_1238 : memref<1x128x64xf32, #tpu.memory_space<vmem>> -> memref<128x64xf32, #tpu.memory_space<vmem>>
        %get3A_1240 = arith.index_cast %add3A_1235 : i32 to index
        %get3A_1241 = arith.constant 32 : index
        %get3A_1242 = tpu.vector_load %get3A_1239[%get3A_1240, %get3A_1241] {strides = array<i32>} : memref<128x64xf32, #tpu.memory_space<vmem>>, vector<1x16xf32>,
        %get3A_1243 = vector.shape_cast %get3A_1242 : vector<1x16xf32> to vector<16xf32>
        %mul3A_1244 = vector.broadcast %squeeze3A_1187 : f32 to vector<16xf32>
        %mul3A_1245 = arith.mulf %get3A_1243, %mul3A_1244 : vector<16xf32>
        %add3A_1246 = arith.constant 11 : i32
        %add3A_1247 = arith.addi %add3A_151, %add3A_1246 : i32
        %swap3A_1248 = arith.constant 0 : i32
        %swap3A_1249 = arith.constant 0 : i32
        %swap3A_1250 = tpu.memref_slice %arg10[%rem3A_115, %swap3A_1248, %swap3A_1249] : memref<3x128x64xf32, #tpu.memory_space<vmem>> -> memref<1x128x64xf32, #tpu.memory_space<vmem>>
        %swap3A_1251 = tpu.memref_squeeze %swap3A_1250 : memref<1x128x64xf32, #tpu.memory_space<vmem>> -> memref<128x64xf32, #tpu.memory_space<vmem>>
        %swap3A_1252 = arith.index_cast %add3A_1247 : i32 to index
        %swap3A_1253 = arith.constant 32 : index
        %swap3A_1254 = tpu.vector_load %swap3A_1251[%swap3A_1252, %swap3A_1253] {strides = array<i32>} : memref<128x64xf32, #tpu.memory_space<vmem>>, vector<1x16xf32>,
        %swap3A_1255 = vector.shape_cast %swap3A_1254 : vector<1x16xf32> to vector<16xf32>
        %swap3A_1256 = vector.shape_cast %mul3A_1245 : vector<16xf32> to vector<1x16xf32>
        tpu.vector_store %swap3A_1251[%swap3A_1252, %swap3A_1253], %swap3A_1256 {strides = array<i32>} : memref<128x64xf32, #tpu.memory_space<vmem>>, vector<1x16xf32>,
        %add3A_1257 = arith.constant 11 : i32
        %add3A_1258 = arith.addi %add3A_151, %add3A_1257 : i32
        %get3A_1259 = arith.constant 0 : i32
        %get3A_1260 = arith.constant 0 : i32
        %get3A_1261 = tpu.memref_slice %arg10[%rem3A_115, %get3A_1259, %get3A_1260] : memref<3x128x64xf32, #tpu.memory_space<vmem>> -> memref<1x128x64xf32, #tpu.memory_space<vmem>>
        %get3A_1262 = tpu.memref_squeeze %get3A_1261 : memref<1x128x64xf32, #tpu.memory_space<vmem>> -> memref<128x64xf32, #tpu.memory_space<vmem>>
        %get3A_1263 = arith.index_cast %add3A_1258 : i32 to index
        %get3A_1264 = arith.constant 48 : index
        %get3A_1265 = tpu.vector_load %get3A_1262[%get3A_1263, %get3A_1264] {strides = array<i32>} : memref<128x64xf32, #tpu.memory_space<vmem>>, vector<1x16xf32>,
        %get3A_1266 = vector.shape_cast %get3A_1265 : vector<1x16xf32> to vector<16xf32>
        %mul3A_1267 = vector.broadcast %squeeze3A_1187 : f32 to vector<16xf32>
        %mul3A_1268 = arith.mulf %get3A_1266, %mul3A_1267 : vector<16xf32>
        %add3A_1269 = arith.constant 11 : i32
        %add3A_1270 = arith.addi %add3A_151, %add3A_1269 : i32
        %swap3A_1271 = arith.constant 0 : i32
        %swap3A_1272 = arith.constant 0 : i32
        %swap3A_1273 = tpu.memref_slice %arg10[%rem3A_115, %swap3A_1271, %swap3A_1272] : memref<3x128x64xf32, #tpu.memory_space<vmem>> -> memref<1x128x64xf32, #tpu.memory_space<vmem>>
        %swap3A_1274 = tpu.memref_squeeze %swap3A_1273 : memref<1x128x64xf32, #tpu.memory_space<vmem>> -> memref<128x64xf32, #tpu.memory_space<vmem>>
        %swap3A_1275 = arith.index_cast %add3A_1270 : i32 to index
        %swap3A_1276 = arith.constant 48 : index
        %swap3A_1277 = tpu.vector_load %swap3A_1274[%swap3A_1275, %swap3A_1276] {strides = array<i32>} : memref<128x64xf32, #tpu.memory_space<vmem>>, vector<1x16xf32>,
        %swap3A_1278 = vector.shape_cast %swap3A_1277 : vector<1x16xf32> to vector<16xf32>
        %swap3A_1279 = vector.shape_cast %mul3A_1268 : vector<16xf32> to vector<1x16xf32>
        tpu.vector_store %swap3A_1274[%swap3A_1275, %swap3A_1276], %swap3A_1279 {strides = array<i32>} : memref<128x64xf32, #tpu.memory_space<vmem>>, vector<1x16xf32>,
        %slice3A_1280 = vector.extract_strided_slice %get3A_154 {offsets = [12], sizes = [1], strides = [1]} : vector<16xf32> to vector<1xf32>
        %squeeze3A_1281 = vector.extract %slice3A_1280[0] : f32 from vector<1xf32>
        %add3A_1282 = arith.constant 12 : i32
        %add3A_1283 = arith.addi %add3A_151, %add3A_1282 : i32
        %get3A_1284 = arith.constant 0 : i32
        %get3A_1285 = arith.constant 0 : i32
        %get3A_1286 = tpu.memref_slice %arg10[%rem3A_115, %get3A_1284, %get3A_1285] : memref<3x128x64xf32, #tpu.memory_space<vmem>> -> memref<1x128x64xf32, #tpu.memory_space<vmem>>
        %get3A_1287 = tpu.memref_squeeze %get3A_1286 : memref<1x128x64xf32, #tpu.memory_space<vmem>> -> memref<128x64xf32, #tpu.memory_space<vmem>>
        %get3A_1288 = arith.index_cast %add3A_1283 : i32 to index
        %get3A_1289 = arith.constant 0 : index
        %get3A_1290 = tpu.vector_load %get3A_1287[%get3A_1288, %get3A_1289] {strides = array<i32>} : memref<128x64xf32, #tpu.memory_space<vmem>>, vector<1x16xf32>,
        %get3A_1291 = vector.shape_cast %get3A_1290 : vector<1x16xf32> to vector<16xf32>
        %mul3A_1292 = vector.broadcast %squeeze3A_1281 : f32 to vector<16xf32>
        %mul3A_1293 = arith.mulf %get3A_1291, %mul3A_1292 : vector<16xf32>
        %add3A_1294 = arith.constant 12 : i32
        %add3A_1295 = arith.addi %add3A_151, %add3A_1294 : i32
        %swap3A_1296 = arith.constant 0 : i32
        %swap3A_1297 = arith.constant 0 : i32
        %swap3A_1298 = tpu.memref_slice %arg10[%rem3A_115, %swap3A_1296, %swap3A_1297] : memref<3x128x64xf32, #tpu.memory_space<vmem>> -> memref<1x128x64xf32, #tpu.memory_space<vmem>>
        %swap3A_1299 = tpu.memref_squeeze %swap3A_1298 : memref<1x128x64xf32, #tpu.memory_space<vmem>> -> memref<128x64xf32, #tpu.memory_space<vmem>>
        %swap3A_1300 = arith.index_cast %add3A_1295 : i32 to index
        %swap3A_1301 = arith.constant 0 : index
        %swap3A_1302 = tpu.vector_load %swap3A_1299[%swap3A_1300, %swap3A_1301] {strides = array<i32>} : memref<128x64xf32, #tpu.memory_space<vmem>>, vector<1x16xf32>,
        %swap3A_1303 = vector.shape_cast %swap3A_1302 : vector<1x16xf32> to vector<16xf32>
        %swap3A_1304 = vector.shape_cast %mul3A_1293 : vector<16xf32> to vector<1x16xf32>
        tpu.vector_store %swap3A_1299[%swap3A_1300, %swap3A_1301], %swap3A_1304 {strides = array<i32>} : memref<128x64xf32, #tpu.memory_space<vmem>>, vector<1x16xf32>,
        %add3A_1305 = arith.constant 12 : i32
        %add3A_1306 = arith.addi %add3A_151, %add3A_1305 : i32
        %get3A_1307 = arith.constant 0 : i32
        %get3A_1308 = arith.constant 0 : i32
        %get3A_1309 = tpu.memref_slice %arg10[%rem3A_115, %get3A_1307, %get3A_1308] : memref<3x128x64xf32, #tpu.memory_space<vmem>> -> memref<1x128x64xf32, #tpu.memory_space<vmem>>
        %get3A_1310 = tpu.memref_squeeze %get3A_1309 : memref<1x128x64xf32, #tpu.memory_space<vmem>> -> memref<128x64xf32, #tpu.memory_space<vmem>>
        %get3A_1311 = arith.index_cast %add3A_1306 : i32 to index
        %get3A_1312 = arith.constant 16 : index
        %get3A_1313 = tpu.vector_load %get3A_1310[%get3A_1311, %get3A_1312] {strides = array<i32>} : memref<128x64xf32, #tpu.memory_space<vmem>>, vector<1x16xf32>,
        %get3A_1314 = vector.shape_cast %get3A_1313 : vector<1x16xf32> to vector<16xf32>
        %mul3A_1315 = vector.broadcast %squeeze3A_1281 : f32 to vector<16xf32>
        %mul3A_1316 = arith.mulf %get3A_1314, %mul3A_1315 : vector<16xf32>
        %add3A_1317 = arith.constant 12 : i32
        %add3A_1318 = arith.addi %add3A_151, %add3A_1317 : i32
        %swap3A_1319 = arith.constant 0 : i32
        %swap3A_1320 = arith.constant 0 : i32
        %swap3A_1321 = tpu.memref_slice %arg10[%rem3A_115, %swap3A_1319, %swap3A_1320] : memref<3x128x64xf32, #tpu.memory_space<vmem>> -> memref<1x128x64xf32, #tpu.memory_space<vmem>>
        %swap3A_1322 = tpu.memref_squeeze %swap3A_1321 : memref<1x128x64xf32, #tpu.memory_space<vmem>> -> memref<128x64xf32, #tpu.memory_space<vmem>>
        %swap3A_1323 = arith.index_cast %add3A_1318 : i32 to index
        %swap3A_1324 = arith.constant 16 : index
        %swap3A_1325 = tpu.vector_load %swap3A_1322[%swap3A_1323, %swap3A_1324] {strides = array<i32>} : memref<128x64xf32, #tpu.memory_space<vmem>>, vector<1x16xf32>,
        %swap3A_1326 = vector.shape_cast %swap3A_1325 : vector<1x16xf32> to vector<16xf32>
        %swap3A_1327 = vector.shape_cast %mul3A_1316 : vector<16xf32> to vector<1x16xf32>
        tpu.vector_store %swap3A_1322[%swap3A_1323, %swap3A_1324], %swap3A_1327 {strides = array<i32>} : memref<128x64xf32, #tpu.memory_space<vmem>>, vector<1x16xf32>,
        %add3A_1328 = arith.constant 12 : i32
        %add3A_1329 = arith.addi %add3A_151, %add3A_1328 : i32
        %get3A_1330 = arith.constant 0 : i32
        %get3A_1331 = arith.constant 0 : i32
        %get3A_1332 = tpu.memref_slice %arg10[%rem3A_115, %get3A_1330, %get3A_1331] : memref<3x128x64xf32, #tpu.memory_space<vmem>> -> memref<1x128x64xf32, #tpu.memory_space<vmem>>
        %get3A_1333 = tpu.memref_squeeze %get3A_1332 : memref<1x128x64xf32, #tpu.memory_space<vmem>> -> memref<128x64xf32, #tpu.memory_space<vmem>>
        %get3A_1334 = arith.index_cast %add3A_1329 : i32 to index
        %get3A_1335 = arith.constant 32 : index
        %get3A_1336 = tpu.vector_load %get3A_1333[%get3A_1334, %get3A_1335] {strides = array<i32>} : memref<128x64xf32, #tpu.memory_space<vmem>>, vector<1x16xf32>,
        %get3A_1337 = vector.shape_cast %get3A_1336 : vector<1x16xf32> to vector<16xf32>
        %mul3A_1338 = vector.broadcast %squeeze3A_1281 : f32 to vector<16xf32>
        %mul3A_1339 = arith.mulf %get3A_1337, %mul3A_1338 : vector<16xf32>
        %add3A_1340 = arith.constant 12 : i32
        %add3A_1341 = arith.addi %add3A_151, %add3A_1340 : i32
        %swap3A_1342 = arith.constant 0 : i32
        %swap3A_1343 = arith.constant 0 : i32
        %swap3A_1344 = tpu.memref_slice %arg10[%rem3A_115, %swap3A_1342, %swap3A_1343] : memref<3x128x64xf32, #tpu.memory_space<vmem>> -> memref<1x128x64xf32, #tpu.memory_space<vmem>>
        %swap3A_1345 = tpu.memref_squeeze %swap3A_1344 : memref<1x128x64xf32, #tpu.memory_space<vmem>> -> memref<128x64xf32, #tpu.memory_space<vmem>>
        %swap3A_1346 = arith.index_cast %add3A_1341 : i32 to index
        %swap3A_1347 = arith.constant 32 : index
        %swap3A_1348 = tpu.vector_load %swap3A_1345[%swap3A_1346, %swap3A_1347] {strides = array<i32>} : memref<128x64xf32, #tpu.memory_space<vmem>>, vector<1x16xf32>,
        %swap3A_1349 = vector.shape_cast %swap3A_1348 : vector<1x16xf32> to vector<16xf32>
        %swap3A_1350 = vector.shape_cast %mul3A_1339 : vector<16xf32> to vector<1x16xf32>
        tpu.vector_store %swap3A_1345[%swap3A_1346, %swap3A_1347], %swap3A_1350 {strides = array<i32>} : memref<128x64xf32, #tpu.memory_space<vmem>>, vector<1x16xf32>,
        %add3A_1351 = arith.constant 12 : i32
        %add3A_1352 = arith.addi %add3A_151, %add3A_1351 : i32
        %get3A_1353 = arith.constant 0 : i32
        %get3A_1354 = arith.constant 0 : i32
        %get3A_1355 = tpu.memref_slice %arg10[%rem3A_115, %get3A_1353, %get3A_1354] : memref<3x128x64xf32, #tpu.memory_space<vmem>> -> memref<1x128x64xf32, #tpu.memory_space<vmem>>
        %get3A_1356 = tpu.memref_squeeze %get3A_1355 : memref<1x128x64xf32, #tpu.memory_space<vmem>> -> memref<128x64xf32, #tpu.memory_space<vmem>>
        %get3A_1357 = arith.index_cast %add3A_1352 : i32 to index
        %get3A_1358 = arith.constant 48 : index
        %get3A_1359 = tpu.vector_load %get3A_1356[%get3A_1357, %get3A_1358] {strides = array<i32>} : memref<128x64xf32, #tpu.memory_space<vmem>>, vector<1x16xf32>,
        %get3A_1360 = vector.shape_cast %get3A_1359 : vector<1x16xf32> to vector<16xf32>
        %mul3A_1361 = vector.broadcast %squeeze3A_1281 : f32 to vector<16xf32>
        %mul3A_1362 = arith.mulf %get3A_1360, %mul3A_1361 : vector<16xf32>
        %add3A_1363 = arith.constant 12 : i32
        %add3A_1364 = arith.addi %add3A_151, %add3A_1363 : i32
        %swap3A_1365 = arith.constant 0 : i32
        %swap3A_1366 = arith.constant 0 : i32
        %swap3A_1367 = tpu.memref_slice %arg10[%rem3A_115, %swap3A_1365, %swap3A_1366] : memref<3x128x64xf32, #tpu.memory_space<vmem>> -> memref<1x128x64xf32, #tpu.memory_space<vmem>>
        %swap3A_1368 = tpu.memref_squeeze %swap3A_1367 : memref<1x128x64xf32, #tpu.memory_space<vmem>> -> memref<128x64xf32, #tpu.memory_space<vmem>>
        %swap3A_1369 = arith.index_cast %add3A_1364 : i32 to index
        %swap3A_1370 = arith.constant 48 : index
        %swap3A_1371 = tpu.vector_load %swap3A_1368[%swap3A_1369, %swap3A_1370] {strides = array<i32>} : memref<128x64xf32, #tpu.memory_space<vmem>>, vector<1x16xf32>,
        %swap3A_1372 = vector.shape_cast %swap3A_1371 : vector<1x16xf32> to vector<16xf32>
        %swap3A_1373 = vector.shape_cast %mul3A_1362 : vector<16xf32> to vector<1x16xf32>
        tpu.vector_store %swap3A_1368[%swap3A_1369, %swap3A_1370], %swap3A_1373 {strides = array<i32>} : memref<128x64xf32, #tpu.memory_space<vmem>>, vector<1x16xf32>,
        %slice3A_1374 = vector.extract_strided_slice %get3A_154 {offsets = [13], sizes = [1], strides = [1]} : vector<16xf32> to vector<1xf32>
        %squeeze3A_1375 = vector.extract %slice3A_1374[0] : f32 from vector<1xf32>
        %add3A_1376 = arith.constant 13 : i32
        %add3A_1377 = arith.addi %add3A_151, %add3A_1376 : i32
        %get3A_1378 = arith.constant 0 : i32
        %get3A_1379 = arith.constant 0 : i32
        %get3A_1380 = tpu.memref_slice %arg10[%rem3A_115, %get3A_1378, %get3A_1379] : memref<3x128x64xf32, #tpu.memory_space<vmem>> -> memref<1x128x64xf32, #tpu.memory_space<vmem>>
        %get3A_1381 = tpu.memref_squeeze %get3A_1380 : memref<1x128x64xf32, #tpu.memory_space<vmem>> -> memref<128x64xf32, #tpu.memory_space<vmem>>
        %get3A_1382 = arith.index_cast %add3A_1377 : i32 to index
        %get3A_1383 = arith.constant 0 : index
        %get3A_1384 = tpu.vector_load %get3A_1381[%get3A_1382, %get3A_1383] {strides = array<i32>} : memref<128x64xf32, #tpu.memory_space<vmem>>, vector<1x16xf32>,
        %get3A_1385 = vector.shape_cast %get3A_1384 : vector<1x16xf32> to vector<16xf32>
        %mul3A_1386 = vector.broadcast %squeeze3A_1375 : f32 to vector<16xf32>
        %mul3A_1387 = arith.mulf %get3A_1385, %mul3A_1386 : vector<16xf32>
        %add3A_1388 = arith.constant 13 : i32
        %add3A_1389 = arith.addi %add3A_151, %add3A_1388 : i32
        %swap3A_1390 = arith.constant 0 : i32
        %swap3A_1391 = arith.constant 0 : i32
        %swap3A_1392 = tpu.memref_slice %arg10[%rem3A_115, %swap3A_1390, %swap3A_1391] : memref<3x128x64xf32, #tpu.memory_space<vmem>> -> memref<1x128x64xf32, #tpu.memory_space<vmem>>
        %swap3A_1393 = tpu.memref_squeeze %swap3A_1392 : memref<1x128x64xf32, #tpu.memory_space<vmem>> -> memref<128x64xf32, #tpu.memory_space<vmem>>
        %swap3A_1394 = arith.index_cast %add3A_1389 : i32 to index
        %swap3A_1395 = arith.constant 0 : index
        %swap3A_1396 = tpu.vector_load %swap3A_1393[%swap3A_1394, %swap3A_1395] {strides = array<i32>} : memref<128x64xf32, #tpu.memory_space<vmem>>, vector<1x16xf32>,
        %swap3A_1397 = vector.shape_cast %swap3A_1396 : vector<1x16xf32> to vector<16xf32>
        %swap3A_1398 = vector.shape_cast %mul3A_1387 : vector<16xf32> to vector<1x16xf32>
        tpu.vector_store %swap3A_1393[%swap3A_1394, %swap3A_1395], %swap3A_1398 {strides = array<i32>} : memref<128x64xf32, #tpu.memory_space<vmem>>, vector<1x16xf32>,
        %add3A_1399 = arith.constant 13 : i32
        %add3A_1400 = arith.addi %add3A_151, %add3A_1399 : i32
        %get3A_1401 = arith.constant 0 : i32
        %get3A_1402 = arith.constant 0 : i32
        %get3A_1403 = tpu.memref_slice %arg10[%rem3A_115, %get3A_1401, %get3A_1402] : memref<3x128x64xf32, #tpu.memory_space<vmem>> -> memref<1x128x64xf32, #tpu.memory_space<vmem>>
        %get3A_1404 = tpu.memref_squeeze %get3A_1403 : memref<1x128x64xf32, #tpu.memory_space<vmem>> -> memref<128x64xf32, #tpu.memory_space<vmem>>
        %get3A_1405 = arith.index_cast %add3A_1400 : i32 to index
        %get3A_1406 = arith.constant 16 : index
        %get3A_1407 = tpu.vector_load %get3A_1404[%get3A_1405, %get3A_1406] {strides = array<i32>} : memref<128x64xf32, #tpu.memory_space<vmem>>, vector<1x16xf32>,
        %get3A_1408 = vector.shape_cast %get3A_1407 : vector<1x16xf32> to vector<16xf32>
        %mul3A_1409 = vector.broadcast %squeeze3A_1375 : f32 to vector<16xf32>
        %mul3A_1410 = arith.mulf %get3A_1408, %mul3A_1409 : vector<16xf32>
        %add3A_1411 = arith.constant 13 : i32
        %add3A_1412 = arith.addi %add3A_151, %add3A_1411 : i32
        %swap3A_1413 = arith.constant 0 : i32
        %swap3A_1414 = arith.constant 0 : i32
        %swap3A_1415 = tpu.memref_slice %arg10[%rem3A_115, %swap3A_1413, %swap3A_1414] : memref<3x128x64xf32, #tpu.memory_space<vmem>> -> memref<1x128x64xf32, #tpu.memory_space<vmem>>
        %swap3A_1416 = tpu.memref_squeeze %swap3A_1415 : memref<1x128x64xf32, #tpu.memory_space<vmem>> -> memref<128x64xf32, #tpu.memory_space<vmem>>
        %swap3A_1417 = arith.index_cast %add3A_1412 : i32 to index
        %swap3A_1418 = arith.constant 16 : index
        %swap3A_1419 = tpu.vector_load %swap3A_1416[%swap3A_1417, %swap3A_1418] {strides = array<i32>} : memref<128x64xf32, #tpu.memory_space<vmem>>, vector<1x16xf32>,
        %swap3A_1420 = vector.shape_cast %swap3A_1419 : vector<1x16xf32> to vector<16xf32>
        %swap3A_1421 = vector.shape_cast %mul3A_1410 : vector<16xf32> to vector<1x16xf32>
        tpu.vector_store %swap3A_1416[%swap3A_1417, %swap3A_1418], %swap3A_1421 {strides = array<i32>} : memref<128x64xf32, #tpu.memory_space<vmem>>, vector<1x16xf32>,
        %add3A_1422 = arith.constant 13 : i32
        %add3A_1423 = arith.addi %add3A_151, %add3A_1422 : i32
        %get3A_1424 = arith.constant 0 : i32
        %get3A_1425 = arith.constant 0 : i32
        %get3A_1426 = tpu.memref_slice %arg10[%rem3A_115, %get3A_1424, %get3A_1425] : memref<3x128x64xf32, #tpu.memory_space<vmem>> -> memref<1x128x64xf32, #tpu.memory_space<vmem>>
        %get3A_1427 = tpu.memref_squeeze %get3A_1426 : memref<1x128x64xf32, #tpu.memory_space<vmem>> -> memref<128x64xf32, #tpu.memory_space<vmem>>
        %get3A_1428 = arith.index_cast %add3A_1423 : i32 to index
        %get3A_1429 = arith.constant 32 : index
        %get3A_1430 = tpu.vector_load %get3A_1427[%get3A_1428, %get3A_1429] {strides = array<i32>} : memref<128x64xf32, #tpu.memory_space<vmem>>, vector<1x16xf32>,
        %get3A_1431 = vector.shape_cast %get3A_1430 : vector<1x16xf32> to vector<16xf32>
        %mul3A_1432 = vector.broadcast %squeeze3A_1375 : f32 to vector<16xf32>
        %mul3A_1433 = arith.mulf %get3A_1431, %mul3A_1432 : vector<16xf32>
        %add3A_1434 = arith.constant 13 : i32
        %add3A_1435 = arith.addi %add3A_151, %add3A_1434 : i32
        %swap3A_1436 = arith.constant 0 : i32
        %swap3A_1437 = arith.constant 0 : i32
        %swap3A_1438 = tpu.memref_slice %arg10[%rem3A_115, %swap3A_1436, %swap3A_1437] : memref<3x128x64xf32, #tpu.memory_space<vmem>> -> memref<1x128x64xf32, #tpu.memory_space<vmem>>
        %swap3A_1439 = tpu.memref_squeeze %swap3A_1438 : memref<1x128x64xf32, #tpu.memory_space<vmem>> -> memref<128x64xf32, #tpu.memory_space<vmem>>
        %swap3A_1440 = arith.index_cast %add3A_1435 : i32 to index
        %swap3A_1441 = arith.constant 32 : index
        %swap3A_1442 = tpu.vector_load %swap3A_1439[%swap3A_1440, %swap3A_1441] {strides = array<i32>} : memref<128x64xf32, #tpu.memory_space<vmem>>, vector<1x16xf32>,
        %swap3A_1443 = vector.shape_cast %swap3A_1442 : vector<1x16xf32> to vector<16xf32>
        %swap3A_1444 = vector.shape_cast %mul3A_1433 : vector<16xf32> to vector<1x16xf32>
        tpu.vector_store %swap3A_1439[%swap3A_1440, %swap3A_1441], %swap3A_1444 {strides = array<i32>} : memref<128x64xf32, #tpu.memory_space<vmem>>, vector<1x16xf32>,
        %add3A_1445 = arith.constant 13 : i32
        %add3A_1446 = arith.addi %add3A_151, %add3A_1445 : i32
        %get3A_1447 = arith.constant 0 : i32
        %get3A_1448 = arith.constant 0 : i32
        %get3A_1449 = tpu.memref_slice %arg10[%rem3A_115, %get3A_1447, %get3A_1448] : memref<3x128x64xf32, #tpu.memory_space<vmem>> -> memref<1x128x64xf32, #tpu.memory_space<vmem>>
        %get3A_1450 = tpu.memref_squeeze %get3A_1449 : memref<1x128x64xf32, #tpu.memory_space<vmem>> -> memref<128x64xf32, #tpu.memory_space<vmem>>
        %get3A_1451 = arith.index_cast %add3A_1446 : i32 to index
        %get3A_1452 = arith.constant 48 : index
        %get3A_1453 = tpu.vector_load %get3A_1450[%get3A_1451, %get3A_1452] {strides = array<i32>} : memref<128x64xf32, #tpu.memory_space<vmem>>, vector<1x16xf32>,
        %get3A_1454 = vector.shape_cast %get3A_1453 : vector<1x16xf32> to vector<16xf32>
        %mul3A_1455 = vector.broadcast %squeeze3A_1375 : f32 to vector<16xf32>
        %mul3A_1456 = arith.mulf %get3A_1454, %mul3A_1455 : vector<16xf32>
        %add3A_1457 = arith.constant 13 : i32
        %add3A_1458 = arith.addi %add3A_151, %add3A_1457 : i32
        %swap3A_1459 = arith.constant 0 : i32
        %swap3A_1460 = arith.constant 0 : i32
        %swap3A_1461 = tpu.memref_slice %arg10[%rem3A_115, %swap3A_1459, %swap3A_1460] : memref<3x128x64xf32, #tpu.memory_space<vmem>> -> memref<1x128x64xf32, #tpu.memory_space<vmem>>
        %swap3A_1462 = tpu.memref_squeeze %swap3A_1461 : memref<1x128x64xf32, #tpu.memory_space<vmem>> -> memref<128x64xf32, #tpu.memory_space<vmem>>
        %swap3A_1463 = arith.index_cast %add3A_1458 : i32 to index
        %swap3A_1464 = arith.constant 48 : index
        %swap3A_1465 = tpu.vector_load %swap3A_1462[%swap3A_1463, %swap3A_1464] {strides = array<i32>} : memref<128x64xf32, #tpu.memory_space<vmem>>, vector<1x16xf32>,
        %swap3A_1466 = vector.shape_cast %swap3A_1465 : vector<1x16xf32> to vector<16xf32>
        %swap3A_1467 = vector.shape_cast %mul3A_1456 : vector<16xf32> to vector<1x16xf32>
        tpu.vector_store %swap3A_1462[%swap3A_1463, %swap3A_1464], %swap3A_1467 {strides = array<i32>} : memref<128x64xf32, #tpu.memory_space<vmem>>, vector<1x16xf32>,
        %slice3A_1468 = vector.extract_strided_slice %get3A_154 {offsets = [14], sizes = [1], strides = [1]} : vector<16xf32> to vector<1xf32>
        %squeeze3A_1469 = vector.extract %slice3A_1468[0] : f32 from vector<1xf32>
        %add3A_1470 = arith.constant 14 : i32
        %add3A_1471 = arith.addi %add3A_151, %add3A_1470 : i32
        %get3A_1472 = arith.constant 0 : i32
        %get3A_1473 = arith.constant 0 : i32
        %get3A_1474 = tpu.memref_slice %arg10[%rem3A_115, %get3A_1472, %get3A_1473] : memref<3x128x64xf32, #tpu.memory_space<vmem>> -> memref<1x128x64xf32, #tpu.memory_space<vmem>>
        %get3A_1475 = tpu.memref_squeeze %get3A_1474 : memref<1x128x64xf32, #tpu.memory_space<vmem>> -> memref<128x64xf32, #tpu.memory_space<vmem>>
        %get3A_1476 = arith.index_cast %add3A_1471 : i32 to index
        %get3A_1477 = arith.constant 0 : index
        %get3A_1478 = tpu.vector_load %get3A_1475[%get3A_1476, %get3A_1477] {strides = array<i32>} : memref<128x64xf32, #tpu.memory_space<vmem>>, vector<1x16xf32>,
        %get3A_1479 = vector.shape_cast %get3A_1478 : vector<1x16xf32> to vector<16xf32>
        %mul3A_1480 = vector.broadcast %squeeze3A_1469 : f32 to vector<16xf32>
        %mul3A_1481 = arith.mulf %get3A_1479, %mul3A_1480 : vector<16xf32>
        %add3A_1482 = arith.constant 14 : i32
        %add3A_1483 = arith.addi %add3A_151, %add3A_1482 : i32
        %swap3A_1484 = arith.constant 0 : i32
        %swap3A_1485 = arith.constant 0 : i32
        %swap3A_1486 = tpu.memref_slice %arg10[%rem3A_115, %swap3A_1484, %swap3A_1485] : memref<3x128x64xf32, #tpu.memory_space<vmem>> -> memref<1x128x64xf32, #tpu.memory_space<vmem>>
        %swap3A_1487 = tpu.memref_squeeze %swap3A_1486 : memref<1x128x64xf32, #tpu.memory_space<vmem>> -> memref<128x64xf32, #tpu.memory_space<vmem>>
        %swap3A_1488 = arith.index_cast %add3A_1483 : i32 to index
        %swap3A_1489 = arith.constant 0 : index
        %swap3A_1490 = tpu.vector_load %swap3A_1487[%swap3A_1488, %swap3A_1489] {strides = array<i32>} : memref<128x64xf32, #tpu.memory_space<vmem>>, vector<1x16xf32>,
        %swap3A_1491 = vector.shape_cast %swap3A_1490 : vector<1x16xf32> to vector<16xf32>
        %swap3A_1492 = vector.shape_cast %mul3A_1481 : vector<16xf32> to vector<1x16xf32>
        tpu.vector_store %swap3A_1487[%swap3A_1488, %swap3A_1489], %swap3A_1492 {strides = array<i32>} : memref<128x64xf32, #tpu.memory_space<vmem>>, vector<1x16xf32>,
        %add3A_1493 = arith.constant 14 : i32
        %add3A_1494 = arith.addi %add3A_151, %add3A_1493 : i32
        %get3A_1495 = arith.constant 0 : i32
        %get3A_1496 = arith.constant 0 : i32
        %get3A_1497 = tpu.memref_slice %arg10[%rem3A_115, %get3A_1495, %get3A_1496] : memref<3x128x64xf32, #tpu.memory_space<vmem>> -> memref<1x128x64xf32, #tpu.memory_space<vmem>>
        %get3A_1498 = tpu.memref_squeeze %get3A_1497 : memref<1x128x64xf32, #tpu.memory_space<vmem>> -> memref<128x64xf32, #tpu.memory_space<vmem>>
        %get3A_1499 = arith.index_cast %add3A_1494 : i32 to index
        %get3A_1500 = arith.constant 16 : index
        %get3A_1501 = tpu.vector_load %get3A_1498[%get3A_1499, %get3A_1500] {strides = array<i32>} : memref<128x64xf32, #tpu.memory_space<vmem>>, vector<1x16xf32>,
        %get3A_1502 = vector.shape_cast %get3A_1501 : vector<1x16xf32> to vector<16xf32>
        %mul3A_1503 = vector.broadcast %squeeze3A_1469 : f32 to vector<16xf32>
        %mul3A_1504 = arith.mulf %get3A_1502, %mul3A_1503 : vector<16xf32>
        %add3A_1505 = arith.constant 14 : i32
        %add3A_1506 = arith.addi %add3A_151, %add3A_1505 : i32
        %swap3A_1507 = arith.constant 0 : i32
        %swap3A_1508 = arith.constant 0 : i32
        %swap3A_1509 = tpu.memref_slice %arg10[%rem3A_115, %swap3A_1507, %swap3A_1508] : memref<3x128x64xf32, #tpu.memory_space<vmem>> -> memref<1x128x64xf32, #tpu.memory_space<vmem>>
        %swap3A_1510 = tpu.memref_squeeze %swap3A_1509 : memref<1x128x64xf32, #tpu.memory_space<vmem>> -> memref<128x64xf32, #tpu.memory_space<vmem>>
        %swap3A_1511 = arith.index_cast %add3A_1506 : i32 to index
        %swap3A_1512 = arith.constant 16 : index
        %swap3A_1513 = tpu.vector_load %swap3A_1510[%swap3A_1511, %swap3A_1512] {strides = array<i32>} : memref<128x64xf32, #tpu.memory_space<vmem>>, vector<1x16xf32>,
        %swap3A_1514 = vector.shape_cast %swap3A_1513 : vector<1x16xf32> to vector<16xf32>
        %swap3A_1515 = vector.shape_cast %mul3A_1504 : vector<16xf32> to vector<1x16xf32>
        tpu.vector_store %swap3A_1510[%swap3A_1511, %swap3A_1512], %swap3A_1515 {strides = array<i32>} : memref<128x64xf32, #tpu.memory_space<vmem>>, vector<1x16xf32>,
        %add3A_1516 = arith.constant 14 : i32
        %add3A_1517 = arith.addi %add3A_151, %add3A_1516 : i32
        %get3A_1518 = arith.constant 0 : i32
        %get3A_1519 = arith.constant 0 : i32
        %get3A_1520 = tpu.memref_slice %arg10[%rem3A_115, %get3A_1518, %get3A_1519] : memref<3x128x64xf32, #tpu.memory_space<vmem>> -> memref<1x128x64xf32, #tpu.memory_space<vmem>>
        %get3A_1521 = tpu.memref_squeeze %get3A_1520 : memref<1x128x64xf32, #tpu.memory_space<vmem>> -> memref<128x64xf32, #tpu.memory_space<vmem>>
        %get3A_1522 = arith.index_cast %add3A_1517 : i32 to index
        %get3A_1523 = arith.constant 32 : index
        %get3A_1524 = tpu.vector_load %get3A_1521[%get3A_1522, %get3A_1523] {strides = array<i32>} : memref<128x64xf32, #tpu.memory_space<vmem>>, vector<1x16xf32>,
        %get3A_1525 = vector.shape_cast %get3A_1524 : vector<1x16xf32> to vector<16xf32>
        %mul3A_1526 = vector.broadcast %squeeze3A_1469 : f32 to vector<16xf32>
        %mul3A_1527 = arith.mulf %get3A_1525, %mul3A_1526 : vector<16xf32>
        %add3A_1528 = arith.constant 14 : i32
        %add3A_1529 = arith.addi %add3A_151, %add3A_1528 : i32
        %swap3A_1530 = arith.constant 0 : i32
        %swap3A_1531 = arith.constant 0 : i32
        %swap3A_1532 = tpu.memref_slice %arg10[%rem3A_115, %swap3A_1530, %swap3A_1531] : memref<3x128x64xf32, #tpu.memory_space<vmem>> -> memref<1x128x64xf32, #tpu.memory_space<vmem>>
        %swap3A_1533 = tpu.memref_squeeze %swap3A_1532 : memref<1x128x64xf32, #tpu.memory_space<vmem>> -> memref<128x64xf32, #tpu.memory_space<vmem>>
        %swap3A_1534 = arith.index_cast %add3A_1529 : i32 to index
        %swap3A_1535 = arith.constant 32 : index
        %swap3A_1536 = tpu.vector_load %swap3A_1533[%swap3A_1534, %swap3A_1535] {strides = array<i32>} : memref<128x64xf32, #tpu.memory_space<vmem>>, vector<1x16xf32>,
        %swap3A_1537 = vector.shape_cast %swap3A_1536 : vector<1x16xf32> to vector<16xf32>
        %swap3A_1538 = vector.shape_cast %mul3A_1527 : vector<16xf32> to vector<1x16xf32>
        tpu.vector_store %swap3A_1533[%swap3A_1534, %swap3A_1535], %swap3A_1538 {strides = array<i32>} : memref<128x64xf32, #tpu.memory_space<vmem>>, vector<1x16xf32>,
        %add3A_1539 = arith.constant 14 : i32
        %add3A_1540 = arith.addi %add3A_151, %add3A_1539 : i32
        %get3A_1541 = arith.constant 0 : i32
        %get3A_1542 = arith.constant 0 : i32
        %get3A_1543 = tpu.memref_slice %arg10[%rem3A_115, %get3A_1541, %get3A_1542] : memref<3x128x64xf32, #tpu.memory_space<vmem>> -> memref<1x128x64xf32, #tpu.memory_space<vmem>>
        %get3A_1544 = tpu.memref_squeeze %get3A_1543 : memref<1x128x64xf32, #tpu.memory_space<vmem>> -> memref<128x64xf32, #tpu.memory_space<vmem>>
        %get3A_1545 = arith.index_cast %add3A_1540 : i32 to index
        %get3A_1546 = arith.constant 48 : index
        %get3A_1547 = tpu.vector_load %get3A_1544[%get3A_1545, %get3A_1546] {strides = array<i32>} : memref<128x64xf32, #tpu.memory_space<vmem>>, vector<1x16xf32>,
        %get3A_1548 = vector.shape_cast %get3A_1547 : vector<1x16xf32> to vector<16xf32>
        %mul3A_1549 = vector.broadcast %squeeze3A_1469 : f32 to vector<16xf32>
        %mul3A_1550 = arith.mulf %get3A_1548, %mul3A_1549 : vector<16xf32>
        %add3A_1551 = arith.constant 14 : i32
        %add3A_1552 = arith.addi %add3A_151, %add3A_1551 : i32
        %swap3A_1553 = arith.constant 0 : i32
        %swap3A_1554 = arith.constant 0 : i32
        %swap3A_1555 = tpu.memref_slice %arg10[%rem3A_115, %swap3A_1553, %swap3A_1554] : memref<3x128x64xf32, #tpu.memory_space<vmem>> -> memref<1x128x64xf32, #tpu.memory_space<vmem>>
        %swap3A_1556 = tpu.memref_squeeze %swap3A_1555 : memref<1x128x64xf32, #tpu.memory_space<vmem>> -> memref<128x64xf32, #tpu.memory_space<vmem>>
        %swap3A_1557 = arith.index_cast %add3A_1552 : i32 to index
        %swap3A_1558 = arith.constant 48 : index
        %swap3A_1559 = tpu.vector_load %swap3A_1556[%swap3A_1557, %swap3A_1558] {strides = array<i32>} : memref<128x64xf32, #tpu.memory_space<vmem>>, vector<1x16xf32>,
        %swap3A_1560 = vector.shape_cast %swap3A_1559 : vector<1x16xf32> to vector<16xf32>
        %swap3A_1561 = vector.shape_cast %mul3A_1550 : vector<16xf32> to vector<1x16xf32>
        tpu.vector_store %swap3A_1556[%swap3A_1557, %swap3A_1558], %swap3A_1561 {strides = array<i32>} : memref<128x64xf32, #tpu.memory_space<vmem>>, vector<1x16xf32>,
        %slice3A_1562 = vector.extract_strided_slice %get3A_154 {offsets = [15], sizes = [1], strides = [1]} : vector<16xf32> to vector<1xf32>
        %squeeze3A_1563 = vector.extract %slice3A_1562[0] : f32 from vector<1xf32>
        %add3A_1564 = arith.constant 15 : i32
        %add3A_1565 = arith.addi %add3A_151, %add3A_1564 : i32
        %get3A_1566 = arith.constant 0 : i32
        %get3A_1567 = arith.constant 0 : i32
        %get3A_1568 = tpu.memref_slice %arg10[%rem3A_115, %get3A_1566, %get3A_1567] : memref<3x128x64xf32, #tpu.memory_space<vmem>> -> memref<1x128x64xf32, #tpu.memory_space<vmem>>
        %get3A_1569 = tpu.memref_squeeze %get3A_1568 : memref<1x128x64xf32, #tpu.memory_space<vmem>> -> memref<128x64xf32, #tpu.memory_space<vmem>>
        %get3A_1570 = arith.index_cast %add3A_1565 : i32 to index
        %get3A_1571 = arith.constant 0 : index
        %get3A_1572 = tpu.vector_load %get3A_1569[%get3A_1570, %get3A_1571] {strides = array<i32>} : memref<128x64xf32, #tpu.memory_space<vmem>>, vector<1x16xf32>,
        %get3A_1573 = vector.shape_cast %get3A_1572 : vector<1x16xf32> to vector<16xf32>
        %mul3A_1574 = vector.broadcast %squeeze3A_1563 : f32 to vector<16xf32>
        %mul3A_1575 = arith.mulf %get3A_1573, %mul3A_1574 : vector<16xf32>
        %add3A_1576 = arith.constant 15 : i32
        %add3A_1577 = arith.addi %add3A_151, %add3A_1576 : i32
        %swap3A_1578 = arith.constant 0 : i32
        %swap3A_1579 = arith.constant 0 : i32
        %swap3A_1580 = tpu.memref_slice %arg10[%rem3A_115, %swap3A_1578, %swap3A_1579] : memref<3x128x64xf32, #tpu.memory_space<vmem>> -> memref<1x128x64xf32, #tpu.memory_space<vmem>>
        %swap3A_1581 = tpu.memref_squeeze %swap3A_1580 : memref<1x128x64xf32, #tpu.memory_space<vmem>> -> memref<128x64xf32, #tpu.memory_space<vmem>>
        %swap3A_1582 = arith.index_cast %add3A_1577 : i32 to index
        %swap3A_1583 = arith.constant 0 : index
        %swap3A_1584 = tpu.vector_load %swap3A_1581[%swap3A_1582, %swap3A_1583] {strides = array<i32>} : memref<128x64xf32, #tpu.memory_space<vmem>>, vector<1x16xf32>,
        %swap3A_1585 = vector.shape_cast %swap3A_1584 : vector<1x16xf32> to vector<16xf32>
        %swap3A_1586 = vector.shape_cast %mul3A_1575 : vector<16xf32> to vector<1x16xf32>
        tpu.vector_store %swap3A_1581[%swap3A_1582, %swap3A_1583], %swap3A_1586 {strides = array<i32>} : memref<128x64xf32, #tpu.memory_space<vmem>>, vector<1x16xf32>,
        %add3A_1587 = arith.constant 15 : i32
        %add3A_1588 = arith.addi %add3A_151, %add3A_1587 : i32
        %get3A_1589 = arith.constant 0 : i32
        %get3A_1590 = arith.constant 0 : i32
        %get3A_1591 = tpu.memref_slice %arg10[%rem3A_115, %get3A_1589, %get3A_1590] : memref<3x128x64xf32, #tpu.memory_space<vmem>> -> memref<1x128x64xf32, #tpu.memory_space<vmem>>
        %get3A_1592 = tpu.memref_squeeze %get3A_1591 : memref<1x128x64xf32, #tpu.memory_space<vmem>> -> memref<128x64xf32, #tpu.memory_space<vmem>>
        %get3A_1593 = arith.index_cast %add3A_1588 : i32 to index
        %get3A_1594 = arith.constant 16 : index
        %get3A_1595 = tpu.vector_load %get3A_1592[%get3A_1593, %get3A_1594] {strides = array<i32>} : memref<128x64xf32, #tpu.memory_space<vmem>>, vector<1x16xf32>,
        %get3A_1596 = vector.shape_cast %get3A_1595 : vector<1x16xf32> to vector<16xf32>
        %mul3A_1597 = vector.broadcast %squeeze3A_1563 : f32 to vector<16xf32>
        %mul3A_1598 = arith.mulf %get3A_1596, %mul3A_1597 : vector<16xf32>
        %add3A_1599 = arith.constant 15 : i32
        %add3A_1600 = arith.addi %add3A_151, %add3A_1599 : i32
        %swap3A_1601 = arith.constant 0 : i32
        %swap3A_1602 = arith.constant 0 : i32
        %swap3A_1603 = tpu.memref_slice %arg10[%rem3A_115, %swap3A_1601, %swap3A_1602] : memref<3x128x64xf32, #tpu.memory_space<vmem>> -> memref<1x128x64xf32, #tpu.memory_space<vmem>>
        %swap3A_1604 = tpu.memref_squeeze %swap3A_1603 : memref<1x128x64xf32, #tpu.memory_space<vmem>> -> memref<128x64xf32, #tpu.memory_space<vmem>>
        %swap3A_1605 = arith.index_cast %add3A_1600 : i32 to index
        %swap3A_1606 = arith.constant 16 : index
        %swap3A_1607 = tpu.vector_load %swap3A_1604[%swap3A_1605, %swap3A_1606] {strides = array<i32>} : memref<128x64xf32, #tpu.memory_space<vmem>>, vector<1x16xf32>,
        %swap3A_1608 = vector.shape_cast %swap3A_1607 : vector<1x16xf32> to vector<16xf32>
        %swap3A_1609 = vector.shape_cast %mul3A_1598 : vector<16xf32> to vector<1x16xf32>
        tpu.vector_store %swap3A_1604[%swap3A_1605, %swap3A_1606], %swap3A_1609 {strides = array<i32>} : memref<128x64xf32, #tpu.memory_space<vmem>>, vector<1x16xf32>,
        %add3A_1610 = arith.constant 15 : i32
        %add3A_1611 = arith.addi %add3A_151, %add3A_1610 : i32
        %get3A_1612 = arith.constant 0 : i32
        %get3A_1613 = arith.constant 0 : i32
        %get3A_1614 = tpu.memref_slice %arg10[%rem3A_115, %get3A_1612, %get3A_1613] : memref<3x128x64xf32, #tpu.memory_space<vmem>> -> memref<1x128x64xf32, #tpu.memory_space<vmem>>
        %get3A_1615 = tpu.memref_squeeze %get3A_1614 : memref<1x128x64xf32, #tpu.memory_space<vmem>> -> memref<128x64xf32, #tpu.memory_space<vmem>>
        %get3A_1616 = arith.index_cast %add3A_1611 : i32 to index
        %get3A_1617 = arith.constant 32 : index
        %get3A_1618 = tpu.vector_load %get3A_1615[%get3A_1616, %get3A_1617] {strides = array<i32>} : memref<128x64xf32, #tpu.memory_space<vmem>>, vector<1x16xf32>,
        %get3A_1619 = vector.shape_cast %get3A_1618 : vector<1x16xf32> to vector<16xf32>
        %mul3A_1620 = vector.broadcast %squeeze3A_1563 : f32 to vector<16xf32>
        %mul3A_1621 = arith.mulf %get3A_1619, %mul3A_1620 : vector<16xf32>
        %add3A_1622 = arith.constant 15 : i32
        %add3A_1623 = arith.addi %add3A_151, %add3A_1622 : i32
        %swap3A_1624 = arith.constant 0 : i32
        %swap3A_1625 = arith.constant 0 : i32
        %swap3A_1626 = tpu.memref_slice %arg10[%rem3A_115, %swap3A_1624, %swap3A_1625] : memref<3x128x64xf32, #tpu.memory_space<vmem>> -> memref<1x128x64xf32, #tpu.memory_space<vmem>>
        %swap3A_1627 = tpu.memref_squeeze %swap3A_1626 : memref<1x128x64xf32, #tpu.memory_space<vmem>> -> memref<128x64xf32, #tpu.memory_space<vmem>>
        %swap3A_1628 = arith.index_cast %add3A_1623 : i32 to index
        %swap3A_1629 = arith.constant 32 : index
        %swap3A_1630 = tpu.vector_load %swap3A_1627[%swap3A_1628, %swap3A_1629] {strides = array<i32>} : memref<128x64xf32, #tpu.memory_space<vmem>>, vector<1x16xf32>,
        %swap3A_1631 = vector.shape_cast %swap3A_1630 : vector<1x16xf32> to vector<16xf32>
        %swap3A_1632 = vector.shape_cast %mul3A_1621 : vector<16xf32> to vector<1x16xf32>
        tpu.vector_store %swap3A_1627[%swap3A_1628, %swap3A_1629], %swap3A_1632 {strides = array<i32>} : memref<128x64xf32, #tpu.memory_space<vmem>>, vector<1x16xf32>,
        %add3A_1633 = arith.constant 15 : i32
        %add3A_1634 = arith.addi %add3A_151, %add3A_1633 : i32
        %get3A_1635 = arith.constant 0 : i32
        %get3A_1636 = arith.constant 0 : i32
        %get3A_1637 = tpu.memref_slice %arg10[%rem3A_115, %get3A_1635, %get3A_1636] : memref<3x128x64xf32, #tpu.memory_space<vmem>> -> memref<1x128x64xf32, #tpu.memory_space<vmem>>
        %get3A_1638 = tpu.memref_squeeze %get3A_1637 : memref<1x128x64xf32, #tpu.memory_space<vmem>> -> memref<128x64xf32, #tpu.memory_space<vmem>>
        %get3A_1639 = arith.index_cast %add3A_1634 : i32 to index
        %get3A_1640 = arith.constant 48 : index
        %get3A_1641 = tpu.vector_load %get3A_1638[%get3A_1639, %get3A_1640] {strides = array<i32>} : memref<128x64xf32, #tpu.memory_space<vmem>>, vector<1x16xf32>,
        %get3A_1642 = vector.shape_cast %get3A_1641 : vector<1x16xf32> to vector<16xf32>
        %mul3A_1643 = vector.broadcast %squeeze3A_1563 : f32 to vector<16xf32>
        %mul3A_1644 = arith.mulf %get3A_1642, %mul3A_1643 : vector<16xf32>
        %add3A_1645 = arith.constant 15 : i32
        %add3A_1646 = arith.addi %add3A_151, %add3A_1645 : i32
        %swap3A_1647 = arith.constant 0 : i32
        %swap3A_1648 = arith.constant 0 : i32
        %swap3A_1649 = tpu.memref_slice %arg10[%rem3A_115, %swap3A_1647, %swap3A_1648] : memref<3x128x64xf32, #tpu.memory_space<vmem>> -> memref<1x128x64xf32, #tpu.memory_space<vmem>>
        %swap3A_1650 = tpu.memref_squeeze %swap3A_1649 : memref<1x128x64xf32, #tpu.memory_space<vmem>> -> memref<128x64xf32, #tpu.memory_space<vmem>>
        %swap3A_1651 = arith.index_cast %add3A_1646 : i32 to index
        %swap3A_1652 = arith.constant 48 : index
        %swap3A_1653 = tpu.vector_load %swap3A_1650[%swap3A_1651, %swap3A_1652] {strides = array<i32>} : memref<128x64xf32, #tpu.memory_space<vmem>>, vector<1x16xf32>,
        %swap3A_1654 = vector.shape_cast %swap3A_1653 : vector<1x16xf32> to vector<16xf32>
        %swap3A_1655 = vector.shape_cast %mul3A_1644 : vector<16xf32> to vector<1x16xf32>
        tpu.vector_store %swap3A_1650[%swap3A_1651, %swap3A_1652], %swap3A_1655 {strides = array<i32>} : memref<128x64xf32, #tpu.memory_space<vmem>>, vector<1x16xf32>,
      }
      %scan3A_130 = arith.constant 8 : i32
      %gt3A = arith.constant 0 : i32
      %gt3A_131 = arith.cmpi sgt, %add3A_113, %gt3A : i32
      %convert_element_type3A = arith.extui %gt3A_131 : i1 to i32
      %cond3A = arith.constant 0 : i32
      %cond3A_132 = arith.cmpi ne, %convert_element_type3A, %cond3A : i32
      scf.if %cond3A_132 {
        %add3A_147 = arith.constant 2 : i32
        %add3A_148 = arith.addi %add3A_113, %add3A_147 : i32
        %rem3A_149 = arith.constant 3 : i32
        %rem3A_150 = arith.remsi %add3A_148, %rem3A_149 : i32
        %sub3A = arith.constant 1 : i32
        %sub3A_151 = arith.subi %add3A_113, %sub3A : i32
        %dma_wait3A_152 = arith.constant 0 : i32
        %dma_wait3A_153 = arith.constant 0 : i32
        %dma_wait3A_154 = tpu.memref_slice %arg10[%rem3A_150, %dma_wait3A_152, %dma_wait3A_153] : memref<3x128x64xf32, #tpu.memory_space<vmem>> -> memref<1x128x64xf32, #tpu.memory_space<vmem>>
        %dma_wait3A_155 = tpu.memref_squeeze %dma_wait3A_154 : memref<1x128x64xf32, #tpu.memory_space<vmem>> -> memref<128x64xf32, #tpu.memory_space<vmem>>
        %dma_wait3A_156 = arith.constant 0 : i32
        %dma_wait3A_157 = tpu.memref_slice %arg8[%sub3A_151, %dma_wait3A_156] : memref<80x128xi32, #tpu.memory_space<vmem>> -> memref<1x128xi32, #tpu.memory_space<vmem>>
        %dma_wait3A_158 = tpu.memref_squeeze %dma_wait3A_157 : memref<1x128xi32, #tpu.memory_space<vmem>> -> memref<128xi32, #tpu.memory_space<vmem>>
        %dma_wait3A_159 = arith.constant 0 : i32
        %dma_wait3A_160 = arith.constant 0 : i32
        %dma_wait3A_161 = tpu.memref_slice %arg12[%dma_wait3A_159, %dma_wait3A_160] : memref<10240x64xf32, #tpu.memory_space<vmem_shared>> -> memref<10240x64xf32, #tpu.memory_space<vmem_shared>>
        tpu.wait_indirect_dma semaphore(%arg15 : memref<!tpu.dma_semaphore, #tpu.memory_space<semaphore_mem>>) src(%dma_wait3A_155 : memref<128x64xf32, #tpu.memory_space<vmem>>) dst(%dma_wait3A_161 : memref<10240x64xf32, #tpu.memory_space<vmem_shared>>)
      } else {
      }
      %lt3A = arith.constant 78 : i32
      %lt3A_133 = arith.cmpi slt, %add3A_113, %lt3A : i32
      %convert_element_type3A_134 = arith.extui %lt3A_133 : i1 to i32
      %cond3A_135 = arith.constant 0 : i32
      %cond3A_136 = arith.cmpi ne, %convert_element_type3A_134, %cond3A_135 : i32
      scf.if %cond3A_136 {
        %add3A_147 = arith.constant 2 : i32
        %add3A_148 = arith.addi %add3A_113, %add3A_147 : i32
        %add3A_149 = arith.constant 2 : i32
        %add3A_150 = arith.addi %add3A_113, %add3A_149 : i32
        %rem3A_151 = arith.constant 3 : i32
        %rem3A_152 = arith.remsi %add3A_150, %rem3A_151 : i32
        %dma_start3A_153 = arith.constant 0 : i32
        %dma_start3A_154 = arith.constant 0 : i32
        %dma_start3A_155 = tpu.memref_slice %arg10[%rem3A_152, %dma_start3A_153, %dma_start3A_154] : memref<3x128x64xf32, #tpu.memory_space<vmem>> -> memref<1x128x64xf32, #tpu.memory_space<vmem>>
        %dma_start3A_156 = tpu.memref_squeeze %dma_start3A_155 : memref<1x128x64xf32, #tpu.memory_space<vmem>> -> memref<128x64xf32, #tpu.memory_space<vmem>>
        %dma_start3A_157 = arith.constant 0 : i32
        %dma_start3A_158 = tpu.memref_slice %arg7[%add3A_148, %dma_start3A_157] : memref<80x128xi32, #tpu.memory_space<vmem>> -> memref<1x128xi32, #tpu.memory_space<vmem>>
        %dma_start3A_159 = tpu.memref_squeeze %dma_start3A_158 : memref<1x128xi32, #tpu.memory_space<vmem>> -> memref<128xi32, #tpu.memory_space<vmem>>
        %dma_start3A_160 = arith.constant 0 : i32
        %dma_start3A_161 = arith.constant 0 : i32
        %dma_start3A_162 = tpu.memref_slice %arg2[%dma_start3A_160, %dma_start3A_161] : memref<10240x64xf32, #tpu.memory_space<hbm>> -> memref<10240x64xf32, #tpu.memory_space<hbm>>
        tpu.enqueue_indirect_dma source(%dma_start3A_162 : memref<10240x64xf32, #tpu.memory_space<hbm>>) target(%dma_start3A_156 : memref<128x64xf32, #tpu.memory_space<vmem>>) offsets(%dma_start3A_159 : memref<128xi32, #tpu.memory_space<vmem>>) semaphore(%arg14 : memref<!tpu.dma_semaphore, #tpu.memory_space<semaphore_mem>>)
      } else {
      }
      %dma_start3A_137 = arith.constant 0 : i32
      %dma_start3A_138 = arith.constant 0 : i32
      %dma_start3A_139 = tpu.memref_slice %arg10[%rem3A_115, %dma_start3A_137, %dma_start3A_138] : memref<3x128x64xf32, #tpu.memory_space<vmem>> -> memref<1x128x64xf32, #tpu.memory_space<vmem>>
      %dma_start3A_140 = tpu.memref_squeeze %dma_start3A_139 : memref<1x128x64xf32, #tpu.memory_space<vmem>> -> memref<128x64xf32, #tpu.memory_space<vmem>>
      %dma_start3A_141 = arith.constant 0 : i32
      %dma_start3A_142 = tpu.memref_slice %arg8[%add3A_113, %dma_start3A_141] : memref<80x128xi32, #tpu.memory_space<vmem>> -> memref<1x128xi32, #tpu.memory_space<vmem>>
      %dma_start3A_143 = tpu.memref_squeeze %dma_start3A_142 : memref<1x128xi32, #tpu.memory_space<vmem>> -> memref<128xi32, #tpu.memory_space<vmem>>
      %dma_start3A_144 = arith.constant 0 : i32
      %dma_start3A_145 = arith.constant 0 : i32
      %dma_start3A_146 = tpu.memref_slice %arg12[%dma_start3A_144, %dma_start3A_145] : memref<10240x64xf32, #tpu.memory_space<vmem_shared>> -> memref<10240x64xf32, #tpu.memory_space<vmem_shared>>
      tpu.enqueue_indirect_dma source(%dma_start3A_140 : memref<128x64xf32, #tpu.memory_space<vmem>>) target(%dma_start3A_146 : memref<10240x64xf32, #tpu.memory_space<vmem_shared>>) offsets(%dma_start3A_143 : memref<128xi32, #tpu.memory_space<vmem>>) semaphore(%arg15 : memref<!tpu.dma_semaphore, #tpu.memory_space<semaphore_mem>>) {add = true}
    }
    %scan3A_74 = arith.constant 80 : i32
    %rem3A = arith.constant 79 : i32
    %rem3A_75 = arith.constant 3 : i32
    %rem3A_76 = arith.remsi %rem3A, %rem3A_75 : i32
    %dma_wait3A_77 = arith.constant 79 : i32
    %dma_wait3A_78 = arith.constant 0 : i32
    %dma_wait3A_79 = arith.constant 0 : i32
    %dma_wait3A_80 = tpu.memref_slice %arg10[%rem3A_76, %dma_wait3A_78, %dma_wait3A_79] : memref<3x128x64xf32, #tpu.memory_space<vmem>> -> memref<1x128x64xf32, #tpu.memory_space<vmem>>
    %dma_wait3A_81 = tpu.memref_squeeze %dma_wait3A_80 : memref<1x128x64xf32, #tpu.memory_space<vmem>> -> memref<128x64xf32, #tpu.memory_space<vmem>>
    %dma_wait3A_82 = arith.constant 0 : i32
    %dma_wait3A_83 = tpu.memref_slice %arg8[%dma_wait3A_77, %dma_wait3A_82] : memref<80x128xi32, #tpu.memory_space<vmem>> -> memref<1x128xi32, #tpu.memory_space<vmem>>
    %dma_wait3A_84 = tpu.memref_squeeze %dma_wait3A_83 : memref<1x128xi32, #tpu.memory_space<vmem>> -> memref<128xi32, #tpu.memory_space<vmem>>
    %dma_wait3A_85 = arith.constant 0 : i32
    %dma_wait3A_86 = arith.constant 0 : i32
    %dma_wait3A_87 = tpu.memref_slice %arg12[%dma_wait3A_85, %dma_wait3A_86] : memref<10240x64xf32, #tpu.memory_space<vmem_shared>> -> memref<10240x64xf32, #tpu.memory_space<vmem_shared>>
    tpu.wait_indirect_dma semaphore(%arg15 : memref<!tpu.dma_semaphore, #tpu.memory_space<semaphore_mem>>) src(%dma_wait3A_81 : memref<128x64xf32, #tpu.memory_space<vmem>>) dst(%dma_wait3A_87 : memref<10240x64xf32, #tpu.memory_space<vmem_shared>>)
    %barrier3A_88 = arith.constant 0 : index
    tpu.barrier barrier_id(%barrier3A_88)
    %add3A_89 = arith.constant 0 : i32
    %add3A_90 = arith.addi %mul3A_2, %add3A_89 : i32
    "tpu.region"() ({
      %run_scoped3A = tpu.sem_alloc : memref<!tpu.dma_semaphore, #tpu.memory_space<semaphore_mem>>
      %dma_start3A_109 = arith.constant 0 : i32
      %dma_start3A_110 = tpu.memref_slice %arg12[%add3A_90, %dma_start3A_109] : memref<10240x64xf32, #tpu.memory_space<vmem_shared>> -> memref<128x64xf32, #tpu.memory_space<vmem_shared>>
      %dma_start3A_111 = arith.constant 0 : i32
      %dma_start3A_112 = tpu.memref_slice %arg12[%add3A_90, %dma_start3A_111] : memref<10240x64xf32, #tpu.memory_space<vmem_shared>> -> memref<128x64xf32, #tpu.memory_space<vmem_shared>>
      tpu.enqueue_dma source(%dma_start3A_112 : memref<128x64xf32, #tpu.memory_space<vmem_shared>>) target(%arg11 : memref<128x64xf32, #tpu.memory_space<vmem>>) target_semaphore(%run_scoped3A : memref<!tpu.dma_semaphore, #tpu.memory_space<semaphore_mem>>)
      %dma_wait3A_113 = arith.constant 0 : i32
      %dma_wait3A_114 = tpu.memref_slice %arg12[%add3A_90, %dma_wait3A_113] : memref<10240x64xf32, #tpu.memory_space<vmem_shared>> -> memref<128x64xf32, #tpu.memory_space<vmem_shared>>
      %dma_wait3A_115 = arith.constant 0 : i32
      %dma_wait3A_116 = tpu.memref_slice %arg12[%add3A_90, %dma_wait3A_115] : memref<10240x64xf32, #tpu.memory_space<vmem_shared>> -> memref<128x64xf32, #tpu.memory_space<vmem_shared>>
      tpu.wait_dma2 semaphore(%run_scoped3A : memref<!tpu.dma_semaphore, #tpu.memory_space<semaphore_mem>>) src(%dma_wait3A_116 : memref<128x64xf32, #tpu.memory_space<vmem_shared>>) dst(%arg11 : memref<128x64xf32, #tpu.memory_space<vmem>>)
      tpu.yield
    }) : () -> ()
    %add3A_91 = arith.constant 0 : i32
    %add3A_92 = arith.addi %mul3A_2, %add3A_91 : i32
    "tpu.region"() ({
      %run_scoped3A = tpu.sem_alloc : memref<!tpu.dma_semaphore, #tpu.memory_space<semaphore_mem>>
      %dma_start3A_109 = arith.constant 0 : i32
      %dma_start3A_110 = tpu.memref_slice %arg6[%arg0, %add3A_92, %dma_start3A_109] : memref<2x10240x64xf32, #tpu.memory_space<hbm>> -> memref<1x128x64xf32, #tpu.memory_space<hbm>>
      %dma_start3A_111 = tpu.memref_squeeze %dma_start3A_110 : memref<1x128x64xf32, #tpu.memory_space<hbm>> -> memref<128x64xf32, #tpu.memory_space<hbm>>
      %dma_start3A_112 = arith.constant 0 : i32
      %dma_start3A_113 = tpu.memref_slice %arg6[%arg0, %add3A_92, %dma_start3A_112] : memref<2x10240x64xf32, #tpu.memory_space<hbm>> -> memref<1x128x64xf32, #tpu.memory_space<hbm>>
      %dma_start3A_114 = tpu.memref_squeeze %dma_start3A_113 : memref<1x128x64xf32, #tpu.memory_space<hbm>> -> memref<128x64xf32, #tpu.memory_space<hbm>>
      tpu.enqueue_dma source(%arg11 : memref<128x64xf32, #tpu.memory_space<vmem>>) target(%dma_start3A_114 : memref<128x64xf32, #tpu.memory_space<hbm>>) target_semaphore(%run_scoped3A : memref<!tpu.dma_semaphore, #tpu.memory_space<semaphore_mem>>)
      %dma_wait3A_115 = arith.constant 0 : i32
      %dma_wait3A_116 = tpu.memref_slice %arg6[%arg0, %add3A_92, %dma_wait3A_115] : memref<2x10240x64xf32, #tpu.memory_space<hbm>> -> memref<1x128x64xf32, #tpu.memory_space<hbm>>
      %dma_wait3A_117 = tpu.memref_squeeze %dma_wait3A_116 : memref<1x128x64xf32, #tpu.memory_space<hbm>> -> memref<128x64xf32, #tpu.memory_space<hbm>>
      %dma_wait3A_118 = arith.constant 0 : i32
      %dma_wait3A_119 = tpu.memref_slice %arg6[%arg0, %add3A_92, %dma_wait3A_118] : memref<2x10240x64xf32, #tpu.memory_space<hbm>> -> memref<1x128x64xf32, #tpu.memory_space<hbm>>
      %dma_wait3A_120 = tpu.memref_squeeze %dma_wait3A_119 : memref<1x128x64xf32, #tpu.memory_space<hbm>> -> memref<128x64xf32, #tpu.memory_space<hbm>>
      tpu.wait_dma2 semaphore(%run_scoped3A : memref<!tpu.dma_semaphore, #tpu.memory_space<semaphore_mem>>) src(%arg11 : memref<128x64xf32, #tpu.memory_space<vmem>>) dst(%dma_wait3A_120 : memref<128x64xf32, #tpu.memory_space<hbm>>)
      tpu.yield
    }) : () -> ()
    %add3A_93 = arith.constant 128 : i32
    %add3A_94 = arith.addi %mul3A_2, %add3A_93 : i32
    "tpu.region"() ({
      %run_scoped3A = tpu.sem_alloc : memref<!tpu.dma_semaphore, #tpu.memory_space<semaphore_mem>>
      %dma_start3A_109 = arith.constant 0 : i32
      %dma_start3A_110 = tpu.memref_slice %arg12[%add3A_94, %dma_start3A_109] : memref<10240x64xf32, #tpu.memory_space<vmem_shared>> -> memref<128x64xf32, #tpu.memory_space<vmem_shared>>
      %dma_start3A_111 = arith.constant 0 : i32
      %dma_start3A_112 = tpu.memref_slice %arg12[%add3A_94, %dma_start3A_111] : memref<10240x64xf32, #tpu.memory_space<vmem_shared>> -> memref<128x64xf32, #tpu.memory_space<vmem_shared>>
      tpu.enqueue_dma source(%dma_start3A_112 : memref<128x64xf32, #tpu.memory_space<vmem_shared>>) target(%arg11 : memref<128x64xf32, #tpu.memory_space<vmem>>) target_semaphore(%run_scoped3A : memref<!tpu.dma_semaphore, #tpu.memory_space<semaphore_mem>>)
      %dma_wait3A_113 = arith.constant 0 : i32
      %dma_wait3A_114 = tpu.memref_slice %arg12[%add3A_94, %dma_wait3A_113] : memref<10240x64xf32, #tpu.memory_space<vmem_shared>> -> memref<128x64xf32, #tpu.memory_space<vmem_shared>>
      %dma_wait3A_115 = arith.constant 0 : i32
      %dma_wait3A_116 = tpu.memref_slice %arg12[%add3A_94, %dma_wait3A_115] : memref<10240x64xf32, #tpu.memory_space<vmem_shared>> -> memref<128x64xf32, #tpu.memory_space<vmem_shared>>
      tpu.wait_dma2 semaphore(%run_scoped3A : memref<!tpu.dma_semaphore, #tpu.memory_space<semaphore_mem>>) src(%dma_wait3A_116 : memref<128x64xf32, #tpu.memory_space<vmem_shared>>) dst(%arg11 : memref<128x64xf32, #tpu.memory_space<vmem>>)
      tpu.yield
    }) : () -> ()
    %add3A_95 = arith.constant 128 : i32
    %add3A_96 = arith.addi %mul3A_2, %add3A_95 : i32
    "tpu.region"() ({
      %run_scoped3A = tpu.sem_alloc : memref<!tpu.dma_semaphore, #tpu.memory_space<semaphore_mem>>
      %dma_start3A_109 = arith.constant 0 : i32
      %dma_start3A_110 = tpu.memref_slice %arg6[%arg0, %add3A_96, %dma_start3A_109] : memref<2x10240x64xf32, #tpu.memory_space<hbm>> -> memref<1x128x64xf32, #tpu.memory_space<hbm>>
      %dma_start3A_111 = tpu.memref_squeeze %dma_start3A_110 : memref<1x128x64xf32, #tpu.memory_space<hbm>> -> memref<128x64xf32, #tpu.memory_space<hbm>>
      %dma_start3A_112 = arith.constant 0 : i32
      %dma_start3A_113 = tpu.memref_slice %arg6[%arg0, %add3A_96, %dma_start3A_112] : memref<2x10240x64xf32, #tpu.memory_space<hbm>> -> memref<1x128x64xf32, #tpu.memory_space<hbm>>
      %dma_start3A_114 = tpu.memref_squeeze %dma_start3A_113 : memref<1x128x64xf32, #tpu.memory_space<hbm>> -> memref<128x64xf32, #tpu.memory_space<hbm>>
      tpu.enqueue_dma source(%arg11 : memref<128x64xf32, #tpu.memory_space<vmem>>) target(%dma_start3A_114 : memref<128x64xf32, #tpu.memory_space<hbm>>) target_semaphore(%run_scoped3A : memref<!tpu.dma_semaphore, #tpu.memory_space<semaphore_mem>>)
      %dma_wait3A_115 = arith.constant 0 : i32
      %dma_wait3A_116 = tpu.memref_slice %arg6[%arg0, %add3A_96, %dma_wait3A_115] : memref<2x10240x64xf32, #tpu.memory_space<hbm>> -> memref<1x128x64xf32, #tpu.memory_space<hbm>>
      %dma_wait3A_117 = tpu.memref_squeeze %dma_wait3A_116 : memref<1x128x64xf32, #tpu.memory_space<hbm>> -> memref<128x64xf32, #tpu.memory_space<hbm>>
      %dma_wait3A_118 = arith.constant 0 : i32
      %dma_wait3A_119 = tpu.memref_slice %arg6[%arg0, %add3A_96, %dma_wait3A_118] : memref<2x10240x64xf32, #tpu.memory_space<hbm>> -> memref<1x128x64xf32, #tpu.memory_space<hbm>>
      %dma_wait3A_120 = tpu.memref_squeeze %dma_wait3A_119 : memref<1x128x64xf32, #tpu.memory_space<hbm>> -> memref<128x64xf32, #tpu.memory_space<hbm>>
      tpu.wait_dma2 semaphore(%run_scoped3A : memref<!tpu.dma_semaphore, #tpu.memory_space<semaphore_mem>>) src(%arg11 : memref<128x64xf32, #tpu.memory_space<vmem>>) dst(%dma_wait3A_120 : memref<128x64xf32, #tpu.memory_space<hbm>>)
      tpu.yield
    }) : () -> ()
    %add3A_97 = arith.constant 256 : i32
    %add3A_98 = arith.addi %mul3A_2, %add3A_97 : i32
    "tpu.region"() ({
      %run_scoped3A = tpu.sem_alloc : memref<!tpu.dma_semaphore, #tpu.memory_space<semaphore_mem>>
      %dma_start3A_109 = arith.constant 0 : i32
      %dma_start3A_110 = tpu.memref_slice %arg12[%add3A_98, %dma_start3A_109] : memref<10240x64xf32, #tpu.memory_space<vmem_shared>> -> memref<128x64xf32, #tpu.memory_space<vmem_shared>>
      %dma_start3A_111 = arith.constant 0 : i32
      %dma_start3A_112 = tpu.memref_slice %arg12[%add3A_98, %dma_start3A_111] : memref<10240x64xf32, #tpu.memory_space<vmem_shared>> -> memref<128x64xf32, #tpu.memory_space<vmem_shared>>
      tpu.enqueue_dma source(%dma_start3A_112 : memref<128x64xf32, #tpu.memory_space<vmem_shared>>) target(%arg11 : memref<128x64xf32, #tpu.memory_space<vmem>>) target_semaphore(%run_scoped3A : memref<!tpu.dma_semaphore, #tpu.memory_space<semaphore_mem>>)
      %dma_wait3A_113 = arith.constant 0 : i32
      %dma_wait3A_114 = tpu.memref_slice %arg12[%add3A_98, %dma_wait3A_113] : memref<10240x64xf32, #tpu.memory_space<vmem_shared>> -> memref<128x64xf32, #tpu.memory_space<vmem_shared>>
      %dma_wait3A_115 = arith.constant 0 : i32
      %dma_wait3A_116 = tpu.memref_slice %arg12[%add3A_98, %dma_wait3A_115] : memref<10240x64xf32, #tpu.memory_space<vmem_shared>> -> memref<128x64xf32, #tpu.memory_space<vmem_shared>>
      tpu.wait_dma2 semaphore(%run_scoped3A : memref<!tpu.dma_semaphore, #tpu.memory_space<semaphore_mem>>) src(%dma_wait3A_116 : memref<128x64xf32, #tpu.memory_space<vmem_shared>>) dst(%arg11 : memref<128x64xf32, #tpu.memory_space<vmem>>)
      tpu.yield
    }) : () -> ()
    %add3A_99 = arith.constant 256 : i32
    %add3A_100 = arith.addi %mul3A_2, %add3A_99 : i32
    "tpu.region"() ({
      %run_scoped3A = tpu.sem_alloc : memref<!tpu.dma_semaphore, #tpu.memory_space<semaphore_mem>>
      %dma_start3A_109 = arith.constant 0 : i32
      %dma_start3A_110 = tpu.memref_slice %arg6[%arg0, %add3A_100, %dma_start3A_109] : memref<2x10240x64xf32, #tpu.memory_space<hbm>> -> memref<1x128x64xf32, #tpu.memory_space<hbm>>
      %dma_start3A_111 = tpu.memref_squeeze %dma_start3A_110 : memref<1x128x64xf32, #tpu.memory_space<hbm>> -> memref<128x64xf32, #tpu.memory_space<hbm>>
      %dma_start3A_112 = arith.constant 0 : i32
      %dma_start3A_113 = tpu.memref_slice %arg6[%arg0, %add3A_100, %dma_start3A_112] : memref<2x10240x64xf32, #tpu.memory_space<hbm>> -> memref<1x128x64xf32, #tpu.memory_space<hbm>>
      %dma_start3A_114 = tpu.memref_squeeze %dma_start3A_113 : memref<1x128x64xf32, #tpu.memory_space<hbm>> -> memref<128x64xf32, #tpu.memory_space<hbm>>
      tpu.enqueue_dma source(%arg11 : memref<128x64xf32, #tpu.memory_space<vmem>>) target(%dma_start3A_114 : memref<128x64xf32, #tpu.memory_space<hbm>>) target_semaphore(%run_scoped3A : memref<!tpu.dma_semaphore, #tpu.memory_space<semaphore_mem>>)
      %dma_wait3A_115 = arith.constant 0 : i32
      %dma_wait3A_116 = tpu.memref_slice %arg6[%arg0, %add3A_100, %dma_wait3A_115] : memref<2x10240x64xf32, #tpu.memory_space<hbm>> -> memref<1x128x64xf32, #tpu.memory_space<hbm>>
      %dma_wait3A_117 = tpu.memref_squeeze %dma_wait3A_116 : memref<1x128x64xf32, #tpu.memory_space<hbm>> -> memref<128x64xf32, #tpu.memory_space<hbm>>
      %dma_wait3A_118 = arith.constant 0 : i32
      %dma_wait3A_119 = tpu.memref_slice %arg6[%arg0, %add3A_100, %dma_wait3A_118] : memref<2x10240x64xf32, #tpu.memory_space<hbm>> -> memref<1x128x64xf32, #tpu.memory_space<hbm>>
      %dma_wait3A_120 = tpu.memref_squeeze %dma_wait3A_119 : memref<1x128x64xf32, #tpu.memory_space<hbm>> -> memref<128x64xf32, #tpu.memory_space<hbm>>
      tpu.wait_dma2 semaphore(%run_scoped3A : memref<!tpu.dma_semaphore, #tpu.memory_space<semaphore_mem>>) src(%arg11 : memref<128x64xf32, #tpu.memory_space<vmem>>) dst(%dma_wait3A_120 : memref<128x64xf32, #tpu.memory_space<hbm>>)
      tpu.yield
    }) : () -> ()
    %add3A_101 = arith.constant 384 : i32
    %add3A_102 = arith.addi %mul3A_2, %add3A_101 : i32
    "tpu.region"() ({
      %run_scoped3A = tpu.sem_alloc : memref<!tpu.dma_semaphore, #tpu.memory_space<semaphore_mem>>
      %dma_start3A_109 = arith.constant 0 : i32
      %dma_start3A_110 = tpu.memref_slice %arg12[%add3A_102, %dma_start3A_109] : memref<10240x64xf32, #tpu.memory_space<vmem_shared>> -> memref<128x64xf32, #tpu.memory_space<vmem_shared>>
      %dma_start3A_111 = arith.constant 0 : i32
      %dma_start3A_112 = tpu.memref_slice %arg12[%add3A_102, %dma_start3A_111] : memref<10240x64xf32, #tpu.memory_space<vmem_shared>> -> memref<128x64xf32, #tpu.memory_space<vmem_shared>>
      tpu.enqueue_dma source(%dma_start3A_112 : memref<128x64xf32, #tpu.memory_space<vmem_shared>>) target(%arg11 : memref<128x64xf32, #tpu.memory_space<vmem>>) target_semaphore(%run_scoped3A : memref<!tpu.dma_semaphore, #tpu.memory_space<semaphore_mem>>)
      %dma_wait3A_113 = arith.constant 0 : i32
      %dma_wait3A_114 = tpu.memref_slice %arg12[%add3A_102, %dma_wait3A_113] : memref<10240x64xf32, #tpu.memory_space<vmem_shared>> -> memref<128x64xf32, #tpu.memory_space<vmem_shared>>
      %dma_wait3A_115 = arith.constant 0 : i32
      %dma_wait3A_116 = tpu.memref_slice %arg12[%add3A_102, %dma_wait3A_115] : memref<10240x64xf32, #tpu.memory_space<vmem_shared>> -> memref<128x64xf32, #tpu.memory_space<vmem_shared>>
      tpu.wait_dma2 semaphore(%run_scoped3A : memref<!tpu.dma_semaphore, #tpu.memory_space<semaphore_mem>>) src(%dma_wait3A_116 : memref<128x64xf32, #tpu.memory_space<vmem_shared>>) dst(%arg11 : memref<128x64xf32, #tpu.memory_space<vmem>>)
      tpu.yield
    }) : () -> ()
    %add3A_103 = arith.constant 384 : i32
    %add3A_104 = arith.addi %mul3A_2, %add3A_103 : i32
    "tpu.region"() ({
      %run_scoped3A = tpu.sem_alloc : memref<!tpu.dma_semaphore, #tpu.memory_space<semaphore_mem>>
      %dma_start3A_109 = arith.constant 0 : i32
      %dma_start3A_110 = tpu.memref_slice %arg6[%arg0, %add3A_104, %dma_start3A_109] : memref<2x10240x64xf32, #tpu.memory_space<hbm>> -> memref<1x128x64xf32, #tpu.memory_space<hbm>>
      %dma_start3A_111 = tpu.memref_squeeze %dma_start3A_110 : memref<1x128x64xf32, #tpu.memory_space<hbm>> -> memref<128x64xf32, #tpu.memory_space<hbm>>
      %dma_start3A_112 = arith.constant 0 : i32
      %dma_start3A_113 = tpu.memref_slice %arg6[%arg0, %add3A_104, %dma_start3A_112] : memref<2x10240x64xf32, #tpu.memory_space<hbm>> -> memref<1x128x64xf32, #tpu.memory_space<hbm>>
      %dma_start3A_114 = tpu.memref_squeeze %dma_start3A_113 : memref<1x128x64xf32, #tpu.memory_space<hbm>> -> memref<128x64xf32, #tpu.memory_space<hbm>>
      tpu.enqueue_dma source(%arg11 : memref<128x64xf32, #tpu.memory_space<vmem>>) target(%dma_start3A_114 : memref<128x64xf32, #tpu.memory_space<hbm>>) target_semaphore(%run_scoped3A : memref<!tpu.dma_semaphore, #tpu.memory_space<semaphore_mem>>)
      %dma_wait3A_115 = arith.constant 0 : i32
      %dma_wait3A_116 = tpu.memref_slice %arg6[%arg0, %add3A_104, %dma_wait3A_115] : memref<2x10240x64xf32, #tpu.memory_space<hbm>> -> memref<1x128x64xf32, #tpu.memory_space<hbm>>
      %dma_wait3A_117 = tpu.memref_squeeze %dma_wait3A_116 : memref<1x128x64xf32, #tpu.memory_space<hbm>> -> memref<128x64xf32, #tpu.memory_space<hbm>>
      %dma_wait3A_118 = arith.constant 0 : i32
      %dma_wait3A_119 = tpu.memref_slice %arg6[%arg0, %add3A_104, %dma_wait3A_118] : memref<2x10240x64xf32, #tpu.memory_space<hbm>> -> memref<1x128x64xf32, #tpu.memory_space<hbm>>
      %dma_wait3A_120 = tpu.memref_squeeze %dma_wait3A_119 : memref<1x128x64xf32, #tpu.memory_space<hbm>> -> memref<128x64xf32, #tpu.memory_space<hbm>>
      tpu.wait_dma2 semaphore(%run_scoped3A : memref<!tpu.dma_semaphore, #tpu.memory_space<semaphore_mem>>) src(%arg11 : memref<128x64xf32, #tpu.memory_space<vmem>>) dst(%dma_wait3A_120 : memref<128x64xf32, #tpu.memory_space<hbm>>)
      tpu.yield
    }) : () -> ()
    %add3A_105 = arith.constant 512 : i32
    %add3A_106 = arith.addi %mul3A_2, %add3A_105 : i32
    "tpu.region"() ({
      %run_scoped3A = tpu.sem_alloc : memref<!tpu.dma_semaphore, #tpu.memory_space<semaphore_mem>>
      %dma_start3A_109 = arith.constant 0 : i32
      %dma_start3A_110 = tpu.memref_slice %arg12[%add3A_106, %dma_start3A_109] : memref<10240x64xf32, #tpu.memory_space<vmem_shared>> -> memref<128x64xf32, #tpu.memory_space<vmem_shared>>
      %dma_start3A_111 = arith.constant 0 : i32
      %dma_start3A_112 = tpu.memref_slice %arg12[%add3A_106, %dma_start3A_111] : memref<10240x64xf32, #tpu.memory_space<vmem_shared>> -> memref<128x64xf32, #tpu.memory_space<vmem_shared>>
      tpu.enqueue_dma source(%dma_start3A_112 : memref<128x64xf32, #tpu.memory_space<vmem_shared>>) target(%arg11 : memref<128x64xf32, #tpu.memory_space<vmem>>) target_semaphore(%run_scoped3A : memref<!tpu.dma_semaphore, #tpu.memory_space<semaphore_mem>>)
      %dma_wait3A_113 = arith.constant 0 : i32
      %dma_wait3A_114 = tpu.memref_slice %arg12[%add3A_106, %dma_wait3A_113] : memref<10240x64xf32, #tpu.memory_space<vmem_shared>> -> memref<128x64xf32, #tpu.memory_space<vmem_shared>>
      %dma_wait3A_115 = arith.constant 0 : i32
      %dma_wait3A_116 = tpu.memref_slice %arg12[%add3A_106, %dma_wait3A_115] : memref<10240x64xf32, #tpu.memory_space<vmem_shared>> -> memref<128x64xf32, #tpu.memory_space<vmem_shared>>
      tpu.wait_dma2 semaphore(%run_scoped3A : memref<!tpu.dma_semaphore, #tpu.memory_space<semaphore_mem>>) src(%dma_wait3A_116 : memref<128x64xf32, #tpu.memory_space<vmem_shared>>) dst(%arg11 : memref<128x64xf32, #tpu.memory_space<vmem>>)
      tpu.yield
    }) : () -> ()
    %add3A_107 = arith.constant 512 : i32
    %add3A_108 = arith.addi %mul3A_2, %add3A_107 : i32
    "tpu.region"() ({
      %run_scoped3A = tpu.sem_alloc : memref<!tpu.dma_semaphore, #tpu.memory_space<semaphore_mem>>
      %dma_start3A_109 = arith.constant 0 : i32
      %dma_start3A_110 = tpu.memref_slice %arg6[%arg0, %add3A_108, %dma_start3A_109] : memref<2x10240x64xf32, #tpu.memory_space<hbm>> -> memref<1x128x64xf32, #tpu.memory_space<hbm>>
      %dma_start3A_111 = tpu.memref_squeeze %dma_start3A_110 : memref<1x128x64xf32, #tpu.memory_space<hbm>> -> memref<128x64xf32, #tpu.memory_space<hbm>>
      %dma_start3A_112 = arith.constant 0 : i32
      %dma_start3A_113 = tpu.memref_slice %arg6[%arg0, %add3A_108, %dma_start3A_112] : memref<2x10240x64xf32, #tpu.memory_space<hbm>> -> memref<1x128x64xf32, #tpu.memory_space<hbm>>
      %dma_start3A_114 = tpu.memref_squeeze %dma_start3A_113 : memref<1x128x64xf32, #tpu.memory_space<hbm>> -> memref<128x64xf32, #tpu.memory_space<hbm>>
      tpu.enqueue_dma source(%arg11 : memref<128x64xf32, #tpu.memory_space<vmem>>) target(%dma_start3A_114 : memref<128x64xf32, #tpu.memory_space<hbm>>) target_semaphore(%run_scoped3A : memref<!tpu.dma_semaphore, #tpu.memory_space<semaphore_mem>>)
      %dma_wait3A_115 = arith.constant 0 : i32
      %dma_wait3A_116 = tpu.memref_slice %arg6[%arg0, %add3A_108, %dma_wait3A_115] : memref<2x10240x64xf32, #tpu.memory_space<hbm>> -> memref<1x128x64xf32, #tpu.memory_space<hbm>>
      %dma_wait3A_117 = tpu.memref_squeeze %dma_wait3A_116 : memref<1x128x64xf32, #tpu.memory_space<hbm>> -> memref<128x64xf32, #tpu.memory_space<hbm>>
      %dma_wait3A_118 = arith.constant 0 : i32
      %dma_wait3A_119 = tpu.memref_slice %arg6[%arg0, %add3A_108, %dma_wait3A_118] : memref<2x10240x64xf32, #tpu.memory_space<hbm>> -> memref<1x128x64xf32, #tpu.memory_space<hbm>>
      %dma_wait3A_120 = tpu.memref_squeeze %dma_wait3A_119 : memref<1x128x64xf32, #tpu.memory_space<hbm>> -> memref<128x64xf32, #tpu.memory_space<hbm>>
      tpu.wait_dma2 semaphore(%run_scoped3A : memref<!tpu.dma_semaphore, #tpu.memory_space<semaphore_mem>>) src(%arg11 : memref<128x64xf32, #tpu.memory_space<vmem>>) dst(%dma_wait3A_120 : memref<128x64xf32, #tpu.memory_space<hbm>>)
      tpu.yield
    }) : () -> ()
    return
  }
}

#map = affine_map<(d0, d1) -> (0, 0)>
#map1 = affine_map<(d0, d1) -> (0, 0, 0)>
module attributes {stable_mosaic.version = 14 : i64} {
  func.func @spmm_kernel(%arg0: i32, %arg1: i32, %arg2: memref<10240x64xf32, #tpu.memory_space<hbm>>, %arg3: memref<2560x128xi32, #tpu.memory_space<hbm>>, %arg4: memref<2560x128xi32, #tpu.memory_space<hbm>>, %arg5: memref<2560x128xf32, #tpu.memory_space<hbm>>, %arg6: memref<2x10240x64xf32, #tpu.memory_space<hbm>>, %arg7: memref<80x128xi32, #tpu.memory_space<vmem>>, %arg8: memref<80x128xi32, #tpu.memory_space<vmem>>, %arg9: memref<80x128xf32, #tpu.memory_space<vmem>>, %arg10: memref<3x128x64xf32, #tpu.memory_space<vmem>>, %arg11: memref<128x64xf32, #tpu.memory_space<vmem>>, %arg12: memref<10240x64xf32, #tpu.memory_space<vmem_shared>>, %arg13: memref<!tpu.dma_semaphore, #tpu.memory_space<semaphore_mem>>, %arg14: memref<!tpu.dma_semaphore, #tpu.memory_space<semaphore_mem>>, %arg15: memref<!tpu.dma_semaphore, #tpu.memory_space<semaphore_mem>>) attributes {dimension_semantics = [#tpu.dimension_semantics<core_parallel>, #tpu.dimension_semantics<subcore_parallel>], iteration_bounds = array<i64: 2, 16>, scalar_prefetch = 0 : i64, scratch_operands = 9 : i64, tpu.core_type = #tpu.core_type<sc_vector_subcore>, window_params = [{transform_indices = #map}, {transform_indices = #map}, {transform_indices = #map}, {transform_indices = #map}, {transform_indices = #map1}]} {
    %mul3A = arith.constant 16 : i32
    %mul3A_0 = arith.muli %arg0, %mul3A : i32
    %add3A = arith.addi %mul3A_0, %arg1 : i32
    %mul3A_1 = arith.constant 640 : i32
    %mul3A_2 = arith.muli %arg1, %mul3A_1 : i32
    %mul3A_3 = arith.constant 80 : i32
    %mul3A_4 = arith.muli %add3A, %mul3A_3 : i32
    %dma_start3A = arith.constant 0 : i32
    %dma_start3A_5 = tpu.memref_slice %arg3[%mul3A_4, %dma_start3A] : memref<2560x128xi32, #tpu.memory_space<hbm>> -> memref<80x128xi32, #tpu.memory_space<hbm>>
    %dma_start3A_6 = arith.constant 0 : i32
    %dma_start3A_7 = tpu.memref_slice %arg3[%mul3A_4, %dma_start3A_6] : memref<2560x128xi32, #tpu.memory_space<hbm>> -> memref<80x128xi32, #tpu.memory_space<hbm>>
    tpu.enqueue_dma source(%dma_start3A_7 : memref<80x128xi32, #tpu.memory_space<hbm>>) target(%arg7 : memref<80x128xi32, #tpu.memory_space<vmem>>) target_semaphore(%arg13 : memref<!tpu.dma_semaphore, #tpu.memory_space<semaphore_mem>>)
    %mul3A_8 = arith.constant 80 : i32
    %mul3A_9 = arith.muli %add3A, %mul3A_8 : i32
    %dma_start3A_10 = arith.constant 0 : i32
    %dma_start3A_11 = tpu.memref_slice %arg4[%mul3A_9, %dma_start3A_10] : memref<2560x128xi32, #tpu.memory_space<hbm>> -> memref<80x128xi32, #tpu.memory_space<hbm>>
    %dma_start3A_12 = arith.constant 0 : i32
    %dma_start3A_13 = tpu.memref_slice %arg4[%mul3A_9, %dma_start3A_12] : memref<2560x128xi32, #tpu.memory_space<hbm>> -> memref<80x128xi32, #tpu.memory_space<hbm>>
    tpu.enqueue_dma source(%dma_start3A_13 : memref<80x128xi32, #tpu.memory_space<hbm>>) target(%arg8 : memref<80x128xi32, #tpu.memory_space<vmem>>) target_semaphore(%arg13 : memref<!tpu.dma_semaphore, #tpu.memory_space<semaphore_mem>>)
    %mul3A_14 = arith.constant 80 : i32
    %mul3A_15 = arith.muli %add3A, %mul3A_14 : i32
    %dma_start3A_16 = arith.constant 0 : i32
    %dma_start3A_17 = tpu.memref_slice %arg5[%mul3A_15, %dma_start3A_16] : memref<2560x128xf32, #tpu.memory_space<hbm>> -> memref<80x128xf32, #tpu.memory_space<hbm>>
    %dma_start3A_18 = arith.constant 0 : i32
    %dma_start3A_19 = tpu.memref_slice %arg5[%mul3A_15, %dma_start3A_18] : memref<2560x128xf32, #tpu.memory_space<hbm>> -> memref<80x128xf32, #tpu.memory_space<hbm>>
    tpu.enqueue_dma source(%dma_start3A_19 : memref<80x128xf32, #tpu.memory_space<hbm>>) target(%arg9 : memref<80x128xf32, #tpu.memory_space<vmem>>) target_semaphore(%arg13 : memref<!tpu.dma_semaphore, #tpu.memory_space<semaphore_mem>>)
    %broadcast_in_dim3A = arith.constant 0.000000e+00 : f32
    %broadcast_in_dim3A_20 = vector.broadcast %broadcast_in_dim3A : f32 to vector<16xf32>
    %scan3A = arith.constant 0 : i32
    %scan3A_21 = arith.constant 128 : i32
    %scan3A_22 = arith.addi %scan3A, %scan3A_21 : i32
    %scan3A_23 = arith.constant 1 : i32
    scf.for %scan3A_109 = %scan3A to %scan3A_22 step %scan3A_23  : i32 {
      %mul3A_110 = arith.constant 1 : i32
      %mul3A_111 = arith.muli %scan3A_109, %mul3A_110 : i32
      %add3A_112 = arith.constant 0 : i32
      %add3A_113 = arith.addi %add3A_112, %mul3A_111 : i32
      %swap3A = arith.index_cast %add3A_113 : i32 to index
      %swap3A_114 = arith.constant 0 : index
      %swap3A_115 = tpu.vector_load %arg11[%swap3A, %swap3A_114] {strides = array<i32>} : memref<128x64xf32, #tpu.memory_space<vmem>>, vector<1x16xf32>,
      %swap3A_116 = vector.shape_cast %swap3A_115 : vector<1x16xf32> to vector<16xf32>
      %swap3A_117 = vector.shape_cast %broadcast_in_dim3A_20 : vector<16xf32> to vector<1x16xf32>
      tpu.vector_store %arg11[%swap3A, %swap3A_114], %swap3A_117 {strides = array<i32>} : memref<128x64xf32, #tpu.memory_space<vmem>>, vector<1x16xf32>,
      %swap3A_118 = arith.index_cast %add3A_113 : i32 to index
      %swap3A_119 = arith.constant 16 : index
      %swap3A_120 = tpu.vector_load %arg11[%swap3A_118, %swap3A_119] {strides = array<i32>} : memref<128x64xf32, #tpu.memory_space<vmem>>, vector<1x16xf32>,
      %swap3A_121 = vector.shape_cast %swap3A_120 : vector<1x16xf32> to vector<16xf32>
      %swap3A_122 = vector.shape_cast %broadcast_in_dim3A_20 : vector<16xf32> to vector<1x16xf32>
      tpu.vector_store %arg11[%swap3A_118, %swap3A_119], %swap3A_122 {strides = array<i32>} : memref<128x64xf32, #tpu.memory_space<vmem>>, vector<1x16xf32>,
      %swap3A_123 = arith.index_cast %add3A_113 : i32 to index
      %swap3A_124 = arith.constant 32 : index
      %swap3A_125 = tpu.vector_load %arg11[%swap3A_123, %swap3A_124] {strides = array<i32>} : memref<128x64xf32, #tpu.memory_space<vmem>>, vector<1x16xf32>,
      %swap3A_126 = vector.shape_cast %swap3A_125 : vector<1x16xf32> to vector<16xf32>
      %swap3A_127 = vector.shape_cast %broadcast_in_dim3A_20 : vector<16xf32> to vector<1x16xf32>
      tpu.vector_store %arg11[%swap3A_123, %swap3A_124], %swap3A_127 {strides = array<i32>} : memref<128x64xf32, #tpu.memory_space<vmem>>, vector<1x16xf32>,
      %swap3A_128 = arith.index_cast %add3A_113 : i32 to index
      %swap3A_129 = arith.constant 48 : index
      %swap3A_130 = tpu.vector_load %arg11[%swap3A_128, %swap3A_129] {strides = array<i32>} : memref<128x64xf32, #tpu.memory_space<vmem>>, vector<1x16xf32>,
      %swap3A_131 = vector.shape_cast %swap3A_130 : vector<1x16xf32> to vector<16xf32>
      %swap3A_132 = vector.shape_cast %broadcast_in_dim3A_20 : vector<16xf32> to vector<1x16xf32>
      tpu.vector_store %arg11[%swap3A_128, %swap3A_129], %swap3A_132 {strides = array<i32>} : memref<128x64xf32, #tpu.memory_space<vmem>>, vector<1x16xf32>,
    }
    %scan3A_24 = arith.constant 128 : i32
    %add3A_25 = arith.constant 0 : i32
    %add3A_26 = arith.addi %mul3A_2, %add3A_25 : i32
    "tpu.region"() ({
      %run_scoped3A = tpu.sem_alloc : memref<!tpu.dma_semaphore, #tpu.memory_space<semaphore_mem>>
      %dma_start3A_109 = arith.constant 0 : i32
      %dma_start3A_110 = tpu.memref_slice %arg12[%add3A_26, %dma_start3A_109] : memref<10240x64xf32, #tpu.memory_space<vmem_shared>> -> memref<128x64xf32, #tpu.memory_space<vmem_shared>>
      %dma_start3A_111 = arith.constant 0 : i32
      %dma_start3A_112 = tpu.memref_slice %arg12[%add3A_26, %dma_start3A_111] : memref<10240x64xf32, #tpu.memory_space<vmem_shared>> -> memref<128x64xf32, #tpu.memory_space<vmem_shared>>
      tpu.enqueue_dma source(%arg11 : memref<128x64xf32, #tpu.memory_space<vmem>>) target(%dma_start3A_112 : memref<128x64xf32, #tpu.memory_space<vmem_shared>>) target_semaphore(%run_scoped3A : memref<!tpu.dma_semaphore, #tpu.memory_space<semaphore_mem>>)
      %dma_wait3A_113 = arith.constant 0 : i32
      %dma_wait3A_114 = tpu.memref_slice %arg12[%add3A_26, %dma_wait3A_113] : memref<10240x64xf32, #tpu.memory_space<vmem_shared>> -> memref<128x64xf32, #tpu.memory_space<vmem_shared>>
      %dma_wait3A_115 = arith.constant 0 : i32
      %dma_wait3A_116 = tpu.memref_slice %arg12[%add3A_26, %dma_wait3A_115] : memref<10240x64xf32, #tpu.memory_space<vmem_shared>> -> memref<128x64xf32, #tpu.memory_space<vmem_shared>>
      tpu.wait_dma2 semaphore(%run_scoped3A : memref<!tpu.dma_semaphore, #tpu.memory_space<semaphore_mem>>) src(%arg11 : memref<128x64xf32, #tpu.memory_space<vmem>>) dst(%dma_wait3A_116 : memref<128x64xf32, #tpu.memory_space<vmem_shared>>)
      tpu.yield
    }) : () -> ()
    %add3A_27 = arith.constant 128 : i32
    %add3A_28 = arith.addi %mul3A_2, %add3A_27 : i32
    "tpu.region"() ({
      %run_scoped3A = tpu.sem_alloc : memref<!tpu.dma_semaphore, #tpu.memory_space<semaphore_mem>>
      %dma_start3A_109 = arith.constant 0 : i32
      %dma_start3A_110 = tpu.memref_slice %arg12[%add3A_28, %dma_start3A_109] : memref<10240x64xf32, #tpu.memory_space<vmem_shared>> -> memref<128x64xf32, #tpu.memory_space<vmem_shared>>
      %dma_start3A_111 = arith.constant 0 : i32
      %dma_start3A_112 = tpu.memref_slice %arg12[%add3A_28, %dma_start3A_111] : memref<10240x64xf32, #tpu.memory_space<vmem_shared>> -> memref<128x64xf32, #tpu.memory_space<vmem_shared>>
      tpu.enqueue_dma source(%arg11 : memref<128x64xf32, #tpu.memory_space<vmem>>) target(%dma_start3A_112 : memref<128x64xf32, #tpu.memory_space<vmem_shared>>) target_semaphore(%run_scoped3A : memref<!tpu.dma_semaphore, #tpu.memory_space<semaphore_mem>>)
      %dma_wait3A_113 = arith.constant 0 : i32
      %dma_wait3A_114 = tpu.memref_slice %arg12[%add3A_28, %dma_wait3A_113] : memref<10240x64xf32, #tpu.memory_space<vmem_shared>> -> memref<128x64xf32, #tpu.memory_space<vmem_shared>>
      %dma_wait3A_115 = arith.constant 0 : i32
      %dma_wait3A_116 = tpu.memref_slice %arg12[%add3A_28, %dma_wait3A_115] : memref<10240x64xf32, #tpu.memory_space<vmem_shared>> -> memref<128x64xf32, #tpu.memory_space<vmem_shared>>
      tpu.wait_dma2 semaphore(%run_scoped3A : memref<!tpu.dma_semaphore, #tpu.memory_space<semaphore_mem>>) src(%arg11 : memref<128x64xf32, #tpu.memory_space<vmem>>) dst(%dma_wait3A_116 : memref<128x64xf32, #tpu.memory_space<vmem_shared>>)
      tpu.yield
    }) : () -> ()
    %add3A_29 = arith.constant 256 : i32
    %add3A_30 = arith.addi %mul3A_2, %add3A_29 : i32
    "tpu.region"() ({
      %run_scoped3A = tpu.sem_alloc : memref<!tpu.dma_semaphore, #tpu.memory_space<semaphore_mem>>
      %dma_start3A_109 = arith.constant 0 : i32
      %dma_start3A_110 = tpu.memref_slice %arg12[%add3A_30, %dma_start3A_109] : memref<10240x64xf32, #tpu.memory_space<vmem_shared>> -> memref<128x64xf32, #tpu.memory_space<vmem_shared>>
      %dma_start3A_111 = arith.constant 0 : i32
      %dma_start3A_112 = tpu.memref_slice %arg12[%add3A_30, %dma_start3A_111] : memref<10240x64xf32, #tpu.memory_space<vmem_shared>> -> memref<128x64xf32, #tpu.memory_space<vmem_shared>>
      tpu.enqueue_dma source(%arg11 : memref<128x64xf32, #tpu.memory_space<vmem>>) target(%dma_start3A_112 : memref<128x64xf32, #tpu.memory_space<vmem_shared>>) target_semaphore(%run_scoped3A : memref<!tpu.dma_semaphore, #tpu.memory_space<semaphore_mem>>)
      %dma_wait3A_113 = arith.constant 0 : i32
      %dma_wait3A_114 = tpu.memref_slice %arg12[%add3A_30, %dma_wait3A_113] : memref<10240x64xf32, #tpu.memory_space<vmem_shared>> -> memref<128x64xf32, #tpu.memory_space<vmem_shared>>
      %dma_wait3A_115 = arith.constant 0 : i32
      %dma_wait3A_116 = tpu.memref_slice %arg12[%add3A_30, %dma_wait3A_115] : memref<10240x64xf32, #tpu.memory_space<vmem_shared>> -> memref<128x64xf32, #tpu.memory_space<vmem_shared>>
      tpu.wait_dma2 semaphore(%run_scoped3A : memref<!tpu.dma_semaphore, #tpu.memory_space<semaphore_mem>>) src(%arg11 : memref<128x64xf32, #tpu.memory_space<vmem>>) dst(%dma_wait3A_116 : memref<128x64xf32, #tpu.memory_space<vmem_shared>>)
      tpu.yield
    }) : () -> ()
    %add3A_31 = arith.constant 384 : i32
    %add3A_32 = arith.addi %mul3A_2, %add3A_31 : i32
    "tpu.region"() ({
      %run_scoped3A = tpu.sem_alloc : memref<!tpu.dma_semaphore, #tpu.memory_space<semaphore_mem>>
      %dma_start3A_109 = arith.constant 0 : i32
      %dma_start3A_110 = tpu.memref_slice %arg12[%add3A_32, %dma_start3A_109] : memref<10240x64xf32, #tpu.memory_space<vmem_shared>> -> memref<128x64xf32, #tpu.memory_space<vmem_shared>>
      %dma_start3A_111 = arith.constant 0 : i32
      %dma_start3A_112 = tpu.memref_slice %arg12[%add3A_32, %dma_start3A_111] : memref<10240x64xf32, #tpu.memory_space<vmem_shared>> -> memref<128x64xf32, #tpu.memory_space<vmem_shared>>
      tpu.enqueue_dma source(%arg11 : memref<128x64xf32, #tpu.memory_space<vmem>>) target(%dma_start3A_112 : memref<128x64xf32, #tpu.memory_space<vmem_shared>>) target_semaphore(%run_scoped3A : memref<!tpu.dma_semaphore, #tpu.memory_space<semaphore_mem>>)
      %dma_wait3A_113 = arith.constant 0 : i32
      %dma_wait3A_114 = tpu.memref_slice %arg12[%add3A_32, %dma_wait3A_113] : memref<10240x64xf32, #tpu.memory_space<vmem_shared>> -> memref<128x64xf32, #tpu.memory_space<vmem_shared>>
      %dma_wait3A_115 = arith.constant 0 : i32
      %dma_wait3A_116 = tpu.memref_slice %arg12[%add3A_32, %dma_wait3A_115] : memref<10240x64xf32, #tpu.memory_space<vmem_shared>> -> memref<128x64xf32, #tpu.memory_space<vmem_shared>>
      tpu.wait_dma2 semaphore(%run_scoped3A : memref<!tpu.dma_semaphore, #tpu.memory_space<semaphore_mem>>) src(%arg11 : memref<128x64xf32, #tpu.memory_space<vmem>>) dst(%dma_wait3A_116 : memref<128x64xf32, #tpu.memory_space<vmem_shared>>)
      tpu.yield
    }) : () -> ()
    %add3A_33 = arith.constant 512 : i32
    %add3A_34 = arith.addi %mul3A_2, %add3A_33 : i32
    "tpu.region"() ({
      %run_scoped3A = tpu.sem_alloc : memref<!tpu.dma_semaphore, #tpu.memory_space<semaphore_mem>>
      %dma_start3A_109 = arith.constant 0 : i32
      %dma_start3A_110 = tpu.memref_slice %arg12[%add3A_34, %dma_start3A_109] : memref<10240x64xf32, #tpu.memory_space<vmem_shared>> -> memref<128x64xf32, #tpu.memory_space<vmem_shared>>
      %dma_start3A_111 = arith.constant 0 : i32
      %dma_start3A_112 = tpu.memref_slice %arg12[%add3A_34, %dma_start3A_111] : memref<10240x64xf32, #tpu.memory_space<vmem_shared>> -> memref<128x64xf32, #tpu.memory_space<vmem_shared>>
      tpu.enqueue_dma source(%arg11 : memref<128x64xf32, #tpu.memory_space<vmem>>) target(%dma_start3A_112 : memref<128x64xf32, #tpu.memory_space<vmem_shared>>) target_semaphore(%run_scoped3A : memref<!tpu.dma_semaphore, #tpu.memory_space<semaphore_mem>>)
      %dma_wait3A_113 = arith.constant 0 : i32
      %dma_wait3A_114 = tpu.memref_slice %arg12[%add3A_34, %dma_wait3A_113] : memref<10240x64xf32, #tpu.memory_space<vmem_shared>> -> memref<128x64xf32, #tpu.memory_space<vmem_shared>>
      %dma_wait3A_115 = arith.constant 0 : i32
      %dma_wait3A_116 = tpu.memref_slice %arg12[%add3A_34, %dma_wait3A_115] : memref<10240x64xf32, #tpu.memory_space<vmem_shared>> -> memref<128x64xf32, #tpu.memory_space<vmem_shared>>
      tpu.wait_dma2 semaphore(%run_scoped3A : memref<!tpu.dma_semaphore, #tpu.memory_space<semaphore_mem>>) src(%arg11 : memref<128x64xf32, #tpu.memory_space<vmem>>) dst(%dma_wait3A_116 : memref<128x64xf32, #tpu.memory_space<vmem_shared>>)
      tpu.yield
    }) : () -> ()
    %dma_wait3A = arith.constant 0 : i32
    %dma_wait3A_35 = tpu.memref_slice %arg3[%mul3A_4, %dma_wait3A] : memref<2560x128xi32, #tpu.memory_space<hbm>> -> memref<80x128xi32, #tpu.memory_space<hbm>>
    %dma_wait3A_36 = arith.constant 0 : i32
    %dma_wait3A_37 = tpu.memref_slice %arg3[%mul3A_4, %dma_wait3A_36] : memref<2560x128xi32, #tpu.memory_space<hbm>> -> memref<80x128xi32, #tpu.memory_space<hbm>>
    tpu.wait_dma2 semaphore(%arg13 : memref<!tpu.dma_semaphore, #tpu.memory_space<semaphore_mem>>) src(%dma_wait3A_37 : memref<80x128xi32, #tpu.memory_space<hbm>>) dst(%arg7 : memref<80x128xi32, #tpu.memory_space<vmem>>)
    %dma_wait3A_38 = arith.constant 0 : i32
    %dma_wait3A_39 = tpu.memref_slice %arg4[%mul3A_9, %dma_wait3A_38] : memref<2560x128xi32, #tpu.memory_space<hbm>> -> memref<80x128xi32, #tpu.memory_space<hbm>>
    %dma_wait3A_40 = arith.constant 0 : i32
    %dma_wait3A_41 = tpu.memref_slice %arg4[%mul3A_9, %dma_wait3A_40] : memref<2560x128xi32, #tpu.memory_space<hbm>> -> memref<80x128xi32, #tpu.memory_space<hbm>>
    tpu.wait_dma2 semaphore(%arg13 : memref<!tpu.dma_semaphore, #tpu.memory_space<semaphore_mem>>) src(%dma_wait3A_41 : memref<80x128xi32, #tpu.memory_space<hbm>>) dst(%arg8 : memref<80x128xi32, #tpu.memory_space<vmem>>)
    %dma_wait3A_42 = arith.constant 0 : i32
    %dma_wait3A_43 = tpu.memref_slice %arg5[%mul3A_15, %dma_wait3A_42] : memref<2560x128xf32, #tpu.memory_space<hbm>> -> memref<80x128xf32, #tpu.memory_space<hbm>>
    %dma_wait3A_44 = arith.constant 0 : i32
    %dma_wait3A_45 = tpu.memref_slice %arg5[%mul3A_15, %dma_wait3A_44] : memref<2560x128xf32, #tpu.memory_space<hbm>> -> memref<80x128xf32, #tpu.memory_space<hbm>>
    tpu.wait_dma2 semaphore(%arg13 : memref<!tpu.dma_semaphore, #tpu.memory_space<semaphore_mem>>) src(%dma_wait3A_45 : memref<80x128xf32, #tpu.memory_space<hbm>>) dst(%arg9 : memref<80x128xf32, #tpu.memory_space<vmem>>)
    %barrier3A = arith.constant 0 : index
    tpu.barrier barrier_id(%barrier3A)
    %dma_start3A_46 = arith.constant 0 : i32
    %dma_start3A_47 = arith.constant 0 : i32
    %dma_start3A_48 = arith.constant 0 : i32
    %dma_start3A_49 = arith.constant 0 : i32
    %dma_start3A_50 = tpu.memref_slice %arg10[%dma_start3A_47, %dma_start3A_48, %dma_start3A_49] : memref<3x128x64xf32, #tpu.memory_space<vmem>> -> memref<1x128x64xf32, #tpu.memory_space<vmem>>
    %dma_start3A_51 = tpu.memref_squeeze %dma_start3A_50 : memref<1x128x64xf32, #tpu.memory_space<vmem>> -> memref<128x64xf32, #tpu.memory_space<vmem>>
    %dma_start3A_52 = arith.constant 0 : i32
    %dma_start3A_53 = tpu.memref_slice %arg7[%dma_start3A_46, %dma_start3A_52] : memref<80x128xi32, #tpu.memory_space<vmem>> -> memref<1x128xi32, #tpu.memory_space<vmem>>
    %dma_start3A_54 = tpu.memref_squeeze %dma_start3A_53 : memref<1x128xi32, #tpu.memory_space<vmem>> -> memref<128xi32, #tpu.memory_space<vmem>>
    %dma_start3A_55 = arith.constant 0 : i32
    %dma_start3A_56 = arith.constant 0 : i32
    %dma_start3A_57 = tpu.memref_slice %arg2[%dma_start3A_55, %dma_start3A_56] : memref<10240x64xf32, #tpu.memory_space<hbm>> -> memref<10240x64xf32, #tpu.memory_space<hbm>>
    tpu.enqueue_indirect_dma source(%dma_start3A_57 : memref<10240x64xf32, #tpu.memory_space<hbm>>) target(%dma_start3A_51 : memref<128x64xf32, #tpu.memory_space<vmem>>) offsets(%dma_start3A_54 : memref<128xi32, #tpu.memory_space<vmem>>) semaphore(%arg14 : memref<!tpu.dma_semaphore, #tpu.memory_space<semaphore_mem>>)
    %dma_start3A_58 = arith.constant 1 : i32
    %dma_start3A_59 = arith.constant 1 : i32
    %dma_start3A_60 = arith.constant 0 : i32
    %dma_start3A_61 = arith.constant 0 : i32
    %dma_start3A_62 = tpu.memref_slice %arg10[%dma_start3A_59, %dma_start3A_60, %dma_start3A_61] : memref<3x128x64xf32, #tpu.memory_space<vmem>> -> memref<1x128x64xf32, #tpu.memory_space<vmem>>
    %dma_start3A_63 = tpu.memref_squeeze %dma_start3A_62 : memref<1x128x64xf32, #tpu.memory_space<vmem>> -> memref<128x64xf32, #tpu.memory_space<vmem>>
    %dma_start3A_64 = arith.constant 0 : i32
    %dma_start3A_65 = tpu.memref_slice %arg7[%dma_start3A_58, %dma_start3A_64] : memref<80x128xi32, #tpu.memory_space<vmem>> -> memref<1x128xi32, #tpu.memory_space<vmem>>
    %dma_start3A_66 = tpu.memref_squeeze %dma_start3A_65 : memref<1x128xi32, #tpu.memory_space<vmem>> -> memref<128xi32, #tpu.memory_space<vmem>>
    %dma_start3A_67 = arith.constant 0 : i32
    %dma_start3A_68 = arith.constant 0 : i32
    %dma_start3A_69 = tpu.memref_slice %arg2[%dma_start3A_67, %dma_start3A_68] : memref<10240x64xf32, #tpu.memory_space<hbm>> -> memref<10240x64xf32, #tpu.memory_space<hbm>>
    tpu.enqueue_indirect_dma source(%dma_start3A_69 : memref<10240x64xf32, #tpu.memory_space<hbm>>) target(%dma_start3A_63 : memref<128x64xf32, #tpu.memory_space<vmem>>) offsets(%dma_start3A_66 : memref<128xi32, #tpu.memory_space<vmem>>) semaphore(%arg14 : memref<!tpu.dma_semaphore, #tpu.memory_space<semaphore_mem>>)
    %scan3A_70 = arith.constant 0 : i32
    %scan3A_71 = arith.constant 80 : i32
    %scan3A_72 = arith.addi %scan3A_70, %scan3A_71 : i32
    %scan3A_73 = arith.constant 1 : i32
    scf.for %scan3A_109 = %scan3A_70 to %scan3A_72 step %scan3A_73  : i32 {
      %mul3A_110 = arith.constant 1 : i32
      %mul3A_111 = arith.muli %scan3A_109, %mul3A_110 : i32
      %add3A_112 = arith.constant 0 : i32
      %add3A_113 = arith.addi %add3A_112, %mul3A_111 : i32
      %rem3A_114 = arith.constant 3 : i32
      %rem3A_115 = arith.remsi %add3A_113, %rem3A_114 : i32
      %dma_wait3A_116 = arith.constant 0 : i32
      %dma_wait3A_117 = arith.constant 0 : i32
      %dma_wait3A_118 = tpu.memref_slice %arg10[%rem3A_115, %dma_wait3A_116, %dma_wait3A_117] : memref<3x128x64xf32, #tpu.memory_space<vmem>> -> memref<1x128x64xf32, #tpu.memory_space<vmem>>
      %dma_wait3A_119 = tpu.memref_squeeze %dma_wait3A_118 : memref<1x128x64xf32, #tpu.memory_space<vmem>> -> memref<128x64xf32, #tpu.memory_space<vmem>>
      %dma_wait3A_120 = arith.constant 0 : i32
      %dma_wait3A_121 = tpu.memref_slice %arg7[%add3A_113, %dma_wait3A_120] : memref<80x128xi32, #tpu.memory_space<vmem>> -> memref<1x128xi32, #tpu.memory_space<vmem>>
      %dma_wait3A_122 = tpu.memref_squeeze %dma_wait3A_121 : memref<1x128xi32, #tpu.memory_space<vmem>> -> memref<128xi32, #tpu.memory_space<vmem>>
      %dma_wait3A_123 = arith.constant 0 : i32
      %dma_wait3A_124 = arith.constant 0 : i32
      %dma_wait3A_125 = tpu.memref_slice %arg2[%dma_wait3A_123, %dma_wait3A_124] : memref<10240x64xf32, #tpu.memory_space<hbm>> -> memref<10240x64xf32, #tpu.memory_space<hbm>>
      tpu.wait_indirect_dma semaphore(%arg14 : memref<!tpu.dma_semaphore, #tpu.memory_space<semaphore_mem>>) src(%dma_wait3A_125 : memref<10240x64xf32, #tpu.memory_space<hbm>>) dst(%dma_wait3A_119 : memref<128x64xf32, #tpu.memory_space<vmem>>)
      %scan3A_126 = arith.constant 0 : i32
      %scan3A_127 = arith.constant 8 : i32
      %scan3A_128 = arith.addi %scan3A_126, %scan3A_127 : i32
      %scan3A_129 = arith.constant 1 : i32
      scf.for %scan3A_147 = %scan3A_126 to %scan3A_128 step %scan3A_129  : i32 {
        %mul3A_148 = arith.constant 16 : i32
        %mul3A_149 = arith.muli %scan3A_147, %mul3A_148 : i32
        %add3A_150 = arith.constant 0 : i32
        %add3A_151 = arith.addi %add3A_150, %mul3A_149 : i32
        %get3A = arith.index_cast %add3A_113 : i32 to index
        %get3A_152 = arith.index_cast %add3A_151 : i32 to index
        %get3A_153 = tpu.vector_load %arg9[%get3A, %get3A_152] {strides = array<i32>} : memref<80x128xf32, #tpu.memory_space<vmem>>, vector<1x16xf32>,
        %get3A_154 = vector.shape_cast %get3A_153 : vector<1x16xf32> to vector<16xf32>
        %slice3A = vector.extract_strided_slice %get3A_154 {offsets = [0], sizes = [1], strides = [1]} : vector<16xf32> to vector<1xf32>
        %squeeze3A = vector.extract %slice3A[0] : f32 from vector<1xf32>
        %add3A_155 = arith.constant 0 : i32
        %add3A_156 = arith.addi %add3A_151, %add3A_155 : i32
        %get3A_157 = arith.constant 0 : i32
        %get3A_158 = arith.constant 0 : i32
        %get3A_159 = tpu.memref_slice %arg10[%rem3A_115, %get3A_157, %get3A_158] : memref<3x128x64xf32, #tpu.memory_space<vmem>> -> memref<1x128x64xf32, #tpu.memory_space<vmem>>
        %get3A_160 = tpu.memref_squeeze %get3A_159 : memref<1x128x64xf32, #tpu.memory_space<vmem>> -> memref<128x64xf32, #tpu.memory_space<vmem>>
        %get3A_161 = arith.index_cast %add3A_156 : i32 to index
        %get3A_162 = arith.constant 0 : index
        %get3A_163 = tpu.vector_load %get3A_160[%get3A_161, %get3A_162] {strides = array<i32>} : memref<128x64xf32, #tpu.memory_space<vmem>>, vector<1x16xf32>,
        %get3A_164 = vector.shape_cast %get3A_163 : vector<1x16xf32> to vector<16xf32>
        %mul3A_165 = vector.broadcast %squeeze3A : f32 to vector<16xf32>
        %mul3A_166 = arith.mulf %get3A_164, %mul3A_165 : vector<16xf32>
        %add3A_167 = arith.constant 0 : i32
        %add3A_168 = arith.addi %add3A_151, %add3A_167 : i32
        %swap3A = arith.constant 0 : i32
        %swap3A_169 = arith.constant 0 : i32
        %swap3A_170 = tpu.memref_slice %arg10[%rem3A_115, %swap3A, %swap3A_169] : memref<3x128x64xf32, #tpu.memory_space<vmem>> -> memref<1x128x64xf32, #tpu.memory_space<vmem>>
        %swap3A_171 = tpu.memref_squeeze %swap3A_170 : memref<1x128x64xf32, #tpu.memory_space<vmem>> -> memref<128x64xf32, #tpu.memory_space<vmem>>
        %swap3A_172 = arith.index_cast %add3A_168 : i32 to index
        %swap3A_173 = arith.constant 0 : index
        %swap3A_174 = tpu.vector_load %swap3A_171[%swap3A_172, %swap3A_173] {strides = array<i32>} : memref<128x64xf32, #tpu.memory_space<vmem>>, vector<1x16xf32>,
        %swap3A_175 = vector.shape_cast %swap3A_174 : vector<1x16xf32> to vector<16xf32>
        %swap3A_176 = vector.shape_cast %mul3A_166 : vector<16xf32> to vector<1x16xf32>
        tpu.vector_store %swap3A_171[%swap3A_172, %swap3A_173], %swap3A_176 {strides = array<i32>} : memref<128x64xf32, #tpu.memory_space<vmem>>, vector<1x16xf32>,
        %add3A_177 = arith.constant 0 : i32
        %add3A_178 = arith.addi %add3A_151, %add3A_177 : i32
        %get3A_179 = arith.constant 0 : i32
        %get3A_180 = arith.constant 0 : i32
        %get3A_181 = tpu.memref_slice %arg10[%rem3A_115, %get3A_179, %get3A_180] : memref<3x128x64xf32, #tpu.memory_space<vmem>> -> memref<1x128x64xf32, #tpu.memory_space<vmem>>
        %get3A_182 = tpu.memref_squeeze %get3A_181 : memref<1x128x64xf32, #tpu.memory_space<vmem>> -> memref<128x64xf32, #tpu.memory_space<vmem>>
        %get3A_183 = arith.index_cast %add3A_178 : i32 to index
        %get3A_184 = arith.constant 16 : index
        %get3A_185 = tpu.vector_load %get3A_182[%get3A_183, %get3A_184] {strides = array<i32>} : memref<128x64xf32, #tpu.memory_space<vmem>>, vector<1x16xf32>,
        %get3A_186 = vector.shape_cast %get3A_185 : vector<1x16xf32> to vector<16xf32>
        %mul3A_187 = vector.broadcast %squeeze3A : f32 to vector<16xf32>
        %mul3A_188 = arith.mulf %get3A_186, %mul3A_187 : vector<16xf32>
        %add3A_189 = arith.constant 0 : i32
        %add3A_190 = arith.addi %add3A_151, %add3A_189 : i32
        %swap3A_191 = arith.constant 0 : i32
        %swap3A_192 = arith.constant 0 : i32
        %swap3A_193 = tpu.memref_slice %arg10[%rem3A_115, %swap3A_191, %swap3A_192] : memref<3x128x64xf32, #tpu.memory_space<vmem>> -> memref<1x128x64xf32, #tpu.memory_space<vmem>>
        %swap3A_194 = tpu.memref_squeeze %swap3A_193 : memref<1x128x64xf32, #tpu.memory_space<vmem>> -> memref<128x64xf32, #tpu.memory_space<vmem>>
        %swap3A_195 = arith.index_cast %add3A_190 : i32 to index
        %swap3A_196 = arith.constant 16 : index
        %swap3A_197 = tpu.vector_load %swap3A_194[%swap3A_195, %swap3A_196] {strides = array<i32>} : memref<128x64xf32, #tpu.memory_space<vmem>>, vector<1x16xf32>,
        %swap3A_198 = vector.shape_cast %swap3A_197 : vector<1x16xf32> to vector<16xf32>
        %swap3A_199 = vector.shape_cast %mul3A_188 : vector<16xf32> to vector<1x16xf32>
        tpu.vector_store %swap3A_194[%swap3A_195, %swap3A_196], %swap3A_199 {strides = array<i32>} : memref<128x64xf32, #tpu.memory_space<vmem>>, vector<1x16xf32>,
        %add3A_200 = arith.constant 0 : i32
        %add3A_201 = arith.addi %add3A_151, %add3A_200 : i32
        %get3A_202 = arith.constant 0 : i32
        %get3A_203 = arith.constant 0 : i32
        %get3A_204 = tpu.memref_slice %arg10[%rem3A_115, %get3A_202, %get3A_203] : memref<3x128x64xf32, #tpu.memory_space<vmem>> -> memref<1x128x64xf32, #tpu.memory_space<vmem>>
        %get3A_205 = tpu.memref_squeeze %get3A_204 : memref<1x128x64xf32, #tpu.memory_space<vmem>> -> memref<128x64xf32, #tpu.memory_space<vmem>>
        %get3A_206 = arith.index_cast %add3A_201 : i32 to index
        %get3A_207 = arith.constant 32 : index
        %get3A_208 = tpu.vector_load %get3A_205[%get3A_206, %get3A_207] {strides = array<i32>} : memref<128x64xf32, #tpu.memory_space<vmem>>, vector<1x16xf32>,
        %get3A_209 = vector.shape_cast %get3A_208 : vector<1x16xf32> to vector<16xf32>
        %mul3A_210 = vector.broadcast %squeeze3A : f32 to vector<16xf32>
        %mul3A_211 = arith.mulf %get3A_209, %mul3A_210 : vector<16xf32>
        %add3A_212 = arith.constant 0 : i32
        %add3A_213 = arith.addi %add3A_151, %add3A_212 : i32
        %swap3A_214 = arith.constant 0 : i32
        %swap3A_215 = arith.constant 0 : i32
        %swap3A_216 = tpu.memref_slice %arg10[%rem3A_115, %swap3A_214, %swap3A_215] : memref<3x128x64xf32, #tpu.memory_space<vmem>> -> memref<1x128x64xf32, #tpu.memory_space<vmem>>
        %swap3A_217 = tpu.memref_squeeze %swap3A_216 : memref<1x128x64xf32, #tpu.memory_space<vmem>> -> memref<128x64xf32, #tpu.memory_space<vmem>>
        %swap3A_218 = arith.index_cast %add3A_213 : i32 to index
        %swap3A_219 = arith.constant 32 : index
        %swap3A_220 = tpu.vector_load %swap3A_217[%swap3A_218, %swap3A_219] {strides = array<i32>} : memref<128x64xf32, #tpu.memory_space<vmem>>, vector<1x16xf32>,
        %swap3A_221 = vector.shape_cast %swap3A_220 : vector<1x16xf32> to vector<16xf32>
        %swap3A_222 = vector.shape_cast %mul3A_211 : vector<16xf32> to vector<1x16xf32>
        tpu.vector_store %swap3A_217[%swap3A_218, %swap3A_219], %swap3A_222 {strides = array<i32>} : memref<128x64xf32, #tpu.memory_space<vmem>>, vector<1x16xf32>,
        %add3A_223 = arith.constant 0 : i32
        %add3A_224 = arith.addi %add3A_151, %add3A_223 : i32
        %get3A_225 = arith.constant 0 : i32
        %get3A_226 = arith.constant 0 : i32
        %get3A_227 = tpu.memref_slice %arg10[%rem3A_115, %get3A_225, %get3A_226] : memref<3x128x64xf32, #tpu.memory_space<vmem>> -> memref<1x128x64xf32, #tpu.memory_space<vmem>>
        %get3A_228 = tpu.memref_squeeze %get3A_227 : memref<1x128x64xf32, #tpu.memory_space<vmem>> -> memref<128x64xf32, #tpu.memory_space<vmem>>
        %get3A_229 = arith.index_cast %add3A_224 : i32 to index
        %get3A_230 = arith.constant 48 : index
        %get3A_231 = tpu.vector_load %get3A_228[%get3A_229, %get3A_230] {strides = array<i32>} : memref<128x64xf32, #tpu.memory_space<vmem>>, vector<1x16xf32>,
        %get3A_232 = vector.shape_cast %get3A_231 : vector<1x16xf32> to vector<16xf32>
        %mul3A_233 = vector.broadcast %squeeze3A : f32 to vector<16xf32>
        %mul3A_234 = arith.mulf %get3A_232, %mul3A_233 : vector<16xf32>
        %add3A_235 = arith.constant 0 : i32
        %add3A_236 = arith.addi %add3A_151, %add3A_235 : i32
        %swap3A_237 = arith.constant 0 : i32
        %swap3A_238 = arith.constant 0 : i32
        %swap3A_239 = tpu.memref_slice %arg10[%rem3A_115, %swap3A_237, %swap3A_238] : memref<3x128x64xf32, #tpu.memory_space<vmem>> -> memref<1x128x64xf32, #tpu.memory_space<vmem>>
        %swap3A_240 = tpu.memref_squeeze %swap3A_239 : memref<1x128x64xf32, #tpu.memory_space<vmem>> -> memref<128x64xf32, #tpu.memory_space<vmem>>
        %swap3A_241 = arith.index_cast %add3A_236 : i32 to index
        %swap3A_242 = arith.constant 48 : index
        %swap3A_243 = tpu.vector_load %swap3A_240[%swap3A_241, %swap3A_242] {strides = array<i32>} : memref<128x64xf32, #tpu.memory_space<vmem>>, vector<1x16xf32>,
        %swap3A_244 = vector.shape_cast %swap3A_243 : vector<1x16xf32> to vector<16xf32>
        %swap3A_245 = vector.shape_cast %mul3A_234 : vector<16xf32> to vector<1x16xf32>
        tpu.vector_store %swap3A_240[%swap3A_241, %swap3A_242], %swap3A_245 {strides = array<i32>} : memref<128x64xf32, #tpu.memory_space<vmem>>, vector<1x16xf32>,
        %slice3A_246 = vector.extract_strided_slice %get3A_154 {offsets = [1], sizes = [1], strides = [1]} : vector<16xf32> to vector<1xf32>
        %squeeze3A_247 = vector.extract %slice3A_246[0] : f32 from vector<1xf32>
        %add3A_248 = arith.constant 1 : i32
        %add3A_249 = arith.addi %add3A_151, %add3A_248 : i32
        %get3A_250 = arith.constant 0 : i32
        %get3A_251 = arith.constant 0 : i32
        %get3A_252 = tpu.memref_slice %arg10[%rem3A_115, %get3A_250, %get3A_251] : memref<3x128x64xf32, #tpu.memory_space<vmem>> -> memref<1x128x64xf32, #tpu.memory_space<vmem>>
        %get3A_253 = tpu.memref_squeeze %get3A_252 : memref<1x128x64xf32, #tpu.memory_space<vmem>> -> memref<128x64xf32, #tpu.memory_space<vmem>>
        %get3A_254 = arith.index_cast %add3A_249 : i32 to index
        %get3A_255 = arith.constant 0 : index
        %get3A_256 = tpu.vector_load %get3A_253[%get3A_254, %get3A_255] {strides = array<i32>} : memref<128x64xf32, #tpu.memory_space<vmem>>, vector<1x16xf32>,
        %get3A_257 = vector.shape_cast %get3A_256 : vector<1x16xf32> to vector<16xf32>
        %mul3A_258 = vector.broadcast %squeeze3A_247 : f32 to vector<16xf32>
        %mul3A_259 = arith.mulf %get3A_257, %mul3A_258 : vector<16xf32>
        %add3A_260 = arith.constant 1 : i32
        %add3A_261 = arith.addi %add3A_151, %add3A_260 : i32
        %swap3A_262 = arith.constant 0 : i32
        %swap3A_263 = arith.constant 0 : i32
        %swap3A_264 = tpu.memref_slice %arg10[%rem3A_115, %swap3A_262, %swap3A_263] : memref<3x128x64xf32, #tpu.memory_space<vmem>> -> memref<1x128x64xf32, #tpu.memory_space<vmem>>
        %swap3A_265 = tpu.memref_squeeze %swap3A_264 : memref<1x128x64xf32, #tpu.memory_space<vmem>> -> memref<128x64xf32, #tpu.memory_space<vmem>>
        %swap3A_266 = arith.index_cast %add3A_261 : i32 to index
        %swap3A_267 = arith.constant 0 : index
        %swap3A_268 = tpu.vector_load %swap3A_265[%swap3A_266, %swap3A_267] {strides = array<i32>} : memref<128x64xf32, #tpu.memory_space<vmem>>, vector<1x16xf32>,
        %swap3A_269 = vector.shape_cast %swap3A_268 : vector<1x16xf32> to vector<16xf32>
        %swap3A_270 = vector.shape_cast %mul3A_259 : vector<16xf32> to vector<1x16xf32>
        tpu.vector_store %swap3A_265[%swap3A_266, %swap3A_267], %swap3A_270 {strides = array<i32>} : memref<128x64xf32, #tpu.memory_space<vmem>>, vector<1x16xf32>,
        %add3A_271 = arith.constant 1 : i32
        %add3A_272 = arith.addi %add3A_151, %add3A_271 : i32
        %get3A_273 = arith.constant 0 : i32
        %get3A_274 = arith.constant 0 : i32
        %get3A_275 = tpu.memref_slice %arg10[%rem3A_115, %get3A_273, %get3A_274] : memref<3x128x64xf32, #tpu.memory_space<vmem>> -> memref<1x128x64xf32, #tpu.memory_space<vmem>>
        %get3A_276 = tpu.memref_squeeze %get3A_275 : memref<1x128x64xf32, #tpu.memory_space<vmem>> -> memref<128x64xf32, #tpu.memory_space<vmem>>
        %get3A_277 = arith.index_cast %add3A_272 : i32 to index
        %get3A_278 = arith.constant 16 : index
        %get3A_279 = tpu.vector_load %get3A_276[%get3A_277, %get3A_278] {strides = array<i32>} : memref<128x64xf32, #tpu.memory_space<vmem>>, vector<1x16xf32>,
        %get3A_280 = vector.shape_cast %get3A_279 : vector<1x16xf32> to vector<16xf32>
        %mul3A_281 = vector.broadcast %squeeze3A_247 : f32 to vector<16xf32>
        %mul3A_282 = arith.mulf %get3A_280, %mul3A_281 : vector<16xf32>
        %add3A_283 = arith.constant 1 : i32
        %add3A_284 = arith.addi %add3A_151, %add3A_283 : i32
        %swap3A_285 = arith.constant 0 : i32
        %swap3A_286 = arith.constant 0 : i32
        %swap3A_287 = tpu.memref_slice %arg10[%rem3A_115, %swap3A_285, %swap3A_286] : memref<3x128x64xf32, #tpu.memory_space<vmem>> -> memref<1x128x64xf32, #tpu.memory_space<vmem>>
        %swap3A_288 = tpu.memref_squeeze %swap3A_287 : memref<1x128x64xf32, #tpu.memory_space<vmem>> -> memref<128x64xf32, #tpu.memory_space<vmem>>
        %swap3A_289 = arith.index_cast %add3A_284 : i32 to index
        %swap3A_290 = arith.constant 16 : index
        %swap3A_291 = tpu.vector_load %swap3A_288[%swap3A_289, %swap3A_290] {strides = array<i32>} : memref<128x64xf32, #tpu.memory_space<vmem>>, vector<1x16xf32>,
        %swap3A_292 = vector.shape_cast %swap3A_291 : vector<1x16xf32> to vector<16xf32>
        %swap3A_293 = vector.shape_cast %mul3A_282 : vector<16xf32> to vector<1x16xf32>
        tpu.vector_store %swap3A_288[%swap3A_289, %swap3A_290], %swap3A_293 {strides = array<i32>} : memref<128x64xf32, #tpu.memory_space<vmem>>, vector<1x16xf32>,
        %add3A_294 = arith.constant 1 : i32
        %add3A_295 = arith.addi %add3A_151, %add3A_294 : i32
        %get3A_296 = arith.constant 0 : i32
        %get3A_297 = arith.constant 0 : i32
        %get3A_298 = tpu.memref_slice %arg10[%rem3A_115, %get3A_296, %get3A_297] : memref<3x128x64xf32, #tpu.memory_space<vmem>> -> memref<1x128x64xf32, #tpu.memory_space<vmem>>
        %get3A_299 = tpu.memref_squeeze %get3A_298 : memref<1x128x64xf32, #tpu.memory_space<vmem>> -> memref<128x64xf32, #tpu.memory_space<vmem>>
        %get3A_300 = arith.index_cast %add3A_295 : i32 to index
        %get3A_301 = arith.constant 32 : index
        %get3A_302 = tpu.vector_load %get3A_299[%get3A_300, %get3A_301] {strides = array<i32>} : memref<128x64xf32, #tpu.memory_space<vmem>>, vector<1x16xf32>,
        %get3A_303 = vector.shape_cast %get3A_302 : vector<1x16xf32> to vector<16xf32>
        %mul3A_304 = vector.broadcast %squeeze3A_247 : f32 to vector<16xf32>
        %mul3A_305 = arith.mulf %get3A_303, %mul3A_304 : vector<16xf32>
        %add3A_306 = arith.constant 1 : i32
        %add3A_307 = arith.addi %add3A_151, %add3A_306 : i32
        %swap3A_308 = arith.constant 0 : i32
        %swap3A_309 = arith.constant 0 : i32
        %swap3A_310 = tpu.memref_slice %arg10[%rem3A_115, %swap3A_308, %swap3A_309] : memref<3x128x64xf32, #tpu.memory_space<vmem>> -> memref<1x128x64xf32, #tpu.memory_space<vmem>>
        %swap3A_311 = tpu.memref_squeeze %swap3A_310 : memref<1x128x64xf32, #tpu.memory_space<vmem>> -> memref<128x64xf32, #tpu.memory_space<vmem>>
        %swap3A_312 = arith.index_cast %add3A_307 : i32 to index
        %swap3A_313 = arith.constant 32 : index
        %swap3A_314 = tpu.vector_load %swap3A_311[%swap3A_312, %swap3A_313] {strides = array<i32>} : memref<128x64xf32, #tpu.memory_space<vmem>>, vector<1x16xf32>,
        %swap3A_315 = vector.shape_cast %swap3A_314 : vector<1x16xf32> to vector<16xf32>
        %swap3A_316 = vector.shape_cast %mul3A_305 : vector<16xf32> to vector<1x16xf32>
        tpu.vector_store %swap3A_311[%swap3A_312, %swap3A_313], %swap3A_316 {strides = array<i32>} : memref<128x64xf32, #tpu.memory_space<vmem>>, vector<1x16xf32>,
        %add3A_317 = arith.constant 1 : i32
        %add3A_318 = arith.addi %add3A_151, %add3A_317 : i32
        %get3A_319 = arith.constant 0 : i32
        %get3A_320 = arith.constant 0 : i32
        %get3A_321 = tpu.memref_slice %arg10[%rem3A_115, %get3A_319, %get3A_320] : memref<3x128x64xf32, #tpu.memory_space<vmem>> -> memref<1x128x64xf32, #tpu.memory_space<vmem>>
        %get3A_322 = tpu.memref_squeeze %get3A_321 : memref<1x128x64xf32, #tpu.memory_space<vmem>> -> memref<128x64xf32, #tpu.memory_space<vmem>>
        %get3A_323 = arith.index_cast %add3A_318 : i32 to index
        %get3A_324 = arith.constant 48 : index
        %get3A_325 = tpu.vector_load %get3A_322[%get3A_323, %get3A_324] {strides = array<i32>} : memref<128x64xf32, #tpu.memory_space<vmem>>, vector<1x16xf32>,
        %get3A_326 = vector.shape_cast %get3A_325 : vector<1x16xf32> to vector<16xf32>
        %mul3A_327 = vector.broadcast %squeeze3A_247 : f32 to vector<16xf32>
        %mul3A_328 = arith.mulf %get3A_326, %mul3A_327 : vector<16xf32>
        %add3A_329 = arith.constant 1 : i32
        %add3A_330 = arith.addi %add3A_151, %add3A_329 : i32
        %swap3A_331 = arith.constant 0 : i32
        %swap3A_332 = arith.constant 0 : i32
        %swap3A_333 = tpu.memref_slice %arg10[%rem3A_115, %swap3A_331, %swap3A_332] : memref<3x128x64xf32, #tpu.memory_space<vmem>> -> memref<1x128x64xf32, #tpu.memory_space<vmem>>
        %swap3A_334 = tpu.memref_squeeze %swap3A_333 : memref<1x128x64xf32, #tpu.memory_space<vmem>> -> memref<128x64xf32, #tpu.memory_space<vmem>>
        %swap3A_335 = arith.index_cast %add3A_330 : i32 to index
        %swap3A_336 = arith.constant 48 : index
        %swap3A_337 = tpu.vector_load %swap3A_334[%swap3A_335, %swap3A_336] {strides = array<i32>} : memref<128x64xf32, #tpu.memory_space<vmem>>, vector<1x16xf32>,
        %swap3A_338 = vector.shape_cast %swap3A_337 : vector<1x16xf32> to vector<16xf32>
        %swap3A_339 = vector.shape_cast %mul3A_328 : vector<16xf32> to vector<1x16xf32>
        tpu.vector_store %swap3A_334[%swap3A_335, %swap3A_336], %swap3A_339 {strides = array<i32>} : memref<128x64xf32, #tpu.memory_space<vmem>>, vector<1x16xf32>,
        %slice3A_340 = vector.extract_strided_slice %get3A_154 {offsets = [2], sizes = [1], strides = [1]} : vector<16xf32> to vector<1xf32>
        %squeeze3A_341 = vector.extract %slice3A_340[0] : f32 from vector<1xf32>
        %add3A_342 = arith.constant 2 : i32
        %add3A_343 = arith.addi %add3A_151, %add3A_342 : i32
        %get3A_344 = arith.constant 0 : i32
        %get3A_345 = arith.constant 0 : i32
        %get3A_346 = tpu.memref_slice %arg10[%rem3A_115, %get3A_344, %get3A_345] : memref<3x128x64xf32, #tpu.memory_space<vmem>> -> memref<1x128x64xf32, #tpu.memory_space<vmem>>
        %get3A_347 = tpu.memref_squeeze %get3A_346 : memref<1x128x64xf32, #tpu.memory_space<vmem>> -> memref<128x64xf32, #tpu.memory_space<vmem>>
        %get3A_348 = arith.index_cast %add3A_343 : i32 to index
        %get3A_349 = arith.constant 0 : index
        %get3A_350 = tpu.vector_load %get3A_347[%get3A_348, %get3A_349] {strides = array<i32>} : memref<128x64xf32, #tpu.memory_space<vmem>>, vector<1x16xf32>,
        %get3A_351 = vector.shape_cast %get3A_350 : vector<1x16xf32> to vector<16xf32>
        %mul3A_352 = vector.broadcast %squeeze3A_341 : f32 to vector<16xf32>
        %mul3A_353 = arith.mulf %get3A_351, %mul3A_352 : vector<16xf32>
        %add3A_354 = arith.constant 2 : i32
        %add3A_355 = arith.addi %add3A_151, %add3A_354 : i32
        %swap3A_356 = arith.constant 0 : i32
        %swap3A_357 = arith.constant 0 : i32
        %swap3A_358 = tpu.memref_slice %arg10[%rem3A_115, %swap3A_356, %swap3A_357] : memref<3x128x64xf32, #tpu.memory_space<vmem>> -> memref<1x128x64xf32, #tpu.memory_space<vmem>>
        %swap3A_359 = tpu.memref_squeeze %swap3A_358 : memref<1x128x64xf32, #tpu.memory_space<vmem>> -> memref<128x64xf32, #tpu.memory_space<vmem>>
        %swap3A_360 = arith.index_cast %add3A_355 : i32 to index
        %swap3A_361 = arith.constant 0 : index
        %swap3A_362 = tpu.vector_load %swap3A_359[%swap3A_360, %swap3A_361] {strides = array<i32>} : memref<128x64xf32, #tpu.memory_space<vmem>>, vector<1x16xf32>,
        %swap3A_363 = vector.shape_cast %swap3A_362 : vector<1x16xf32> to vector<16xf32>
        %swap3A_364 = vector.shape_cast %mul3A_353 : vector<16xf32> to vector<1x16xf32>
        tpu.vector_store %swap3A_359[%swap3A_360, %swap3A_361], %swap3A_364 {strides = array<i32>} : memref<128x64xf32, #tpu.memory_space<vmem>>, vector<1x16xf32>,
        %add3A_365 = arith.constant 2 : i32
        %add3A_366 = arith.addi %add3A_151, %add3A_365 : i32
        %get3A_367 = arith.constant 0 : i32
        %get3A_368 = arith.constant 0 : i32
        %get3A_369 = tpu.memref_slice %arg10[%rem3A_115, %get3A_367, %get3A_368] : memref<3x128x64xf32, #tpu.memory_space<vmem>> -> memref<1x128x64xf32, #tpu.memory_space<vmem>>
        %get3A_370 = tpu.memref_squeeze %get3A_369 : memref<1x128x64xf32, #tpu.memory_space<vmem>> -> memref<128x64xf32, #tpu.memory_space<vmem>>
        %get3A_371 = arith.index_cast %add3A_366 : i32 to index
        %get3A_372 = arith.constant 16 : index
        %get3A_373 = tpu.vector_load %get3A_370[%get3A_371, %get3A_372] {strides = array<i32>} : memref<128x64xf32, #tpu.memory_space<vmem>>, vector<1x16xf32>,
        %get3A_374 = vector.shape_cast %get3A_373 : vector<1x16xf32> to vector<16xf32>
        %mul3A_375 = vector.broadcast %squeeze3A_341 : f32 to vector<16xf32>
        %mul3A_376 = arith.mulf %get3A_374, %mul3A_375 : vector<16xf32>
        %add3A_377 = arith.constant 2 : i32
        %add3A_378 = arith.addi %add3A_151, %add3A_377 : i32
        %swap3A_379 = arith.constant 0 : i32
        %swap3A_380 = arith.constant 0 : i32
        %swap3A_381 = tpu.memref_slice %arg10[%rem3A_115, %swap3A_379, %swap3A_380] : memref<3x128x64xf32, #tpu.memory_space<vmem>> -> memref<1x128x64xf32, #tpu.memory_space<vmem>>
        %swap3A_382 = tpu.memref_squeeze %swap3A_381 : memref<1x128x64xf32, #tpu.memory_space<vmem>> -> memref<128x64xf32, #tpu.memory_space<vmem>>
        %swap3A_383 = arith.index_cast %add3A_378 : i32 to index
        %swap3A_384 = arith.constant 16 : index
        %swap3A_385 = tpu.vector_load %swap3A_382[%swap3A_383, %swap3A_384] {strides = array<i32>} : memref<128x64xf32, #tpu.memory_space<vmem>>, vector<1x16xf32>,
        %swap3A_386 = vector.shape_cast %swap3A_385 : vector<1x16xf32> to vector<16xf32>
        %swap3A_387 = vector.shape_cast %mul3A_376 : vector<16xf32> to vector<1x16xf32>
        tpu.vector_store %swap3A_382[%swap3A_383, %swap3A_384], %swap3A_387 {strides = array<i32>} : memref<128x64xf32, #tpu.memory_space<vmem>>, vector<1x16xf32>,
        %add3A_388 = arith.constant 2 : i32
        %add3A_389 = arith.addi %add3A_151, %add3A_388 : i32
        %get3A_390 = arith.constant 0 : i32
        %get3A_391 = arith.constant 0 : i32
        %get3A_392 = tpu.memref_slice %arg10[%rem3A_115, %get3A_390, %get3A_391] : memref<3x128x64xf32, #tpu.memory_space<vmem>> -> memref<1x128x64xf32, #tpu.memory_space<vmem>>
        %get3A_393 = tpu.memref_squeeze %get3A_392 : memref<1x128x64xf32, #tpu.memory_space<vmem>> -> memref<128x64xf32, #tpu.memory_space<vmem>>
        %get3A_394 = arith.index_cast %add3A_389 : i32 to index
        %get3A_395 = arith.constant 32 : index
        %get3A_396 = tpu.vector_load %get3A_393[%get3A_394, %get3A_395] {strides = array<i32>} : memref<128x64xf32, #tpu.memory_space<vmem>>, vector<1x16xf32>,
        %get3A_397 = vector.shape_cast %get3A_396 : vector<1x16xf32> to vector<16xf32>
        %mul3A_398 = vector.broadcast %squeeze3A_341 : f32 to vector<16xf32>
        %mul3A_399 = arith.mulf %get3A_397, %mul3A_398 : vector<16xf32>
        %add3A_400 = arith.constant 2 : i32
        %add3A_401 = arith.addi %add3A_151, %add3A_400 : i32
        %swap3A_402 = arith.constant 0 : i32
        %swap3A_403 = arith.constant 0 : i32
        %swap3A_404 = tpu.memref_slice %arg10[%rem3A_115, %swap3A_402, %swap3A_403] : memref<3x128x64xf32, #tpu.memory_space<vmem>> -> memref<1x128x64xf32, #tpu.memory_space<vmem>>
        %swap3A_405 = tpu.memref_squeeze %swap3A_404 : memref<1x128x64xf32, #tpu.memory_space<vmem>> -> memref<128x64xf32, #tpu.memory_space<vmem>>
        %swap3A_406 = arith.index_cast %add3A_401 : i32 to index
        %swap3A_407 = arith.constant 32 : index
        %swap3A_408 = tpu.vector_load %swap3A_405[%swap3A_406, %swap3A_407] {strides = array<i32>} : memref<128x64xf32, #tpu.memory_space<vmem>>, vector<1x16xf32>,
        %swap3A_409 = vector.shape_cast %swap3A_408 : vector<1x16xf32> to vector<16xf32>
        %swap3A_410 = vector.shape_cast %mul3A_399 : vector<16xf32> to vector<1x16xf32>
        tpu.vector_store %swap3A_405[%swap3A_406, %swap3A_407], %swap3A_410 {strides = array<i32>} : memref<128x64xf32, #tpu.memory_space<vmem>>, vector<1x16xf32>,
        %add3A_411 = arith.constant 2 : i32
        %add3A_412 = arith.addi %add3A_151, %add3A_411 : i32
        %get3A_413 = arith.constant 0 : i32
        %get3A_414 = arith.constant 0 : i32
        %get3A_415 = tpu.memref_slice %arg10[%rem3A_115, %get3A_413, %get3A_414] : memref<3x128x64xf32, #tpu.memory_space<vmem>> -> memref<1x128x64xf32, #tpu.memory_space<vmem>>
        %get3A_416 = tpu.memref_squeeze %get3A_415 : memref<1x128x64xf32, #tpu.memory_space<vmem>> -> memref<128x64xf32, #tpu.memory_space<vmem>>
        %get3A_417 = arith.index_cast %add3A_412 : i32 to index
        %get3A_418 = arith.constant 48 : index
        %get3A_419 = tpu.vector_load %get3A_416[%get3A_417, %get3A_418] {strides = array<i32>} : memref<128x64xf32, #tpu.memory_space<vmem>>, vector<1x16xf32>,
        %get3A_420 = vector.shape_cast %get3A_419 : vector<1x16xf32> to vector<16xf32>
        %mul3A_421 = vector.broadcast %squeeze3A_341 : f32 to vector<16xf32>
        %mul3A_422 = arith.mulf %get3A_420, %mul3A_421 : vector<16xf32>
        %add3A_423 = arith.constant 2 : i32
        %add3A_424 = arith.addi %add3A_151, %add3A_423 : i32
        %swap3A_425 = arith.constant 0 : i32
        %swap3A_426 = arith.constant 0 : i32
        %swap3A_427 = tpu.memref_slice %arg10[%rem3A_115, %swap3A_425, %swap3A_426] : memref<3x128x64xf32, #tpu.memory_space<vmem>> -> memref<1x128x64xf32, #tpu.memory_space<vmem>>
        %swap3A_428 = tpu.memref_squeeze %swap3A_427 : memref<1x128x64xf32, #tpu.memory_space<vmem>> -> memref<128x64xf32, #tpu.memory_space<vmem>>
        %swap3A_429 = arith.index_cast %add3A_424 : i32 to index
        %swap3A_430 = arith.constant 48 : index
        %swap3A_431 = tpu.vector_load %swap3A_428[%swap3A_429, %swap3A_430] {strides = array<i32>} : memref<128x64xf32, #tpu.memory_space<vmem>>, vector<1x16xf32>,
        %swap3A_432 = vector.shape_cast %swap3A_431 : vector<1x16xf32> to vector<16xf32>
        %swap3A_433 = vector.shape_cast %mul3A_422 : vector<16xf32> to vector<1x16xf32>
        tpu.vector_store %swap3A_428[%swap3A_429, %swap3A_430], %swap3A_433 {strides = array<i32>} : memref<128x64xf32, #tpu.memory_space<vmem>>, vector<1x16xf32>,
        %slice3A_434 = vector.extract_strided_slice %get3A_154 {offsets = [3], sizes = [1], strides = [1]} : vector<16xf32> to vector<1xf32>
        %squeeze3A_435 = vector.extract %slice3A_434[0] : f32 from vector<1xf32>
        %add3A_436 = arith.constant 3 : i32
        %add3A_437 = arith.addi %add3A_151, %add3A_436 : i32
        %get3A_438 = arith.constant 0 : i32
        %get3A_439 = arith.constant 0 : i32
        %get3A_440 = tpu.memref_slice %arg10[%rem3A_115, %get3A_438, %get3A_439] : memref<3x128x64xf32, #tpu.memory_space<vmem>> -> memref<1x128x64xf32, #tpu.memory_space<vmem>>
        %get3A_441 = tpu.memref_squeeze %get3A_440 : memref<1x128x64xf32, #tpu.memory_space<vmem>> -> memref<128x64xf32, #tpu.memory_space<vmem>>
        %get3A_442 = arith.index_cast %add3A_437 : i32 to index
        %get3A_443 = arith.constant 0 : index
        %get3A_444 = tpu.vector_load %get3A_441[%get3A_442, %get3A_443] {strides = array<i32>} : memref<128x64xf32, #tpu.memory_space<vmem>>, vector<1x16xf32>,
        %get3A_445 = vector.shape_cast %get3A_444 : vector<1x16xf32> to vector<16xf32>
        %mul3A_446 = vector.broadcast %squeeze3A_435 : f32 to vector<16xf32>
        %mul3A_447 = arith.mulf %get3A_445, %mul3A_446 : vector<16xf32>
        %add3A_448 = arith.constant 3 : i32
        %add3A_449 = arith.addi %add3A_151, %add3A_448 : i32
        %swap3A_450 = arith.constant 0 : i32
        %swap3A_451 = arith.constant 0 : i32
        %swap3A_452 = tpu.memref_slice %arg10[%rem3A_115, %swap3A_450, %swap3A_451] : memref<3x128x64xf32, #tpu.memory_space<vmem>> -> memref<1x128x64xf32, #tpu.memory_space<vmem>>
        %swap3A_453 = tpu.memref_squeeze %swap3A_452 : memref<1x128x64xf32, #tpu.memory_space<vmem>> -> memref<128x64xf32, #tpu.memory_space<vmem>>
        %swap3A_454 = arith.index_cast %add3A_449 : i32 to index
        %swap3A_455 = arith.constant 0 : index
        %swap3A_456 = tpu.vector_load %swap3A_453[%swap3A_454, %swap3A_455] {strides = array<i32>} : memref<128x64xf32, #tpu.memory_space<vmem>>, vector<1x16xf32>,
        %swap3A_457 = vector.shape_cast %swap3A_456 : vector<1x16xf32> to vector<16xf32>
        %swap3A_458 = vector.shape_cast %mul3A_447 : vector<16xf32> to vector<1x16xf32>
        tpu.vector_store %swap3A_453[%swap3A_454, %swap3A_455], %swap3A_458 {strides = array<i32>} : memref<128x64xf32, #tpu.memory_space<vmem>>, vector<1x16xf32>,
        %add3A_459 = arith.constant 3 : i32
        %add3A_460 = arith.addi %add3A_151, %add3A_459 : i32
        %get3A_461 = arith.constant 0 : i32
        %get3A_462 = arith.constant 0 : i32
        %get3A_463 = tpu.memref_slice %arg10[%rem3A_115, %get3A_461, %get3A_462] : memref<3x128x64xf32, #tpu.memory_space<vmem>> -> memref<1x128x64xf32, #tpu.memory_space<vmem>>
        %get3A_464 = tpu.memref_squeeze %get3A_463 : memref<1x128x64xf32, #tpu.memory_space<vmem>> -> memref<128x64xf32, #tpu.memory_space<vmem>>
        %get3A_465 = arith.index_cast %add3A_460 : i32 to index
        %get3A_466 = arith.constant 16 : index
        %get3A_467 = tpu.vector_load %get3A_464[%get3A_465, %get3A_466] {strides = array<i32>} : memref<128x64xf32, #tpu.memory_space<vmem>>, vector<1x16xf32>,
        %get3A_468 = vector.shape_cast %get3A_467 : vector<1x16xf32> to vector<16xf32>
        %mul3A_469 = vector.broadcast %squeeze3A_435 : f32 to vector<16xf32>
        %mul3A_470 = arith.mulf %get3A_468, %mul3A_469 : vector<16xf32>
        %add3A_471 = arith.constant 3 : i32
        %add3A_472 = arith.addi %add3A_151, %add3A_471 : i32
        %swap3A_473 = arith.constant 0 : i32
        %swap3A_474 = arith.constant 0 : i32
        %swap3A_475 = tpu.memref_slice %arg10[%rem3A_115, %swap3A_473, %swap3A_474] : memref<3x128x64xf32, #tpu.memory_space<vmem>> -> memref<1x128x64xf32, #tpu.memory_space<vmem>>
        %swap3A_476 = tpu.memref_squeeze %swap3A_475 : memref<1x128x64xf32, #tpu.memory_space<vmem>> -> memref<128x64xf32, #tpu.memory_space<vmem>>
        %swap3A_477 = arith.index_cast %add3A_472 : i32 to index
        %swap3A_478 = arith.constant 16 : index
        %swap3A_479 = tpu.vector_load %swap3A_476[%swap3A_477, %swap3A_478] {strides = array<i32>} : memref<128x64xf32, #tpu.memory_space<vmem>>, vector<1x16xf32>,
        %swap3A_480 = vector.shape_cast %swap3A_479 : vector<1x16xf32> to vector<16xf32>
        %swap3A_481 = vector.shape_cast %mul3A_470 : vector<16xf32> to vector<1x16xf32>
        tpu.vector_store %swap3A_476[%swap3A_477, %swap3A_478], %swap3A_481 {strides = array<i32>} : memref<128x64xf32, #tpu.memory_space<vmem>>, vector<1x16xf32>,
        %add3A_482 = arith.constant 3 : i32
        %add3A_483 = arith.addi %add3A_151, %add3A_482 : i32
        %get3A_484 = arith.constant 0 : i32
        %get3A_485 = arith.constant 0 : i32
        %get3A_486 = tpu.memref_slice %arg10[%rem3A_115, %get3A_484, %get3A_485] : memref<3x128x64xf32, #tpu.memory_space<vmem>> -> memref<1x128x64xf32, #tpu.memory_space<vmem>>
        %get3A_487 = tpu.memref_squeeze %get3A_486 : memref<1x128x64xf32, #tpu.memory_space<vmem>> -> memref<128x64xf32, #tpu.memory_space<vmem>>
        %get3A_488 = arith.index_cast %add3A_483 : i32 to index
        %get3A_489 = arith.constant 32 : index
        %get3A_490 = tpu.vector_load %get3A_487[%get3A_488, %get3A_489] {strides = array<i32>} : memref<128x64xf32, #tpu.memory_space<vmem>>, vector<1x16xf32>,
        %get3A_491 = vector.shape_cast %get3A_490 : vector<1x16xf32> to vector<16xf32>
        %mul3A_492 = vector.broadcast %squeeze3A_435 : f32 to vector<16xf32>
        %mul3A_493 = arith.mulf %get3A_491, %mul3A_492 : vector<16xf32>
        %add3A_494 = arith.constant 3 : i32
        %add3A_495 = arith.addi %add3A_151, %add3A_494 : i32
        %swap3A_496 = arith.constant 0 : i32
        %swap3A_497 = arith.constant 0 : i32
        %swap3A_498 = tpu.memref_slice %arg10[%rem3A_115, %swap3A_496, %swap3A_497] : memref<3x128x64xf32, #tpu.memory_space<vmem>> -> memref<1x128x64xf32, #tpu.memory_space<vmem>>
        %swap3A_499 = tpu.memref_squeeze %swap3A_498 : memref<1x128x64xf32, #tpu.memory_space<vmem>> -> memref<128x64xf32, #tpu.memory_space<vmem>>
        %swap3A_500 = arith.index_cast %add3A_495 : i32 to index
        %swap3A_501 = arith.constant 32 : index
        %swap3A_502 = tpu.vector_load %swap3A_499[%swap3A_500, %swap3A_501] {strides = array<i32>} : memref<128x64xf32, #tpu.memory_space<vmem>>, vector<1x16xf32>,
        %swap3A_503 = vector.shape_cast %swap3A_502 : vector<1x16xf32> to vector<16xf32>
        %swap3A_504 = vector.shape_cast %mul3A_493 : vector<16xf32> to vector<1x16xf32>
        tpu.vector_store %swap3A_499[%swap3A_500, %swap3A_501], %swap3A_504 {strides = array<i32>} : memref<128x64xf32, #tpu.memory_space<vmem>>, vector<1x16xf32>,
        %add3A_505 = arith.constant 3 : i32
        %add3A_506 = arith.addi %add3A_151, %add3A_505 : i32
        %get3A_507 = arith.constant 0 : i32
        %get3A_508 = arith.constant 0 : i32
        %get3A_509 = tpu.memref_slice %arg10[%rem3A_115, %get3A_507, %get3A_508] : memref<3x128x64xf32, #tpu.memory_space<vmem>> -> memref<1x128x64xf32, #tpu.memory_space<vmem>>
        %get3A_510 = tpu.memref_squeeze %get3A_509 : memref<1x128x64xf32, #tpu.memory_space<vmem>> -> memref<128x64xf32, #tpu.memory_space<vmem>>
        %get3A_511 = arith.index_cast %add3A_506 : i32 to index
        %get3A_512 = arith.constant 48 : index
        %get3A_513 = tpu.vector_load %get3A_510[%get3A_511, %get3A_512] {strides = array<i32>} : memref<128x64xf32, #tpu.memory_space<vmem>>, vector<1x16xf32>,
        %get3A_514 = vector.shape_cast %get3A_513 : vector<1x16xf32> to vector<16xf32>
        %mul3A_515 = vector.broadcast %squeeze3A_435 : f32 to vector<16xf32>
        %mul3A_516 = arith.mulf %get3A_514, %mul3A_515 : vector<16xf32>
        %add3A_517 = arith.constant 3 : i32
        %add3A_518 = arith.addi %add3A_151, %add3A_517 : i32
        %swap3A_519 = arith.constant 0 : i32
        %swap3A_520 = arith.constant 0 : i32
        %swap3A_521 = tpu.memref_slice %arg10[%rem3A_115, %swap3A_519, %swap3A_520] : memref<3x128x64xf32, #tpu.memory_space<vmem>> -> memref<1x128x64xf32, #tpu.memory_space<vmem>>
        %swap3A_522 = tpu.memref_squeeze %swap3A_521 : memref<1x128x64xf32, #tpu.memory_space<vmem>> -> memref<128x64xf32, #tpu.memory_space<vmem>>
        %swap3A_523 = arith.index_cast %add3A_518 : i32 to index
        %swap3A_524 = arith.constant 48 : index
        %swap3A_525 = tpu.vector_load %swap3A_522[%swap3A_523, %swap3A_524] {strides = array<i32>} : memref<128x64xf32, #tpu.memory_space<vmem>>, vector<1x16xf32>,
        %swap3A_526 = vector.shape_cast %swap3A_525 : vector<1x16xf32> to vector<16xf32>
        %swap3A_527 = vector.shape_cast %mul3A_516 : vector<16xf32> to vector<1x16xf32>
        tpu.vector_store %swap3A_522[%swap3A_523, %swap3A_524], %swap3A_527 {strides = array<i32>} : memref<128x64xf32, #tpu.memory_space<vmem>>, vector<1x16xf32>,
        %slice3A_528 = vector.extract_strided_slice %get3A_154 {offsets = [4], sizes = [1], strides = [1]} : vector<16xf32> to vector<1xf32>
        %squeeze3A_529 = vector.extract %slice3A_528[0] : f32 from vector<1xf32>
        %add3A_530 = arith.constant 4 : i32
        %add3A_531 = arith.addi %add3A_151, %add3A_530 : i32
        %get3A_532 = arith.constant 0 : i32
        %get3A_533 = arith.constant 0 : i32
        %get3A_534 = tpu.memref_slice %arg10[%rem3A_115, %get3A_532, %get3A_533] : memref<3x128x64xf32, #tpu.memory_space<vmem>> -> memref<1x128x64xf32, #tpu.memory_space<vmem>>
        %get3A_535 = tpu.memref_squeeze %get3A_534 : memref<1x128x64xf32, #tpu.memory_space<vmem>> -> memref<128x64xf32, #tpu.memory_space<vmem>>
        %get3A_536 = arith.index_cast %add3A_531 : i32 to index
        %get3A_537 = arith.constant 0 : index
        %get3A_538 = tpu.vector_load %get3A_535[%get3A_536, %get3A_537] {strides = array<i32>} : memref<128x64xf32, #tpu.memory_space<vmem>>, vector<1x16xf32>,
        %get3A_539 = vector.shape_cast %get3A_538 : vector<1x16xf32> to vector<16xf32>
        %mul3A_540 = vector.broadcast %squeeze3A_529 : f32 to vector<16xf32>
        %mul3A_541 = arith.mulf %get3A_539, %mul3A_540 : vector<16xf32>
        %add3A_542 = arith.constant 4 : i32
        %add3A_543 = arith.addi %add3A_151, %add3A_542 : i32
        %swap3A_544 = arith.constant 0 : i32
        %swap3A_545 = arith.constant 0 : i32
        %swap3A_546 = tpu.memref_slice %arg10[%rem3A_115, %swap3A_544, %swap3A_545] : memref<3x128x64xf32, #tpu.memory_space<vmem>> -> memref<1x128x64xf32, #tpu.memory_space<vmem>>
        %swap3A_547 = tpu.memref_squeeze %swap3A_546 : memref<1x128x64xf32, #tpu.memory_space<vmem>> -> memref<128x64xf32, #tpu.memory_space<vmem>>
        %swap3A_548 = arith.index_cast %add3A_543 : i32 to index
        %swap3A_549 = arith.constant 0 : index
        %swap3A_550 = tpu.vector_load %swap3A_547[%swap3A_548, %swap3A_549] {strides = array<i32>} : memref<128x64xf32, #tpu.memory_space<vmem>>, vector<1x16xf32>,
        %swap3A_551 = vector.shape_cast %swap3A_550 : vector<1x16xf32> to vector<16xf32>
        %swap3A_552 = vector.shape_cast %mul3A_541 : vector<16xf32> to vector<1x16xf32>
        tpu.vector_store %swap3A_547[%swap3A_548, %swap3A_549], %swap3A_552 {strides = array<i32>} : memref<128x64xf32, #tpu.memory_space<vmem>>, vector<1x16xf32>,
        %add3A_553 = arith.constant 4 : i32
        %add3A_554 = arith.addi %add3A_151, %add3A_553 : i32
        %get3A_555 = arith.constant 0 : i32
        %get3A_556 = arith.constant 0 : i32
        %get3A_557 = tpu.memref_slice %arg10[%rem3A_115, %get3A_555, %get3A_556] : memref<3x128x64xf32, #tpu.memory_space<vmem>> -> memref<1x128x64xf32, #tpu.memory_space<vmem>>
        %get3A_558 = tpu.memref_squeeze %get3A_557 : memref<1x128x64xf32, #tpu.memory_space<vmem>> -> memref<128x64xf32, #tpu.memory_space<vmem>>
        %get3A_559 = arith.index_cast %add3A_554 : i32 to index
        %get3A_560 = arith.constant 16 : index
        %get3A_561 = tpu.vector_load %get3A_558[%get3A_559, %get3A_560] {strides = array<i32>} : memref<128x64xf32, #tpu.memory_space<vmem>>, vector<1x16xf32>,
        %get3A_562 = vector.shape_cast %get3A_561 : vector<1x16xf32> to vector<16xf32>
        %mul3A_563 = vector.broadcast %squeeze3A_529 : f32 to vector<16xf32>
        %mul3A_564 = arith.mulf %get3A_562, %mul3A_563 : vector<16xf32>
        %add3A_565 = arith.constant 4 : i32
        %add3A_566 = arith.addi %add3A_151, %add3A_565 : i32
        %swap3A_567 = arith.constant 0 : i32
        %swap3A_568 = arith.constant 0 : i32
        %swap3A_569 = tpu.memref_slice %arg10[%rem3A_115, %swap3A_567, %swap3A_568] : memref<3x128x64xf32, #tpu.memory_space<vmem>> -> memref<1x128x64xf32, #tpu.memory_space<vmem>>
        %swap3A_570 = tpu.memref_squeeze %swap3A_569 : memref<1x128x64xf32, #tpu.memory_space<vmem>> -> memref<128x64xf32, #tpu.memory_space<vmem>>
        %swap3A_571 = arith.index_cast %add3A_566 : i32 to index
        %swap3A_572 = arith.constant 16 : index
        %swap3A_573 = tpu.vector_load %swap3A_570[%swap3A_571, %swap3A_572] {strides = array<i32>} : memref<128x64xf32, #tpu.memory_space<vmem>>, vector<1x16xf32>,
        %swap3A_574 = vector.shape_cast %swap3A_573 : vector<1x16xf32> to vector<16xf32>
        %swap3A_575 = vector.shape_cast %mul3A_564 : vector<16xf32> to vector<1x16xf32>
        tpu.vector_store %swap3A_570[%swap3A_571, %swap3A_572], %swap3A_575 {strides = array<i32>} : memref<128x64xf32, #tpu.memory_space<vmem>>, vector<1x16xf32>,
        %add3A_576 = arith.constant 4 : i32
        %add3A_577 = arith.addi %add3A_151, %add3A_576 : i32
        %get3A_578 = arith.constant 0 : i32
        %get3A_579 = arith.constant 0 : i32
        %get3A_580 = tpu.memref_slice %arg10[%rem3A_115, %get3A_578, %get3A_579] : memref<3x128x64xf32, #tpu.memory_space<vmem>> -> memref<1x128x64xf32, #tpu.memory_space<vmem>>
        %get3A_581 = tpu.memref_squeeze %get3A_580 : memref<1x128x64xf32, #tpu.memory_space<vmem>> -> memref<128x64xf32, #tpu.memory_space<vmem>>
        %get3A_582 = arith.index_cast %add3A_577 : i32 to index
        %get3A_583 = arith.constant 32 : index
        %get3A_584 = tpu.vector_load %get3A_581[%get3A_582, %get3A_583] {strides = array<i32>} : memref<128x64xf32, #tpu.memory_space<vmem>>, vector<1x16xf32>,
        %get3A_585 = vector.shape_cast %get3A_584 : vector<1x16xf32> to vector<16xf32>
        %mul3A_586 = vector.broadcast %squeeze3A_529 : f32 to vector<16xf32>
        %mul3A_587 = arith.mulf %get3A_585, %mul3A_586 : vector<16xf32>
        %add3A_588 = arith.constant 4 : i32
        %add3A_589 = arith.addi %add3A_151, %add3A_588 : i32
        %swap3A_590 = arith.constant 0 : i32
        %swap3A_591 = arith.constant 0 : i32
        %swap3A_592 = tpu.memref_slice %arg10[%rem3A_115, %swap3A_590, %swap3A_591] : memref<3x128x64xf32, #tpu.memory_space<vmem>> -> memref<1x128x64xf32, #tpu.memory_space<vmem>>
        %swap3A_593 = tpu.memref_squeeze %swap3A_592 : memref<1x128x64xf32, #tpu.memory_space<vmem>> -> memref<128x64xf32, #tpu.memory_space<vmem>>
        %swap3A_594 = arith.index_cast %add3A_589 : i32 to index
        %swap3A_595 = arith.constant 32 : index
        %swap3A_596 = tpu.vector_load %swap3A_593[%swap3A_594, %swap3A_595] {strides = array<i32>} : memref<128x64xf32, #tpu.memory_space<vmem>>, vector<1x16xf32>,
        %swap3A_597 = vector.shape_cast %swap3A_596 : vector<1x16xf32> to vector<16xf32>
        %swap3A_598 = vector.shape_cast %mul3A_587 : vector<16xf32> to vector<1x16xf32>
        tpu.vector_store %swap3A_593[%swap3A_594, %swap3A_595], %swap3A_598 {strides = array<i32>} : memref<128x64xf32, #tpu.memory_space<vmem>>, vector<1x16xf32>,
        %add3A_599 = arith.constant 4 : i32
        %add3A_600 = arith.addi %add3A_151, %add3A_599 : i32
        %get3A_601 = arith.constant 0 : i32
        %get3A_602 = arith.constant 0 : i32
        %get3A_603 = tpu.memref_slice %arg10[%rem3A_115, %get3A_601, %get3A_602] : memref<3x128x64xf32, #tpu.memory_space<vmem>> -> memref<1x128x64xf32, #tpu.memory_space<vmem>>
        %get3A_604 = tpu.memref_squeeze %get3A_603 : memref<1x128x64xf32, #tpu.memory_space<vmem>> -> memref<128x64xf32, #tpu.memory_space<vmem>>
        %get3A_605 = arith.index_cast %add3A_600 : i32 to index
        %get3A_606 = arith.constant 48 : index
        %get3A_607 = tpu.vector_load %get3A_604[%get3A_605, %get3A_606] {strides = array<i32>} : memref<128x64xf32, #tpu.memory_space<vmem>>, vector<1x16xf32>,
        %get3A_608 = vector.shape_cast %get3A_607 : vector<1x16xf32> to vector<16xf32>
        %mul3A_609 = vector.broadcast %squeeze3A_529 : f32 to vector<16xf32>
        %mul3A_610 = arith.mulf %get3A_608, %mul3A_609 : vector<16xf32>
        %add3A_611 = arith.constant 4 : i32
        %add3A_612 = arith.addi %add3A_151, %add3A_611 : i32
        %swap3A_613 = arith.constant 0 : i32
        %swap3A_614 = arith.constant 0 : i32
        %swap3A_615 = tpu.memref_slice %arg10[%rem3A_115, %swap3A_613, %swap3A_614] : memref<3x128x64xf32, #tpu.memory_space<vmem>> -> memref<1x128x64xf32, #tpu.memory_space<vmem>>
        %swap3A_616 = tpu.memref_squeeze %swap3A_615 : memref<1x128x64xf32, #tpu.memory_space<vmem>> -> memref<128x64xf32, #tpu.memory_space<vmem>>
        %swap3A_617 = arith.index_cast %add3A_612 : i32 to index
        %swap3A_618 = arith.constant 48 : index
        %swap3A_619 = tpu.vector_load %swap3A_616[%swap3A_617, %swap3A_618] {strides = array<i32>} : memref<128x64xf32, #tpu.memory_space<vmem>>, vector<1x16xf32>,
        %swap3A_620 = vector.shape_cast %swap3A_619 : vector<1x16xf32> to vector<16xf32>
        %swap3A_621 = vector.shape_cast %mul3A_610 : vector<16xf32> to vector<1x16xf32>
        tpu.vector_store %swap3A_616[%swap3A_617, %swap3A_618], %swap3A_621 {strides = array<i32>} : memref<128x64xf32, #tpu.memory_space<vmem>>, vector<1x16xf32>,
        %slice3A_622 = vector.extract_strided_slice %get3A_154 {offsets = [5], sizes = [1], strides = [1]} : vector<16xf32> to vector<1xf32>
        %squeeze3A_623 = vector.extract %slice3A_622[0] : f32 from vector<1xf32>
        %add3A_624 = arith.constant 5 : i32
        %add3A_625 = arith.addi %add3A_151, %add3A_624 : i32
        %get3A_626 = arith.constant 0 : i32
        %get3A_627 = arith.constant 0 : i32
        %get3A_628 = tpu.memref_slice %arg10[%rem3A_115, %get3A_626, %get3A_627] : memref<3x128x64xf32, #tpu.memory_space<vmem>> -> memref<1x128x64xf32, #tpu.memory_space<vmem>>
        %get3A_629 = tpu.memref_squeeze %get3A_628 : memref<1x128x64xf32, #tpu.memory_space<vmem>> -> memref<128x64xf32, #tpu.memory_space<vmem>>
        %get3A_630 = arith.index_cast %add3A_625 : i32 to index
        %get3A_631 = arith.constant 0 : index
        %get3A_632 = tpu.vector_load %get3A_629[%get3A_630, %get3A_631] {strides = array<i32>} : memref<128x64xf32, #tpu.memory_space<vmem>>, vector<1x16xf32>,
        %get3A_633 = vector.shape_cast %get3A_632 : vector<1x16xf32> to vector<16xf32>
        %mul3A_634 = vector.broadcast %squeeze3A_623 : f32 to vector<16xf32>
        %mul3A_635 = arith.mulf %get3A_633, %mul3A_634 : vector<16xf32>
        %add3A_636 = arith.constant 5 : i32
        %add3A_637 = arith.addi %add3A_151, %add3A_636 : i32
        %swap3A_638 = arith.constant 0 : i32
        %swap3A_639 = arith.constant 0 : i32
        %swap3A_640 = tpu.memref_slice %arg10[%rem3A_115, %swap3A_638, %swap3A_639] : memref<3x128x64xf32, #tpu.memory_space<vmem>> -> memref<1x128x64xf32, #tpu.memory_space<vmem>>
        %swap3A_641 = tpu.memref_squeeze %swap3A_640 : memref<1x128x64xf32, #tpu.memory_space<vmem>> -> memref<128x64xf32, #tpu.memory_space<vmem>>
        %swap3A_642 = arith.index_cast %add3A_637 : i32 to index
        %swap3A_643 = arith.constant 0 : index
        %swap3A_644 = tpu.vector_load %swap3A_641[%swap3A_642, %swap3A_643] {strides = array<i32>} : memref<128x64xf32, #tpu.memory_space<vmem>>, vector<1x16xf32>,
        %swap3A_645 = vector.shape_cast %swap3A_644 : vector<1x16xf32> to vector<16xf32>
        %swap3A_646 = vector.shape_cast %mul3A_635 : vector<16xf32> to vector<1x16xf32>
        tpu.vector_store %swap3A_641[%swap3A_642, %swap3A_643], %swap3A_646 {strides = array<i32>} : memref<128x64xf32, #tpu.memory_space<vmem>>, vector<1x16xf32>,
        %add3A_647 = arith.constant 5 : i32
        %add3A_648 = arith.addi %add3A_151, %add3A_647 : i32
        %get3A_649 = arith.constant 0 : i32
        %get3A_650 = arith.constant 0 : i32
        %get3A_651 = tpu.memref_slice %arg10[%rem3A_115, %get3A_649, %get3A_650] : memref<3x128x64xf32, #tpu.memory_space<vmem>> -> memref<1x128x64xf32, #tpu.memory_space<vmem>>
        %get3A_652 = tpu.memref_squeeze %get3A_651 : memref<1x128x64xf32, #tpu.memory_space<vmem>> -> memref<128x64xf32, #tpu.memory_space<vmem>>
        %get3A_653 = arith.index_cast %add3A_648 : i32 to index
        %get3A_654 = arith.constant 16 : index
        %get3A_655 = tpu.vector_load %get3A_652[%get3A_653, %get3A_654] {strides = array<i32>} : memref<128x64xf32, #tpu.memory_space<vmem>>, vector<1x16xf32>,
        %get3A_656 = vector.shape_cast %get3A_655 : vector<1x16xf32> to vector<16xf32>
        %mul3A_657 = vector.broadcast %squeeze3A_623 : f32 to vector<16xf32>
        %mul3A_658 = arith.mulf %get3A_656, %mul3A_657 : vector<16xf32>
        %add3A_659 = arith.constant 5 : i32
        %add3A_660 = arith.addi %add3A_151, %add3A_659 : i32
        %swap3A_661 = arith.constant 0 : i32
        %swap3A_662 = arith.constant 0 : i32
        %swap3A_663 = tpu.memref_slice %arg10[%rem3A_115, %swap3A_661, %swap3A_662] : memref<3x128x64xf32, #tpu.memory_space<vmem>> -> memref<1x128x64xf32, #tpu.memory_space<vmem>>
        %swap3A_664 = tpu.memref_squeeze %swap3A_663 : memref<1x128x64xf32, #tpu.memory_space<vmem>> -> memref<128x64xf32, #tpu.memory_space<vmem>>
        %swap3A_665 = arith.index_cast %add3A_660 : i32 to index
        %swap3A_666 = arith.constant 16 : index
        %swap3A_667 = tpu.vector_load %swap3A_664[%swap3A_665, %swap3A_666] {strides = array<i32>} : memref<128x64xf32, #tpu.memory_space<vmem>>, vector<1x16xf32>,
        %swap3A_668 = vector.shape_cast %swap3A_667 : vector<1x16xf32> to vector<16xf32>
        %swap3A_669 = vector.shape_cast %mul3A_658 : vector<16xf32> to vector<1x16xf32>
        tpu.vector_store %swap3A_664[%swap3A_665, %swap3A_666], %swap3A_669 {strides = array<i32>} : memref<128x64xf32, #tpu.memory_space<vmem>>, vector<1x16xf32>,
        %add3A_670 = arith.constant 5 : i32
        %add3A_671 = arith.addi %add3A_151, %add3A_670 : i32
        %get3A_672 = arith.constant 0 : i32
        %get3A_673 = arith.constant 0 : i32
        %get3A_674 = tpu.memref_slice %arg10[%rem3A_115, %get3A_672, %get3A_673] : memref<3x128x64xf32, #tpu.memory_space<vmem>> -> memref<1x128x64xf32, #tpu.memory_space<vmem>>
        %get3A_675 = tpu.memref_squeeze %get3A_674 : memref<1x128x64xf32, #tpu.memory_space<vmem>> -> memref<128x64xf32, #tpu.memory_space<vmem>>
        %get3A_676 = arith.index_cast %add3A_671 : i32 to index
        %get3A_677 = arith.constant 32 : index
        %get3A_678 = tpu.vector_load %get3A_675[%get3A_676, %get3A_677] {strides = array<i32>} : memref<128x64xf32, #tpu.memory_space<vmem>>, vector<1x16xf32>,
        %get3A_679 = vector.shape_cast %get3A_678 : vector<1x16xf32> to vector<16xf32>
        %mul3A_680 = vector.broadcast %squeeze3A_623 : f32 to vector<16xf32>
        %mul3A_681 = arith.mulf %get3A_679, %mul3A_680 : vector<16xf32>
        %add3A_682 = arith.constant 5 : i32
        %add3A_683 = arith.addi %add3A_151, %add3A_682 : i32
        %swap3A_684 = arith.constant 0 : i32
        %swap3A_685 = arith.constant 0 : i32
        %swap3A_686 = tpu.memref_slice %arg10[%rem3A_115, %swap3A_684, %swap3A_685] : memref<3x128x64xf32, #tpu.memory_space<vmem>> -> memref<1x128x64xf32, #tpu.memory_space<vmem>>
        %swap3A_687 = tpu.memref_squeeze %swap3A_686 : memref<1x128x64xf32, #tpu.memory_space<vmem>> -> memref<128x64xf32, #tpu.memory_space<vmem>>
        %swap3A_688 = arith.index_cast %add3A_683 : i32 to index
        %swap3A_689 = arith.constant 32 : index
        %swap3A_690 = tpu.vector_load %swap3A_687[%swap3A_688, %swap3A_689] {strides = array<i32>} : memref<128x64xf32, #tpu.memory_space<vmem>>, vector<1x16xf32>,
        %swap3A_691 = vector.shape_cast %swap3A_690 : vector<1x16xf32> to vector<16xf32>
        %swap3A_692 = vector.shape_cast %mul3A_681 : vector<16xf32> to vector<1x16xf32>
        tpu.vector_store %swap3A_687[%swap3A_688, %swap3A_689], %swap3A_692 {strides = array<i32>} : memref<128x64xf32, #tpu.memory_space<vmem>>, vector<1x16xf32>,
        %add3A_693 = arith.constant 5 : i32
        %add3A_694 = arith.addi %add3A_151, %add3A_693 : i32
        %get3A_695 = arith.constant 0 : i32
        %get3A_696 = arith.constant 0 : i32
        %get3A_697 = tpu.memref_slice %arg10[%rem3A_115, %get3A_695, %get3A_696] : memref<3x128x64xf32, #tpu.memory_space<vmem>> -> memref<1x128x64xf32, #tpu.memory_space<vmem>>
        %get3A_698 = tpu.memref_squeeze %get3A_697 : memref<1x128x64xf32, #tpu.memory_space<vmem>> -> memref<128x64xf32, #tpu.memory_space<vmem>>
        %get3A_699 = arith.index_cast %add3A_694 : i32 to index
        %get3A_700 = arith.constant 48 : index
        %get3A_701 = tpu.vector_load %get3A_698[%get3A_699, %get3A_700] {strides = array<i32>} : memref<128x64xf32, #tpu.memory_space<vmem>>, vector<1x16xf32>,
        %get3A_702 = vector.shape_cast %get3A_701 : vector<1x16xf32> to vector<16xf32>
        %mul3A_703 = vector.broadcast %squeeze3A_623 : f32 to vector<16xf32>
        %mul3A_704 = arith.mulf %get3A_702, %mul3A_703 : vector<16xf32>
        %add3A_705 = arith.constant 5 : i32
        %add3A_706 = arith.addi %add3A_151, %add3A_705 : i32
        %swap3A_707 = arith.constant 0 : i32
        %swap3A_708 = arith.constant 0 : i32
        %swap3A_709 = tpu.memref_slice %arg10[%rem3A_115, %swap3A_707, %swap3A_708] : memref<3x128x64xf32, #tpu.memory_space<vmem>> -> memref<1x128x64xf32, #tpu.memory_space<vmem>>
        %swap3A_710 = tpu.memref_squeeze %swap3A_709 : memref<1x128x64xf32, #tpu.memory_space<vmem>> -> memref<128x64xf32, #tpu.memory_space<vmem>>
        %swap3A_711 = arith.index_cast %add3A_706 : i32 to index
        %swap3A_712 = arith.constant 48 : index
        %swap3A_713 = tpu.vector_load %swap3A_710[%swap3A_711, %swap3A_712] {strides = array<i32>} : memref<128x64xf32, #tpu.memory_space<vmem>>, vector<1x16xf32>,
        %swap3A_714 = vector.shape_cast %swap3A_713 : vector<1x16xf32> to vector<16xf32>
        %swap3A_715 = vector.shape_cast %mul3A_704 : vector<16xf32> to vector<1x16xf32>
        tpu.vector_store %swap3A_710[%swap3A_711, %swap3A_712], %swap3A_715 {strides = array<i32>} : memref<128x64xf32, #tpu.memory_space<vmem>>, vector<1x16xf32>,
        %slice3A_716 = vector.extract_strided_slice %get3A_154 {offsets = [6], sizes = [1], strides = [1]} : vector<16xf32> to vector<1xf32>
        %squeeze3A_717 = vector.extract %slice3A_716[0] : f32 from vector<1xf32>
        %add3A_718 = arith.constant 6 : i32
        %add3A_719 = arith.addi %add3A_151, %add3A_718 : i32
        %get3A_720 = arith.constant 0 : i32
        %get3A_721 = arith.constant 0 : i32
        %get3A_722 = tpu.memref_slice %arg10[%rem3A_115, %get3A_720, %get3A_721] : memref<3x128x64xf32, #tpu.memory_space<vmem>> -> memref<1x128x64xf32, #tpu.memory_space<vmem>>
        %get3A_723 = tpu.memref_squeeze %get3A_722 : memref<1x128x64xf32, #tpu.memory_space<vmem>> -> memref<128x64xf32, #tpu.memory_space<vmem>>
        %get3A_724 = arith.index_cast %add3A_719 : i32 to index
        %get3A_725 = arith.constant 0 : index
        %get3A_726 = tpu.vector_load %get3A_723[%get3A_724, %get3A_725] {strides = array<i32>} : memref<128x64xf32, #tpu.memory_space<vmem>>, vector<1x16xf32>,
        %get3A_727 = vector.shape_cast %get3A_726 : vector<1x16xf32> to vector<16xf32>
        %mul3A_728 = vector.broadcast %squeeze3A_717 : f32 to vector<16xf32>
        %mul3A_729 = arith.mulf %get3A_727, %mul3A_728 : vector<16xf32>
        %add3A_730 = arith.constant 6 : i32
        %add3A_731 = arith.addi %add3A_151, %add3A_730 : i32
        %swap3A_732 = arith.constant 0 : i32
        %swap3A_733 = arith.constant 0 : i32
        %swap3A_734 = tpu.memref_slice %arg10[%rem3A_115, %swap3A_732, %swap3A_733] : memref<3x128x64xf32, #tpu.memory_space<vmem>> -> memref<1x128x64xf32, #tpu.memory_space<vmem>>
        %swap3A_735 = tpu.memref_squeeze %swap3A_734 : memref<1x128x64xf32, #tpu.memory_space<vmem>> -> memref<128x64xf32, #tpu.memory_space<vmem>>
        %swap3A_736 = arith.index_cast %add3A_731 : i32 to index
        %swap3A_737 = arith.constant 0 : index
        %swap3A_738 = tpu.vector_load %swap3A_735[%swap3A_736, %swap3A_737] {strides = array<i32>} : memref<128x64xf32, #tpu.memory_space<vmem>>, vector<1x16xf32>,
        %swap3A_739 = vector.shape_cast %swap3A_738 : vector<1x16xf32> to vector<16xf32>
        %swap3A_740 = vector.shape_cast %mul3A_729 : vector<16xf32> to vector<1x16xf32>
        tpu.vector_store %swap3A_735[%swap3A_736, %swap3A_737], %swap3A_740 {strides = array<i32>} : memref<128x64xf32, #tpu.memory_space<vmem>>, vector<1x16xf32>,
        %add3A_741 = arith.constant 6 : i32
        %add3A_742 = arith.addi %add3A_151, %add3A_741 : i32
        %get3A_743 = arith.constant 0 : i32
        %get3A_744 = arith.constant 0 : i32
        %get3A_745 = tpu.memref_slice %arg10[%rem3A_115, %get3A_743, %get3A_744] : memref<3x128x64xf32, #tpu.memory_space<vmem>> -> memref<1x128x64xf32, #tpu.memory_space<vmem>>
        %get3A_746 = tpu.memref_squeeze %get3A_745 : memref<1x128x64xf32, #tpu.memory_space<vmem>> -> memref<128x64xf32, #tpu.memory_space<vmem>>
        %get3A_747 = arith.index_cast %add3A_742 : i32 to index
        %get3A_748 = arith.constant 16 : index
        %get3A_749 = tpu.vector_load %get3A_746[%get3A_747, %get3A_748] {strides = array<i32>} : memref<128x64xf32, #tpu.memory_space<vmem>>, vector<1x16xf32>,
        %get3A_750 = vector.shape_cast %get3A_749 : vector<1x16xf32> to vector<16xf32>
        %mul3A_751 = vector.broadcast %squeeze3A_717 : f32 to vector<16xf32>
        %mul3A_752 = arith.mulf %get3A_750, %mul3A_751 : vector<16xf32>
        %add3A_753 = arith.constant 6 : i32
        %add3A_754 = arith.addi %add3A_151, %add3A_753 : i32
        %swap3A_755 = arith.constant 0 : i32
        %swap3A_756 = arith.constant 0 : i32
        %swap3A_757 = tpu.memref_slice %arg10[%rem3A_115, %swap3A_755, %swap3A_756] : memref<3x128x64xf32, #tpu.memory_space<vmem>> -> memref<1x128x64xf32, #tpu.memory_space<vmem>>
        %swap3A_758 = tpu.memref_squeeze %swap3A_757 : memref<1x128x64xf32, #tpu.memory_space<vmem>> -> memref<128x64xf32, #tpu.memory_space<vmem>>
        %swap3A_759 = arith.index_cast %add3A_754 : i32 to index
        %swap3A_760 = arith.constant 16 : index
        %swap3A_761 = tpu.vector_load %swap3A_758[%swap3A_759, %swap3A_760] {strides = array<i32>} : memref<128x64xf32, #tpu.memory_space<vmem>>, vector<1x16xf32>,
        %swap3A_762 = vector.shape_cast %swap3A_761 : vector<1x16xf32> to vector<16xf32>
        %swap3A_763 = vector.shape_cast %mul3A_752 : vector<16xf32> to vector<1x16xf32>
        tpu.vector_store %swap3A_758[%swap3A_759, %swap3A_760], %swap3A_763 {strides = array<i32>} : memref<128x64xf32, #tpu.memory_space<vmem>>, vector<1x16xf32>,
        %add3A_764 = arith.constant 6 : i32
        %add3A_765 = arith.addi %add3A_151, %add3A_764 : i32
        %get3A_766 = arith.constant 0 : i32
        %get3A_767 = arith.constant 0 : i32
        %get3A_768 = tpu.memref_slice %arg10[%rem3A_115, %get3A_766, %get3A_767] : memref<3x128x64xf32, #tpu.memory_space<vmem>> -> memref<1x128x64xf32, #tpu.memory_space<vmem>>
        %get3A_769 = tpu.memref_squeeze %get3A_768 : memref<1x128x64xf32, #tpu.memory_space<vmem>> -> memref<128x64xf32, #tpu.memory_space<vmem>>
        %get3A_770 = arith.index_cast %add3A_765 : i32 to index
        %get3A_771 = arith.constant 32 : index
        %get3A_772 = tpu.vector_load %get3A_769[%get3A_770, %get3A_771] {strides = array<i32>} : memref<128x64xf32, #tpu.memory_space<vmem>>, vector<1x16xf32>,
        %get3A_773 = vector.shape_cast %get3A_772 : vector<1x16xf32> to vector<16xf32>
        %mul3A_774 = vector.broadcast %squeeze3A_717 : f32 to vector<16xf32>
        %mul3A_775 = arith.mulf %get3A_773, %mul3A_774 : vector<16xf32>
        %add3A_776 = arith.constant 6 : i32
        %add3A_777 = arith.addi %add3A_151, %add3A_776 : i32
        %swap3A_778 = arith.constant 0 : i32
        %swap3A_779 = arith.constant 0 : i32
        %swap3A_780 = tpu.memref_slice %arg10[%rem3A_115, %swap3A_778, %swap3A_779] : memref<3x128x64xf32, #tpu.memory_space<vmem>> -> memref<1x128x64xf32, #tpu.memory_space<vmem>>
        %swap3A_781 = tpu.memref_squeeze %swap3A_780 : memref<1x128x64xf32, #tpu.memory_space<vmem>> -> memref<128x64xf32, #tpu.memory_space<vmem>>
        %swap3A_782 = arith.index_cast %add3A_777 : i32 to index
        %swap3A_783 = arith.constant 32 : index
        %swap3A_784 = tpu.vector_load %swap3A_781[%swap3A_782, %swap3A_783] {strides = array<i32>} : memref<128x64xf32, #tpu.memory_space<vmem>>, vector<1x16xf32>,
        %swap3A_785 = vector.shape_cast %swap3A_784 : vector<1x16xf32> to vector<16xf32>
        %swap3A_786 = vector.shape_cast %mul3A_775 : vector<16xf32> to vector<1x16xf32>
        tpu.vector_store %swap3A_781[%swap3A_782, %swap3A_783], %swap3A_786 {strides = array<i32>} : memref<128x64xf32, #tpu.memory_space<vmem>>, vector<1x16xf32>,
        %add3A_787 = arith.constant 6 : i32
        %add3A_788 = arith.addi %add3A_151, %add3A_787 : i32
        %get3A_789 = arith.constant 0 : i32
        %get3A_790 = arith.constant 0 : i32
        %get3A_791 = tpu.memref_slice %arg10[%rem3A_115, %get3A_789, %get3A_790] : memref<3x128x64xf32, #tpu.memory_space<vmem>> -> memref<1x128x64xf32, #tpu.memory_space<vmem>>
        %get3A_792 = tpu.memref_squeeze %get3A_791 : memref<1x128x64xf32, #tpu.memory_space<vmem>> -> memref<128x64xf32, #tpu.memory_space<vmem>>
        %get3A_793 = arith.index_cast %add3A_788 : i32 to index
        %get3A_794 = arith.constant 48 : index
        %get3A_795 = tpu.vector_load %get3A_792[%get3A_793, %get3A_794] {strides = array<i32>} : memref<128x64xf32, #tpu.memory_space<vmem>>, vector<1x16xf32>,
        %get3A_796 = vector.shape_cast %get3A_795 : vector<1x16xf32> to vector<16xf32>
        %mul3A_797 = vector.broadcast %squeeze3A_717 : f32 to vector<16xf32>
        %mul3A_798 = arith.mulf %get3A_796, %mul3A_797 : vector<16xf32>
        %add3A_799 = arith.constant 6 : i32
        %add3A_800 = arith.addi %add3A_151, %add3A_799 : i32
        %swap3A_801 = arith.constant 0 : i32
        %swap3A_802 = arith.constant 0 : i32
        %swap3A_803 = tpu.memref_slice %arg10[%rem3A_115, %swap3A_801, %swap3A_802] : memref<3x128x64xf32, #tpu.memory_space<vmem>> -> memref<1x128x64xf32, #tpu.memory_space<vmem>>
        %swap3A_804 = tpu.memref_squeeze %swap3A_803 : memref<1x128x64xf32, #tpu.memory_space<vmem>> -> memref<128x64xf32, #tpu.memory_space<vmem>>
        %swap3A_805 = arith.index_cast %add3A_800 : i32 to index
        %swap3A_806 = arith.constant 48 : index
        %swap3A_807 = tpu.vector_load %swap3A_804[%swap3A_805, %swap3A_806] {strides = array<i32>} : memref<128x64xf32, #tpu.memory_space<vmem>>, vector<1x16xf32>,
        %swap3A_808 = vector.shape_cast %swap3A_807 : vector<1x16xf32> to vector<16xf32>
        %swap3A_809 = vector.shape_cast %mul3A_798 : vector<16xf32> to vector<1x16xf32>
        tpu.vector_store %swap3A_804[%swap3A_805, %swap3A_806], %swap3A_809 {strides = array<i32>} : memref<128x64xf32, #tpu.memory_space<vmem>>, vector<1x16xf32>,
        %slice3A_810 = vector.extract_strided_slice %get3A_154 {offsets = [7], sizes = [1], strides = [1]} : vector<16xf32> to vector<1xf32>
        %squeeze3A_811 = vector.extract %slice3A_810[0] : f32 from vector<1xf32>
        %add3A_812 = arith.constant 7 : i32
        %add3A_813 = arith.addi %add3A_151, %add3A_812 : i32
        %get3A_814 = arith.constant 0 : i32
        %get3A_815 = arith.constant 0 : i32
        %get3A_816 = tpu.memref_slice %arg10[%rem3A_115, %get3A_814, %get3A_815] : memref<3x128x64xf32, #tpu.memory_space<vmem>> -> memref<1x128x64xf32, #tpu.memory_space<vmem>>
        %get3A_817 = tpu.memref_squeeze %get3A_816 : memref<1x128x64xf32, #tpu.memory_space<vmem>> -> memref<128x64xf32, #tpu.memory_space<vmem>>
        %get3A_818 = arith.index_cast %add3A_813 : i32 to index
        %get3A_819 = arith.constant 0 : index
        %get3A_820 = tpu.vector_load %get3A_817[%get3A_818, %get3A_819] {strides = array<i32>} : memref<128x64xf32, #tpu.memory_space<vmem>>, vector<1x16xf32>,
        %get3A_821 = vector.shape_cast %get3A_820 : vector<1x16xf32> to vector<16xf32>
        %mul3A_822 = vector.broadcast %squeeze3A_811 : f32 to vector<16xf32>
        %mul3A_823 = arith.mulf %get3A_821, %mul3A_822 : vector<16xf32>
        %add3A_824 = arith.constant 7 : i32
        %add3A_825 = arith.addi %add3A_151, %add3A_824 : i32
        %swap3A_826 = arith.constant 0 : i32
        %swap3A_827 = arith.constant 0 : i32
        %swap3A_828 = tpu.memref_slice %arg10[%rem3A_115, %swap3A_826, %swap3A_827] : memref<3x128x64xf32, #tpu.memory_space<vmem>> -> memref<1x128x64xf32, #tpu.memory_space<vmem>>
        %swap3A_829 = tpu.memref_squeeze %swap3A_828 : memref<1x128x64xf32, #tpu.memory_space<vmem>> -> memref<128x64xf32, #tpu.memory_space<vmem>>
        %swap3A_830 = arith.index_cast %add3A_825 : i32 to index
        %swap3A_831 = arith.constant 0 : index
        %swap3A_832 = tpu.vector_load %swap3A_829[%swap3A_830, %swap3A_831] {strides = array<i32>} : memref<128x64xf32, #tpu.memory_space<vmem>>, vector<1x16xf32>,
        %swap3A_833 = vector.shape_cast %swap3A_832 : vector<1x16xf32> to vector<16xf32>
        %swap3A_834 = vector.shape_cast %mul3A_823 : vector<16xf32> to vector<1x16xf32>
        tpu.vector_store %swap3A_829[%swap3A_830, %swap3A_831], %swap3A_834 {strides = array<i32>} : memref<128x64xf32, #tpu.memory_space<vmem>>, vector<1x16xf32>,
        %add3A_835 = arith.constant 7 : i32
        %add3A_836 = arith.addi %add3A_151, %add3A_835 : i32
        %get3A_837 = arith.constant 0 : i32
        %get3A_838 = arith.constant 0 : i32
        %get3A_839 = tpu.memref_slice %arg10[%rem3A_115, %get3A_837, %get3A_838] : memref<3x128x64xf32, #tpu.memory_space<vmem>> -> memref<1x128x64xf32, #tpu.memory_space<vmem>>
        %get3A_840 = tpu.memref_squeeze %get3A_839 : memref<1x128x64xf32, #tpu.memory_space<vmem>> -> memref<128x64xf32, #tpu.memory_space<vmem>>
        %get3A_841 = arith.index_cast %add3A_836 : i32 to index
        %get3A_842 = arith.constant 16 : index
        %get3A_843 = tpu.vector_load %get3A_840[%get3A_841, %get3A_842] {strides = array<i32>} : memref<128x64xf32, #tpu.memory_space<vmem>>, vector<1x16xf32>,
        %get3A_844 = vector.shape_cast %get3A_843 : vector<1x16xf32> to vector<16xf32>
        %mul3A_845 = vector.broadcast %squeeze3A_811 : f32 to vector<16xf32>
        %mul3A_846 = arith.mulf %get3A_844, %mul3A_845 : vector<16xf32>
        %add3A_847 = arith.constant 7 : i32
        %add3A_848 = arith.addi %add3A_151, %add3A_847 : i32
        %swap3A_849 = arith.constant 0 : i32
        %swap3A_850 = arith.constant 0 : i32
        %swap3A_851 = tpu.memref_slice %arg10[%rem3A_115, %swap3A_849, %swap3A_850] : memref<3x128x64xf32, #tpu.memory_space<vmem>> -> memref<1x128x64xf32, #tpu.memory_space<vmem>>
        %swap3A_852 = tpu.memref_squeeze %swap3A_851 : memref<1x128x64xf32, #tpu.memory_space<vmem>> -> memref<128x64xf32, #tpu.memory_space<vmem>>
        %swap3A_853 = arith.index_cast %add3A_848 : i32 to index
        %swap3A_854 = arith.constant 16 : index
        %swap3A_855 = tpu.vector_load %swap3A_852[%swap3A_853, %swap3A_854] {strides = array<i32>} : memref<128x64xf32, #tpu.memory_space<vmem>>, vector<1x16xf32>,
        %swap3A_856 = vector.shape_cast %swap3A_855 : vector<1x16xf32> to vector<16xf32>
        %swap3A_857 = vector.shape_cast %mul3A_846 : vector<16xf32> to vector<1x16xf32>
        tpu.vector_store %swap3A_852[%swap3A_853, %swap3A_854], %swap3A_857 {strides = array<i32>} : memref<128x64xf32, #tpu.memory_space<vmem>>, vector<1x16xf32>,
        %add3A_858 = arith.constant 7 : i32
        %add3A_859 = arith.addi %add3A_151, %add3A_858 : i32
        %get3A_860 = arith.constant 0 : i32
        %get3A_861 = arith.constant 0 : i32
        %get3A_862 = tpu.memref_slice %arg10[%rem3A_115, %get3A_860, %get3A_861] : memref<3x128x64xf32, #tpu.memory_space<vmem>> -> memref<1x128x64xf32, #tpu.memory_space<vmem>>
        %get3A_863 = tpu.memref_squeeze %get3A_862 : memref<1x128x64xf32, #tpu.memory_space<vmem>> -> memref<128x64xf32, #tpu.memory_space<vmem>>
        %get3A_864 = arith.index_cast %add3A_859 : i32 to index
        %get3A_865 = arith.constant 32 : index
        %get3A_866 = tpu.vector_load %get3A_863[%get3A_864, %get3A_865] {strides = array<i32>} : memref<128x64xf32, #tpu.memory_space<vmem>>, vector<1x16xf32>,
        %get3A_867 = vector.shape_cast %get3A_866 : vector<1x16xf32> to vector<16xf32>
        %mul3A_868 = vector.broadcast %squeeze3A_811 : f32 to vector<16xf32>
        %mul3A_869 = arith.mulf %get3A_867, %mul3A_868 : vector<16xf32>
        %add3A_870 = arith.constant 7 : i32
        %add3A_871 = arith.addi %add3A_151, %add3A_870 : i32
        %swap3A_872 = arith.constant 0 : i32
        %swap3A_873 = arith.constant 0 : i32
        %swap3A_874 = tpu.memref_slice %arg10[%rem3A_115, %swap3A_872, %swap3A_873] : memref<3x128x64xf32, #tpu.memory_space<vmem>> -> memref<1x128x64xf32, #tpu.memory_space<vmem>>
        %swap3A_875 = tpu.memref_squeeze %swap3A_874 : memref<1x128x64xf32, #tpu.memory_space<vmem>> -> memref<128x64xf32, #tpu.memory_space<vmem>>
        %swap3A_876 = arith.index_cast %add3A_871 : i32 to index
        %swap3A_877 = arith.constant 32 : index
        %swap3A_878 = tpu.vector_load %swap3A_875[%swap3A_876, %swap3A_877] {strides = array<i32>} : memref<128x64xf32, #tpu.memory_space<vmem>>, vector<1x16xf32>,
        %swap3A_879 = vector.shape_cast %swap3A_878 : vector<1x16xf32> to vector<16xf32>
        %swap3A_880 = vector.shape_cast %mul3A_869 : vector<16xf32> to vector<1x16xf32>
        tpu.vector_store %swap3A_875[%swap3A_876, %swap3A_877], %swap3A_880 {strides = array<i32>} : memref<128x64xf32, #tpu.memory_space<vmem>>, vector<1x16xf32>,
        %add3A_881 = arith.constant 7 : i32
        %add3A_882 = arith.addi %add3A_151, %add3A_881 : i32
        %get3A_883 = arith.constant 0 : i32
        %get3A_884 = arith.constant 0 : i32
        %get3A_885 = tpu.memref_slice %arg10[%rem3A_115, %get3A_883, %get3A_884] : memref<3x128x64xf32, #tpu.memory_space<vmem>> -> memref<1x128x64xf32, #tpu.memory_space<vmem>>
        %get3A_886 = tpu.memref_squeeze %get3A_885 : memref<1x128x64xf32, #tpu.memory_space<vmem>> -> memref<128x64xf32, #tpu.memory_space<vmem>>
        %get3A_887 = arith.index_cast %add3A_882 : i32 to index
        %get3A_888 = arith.constant 48 : index
        %get3A_889 = tpu.vector_load %get3A_886[%get3A_887, %get3A_888] {strides = array<i32>} : memref<128x64xf32, #tpu.memory_space<vmem>>, vector<1x16xf32>,
        %get3A_890 = vector.shape_cast %get3A_889 : vector<1x16xf32> to vector<16xf32>
        %mul3A_891 = vector.broadcast %squeeze3A_811 : f32 to vector<16xf32>
        %mul3A_892 = arith.mulf %get3A_890, %mul3A_891 : vector<16xf32>
        %add3A_893 = arith.constant 7 : i32
        %add3A_894 = arith.addi %add3A_151, %add3A_893 : i32
        %swap3A_895 = arith.constant 0 : i32
        %swap3A_896 = arith.constant 0 : i32
        %swap3A_897 = tpu.memref_slice %arg10[%rem3A_115, %swap3A_895, %swap3A_896] : memref<3x128x64xf32, #tpu.memory_space<vmem>> -> memref<1x128x64xf32, #tpu.memory_space<vmem>>
        %swap3A_898 = tpu.memref_squeeze %swap3A_897 : memref<1x128x64xf32, #tpu.memory_space<vmem>> -> memref<128x64xf32, #tpu.memory_space<vmem>>
        %swap3A_899 = arith.index_cast %add3A_894 : i32 to index
        %swap3A_900 = arith.constant 48 : index
        %swap3A_901 = tpu.vector_load %swap3A_898[%swap3A_899, %swap3A_900] {strides = array<i32>} : memref<128x64xf32, #tpu.memory_space<vmem>>, vector<1x16xf32>,
        %swap3A_902 = vector.shape_cast %swap3A_901 : vector<1x16xf32> to vector<16xf32>
        %swap3A_903 = vector.shape_cast %mul3A_892 : vector<16xf32> to vector<1x16xf32>
        tpu.vector_store %swap3A_898[%swap3A_899, %swap3A_900], %swap3A_903 {strides = array<i32>} : memref<128x64xf32, #tpu.memory_space<vmem>>, vector<1x16xf32>,
        %slice3A_904 = vector.extract_strided_slice %get3A_154 {offsets = [8], sizes = [1], strides = [1]} : vector<16xf32> to vector<1xf32>
        %squeeze3A_905 = vector.extract %slice3A_904[0] : f32 from vector<1xf32>
        %add3A_906 = arith.constant 8 : i32
        %add3A_907 = arith.addi %add3A_151, %add3A_906 : i32
        %get3A_908 = arith.constant 0 : i32
        %get3A_909 = arith.constant 0 : i32
        %get3A_910 = tpu.memref_slice %arg10[%rem3A_115, %get3A_908, %get3A_909] : memref<3x128x64xf32, #tpu.memory_space<vmem>> -> memref<1x128x64xf32, #tpu.memory_space<vmem>>
        %get3A_911 = tpu.memref_squeeze %get3A_910 : memref<1x128x64xf32, #tpu.memory_space<vmem>> -> memref<128x64xf32, #tpu.memory_space<vmem>>
        %get3A_912 = arith.index_cast %add3A_907 : i32 to index
        %get3A_913 = arith.constant 0 : index
        %get3A_914 = tpu.vector_load %get3A_911[%get3A_912, %get3A_913] {strides = array<i32>} : memref<128x64xf32, #tpu.memory_space<vmem>>, vector<1x16xf32>,
        %get3A_915 = vector.shape_cast %get3A_914 : vector<1x16xf32> to vector<16xf32>
        %mul3A_916 = vector.broadcast %squeeze3A_905 : f32 to vector<16xf32>
        %mul3A_917 = arith.mulf %get3A_915, %mul3A_916 : vector<16xf32>
        %add3A_918 = arith.constant 8 : i32
        %add3A_919 = arith.addi %add3A_151, %add3A_918 : i32
        %swap3A_920 = arith.constant 0 : i32
        %swap3A_921 = arith.constant 0 : i32
        %swap3A_922 = tpu.memref_slice %arg10[%rem3A_115, %swap3A_920, %swap3A_921] : memref<3x128x64xf32, #tpu.memory_space<vmem>> -> memref<1x128x64xf32, #tpu.memory_space<vmem>>
        %swap3A_923 = tpu.memref_squeeze %swap3A_922 : memref<1x128x64xf32, #tpu.memory_space<vmem>> -> memref<128x64xf32, #tpu.memory_space<vmem>>
        %swap3A_924 = arith.index_cast %add3A_919 : i32 to index
        %swap3A_925 = arith.constant 0 : index
        %swap3A_926 = tpu.vector_load %swap3A_923[%swap3A_924, %swap3A_925] {strides = array<i32>} : memref<128x64xf32, #tpu.memory_space<vmem>>, vector<1x16xf32>,
        %swap3A_927 = vector.shape_cast %swap3A_926 : vector<1x16xf32> to vector<16xf32>
        %swap3A_928 = vector.shape_cast %mul3A_917 : vector<16xf32> to vector<1x16xf32>
        tpu.vector_store %swap3A_923[%swap3A_924, %swap3A_925], %swap3A_928 {strides = array<i32>} : memref<128x64xf32, #tpu.memory_space<vmem>>, vector<1x16xf32>,
        %add3A_929 = arith.constant 8 : i32
        %add3A_930 = arith.addi %add3A_151, %add3A_929 : i32
        %get3A_931 = arith.constant 0 : i32
        %get3A_932 = arith.constant 0 : i32
        %get3A_933 = tpu.memref_slice %arg10[%rem3A_115, %get3A_931, %get3A_932] : memref<3x128x64xf32, #tpu.memory_space<vmem>> -> memref<1x128x64xf32, #tpu.memory_space<vmem>>
        %get3A_934 = tpu.memref_squeeze %get3A_933 : memref<1x128x64xf32, #tpu.memory_space<vmem>> -> memref<128x64xf32, #tpu.memory_space<vmem>>
        %get3A_935 = arith.index_cast %add3A_930 : i32 to index
        %get3A_936 = arith.constant 16 : index
        %get3A_937 = tpu.vector_load %get3A_934[%get3A_935, %get3A_936] {strides = array<i32>} : memref<128x64xf32, #tpu.memory_space<vmem>>, vector<1x16xf32>,
        %get3A_938 = vector.shape_cast %get3A_937 : vector<1x16xf32> to vector<16xf32>
        %mul3A_939 = vector.broadcast %squeeze3A_905 : f32 to vector<16xf32>
        %mul3A_940 = arith.mulf %get3A_938, %mul3A_939 : vector<16xf32>
        %add3A_941 = arith.constant 8 : i32
        %add3A_942 = arith.addi %add3A_151, %add3A_941 : i32
        %swap3A_943 = arith.constant 0 : i32
        %swap3A_944 = arith.constant 0 : i32
        %swap3A_945 = tpu.memref_slice %arg10[%rem3A_115, %swap3A_943, %swap3A_944] : memref<3x128x64xf32, #tpu.memory_space<vmem>> -> memref<1x128x64xf32, #tpu.memory_space<vmem>>
        %swap3A_946 = tpu.memref_squeeze %swap3A_945 : memref<1x128x64xf32, #tpu.memory_space<vmem>> -> memref<128x64xf32, #tpu.memory_space<vmem>>
        %swap3A_947 = arith.index_cast %add3A_942 : i32 to index
        %swap3A_948 = arith.constant 16 : index
        %swap3A_949 = tpu.vector_load %swap3A_946[%swap3A_947, %swap3A_948] {strides = array<i32>} : memref<128x64xf32, #tpu.memory_space<vmem>>, vector<1x16xf32>,
        %swap3A_950 = vector.shape_cast %swap3A_949 : vector<1x16xf32> to vector<16xf32>
        %swap3A_951 = vector.shape_cast %mul3A_940 : vector<16xf32> to vector<1x16xf32>
        tpu.vector_store %swap3A_946[%swap3A_947, %swap3A_948], %swap3A_951 {strides = array<i32>} : memref<128x64xf32, #tpu.memory_space<vmem>>, vector<1x16xf32>,
        %add3A_952 = arith.constant 8 : i32
        %add3A_953 = arith.addi %add3A_151, %add3A_952 : i32
        %get3A_954 = arith.constant 0 : i32
        %get3A_955 = arith.constant 0 : i32
        %get3A_956 = tpu.memref_slice %arg10[%rem3A_115, %get3A_954, %get3A_955] : memref<3x128x64xf32, #tpu.memory_space<vmem>> -> memref<1x128x64xf32, #tpu.memory_space<vmem>>
        %get3A_957 = tpu.memref_squeeze %get3A_956 : memref<1x128x64xf32, #tpu.memory_space<vmem>> -> memref<128x64xf32, #tpu.memory_space<vmem>>
        %get3A_958 = arith.index_cast %add3A_953 : i32 to index
        %get3A_959 = arith.constant 32 : index
        %get3A_960 = tpu.vector_load %get3A_957[%get3A_958, %get3A_959] {strides = array<i32>} : memref<128x64xf32, #tpu.memory_space<vmem>>, vector<1x16xf32>,
        %get3A_961 = vector.shape_cast %get3A_960 : vector<1x16xf32> to vector<16xf32>
        %mul3A_962 = vector.broadcast %squeeze3A_905 : f32 to vector<16xf32>
        %mul3A_963 = arith.mulf %get3A_961, %mul3A_962 : vector<16xf32>
        %add3A_964 = arith.constant 8 : i32
        %add3A_965 = arith.addi %add3A_151, %add3A_964 : i32
        %swap3A_966 = arith.constant 0 : i32
        %swap3A_967 = arith.constant 0 : i32
        %swap3A_968 = tpu.memref_slice %arg10[%rem3A_115, %swap3A_966, %swap3A_967] : memref<3x128x64xf32, #tpu.memory_space<vmem>> -> memref<1x128x64xf32, #tpu.memory_space<vmem>>
        %swap3A_969 = tpu.memref_squeeze %swap3A_968 : memref<1x128x64xf32, #tpu.memory_space<vmem>> -> memref<128x64xf32, #tpu.memory_space<vmem>>
        %swap3A_970 = arith.index_cast %add3A_965 : i32 to index
        %swap3A_971 = arith.constant 32 : index
        %swap3A_972 = tpu.vector_load %swap3A_969[%swap3A_970, %swap3A_971] {strides = array<i32>} : memref<128x64xf32, #tpu.memory_space<vmem>>, vector<1x16xf32>,
        %swap3A_973 = vector.shape_cast %swap3A_972 : vector<1x16xf32> to vector<16xf32>
        %swap3A_974 = vector.shape_cast %mul3A_963 : vector<16xf32> to vector<1x16xf32>
        tpu.vector_store %swap3A_969[%swap3A_970, %swap3A_971], %swap3A_974 {strides = array<i32>} : memref<128x64xf32, #tpu.memory_space<vmem>>, vector<1x16xf32>,
        %add3A_975 = arith.constant 8 : i32
        %add3A_976 = arith.addi %add3A_151, %add3A_975 : i32
        %get3A_977 = arith.constant 0 : i32
        %get3A_978 = arith.constant 0 : i32
        %get3A_979 = tpu.memref_slice %arg10[%rem3A_115, %get3A_977, %get3A_978] : memref<3x128x64xf32, #tpu.memory_space<vmem>> -> memref<1x128x64xf32, #tpu.memory_space<vmem>>
        %get3A_980 = tpu.memref_squeeze %get3A_979 : memref<1x128x64xf32, #tpu.memory_space<vmem>> -> memref<128x64xf32, #tpu.memory_space<vmem>>
        %get3A_981 = arith.index_cast %add3A_976 : i32 to index
        %get3A_982 = arith.constant 48 : index
        %get3A_983 = tpu.vector_load %get3A_980[%get3A_981, %get3A_982] {strides = array<i32>} : memref<128x64xf32, #tpu.memory_space<vmem>>, vector<1x16xf32>,
        %get3A_984 = vector.shape_cast %get3A_983 : vector<1x16xf32> to vector<16xf32>
        %mul3A_985 = vector.broadcast %squeeze3A_905 : f32 to vector<16xf32>
        %mul3A_986 = arith.mulf %get3A_984, %mul3A_985 : vector<16xf32>
        %add3A_987 = arith.constant 8 : i32
        %add3A_988 = arith.addi %add3A_151, %add3A_987 : i32
        %swap3A_989 = arith.constant 0 : i32
        %swap3A_990 = arith.constant 0 : i32
        %swap3A_991 = tpu.memref_slice %arg10[%rem3A_115, %swap3A_989, %swap3A_990] : memref<3x128x64xf32, #tpu.memory_space<vmem>> -> memref<1x128x64xf32, #tpu.memory_space<vmem>>
        %swap3A_992 = tpu.memref_squeeze %swap3A_991 : memref<1x128x64xf32, #tpu.memory_space<vmem>> -> memref<128x64xf32, #tpu.memory_space<vmem>>
        %swap3A_993 = arith.index_cast %add3A_988 : i32 to index
        %swap3A_994 = arith.constant 48 : index
        %swap3A_995 = tpu.vector_load %swap3A_992[%swap3A_993, %swap3A_994] {strides = array<i32>} : memref<128x64xf32, #tpu.memory_space<vmem>>, vector<1x16xf32>,
        %swap3A_996 = vector.shape_cast %swap3A_995 : vector<1x16xf32> to vector<16xf32>
        %swap3A_997 = vector.shape_cast %mul3A_986 : vector<16xf32> to vector<1x16xf32>
        tpu.vector_store %swap3A_992[%swap3A_993, %swap3A_994], %swap3A_997 {strides = array<i32>} : memref<128x64xf32, #tpu.memory_space<vmem>>, vector<1x16xf32>,
        %slice3A_998 = vector.extract_strided_slice %get3A_154 {offsets = [9], sizes = [1], strides = [1]} : vector<16xf32> to vector<1xf32>
        %squeeze3A_999 = vector.extract %slice3A_998[0] : f32 from vector<1xf32>
        %add3A_1000 = arith.constant 9 : i32
        %add3A_1001 = arith.addi %add3A_151, %add3A_1000 : i32
        %get3A_1002 = arith.constant 0 : i32
        %get3A_1003 = arith.constant 0 : i32
        %get3A_1004 = tpu.memref_slice %arg10[%rem3A_115, %get3A_1002, %get3A_1003] : memref<3x128x64xf32, #tpu.memory_space<vmem>> -> memref<1x128x64xf32, #tpu.memory_space<vmem>>
        %get3A_1005 = tpu.memref_squeeze %get3A_1004 : memref<1x128x64xf32, #tpu.memory_space<vmem>> -> memref<128x64xf32, #tpu.memory_space<vmem>>
        %get3A_1006 = arith.index_cast %add3A_1001 : i32 to index
        %get3A_1007 = arith.constant 0 : index
        %get3A_1008 = tpu.vector_load %get3A_1005[%get3A_1006, %get3A_1007] {strides = array<i32>} : memref<128x64xf32, #tpu.memory_space<vmem>>, vector<1x16xf32>,
        %get3A_1009 = vector.shape_cast %get3A_1008 : vector<1x16xf32> to vector<16xf32>
        %mul3A_1010 = vector.broadcast %squeeze3A_999 : f32 to vector<16xf32>
        %mul3A_1011 = arith.mulf %get3A_1009, %mul3A_1010 : vector<16xf32>
        %add3A_1012 = arith.constant 9 : i32
        %add3A_1013 = arith.addi %add3A_151, %add3A_1012 : i32
        %swap3A_1014 = arith.constant 0 : i32
        %swap3A_1015 = arith.constant 0 : i32
        %swap3A_1016 = tpu.memref_slice %arg10[%rem3A_115, %swap3A_1014, %swap3A_1015] : memref<3x128x64xf32, #tpu.memory_space<vmem>> -> memref<1x128x64xf32, #tpu.memory_space<vmem>>
        %swap3A_1017 = tpu.memref_squeeze %swap3A_1016 : memref<1x128x64xf32, #tpu.memory_space<vmem>> -> memref<128x64xf32, #tpu.memory_space<vmem>>
        %swap3A_1018 = arith.index_cast %add3A_1013 : i32 to index
        %swap3A_1019 = arith.constant 0 : index
        %swap3A_1020 = tpu.vector_load %swap3A_1017[%swap3A_1018, %swap3A_1019] {strides = array<i32>} : memref<128x64xf32, #tpu.memory_space<vmem>>, vector<1x16xf32>,
        %swap3A_1021 = vector.shape_cast %swap3A_1020 : vector<1x16xf32> to vector<16xf32>
        %swap3A_1022 = vector.shape_cast %mul3A_1011 : vector<16xf32> to vector<1x16xf32>
        tpu.vector_store %swap3A_1017[%swap3A_1018, %swap3A_1019], %swap3A_1022 {strides = array<i32>} : memref<128x64xf32, #tpu.memory_space<vmem>>, vector<1x16xf32>,
        %add3A_1023 = arith.constant 9 : i32
        %add3A_1024 = arith.addi %add3A_151, %add3A_1023 : i32
        %get3A_1025 = arith.constant 0 : i32
        %get3A_1026 = arith.constant 0 : i32
        %get3A_1027 = tpu.memref_slice %arg10[%rem3A_115, %get3A_1025, %get3A_1026] : memref<3x128x64xf32, #tpu.memory_space<vmem>> -> memref<1x128x64xf32, #tpu.memory_space<vmem>>
        %get3A_1028 = tpu.memref_squeeze %get3A_1027 : memref<1x128x64xf32, #tpu.memory_space<vmem>> -> memref<128x64xf32, #tpu.memory_space<vmem>>
        %get3A_1029 = arith.index_cast %add3A_1024 : i32 to index
        %get3A_1030 = arith.constant 16 : index
        %get3A_1031 = tpu.vector_load %get3A_1028[%get3A_1029, %get3A_1030] {strides = array<i32>} : memref<128x64xf32, #tpu.memory_space<vmem>>, vector<1x16xf32>,
        %get3A_1032 = vector.shape_cast %get3A_1031 : vector<1x16xf32> to vector<16xf32>
        %mul3A_1033 = vector.broadcast %squeeze3A_999 : f32 to vector<16xf32>
        %mul3A_1034 = arith.mulf %get3A_1032, %mul3A_1033 : vector<16xf32>
        %add3A_1035 = arith.constant 9 : i32
        %add3A_1036 = arith.addi %add3A_151, %add3A_1035 : i32
        %swap3A_1037 = arith.constant 0 : i32
        %swap3A_1038 = arith.constant 0 : i32
        %swap3A_1039 = tpu.memref_slice %arg10[%rem3A_115, %swap3A_1037, %swap3A_1038] : memref<3x128x64xf32, #tpu.memory_space<vmem>> -> memref<1x128x64xf32, #tpu.memory_space<vmem>>
        %swap3A_1040 = tpu.memref_squeeze %swap3A_1039 : memref<1x128x64xf32, #tpu.memory_space<vmem>> -> memref<128x64xf32, #tpu.memory_space<vmem>>
        %swap3A_1041 = arith.index_cast %add3A_1036 : i32 to index
        %swap3A_1042 = arith.constant 16 : index
        %swap3A_1043 = tpu.vector_load %swap3A_1040[%swap3A_1041, %swap3A_1042] {strides = array<i32>} : memref<128x64xf32, #tpu.memory_space<vmem>>, vector<1x16xf32>,
        %swap3A_1044 = vector.shape_cast %swap3A_1043 : vector<1x16xf32> to vector<16xf32>
        %swap3A_1045 = vector.shape_cast %mul3A_1034 : vector<16xf32> to vector<1x16xf32>
        tpu.vector_store %swap3A_1040[%swap3A_1041, %swap3A_1042], %swap3A_1045 {strides = array<i32>} : memref<128x64xf32, #tpu.memory_space<vmem>>, vector<1x16xf32>,
        %add3A_1046 = arith.constant 9 : i32
        %add3A_1047 = arith.addi %add3A_151, %add3A_1046 : i32
        %get3A_1048 = arith.constant 0 : i32
        %get3A_1049 = arith.constant 0 : i32
        %get3A_1050 = tpu.memref_slice %arg10[%rem3A_115, %get3A_1048, %get3A_1049] : memref<3x128x64xf32, #tpu.memory_space<vmem>> -> memref<1x128x64xf32, #tpu.memory_space<vmem>>
        %get3A_1051 = tpu.memref_squeeze %get3A_1050 : memref<1x128x64xf32, #tpu.memory_space<vmem>> -> memref<128x64xf32, #tpu.memory_space<vmem>>
        %get3A_1052 = arith.index_cast %add3A_1047 : i32 to index
        %get3A_1053 = arith.constant 32 : index
        %get3A_1054 = tpu.vector_load %get3A_1051[%get3A_1052, %get3A_1053] {strides = array<i32>} : memref<128x64xf32, #tpu.memory_space<vmem>>, vector<1x16xf32>,
        %get3A_1055 = vector.shape_cast %get3A_1054 : vector<1x16xf32> to vector<16xf32>
        %mul3A_1056 = vector.broadcast %squeeze3A_999 : f32 to vector<16xf32>
        %mul3A_1057 = arith.mulf %get3A_1055, %mul3A_1056 : vector<16xf32>
        %add3A_1058 = arith.constant 9 : i32
        %add3A_1059 = arith.addi %add3A_151, %add3A_1058 : i32
        %swap3A_1060 = arith.constant 0 : i32
        %swap3A_1061 = arith.constant 0 : i32
        %swap3A_1062 = tpu.memref_slice %arg10[%rem3A_115, %swap3A_1060, %swap3A_1061] : memref<3x128x64xf32, #tpu.memory_space<vmem>> -> memref<1x128x64xf32, #tpu.memory_space<vmem>>
        %swap3A_1063 = tpu.memref_squeeze %swap3A_1062 : memref<1x128x64xf32, #tpu.memory_space<vmem>> -> memref<128x64xf32, #tpu.memory_space<vmem>>
        %swap3A_1064 = arith.index_cast %add3A_1059 : i32 to index
        %swap3A_1065 = arith.constant 32 : index
        %swap3A_1066 = tpu.vector_load %swap3A_1063[%swap3A_1064, %swap3A_1065] {strides = array<i32>} : memref<128x64xf32, #tpu.memory_space<vmem>>, vector<1x16xf32>,
        %swap3A_1067 = vector.shape_cast %swap3A_1066 : vector<1x16xf32> to vector<16xf32>
        %swap3A_1068 = vector.shape_cast %mul3A_1057 : vector<16xf32> to vector<1x16xf32>
        tpu.vector_store %swap3A_1063[%swap3A_1064, %swap3A_1065], %swap3A_1068 {strides = array<i32>} : memref<128x64xf32, #tpu.memory_space<vmem>>, vector<1x16xf32>,
        %add3A_1069 = arith.constant 9 : i32
        %add3A_1070 = arith.addi %add3A_151, %add3A_1069 : i32
        %get3A_1071 = arith.constant 0 : i32
        %get3A_1072 = arith.constant 0 : i32
        %get3A_1073 = tpu.memref_slice %arg10[%rem3A_115, %get3A_1071, %get3A_1072] : memref<3x128x64xf32, #tpu.memory_space<vmem>> -> memref<1x128x64xf32, #tpu.memory_space<vmem>>
        %get3A_1074 = tpu.memref_squeeze %get3A_1073 : memref<1x128x64xf32, #tpu.memory_space<vmem>> -> memref<128x64xf32, #tpu.memory_space<vmem>>
        %get3A_1075 = arith.index_cast %add3A_1070 : i32 to index
        %get3A_1076 = arith.constant 48 : index
        %get3A_1077 = tpu.vector_load %get3A_1074[%get3A_1075, %get3A_1076] {strides = array<i32>} : memref<128x64xf32, #tpu.memory_space<vmem>>, vector<1x16xf32>,
        %get3A_1078 = vector.shape_cast %get3A_1077 : vector<1x16xf32> to vector<16xf32>
        %mul3A_1079 = vector.broadcast %squeeze3A_999 : f32 to vector<16xf32>
        %mul3A_1080 = arith.mulf %get3A_1078, %mul3A_1079 : vector<16xf32>
        %add3A_1081 = arith.constant 9 : i32
        %add3A_1082 = arith.addi %add3A_151, %add3A_1081 : i32
        %swap3A_1083 = arith.constant 0 : i32
        %swap3A_1084 = arith.constant 0 : i32
        %swap3A_1085 = tpu.memref_slice %arg10[%rem3A_115, %swap3A_1083, %swap3A_1084] : memref<3x128x64xf32, #tpu.memory_space<vmem>> -> memref<1x128x64xf32, #tpu.memory_space<vmem>>
        %swap3A_1086 = tpu.memref_squeeze %swap3A_1085 : memref<1x128x64xf32, #tpu.memory_space<vmem>> -> memref<128x64xf32, #tpu.memory_space<vmem>>
        %swap3A_1087 = arith.index_cast %add3A_1082 : i32 to index
        %swap3A_1088 = arith.constant 48 : index
        %swap3A_1089 = tpu.vector_load %swap3A_1086[%swap3A_1087, %swap3A_1088] {strides = array<i32>} : memref<128x64xf32, #tpu.memory_space<vmem>>, vector<1x16xf32>,
        %swap3A_1090 = vector.shape_cast %swap3A_1089 : vector<1x16xf32> to vector<16xf32>
        %swap3A_1091 = vector.shape_cast %mul3A_1080 : vector<16xf32> to vector<1x16xf32>
        tpu.vector_store %swap3A_1086[%swap3A_1087, %swap3A_1088], %swap3A_1091 {strides = array<i32>} : memref<128x64xf32, #tpu.memory_space<vmem>>, vector<1x16xf32>,
        %slice3A_1092 = vector.extract_strided_slice %get3A_154 {offsets = [10], sizes = [1], strides = [1]} : vector<16xf32> to vector<1xf32>
        %squeeze3A_1093 = vector.extract %slice3A_1092[0] : f32 from vector<1xf32>
        %add3A_1094 = arith.constant 10 : i32
        %add3A_1095 = arith.addi %add3A_151, %add3A_1094 : i32
        %get3A_1096 = arith.constant 0 : i32
        %get3A_1097 = arith.constant 0 : i32
        %get3A_1098 = tpu.memref_slice %arg10[%rem3A_115, %get3A_1096, %get3A_1097] : memref<3x128x64xf32, #tpu.memory_space<vmem>> -> memref<1x128x64xf32, #tpu.memory_space<vmem>>
        %get3A_1099 = tpu.memref_squeeze %get3A_1098 : memref<1x128x64xf32, #tpu.memory_space<vmem>> -> memref<128x64xf32, #tpu.memory_space<vmem>>
        %get3A_1100 = arith.index_cast %add3A_1095 : i32 to index
        %get3A_1101 = arith.constant 0 : index
        %get3A_1102 = tpu.vector_load %get3A_1099[%get3A_1100, %get3A_1101] {strides = array<i32>} : memref<128x64xf32, #tpu.memory_space<vmem>>, vector<1x16xf32>,
        %get3A_1103 = vector.shape_cast %get3A_1102 : vector<1x16xf32> to vector<16xf32>
        %mul3A_1104 = vector.broadcast %squeeze3A_1093 : f32 to vector<16xf32>
        %mul3A_1105 = arith.mulf %get3A_1103, %mul3A_1104 : vector<16xf32>
        %add3A_1106 = arith.constant 10 : i32
        %add3A_1107 = arith.addi %add3A_151, %add3A_1106 : i32
        %swap3A_1108 = arith.constant 0 : i32
        %swap3A_1109 = arith.constant 0 : i32
        %swap3A_1110 = tpu.memref_slice %arg10[%rem3A_115, %swap3A_1108, %swap3A_1109] : memref<3x128x64xf32, #tpu.memory_space<vmem>> -> memref<1x128x64xf32, #tpu.memory_space<vmem>>
        %swap3A_1111 = tpu.memref_squeeze %swap3A_1110 : memref<1x128x64xf32, #tpu.memory_space<vmem>> -> memref<128x64xf32, #tpu.memory_space<vmem>>
        %swap3A_1112 = arith.index_cast %add3A_1107 : i32 to index
        %swap3A_1113 = arith.constant 0 : index
        %swap3A_1114 = tpu.vector_load %swap3A_1111[%swap3A_1112, %swap3A_1113] {strides = array<i32>} : memref<128x64xf32, #tpu.memory_space<vmem>>, vector<1x16xf32>,
        %swap3A_1115 = vector.shape_cast %swap3A_1114 : vector<1x16xf32> to vector<16xf32>
        %swap3A_1116 = vector.shape_cast %mul3A_1105 : vector<16xf32> to vector<1x16xf32>
        tpu.vector_store %swap3A_1111[%swap3A_1112, %swap3A_1113], %swap3A_1116 {strides = array<i32>} : memref<128x64xf32, #tpu.memory_space<vmem>>, vector<1x16xf32>,
        %add3A_1117 = arith.constant 10 : i32
        %add3A_1118 = arith.addi %add3A_151, %add3A_1117 : i32
        %get3A_1119 = arith.constant 0 : i32
        %get3A_1120 = arith.constant 0 : i32
        %get3A_1121 = tpu.memref_slice %arg10[%rem3A_115, %get3A_1119, %get3A_1120] : memref<3x128x64xf32, #tpu.memory_space<vmem>> -> memref<1x128x64xf32, #tpu.memory_space<vmem>>
        %get3A_1122 = tpu.memref_squeeze %get3A_1121 : memref<1x128x64xf32, #tpu.memory_space<vmem>> -> memref<128x64xf32, #tpu.memory_space<vmem>>
        %get3A_1123 = arith.index_cast %add3A_1118 : i32 to index
        %get3A_1124 = arith.constant 16 : index
        %get3A_1125 = tpu.vector_load %get3A_1122[%get3A_1123, %get3A_1124] {strides = array<i32>} : memref<128x64xf32, #tpu.memory_space<vmem>>, vector<1x16xf32>,
        %get3A_1126 = vector.shape_cast %get3A_1125 : vector<1x16xf32> to vector<16xf32>
        %mul3A_1127 = vector.broadcast %squeeze3A_1093 : f32 to vector<16xf32>
        %mul3A_1128 = arith.mulf %get3A_1126, %mul3A_1127 : vector<16xf32>
        %add3A_1129 = arith.constant 10 : i32
        %add3A_1130 = arith.addi %add3A_151, %add3A_1129 : i32
        %swap3A_1131 = arith.constant 0 : i32
        %swap3A_1132 = arith.constant 0 : i32
        %swap3A_1133 = tpu.memref_slice %arg10[%rem3A_115, %swap3A_1131, %swap3A_1132] : memref<3x128x64xf32, #tpu.memory_space<vmem>> -> memref<1x128x64xf32, #tpu.memory_space<vmem>>
        %swap3A_1134 = tpu.memref_squeeze %swap3A_1133 : memref<1x128x64xf32, #tpu.memory_space<vmem>> -> memref<128x64xf32, #tpu.memory_space<vmem>>
        %swap3A_1135 = arith.index_cast %add3A_1130 : i32 to index
        %swap3A_1136 = arith.constant 16 : index
        %swap3A_1137 = tpu.vector_load %swap3A_1134[%swap3A_1135, %swap3A_1136] {strides = array<i32>} : memref<128x64xf32, #tpu.memory_space<vmem>>, vector<1x16xf32>,
        %swap3A_1138 = vector.shape_cast %swap3A_1137 : vector<1x16xf32> to vector<16xf32>
        %swap3A_1139 = vector.shape_cast %mul3A_1128 : vector<16xf32> to vector<1x16xf32>
        tpu.vector_store %swap3A_1134[%swap3A_1135, %swap3A_1136], %swap3A_1139 {strides = array<i32>} : memref<128x64xf32, #tpu.memory_space<vmem>>, vector<1x16xf32>,
        %add3A_1140 = arith.constant 10 : i32
        %add3A_1141 = arith.addi %add3A_151, %add3A_1140 : i32
        %get3A_1142 = arith.constant 0 : i32
        %get3A_1143 = arith.constant 0 : i32
        %get3A_1144 = tpu.memref_slice %arg10[%rem3A_115, %get3A_1142, %get3A_1143] : memref<3x128x64xf32, #tpu.memory_space<vmem>> -> memref<1x128x64xf32, #tpu.memory_space<vmem>>
        %get3A_1145 = tpu.memref_squeeze %get3A_1144 : memref<1x128x64xf32, #tpu.memory_space<vmem>> -> memref<128x64xf32, #tpu.memory_space<vmem>>
        %get3A_1146 = arith.index_cast %add3A_1141 : i32 to index
        %get3A_1147 = arith.constant 32 : index
        %get3A_1148 = tpu.vector_load %get3A_1145[%get3A_1146, %get3A_1147] {strides = array<i32>} : memref<128x64xf32, #tpu.memory_space<vmem>>, vector<1x16xf32>,
        %get3A_1149 = vector.shape_cast %get3A_1148 : vector<1x16xf32> to vector<16xf32>
        %mul3A_1150 = vector.broadcast %squeeze3A_1093 : f32 to vector<16xf32>
        %mul3A_1151 = arith.mulf %get3A_1149, %mul3A_1150 : vector<16xf32>
        %add3A_1152 = arith.constant 10 : i32
        %add3A_1153 = arith.addi %add3A_151, %add3A_1152 : i32
        %swap3A_1154 = arith.constant 0 : i32
        %swap3A_1155 = arith.constant 0 : i32
        %swap3A_1156 = tpu.memref_slice %arg10[%rem3A_115, %swap3A_1154, %swap3A_1155] : memref<3x128x64xf32, #tpu.memory_space<vmem>> -> memref<1x128x64xf32, #tpu.memory_space<vmem>>
        %swap3A_1157 = tpu.memref_squeeze %swap3A_1156 : memref<1x128x64xf32, #tpu.memory_space<vmem>> -> memref<128x64xf32, #tpu.memory_space<vmem>>
        %swap3A_1158 = arith.index_cast %add3A_1153 : i32 to index
        %swap3A_1159 = arith.constant 32 : index
        %swap3A_1160 = tpu.vector_load %swap3A_1157[%swap3A_1158, %swap3A_1159] {strides = array<i32>} : memref<128x64xf32, #tpu.memory_space<vmem>>, vector<1x16xf32>,
        %swap3A_1161 = vector.shape_cast %swap3A_1160 : vector<1x16xf32> to vector<16xf32>
        %swap3A_1162 = vector.shape_cast %mul3A_1151 : vector<16xf32> to vector<1x16xf32>
        tpu.vector_store %swap3A_1157[%swap3A_1158, %swap3A_1159], %swap3A_1162 {strides = array<i32>} : memref<128x64xf32, #tpu.memory_space<vmem>>, vector<1x16xf32>,
        %add3A_1163 = arith.constant 10 : i32
        %add3A_1164 = arith.addi %add3A_151, %add3A_1163 : i32
        %get3A_1165 = arith.constant 0 : i32
        %get3A_1166 = arith.constant 0 : i32
        %get3A_1167 = tpu.memref_slice %arg10[%rem3A_115, %get3A_1165, %get3A_1166] : memref<3x128x64xf32, #tpu.memory_space<vmem>> -> memref<1x128x64xf32, #tpu.memory_space<vmem>>
        %get3A_1168 = tpu.memref_squeeze %get3A_1167 : memref<1x128x64xf32, #tpu.memory_space<vmem>> -> memref<128x64xf32, #tpu.memory_space<vmem>>
        %get3A_1169 = arith.index_cast %add3A_1164 : i32 to index
        %get3A_1170 = arith.constant 48 : index
        %get3A_1171 = tpu.vector_load %get3A_1168[%get3A_1169, %get3A_1170] {strides = array<i32>} : memref<128x64xf32, #tpu.memory_space<vmem>>, vector<1x16xf32>,
        %get3A_1172 = vector.shape_cast %get3A_1171 : vector<1x16xf32> to vector<16xf32>
        %mul3A_1173 = vector.broadcast %squeeze3A_1093 : f32 to vector<16xf32>
        %mul3A_1174 = arith.mulf %get3A_1172, %mul3A_1173 : vector<16xf32>
        %add3A_1175 = arith.constant 10 : i32
        %add3A_1176 = arith.addi %add3A_151, %add3A_1175 : i32
        %swap3A_1177 = arith.constant 0 : i32
        %swap3A_1178 = arith.constant 0 : i32
        %swap3A_1179 = tpu.memref_slice %arg10[%rem3A_115, %swap3A_1177, %swap3A_1178] : memref<3x128x64xf32, #tpu.memory_space<vmem>> -> memref<1x128x64xf32, #tpu.memory_space<vmem>>
        %swap3A_1180 = tpu.memref_squeeze %swap3A_1179 : memref<1x128x64xf32, #tpu.memory_space<vmem>> -> memref<128x64xf32, #tpu.memory_space<vmem>>
        %swap3A_1181 = arith.index_cast %add3A_1176 : i32 to index
        %swap3A_1182 = arith.constant 48 : index
        %swap3A_1183 = tpu.vector_load %swap3A_1180[%swap3A_1181, %swap3A_1182] {strides = array<i32>} : memref<128x64xf32, #tpu.memory_space<vmem>>, vector<1x16xf32>,
        %swap3A_1184 = vector.shape_cast %swap3A_1183 : vector<1x16xf32> to vector<16xf32>
        %swap3A_1185 = vector.shape_cast %mul3A_1174 : vector<16xf32> to vector<1x16xf32>
        tpu.vector_store %swap3A_1180[%swap3A_1181, %swap3A_1182], %swap3A_1185 {strides = array<i32>} : memref<128x64xf32, #tpu.memory_space<vmem>>, vector<1x16xf32>,
        %slice3A_1186 = vector.extract_strided_slice %get3A_154 {offsets = [11], sizes = [1], strides = [1]} : vector<16xf32> to vector<1xf32>
        %squeeze3A_1187 = vector.extract %slice3A_1186[0] : f32 from vector<1xf32>
        %add3A_1188 = arith.constant 11 : i32
        %add3A_1189 = arith.addi %add3A_151, %add3A_1188 : i32
        %get3A_1190 = arith.constant 0 : i32
        %get3A_1191 = arith.constant 0 : i32
        %get3A_1192 = tpu.memref_slice %arg10[%rem3A_115, %get3A_1190, %get3A_1191] : memref<3x128x64xf32, #tpu.memory_space<vmem>> -> memref<1x128x64xf32, #tpu.memory_space<vmem>>
        %get3A_1193 = tpu.memref_squeeze %get3A_1192 : memref<1x128x64xf32, #tpu.memory_space<vmem>> -> memref<128x64xf32, #tpu.memory_space<vmem>>
        %get3A_1194 = arith.index_cast %add3A_1189 : i32 to index
        %get3A_1195 = arith.constant 0 : index
        %get3A_1196 = tpu.vector_load %get3A_1193[%get3A_1194, %get3A_1195] {strides = array<i32>} : memref<128x64xf32, #tpu.memory_space<vmem>>, vector<1x16xf32>,
        %get3A_1197 = vector.shape_cast %get3A_1196 : vector<1x16xf32> to vector<16xf32>
        %mul3A_1198 = vector.broadcast %squeeze3A_1187 : f32 to vector<16xf32>
        %mul3A_1199 = arith.mulf %get3A_1197, %mul3A_1198 : vector<16xf32>
        %add3A_1200 = arith.constant 11 : i32
        %add3A_1201 = arith.addi %add3A_151, %add3A_1200 : i32
        %swap3A_1202 = arith.constant 0 : i32
        %swap3A_1203 = arith.constant 0 : i32
        %swap3A_1204 = tpu.memref_slice %arg10[%rem3A_115, %swap3A_1202, %swap3A_1203] : memref<3x128x64xf32, #tpu.memory_space<vmem>> -> memref<1x128x64xf32, #tpu.memory_space<vmem>>
        %swap3A_1205 = tpu.memref_squeeze %swap3A_1204 : memref<1x128x64xf32, #tpu.memory_space<vmem>> -> memref<128x64xf32, #tpu.memory_space<vmem>>
        %swap3A_1206 = arith.index_cast %add3A_1201 : i32 to index
        %swap3A_1207 = arith.constant 0 : index
        %swap3A_1208 = tpu.vector_load %swap3A_1205[%swap3A_1206, %swap3A_1207] {strides = array<i32>} : memref<128x64xf32, #tpu.memory_space<vmem>>, vector<1x16xf32>,
        %swap3A_1209 = vector.shape_cast %swap3A_1208 : vector<1x16xf32> to vector<16xf32>
        %swap3A_1210 = vector.shape_cast %mul3A_1199 : vector<16xf32> to vector<1x16xf32>
        tpu.vector_store %swap3A_1205[%swap3A_1206, %swap3A_1207], %swap3A_1210 {strides = array<i32>} : memref<128x64xf32, #tpu.memory_space<vmem>>, vector<1x16xf32>,
        %add3A_1211 = arith.constant 11 : i32
        %add3A_1212 = arith.addi %add3A_151, %add3A_1211 : i32
        %get3A_1213 = arith.constant 0 : i32
        %get3A_1214 = arith.constant 0 : i32
        %get3A_1215 = tpu.memref_slice %arg10[%rem3A_115, %get3A_1213, %get3A_1214] : memref<3x128x64xf32, #tpu.memory_space<vmem>> -> memref<1x128x64xf32, #tpu.memory_space<vmem>>
        %get3A_1216 = tpu.memref_squeeze %get3A_1215 : memref<1x128x64xf32, #tpu.memory_space<vmem>> -> memref<128x64xf32, #tpu.memory_space<vmem>>
        %get3A_1217 = arith.index_cast %add3A_1212 : i32 to index
        %get3A_1218 = arith.constant 16 : index
        %get3A_1219 = tpu.vector_load %get3A_1216[%get3A_1217, %get3A_1218] {strides = array<i32>} : memref<128x64xf32, #tpu.memory_space<vmem>>, vector<1x16xf32>,
        %get3A_1220 = vector.shape_cast %get3A_1219 : vector<1x16xf32> to vector<16xf32>
        %mul3A_1221 = vector.broadcast %squeeze3A_1187 : f32 to vector<16xf32>
        %mul3A_1222 = arith.mulf %get3A_1220, %mul3A_1221 : vector<16xf32>
        %add3A_1223 = arith.constant 11 : i32
        %add3A_1224 = arith.addi %add3A_151, %add3A_1223 : i32
        %swap3A_1225 = arith.constant 0 : i32
        %swap3A_1226 = arith.constant 0 : i32
        %swap3A_1227 = tpu.memref_slice %arg10[%rem3A_115, %swap3A_1225, %swap3A_1226] : memref<3x128x64xf32, #tpu.memory_space<vmem>> -> memref<1x128x64xf32, #tpu.memory_space<vmem>>
        %swap3A_1228 = tpu.memref_squeeze %swap3A_1227 : memref<1x128x64xf32, #tpu.memory_space<vmem>> -> memref<128x64xf32, #tpu.memory_space<vmem>>
        %swap3A_1229 = arith.index_cast %add3A_1224 : i32 to index
        %swap3A_1230 = arith.constant 16 : index
        %swap3A_1231 = tpu.vector_load %swap3A_1228[%swap3A_1229, %swap3A_1230] {strides = array<i32>} : memref<128x64xf32, #tpu.memory_space<vmem>>, vector<1x16xf32>,
        %swap3A_1232 = vector.shape_cast %swap3A_1231 : vector<1x16xf32> to vector<16xf32>
        %swap3A_1233 = vector.shape_cast %mul3A_1222 : vector<16xf32> to vector<1x16xf32>
        tpu.vector_store %swap3A_1228[%swap3A_1229, %swap3A_1230], %swap3A_1233 {strides = array<i32>} : memref<128x64xf32, #tpu.memory_space<vmem>>, vector<1x16xf32>,
        %add3A_1234 = arith.constant 11 : i32
        %add3A_1235 = arith.addi %add3A_151, %add3A_1234 : i32
        %get3A_1236 = arith.constant 0 : i32
        %get3A_1237 = arith.constant 0 : i32
        %get3A_1238 = tpu.memref_slice %arg10[%rem3A_115, %get3A_1236, %get3A_1237] : memref<3x128x64xf32, #tpu.memory_space<vmem>> -> memref<1x128x64xf32, #tpu.memory_space<vmem>>
        %get3A_1239 = tpu.memref_squeeze %get3A_1238 : memref<1x128x64xf32, #tpu.memory_space<vmem>> -> memref<128x64xf32, #tpu.memory_space<vmem>>
        %get3A_1240 = arith.index_cast %add3A_1235 : i32 to index
        %get3A_1241 = arith.constant 32 : index
        %get3A_1242 = tpu.vector_load %get3A_1239[%get3A_1240, %get3A_1241] {strides = array<i32>} : memref<128x64xf32, #tpu.memory_space<vmem>>, vector<1x16xf32>,
        %get3A_1243 = vector.shape_cast %get3A_1242 : vector<1x16xf32> to vector<16xf32>
        %mul3A_1244 = vector.broadcast %squeeze3A_1187 : f32 to vector<16xf32>
        %mul3A_1245 = arith.mulf %get3A_1243, %mul3A_1244 : vector<16xf32>
        %add3A_1246 = arith.constant 11 : i32
        %add3A_1247 = arith.addi %add3A_151, %add3A_1246 : i32
        %swap3A_1248 = arith.constant 0 : i32
        %swap3A_1249 = arith.constant 0 : i32
        %swap3A_1250 = tpu.memref_slice %arg10[%rem3A_115, %swap3A_1248, %swap3A_1249] : memref<3x128x64xf32, #tpu.memory_space<vmem>> -> memref<1x128x64xf32, #tpu.memory_space<vmem>>
        %swap3A_1251 = tpu.memref_squeeze %swap3A_1250 : memref<1x128x64xf32, #tpu.memory_space<vmem>> -> memref<128x64xf32, #tpu.memory_space<vmem>>
        %swap3A_1252 = arith.index_cast %add3A_1247 : i32 to index
        %swap3A_1253 = arith.constant 32 : index
        %swap3A_1254 = tpu.vector_load %swap3A_1251[%swap3A_1252, %swap3A_1253] {strides = array<i32>} : memref<128x64xf32, #tpu.memory_space<vmem>>, vector<1x16xf32>,
        %swap3A_1255 = vector.shape_cast %swap3A_1254 : vector<1x16xf32> to vector<16xf32>
        %swap3A_1256 = vector.shape_cast %mul3A_1245 : vector<16xf32> to vector<1x16xf32>
        tpu.vector_store %swap3A_1251[%swap3A_1252, %swap3A_1253], %swap3A_1256 {strides = array<i32>} : memref<128x64xf32, #tpu.memory_space<vmem>>, vector<1x16xf32>,
        %add3A_1257 = arith.constant 11 : i32
        %add3A_1258 = arith.addi %add3A_151, %add3A_1257 : i32
        %get3A_1259 = arith.constant 0 : i32
        %get3A_1260 = arith.constant 0 : i32
        %get3A_1261 = tpu.memref_slice %arg10[%rem3A_115, %get3A_1259, %get3A_1260] : memref<3x128x64xf32, #tpu.memory_space<vmem>> -> memref<1x128x64xf32, #tpu.memory_space<vmem>>
        %get3A_1262 = tpu.memref_squeeze %get3A_1261 : memref<1x128x64xf32, #tpu.memory_space<vmem>> -> memref<128x64xf32, #tpu.memory_space<vmem>>
        %get3A_1263 = arith.index_cast %add3A_1258 : i32 to index
        %get3A_1264 = arith.constant 48 : index
        %get3A_1265 = tpu.vector_load %get3A_1262[%get3A_1263, %get3A_1264] {strides = array<i32>} : memref<128x64xf32, #tpu.memory_space<vmem>>, vector<1x16xf32>,
        %get3A_1266 = vector.shape_cast %get3A_1265 : vector<1x16xf32> to vector<16xf32>
        %mul3A_1267 = vector.broadcast %squeeze3A_1187 : f32 to vector<16xf32>
        %mul3A_1268 = arith.mulf %get3A_1266, %mul3A_1267 : vector<16xf32>
        %add3A_1269 = arith.constant 11 : i32
        %add3A_1270 = arith.addi %add3A_151, %add3A_1269 : i32
        %swap3A_1271 = arith.constant 0 : i32
        %swap3A_1272 = arith.constant 0 : i32
        %swap3A_1273 = tpu.memref_slice %arg10[%rem3A_115, %swap3A_1271, %swap3A_1272] : memref<3x128x64xf32, #tpu.memory_space<vmem>> -> memref<1x128x64xf32, #tpu.memory_space<vmem>>
        %swap3A_1274 = tpu.memref_squeeze %swap3A_1273 : memref<1x128x64xf32, #tpu.memory_space<vmem>> -> memref<128x64xf32, #tpu.memory_space<vmem>>
        %swap3A_1275 = arith.index_cast %add3A_1270 : i32 to index
        %swap3A_1276 = arith.constant 48 : index
        %swap3A_1277 = tpu.vector_load %swap3A_1274[%swap3A_1275, %swap3A_1276] {strides = array<i32>} : memref<128x64xf32, #tpu.memory_space<vmem>>, vector<1x16xf32>,
        %swap3A_1278 = vector.shape_cast %swap3A_1277 : vector<1x16xf32> to vector<16xf32>
        %swap3A_1279 = vector.shape_cast %mul3A_1268 : vector<16xf32> to vector<1x16xf32>
        tpu.vector_store %swap3A_1274[%swap3A_1275, %swap3A_1276], %swap3A_1279 {strides = array<i32>} : memref<128x64xf32, #tpu.memory_space<vmem>>, vector<1x16xf32>,
        %slice3A_1280 = vector.extract_strided_slice %get3A_154 {offsets = [12], sizes = [1], strides = [1]} : vector<16xf32> to vector<1xf32>
        %squeeze3A_1281 = vector.extract %slice3A_1280[0] : f32 from vector<1xf32>
        %add3A_1282 = arith.constant 12 : i32
        %add3A_1283 = arith.addi %add3A_151, %add3A_1282 : i32
        %get3A_1284 = arith.constant 0 : i32
        %get3A_1285 = arith.constant 0 : i32
        %get3A_1286 = tpu.memref_slice %arg10[%rem3A_115, %get3A_1284, %get3A_1285] : memref<3x128x64xf32, #tpu.memory_space<vmem>> -> memref<1x128x64xf32, #tpu.memory_space<vmem>>
        %get3A_1287 = tpu.memref_squeeze %get3A_1286 : memref<1x128x64xf32, #tpu.memory_space<vmem>> -> memref<128x64xf32, #tpu.memory_space<vmem>>
        %get3A_1288 = arith.index_cast %add3A_1283 : i32 to index
        %get3A_1289 = arith.constant 0 : index
        %get3A_1290 = tpu.vector_load %get3A_1287[%get3A_1288, %get3A_1289] {strides = array<i32>} : memref<128x64xf32, #tpu.memory_space<vmem>>, vector<1x16xf32>,
        %get3A_1291 = vector.shape_cast %get3A_1290 : vector<1x16xf32> to vector<16xf32>
        %mul3A_1292 = vector.broadcast %squeeze3A_1281 : f32 to vector<16xf32>
        %mul3A_1293 = arith.mulf %get3A_1291, %mul3A_1292 : vector<16xf32>
        %add3A_1294 = arith.constant 12 : i32
        %add3A_1295 = arith.addi %add3A_151, %add3A_1294 : i32
        %swap3A_1296 = arith.constant 0 : i32
        %swap3A_1297 = arith.constant 0 : i32
        %swap3A_1298 = tpu.memref_slice %arg10[%rem3A_115, %swap3A_1296, %swap3A_1297] : memref<3x128x64xf32, #tpu.memory_space<vmem>> -> memref<1x128x64xf32, #tpu.memory_space<vmem>>
        %swap3A_1299 = tpu.memref_squeeze %swap3A_1298 : memref<1x128x64xf32, #tpu.memory_space<vmem>> -> memref<128x64xf32, #tpu.memory_space<vmem>>
        %swap3A_1300 = arith.index_cast %add3A_1295 : i32 to index
        %swap3A_1301 = arith.constant 0 : index
        %swap3A_1302 = tpu.vector_load %swap3A_1299[%swap3A_1300, %swap3A_1301] {strides = array<i32>} : memref<128x64xf32, #tpu.memory_space<vmem>>, vector<1x16xf32>,
        %swap3A_1303 = vector.shape_cast %swap3A_1302 : vector<1x16xf32> to vector<16xf32>
        %swap3A_1304 = vector.shape_cast %mul3A_1293 : vector<16xf32> to vector<1x16xf32>
        tpu.vector_store %swap3A_1299[%swap3A_1300, %swap3A_1301], %swap3A_1304 {strides = array<i32>} : memref<128x64xf32, #tpu.memory_space<vmem>>, vector<1x16xf32>,
        %add3A_1305 = arith.constant 12 : i32
        %add3A_1306 = arith.addi %add3A_151, %add3A_1305 : i32
        %get3A_1307 = arith.constant 0 : i32
        %get3A_1308 = arith.constant 0 : i32
        %get3A_1309 = tpu.memref_slice %arg10[%rem3A_115, %get3A_1307, %get3A_1308] : memref<3x128x64xf32, #tpu.memory_space<vmem>> -> memref<1x128x64xf32, #tpu.memory_space<vmem>>
        %get3A_1310 = tpu.memref_squeeze %get3A_1309 : memref<1x128x64xf32, #tpu.memory_space<vmem>> -> memref<128x64xf32, #tpu.memory_space<vmem>>
        %get3A_1311 = arith.index_cast %add3A_1306 : i32 to index
        %get3A_1312 = arith.constant 16 : index
        %get3A_1313 = tpu.vector_load %get3A_1310[%get3A_1311, %get3A_1312] {strides = array<i32>} : memref<128x64xf32, #tpu.memory_space<vmem>>, vector<1x16xf32>,
        %get3A_1314 = vector.shape_cast %get3A_1313 : vector<1x16xf32> to vector<16xf32>
        %mul3A_1315 = vector.broadcast %squeeze3A_1281 : f32 to vector<16xf32>
        %mul3A_1316 = arith.mulf %get3A_1314, %mul3A_1315 : vector<16xf32>
        %add3A_1317 = arith.constant 12 : i32
        %add3A_1318 = arith.addi %add3A_151, %add3A_1317 : i32
        %swap3A_1319 = arith.constant 0 : i32
        %swap3A_1320 = arith.constant 0 : i32
        %swap3A_1321 = tpu.memref_slice %arg10[%rem3A_115, %swap3A_1319, %swap3A_1320] : memref<3x128x64xf32, #tpu.memory_space<vmem>> -> memref<1x128x64xf32, #tpu.memory_space<vmem>>
        %swap3A_1322 = tpu.memref_squeeze %swap3A_1321 : memref<1x128x64xf32, #tpu.memory_space<vmem>> -> memref<128x64xf32, #tpu.memory_space<vmem>>
        %swap3A_1323 = arith.index_cast %add3A_1318 : i32 to index
        %swap3A_1324 = arith.constant 16 : index
        %swap3A_1325 = tpu.vector_load %swap3A_1322[%swap3A_1323, %swap3A_1324] {strides = array<i32>} : memref<128x64xf32, #tpu.memory_space<vmem>>, vector<1x16xf32>,
        %swap3A_1326 = vector.shape_cast %swap3A_1325 : vector<1x16xf32> to vector<16xf32>
        %swap3A_1327 = vector.shape_cast %mul3A_1316 : vector<16xf32> to vector<1x16xf32>
        tpu.vector_store %swap3A_1322[%swap3A_1323, %swap3A_1324], %swap3A_1327 {strides = array<i32>} : memref<128x64xf32, #tpu.memory_space<vmem>>, vector<1x16xf32>,
        %add3A_1328 = arith.constant 12 : i32
        %add3A_1329 = arith.addi %add3A_151, %add3A_1328 : i32
        %get3A_1330 = arith.constant 0 : i32
        %get3A_1331 = arith.constant 0 : i32
        %get3A_1332 = tpu.memref_slice %arg10[%rem3A_115, %get3A_1330, %get3A_1331] : memref<3x128x64xf32, #tpu.memory_space<vmem>> -> memref<1x128x64xf32, #tpu.memory_space<vmem>>
        %get3A_1333 = tpu.memref_squeeze %get3A_1332 : memref<1x128x64xf32, #tpu.memory_space<vmem>> -> memref<128x64xf32, #tpu.memory_space<vmem>>
        %get3A_1334 = arith.index_cast %add3A_1329 : i32 to index
        %get3A_1335 = arith.constant 32 : index
        %get3A_1336 = tpu.vector_load %get3A_1333[%get3A_1334, %get3A_1335] {strides = array<i32>} : memref<128x64xf32, #tpu.memory_space<vmem>>, vector<1x16xf32>,
        %get3A_1337 = vector.shape_cast %get3A_1336 : vector<1x16xf32> to vector<16xf32>
        %mul3A_1338 = vector.broadcast %squeeze3A_1281 : f32 to vector<16xf32>
        %mul3A_1339 = arith.mulf %get3A_1337, %mul3A_1338 : vector<16xf32>
        %add3A_1340 = arith.constant 12 : i32
        %add3A_1341 = arith.addi %add3A_151, %add3A_1340 : i32
        %swap3A_1342 = arith.constant 0 : i32
        %swap3A_1343 = arith.constant 0 : i32
        %swap3A_1344 = tpu.memref_slice %arg10[%rem3A_115, %swap3A_1342, %swap3A_1343] : memref<3x128x64xf32, #tpu.memory_space<vmem>> -> memref<1x128x64xf32, #tpu.memory_space<vmem>>
        %swap3A_1345 = tpu.memref_squeeze %swap3A_1344 : memref<1x128x64xf32, #tpu.memory_space<vmem>> -> memref<128x64xf32, #tpu.memory_space<vmem>>
        %swap3A_1346 = arith.index_cast %add3A_1341 : i32 to index
        %swap3A_1347 = arith.constant 32 : index
        %swap3A_1348 = tpu.vector_load %swap3A_1345[%swap3A_1346, %swap3A_1347] {strides = array<i32>} : memref<128x64xf32, #tpu.memory_space<vmem>>, vector<1x16xf32>,
        %swap3A_1349 = vector.shape_cast %swap3A_1348 : vector<1x16xf32> to vector<16xf32>
        %swap3A_1350 = vector.shape_cast %mul3A_1339 : vector<16xf32> to vector<1x16xf32>
        tpu.vector_store %swap3A_1345[%swap3A_1346, %swap3A_1347], %swap3A_1350 {strides = array<i32>} : memref<128x64xf32, #tpu.memory_space<vmem>>, vector<1x16xf32>,
        %add3A_1351 = arith.constant 12 : i32
        %add3A_1352 = arith.addi %add3A_151, %add3A_1351 : i32
        %get3A_1353 = arith.constant 0 : i32
        %get3A_1354 = arith.constant 0 : i32
        %get3A_1355 = tpu.memref_slice %arg10[%rem3A_115, %get3A_1353, %get3A_1354] : memref<3x128x64xf32, #tpu.memory_space<vmem>> -> memref<1x128x64xf32, #tpu.memory_space<vmem>>
        %get3A_1356 = tpu.memref_squeeze %get3A_1355 : memref<1x128x64xf32, #tpu.memory_space<vmem>> -> memref<128x64xf32, #tpu.memory_space<vmem>>
        %get3A_1357 = arith.index_cast %add3A_1352 : i32 to index
        %get3A_1358 = arith.constant 48 : index
        %get3A_1359 = tpu.vector_load %get3A_1356[%get3A_1357, %get3A_1358] {strides = array<i32>} : memref<128x64xf32, #tpu.memory_space<vmem>>, vector<1x16xf32>,
        %get3A_1360 = vector.shape_cast %get3A_1359 : vector<1x16xf32> to vector<16xf32>
        %mul3A_1361 = vector.broadcast %squeeze3A_1281 : f32 to vector<16xf32>
        %mul3A_1362 = arith.mulf %get3A_1360, %mul3A_1361 : vector<16xf32>
        %add3A_1363 = arith.constant 12 : i32
        %add3A_1364 = arith.addi %add3A_151, %add3A_1363 : i32
        %swap3A_1365 = arith.constant 0 : i32
        %swap3A_1366 = arith.constant 0 : i32
        %swap3A_1367 = tpu.memref_slice %arg10[%rem3A_115, %swap3A_1365, %swap3A_1366] : memref<3x128x64xf32, #tpu.memory_space<vmem>> -> memref<1x128x64xf32, #tpu.memory_space<vmem>>
        %swap3A_1368 = tpu.memref_squeeze %swap3A_1367 : memref<1x128x64xf32, #tpu.memory_space<vmem>> -> memref<128x64xf32, #tpu.memory_space<vmem>>
        %swap3A_1369 = arith.index_cast %add3A_1364 : i32 to index
        %swap3A_1370 = arith.constant 48 : index
        %swap3A_1371 = tpu.vector_load %swap3A_1368[%swap3A_1369, %swap3A_1370] {strides = array<i32>} : memref<128x64xf32, #tpu.memory_space<vmem>>, vector<1x16xf32>,
        %swap3A_1372 = vector.shape_cast %swap3A_1371 : vector<1x16xf32> to vector<16xf32>
        %swap3A_1373 = vector.shape_cast %mul3A_1362 : vector<16xf32> to vector<1x16xf32>
        tpu.vector_store %swap3A_1368[%swap3A_1369, %swap3A_1370], %swap3A_1373 {strides = array<i32>} : memref<128x64xf32, #tpu.memory_space<vmem>>, vector<1x16xf32>,
        %slice3A_1374 = vector.extract_strided_slice %get3A_154 {offsets = [13], sizes = [1], strides = [1]} : vector<16xf32> to vector<1xf32>
        %squeeze3A_1375 = vector.extract %slice3A_1374[0] : f32 from vector<1xf32>
        %add3A_1376 = arith.constant 13 : i32
        %add3A_1377 = arith.addi %add3A_151, %add3A_1376 : i32
        %get3A_1378 = arith.constant 0 : i32
        %get3A_1379 = arith.constant 0 : i32
        %get3A_1380 = tpu.memref_slice %arg10[%rem3A_115, %get3A_1378, %get3A_1379] : memref<3x128x64xf32, #tpu.memory_space<vmem>> -> memref<1x128x64xf32, #tpu.memory_space<vmem>>
        %get3A_1381 = tpu.memref_squeeze %get3A_1380 : memref<1x128x64xf32, #tpu.memory_space<vmem>> -> memref<128x64xf32, #tpu.memory_space<vmem>>
        %get3A_1382 = arith.index_cast %add3A_1377 : i32 to index
        %get3A_1383 = arith.constant 0 : index
        %get3A_1384 = tpu.vector_load %get3A_1381[%get3A_1382, %get3A_1383] {strides = array<i32>} : memref<128x64xf32, #tpu.memory_space<vmem>>, vector<1x16xf32>,
        %get3A_1385 = vector.shape_cast %get3A_1384 : vector<1x16xf32> to vector<16xf32>
        %mul3A_1386 = vector.broadcast %squeeze3A_1375 : f32 to vector<16xf32>
        %mul3A_1387 = arith.mulf %get3A_1385, %mul3A_1386 : vector<16xf32>
        %add3A_1388 = arith.constant 13 : i32
        %add3A_1389 = arith.addi %add3A_151, %add3A_1388 : i32
        %swap3A_1390 = arith.constant 0 : i32
        %swap3A_1391 = arith.constant 0 : i32
        %swap3A_1392 = tpu.memref_slice %arg10[%rem3A_115, %swap3A_1390, %swap3A_1391] : memref<3x128x64xf32, #tpu.memory_space<vmem>> -> memref<1x128x64xf32, #tpu.memory_space<vmem>>
        %swap3A_1393 = tpu.memref_squeeze %swap3A_1392 : memref<1x128x64xf32, #tpu.memory_space<vmem>> -> memref<128x64xf32, #tpu.memory_space<vmem>>
        %swap3A_1394 = arith.index_cast %add3A_1389 : i32 to index
        %swap3A_1395 = arith.constant 0 : index
        %swap3A_1396 = tpu.vector_load %swap3A_1393[%swap3A_1394, %swap3A_1395] {strides = array<i32>} : memref<128x64xf32, #tpu.memory_space<vmem>>, vector<1x16xf32>,
        %swap3A_1397 = vector.shape_cast %swap3A_1396 : vector<1x16xf32> to vector<16xf32>
        %swap3A_1398 = vector.shape_cast %mul3A_1387 : vector<16xf32> to vector<1x16xf32>
        tpu.vector_store %swap3A_1393[%swap3A_1394, %swap3A_1395], %swap3A_1398 {strides = array<i32>} : memref<128x64xf32, #tpu.memory_space<vmem>>, vector<1x16xf32>,
        %add3A_1399 = arith.constant 13 : i32
        %add3A_1400 = arith.addi %add3A_151, %add3A_1399 : i32
        %get3A_1401 = arith.constant 0 : i32
        %get3A_1402 = arith.constant 0 : i32
        %get3A_1403 = tpu.memref_slice %arg10[%rem3A_115, %get3A_1401, %get3A_1402] : memref<3x128x64xf32, #tpu.memory_space<vmem>> -> memref<1x128x64xf32, #tpu.memory_space<vmem>>
        %get3A_1404 = tpu.memref_squeeze %get3A_1403 : memref<1x128x64xf32, #tpu.memory_space<vmem>> -> memref<128x64xf32, #tpu.memory_space<vmem>>
        %get3A_1405 = arith.index_cast %add3A_1400 : i32 to index
        %get3A_1406 = arith.constant 16 : index
        %get3A_1407 = tpu.vector_load %get3A_1404[%get3A_1405, %get3A_1406] {strides = array<i32>} : memref<128x64xf32, #tpu.memory_space<vmem>>, vector<1x16xf32>,
        %get3A_1408 = vector.shape_cast %get3A_1407 : vector<1x16xf32> to vector<16xf32>
        %mul3A_1409 = vector.broadcast %squeeze3A_1375 : f32 to vector<16xf32>
        %mul3A_1410 = arith.mulf %get3A_1408, %mul3A_1409 : vector<16xf32>
        %add3A_1411 = arith.constant 13 : i32
        %add3A_1412 = arith.addi %add3A_151, %add3A_1411 : i32
        %swap3A_1413 = arith.constant 0 : i32
        %swap3A_1414 = arith.constant 0 : i32
        %swap3A_1415 = tpu.memref_slice %arg10[%rem3A_115, %swap3A_1413, %swap3A_1414] : memref<3x128x64xf32, #tpu.memory_space<vmem>> -> memref<1x128x64xf32, #tpu.memory_space<vmem>>
        %swap3A_1416 = tpu.memref_squeeze %swap3A_1415 : memref<1x128x64xf32, #tpu.memory_space<vmem>> -> memref<128x64xf32, #tpu.memory_space<vmem>>
        %swap3A_1417 = arith.index_cast %add3A_1412 : i32 to index
        %swap3A_1418 = arith.constant 16 : index
        %swap3A_1419 = tpu.vector_load %swap3A_1416[%swap3A_1417, %swap3A_1418] {strides = array<i32>} : memref<128x64xf32, #tpu.memory_space<vmem>>, vector<1x16xf32>,
        %swap3A_1420 = vector.shape_cast %swap3A_1419 : vector<1x16xf32> to vector<16xf32>
        %swap3A_1421 = vector.shape_cast %mul3A_1410 : vector<16xf32> to vector<1x16xf32>
        tpu.vector_store %swap3A_1416[%swap3A_1417, %swap3A_1418], %swap3A_1421 {strides = array<i32>} : memref<128x64xf32, #tpu.memory_space<vmem>>, vector<1x16xf32>,
        %add3A_1422 = arith.constant 13 : i32
        %add3A_1423 = arith.addi %add3A_151, %add3A_1422 : i32
        %get3A_1424 = arith.constant 0 : i32
        %get3A_1425 = arith.constant 0 : i32
        %get3A_1426 = tpu.memref_slice %arg10[%rem3A_115, %get3A_1424, %get3A_1425] : memref<3x128x64xf32, #tpu.memory_space<vmem>> -> memref<1x128x64xf32, #tpu.memory_space<vmem>>
        %get3A_1427 = tpu.memref_squeeze %get3A_1426 : memref<1x128x64xf32, #tpu.memory_space<vmem>> -> memref<128x64xf32, #tpu.memory_space<vmem>>
        %get3A_1428 = arith.index_cast %add3A_1423 : i32 to index
        %get3A_1429 = arith.constant 32 : index
        %get3A_1430 = tpu.vector_load %get3A_1427[%get3A_1428, %get3A_1429] {strides = array<i32>} : memref<128x64xf32, #tpu.memory_space<vmem>>, vector<1x16xf32>,
        %get3A_1431 = vector.shape_cast %get3A_1430 : vector<1x16xf32> to vector<16xf32>
        %mul3A_1432 = vector.broadcast %squeeze3A_1375 : f32 to vector<16xf32>
        %mul3A_1433 = arith.mulf %get3A_1431, %mul3A_1432 : vector<16xf32>
        %add3A_1434 = arith.constant 13 : i32
        %add3A_1435 = arith.addi %add3A_151, %add3A_1434 : i32
        %swap3A_1436 = arith.constant 0 : i32
        %swap3A_1437 = arith.constant 0 : i32
        %swap3A_1438 = tpu.memref_slice %arg10[%rem3A_115, %swap3A_1436, %swap3A_1437] : memref<3x128x64xf32, #tpu.memory_space<vmem>> -> memref<1x128x64xf32, #tpu.memory_space<vmem>>
        %swap3A_1439 = tpu.memref_squeeze %swap3A_1438 : memref<1x128x64xf32, #tpu.memory_space<vmem>> -> memref<128x64xf32, #tpu.memory_space<vmem>>
        %swap3A_1440 = arith.index_cast %add3A_1435 : i32 to index
        %swap3A_1441 = arith.constant 32 : index
        %swap3A_1442 = tpu.vector_load %swap3A_1439[%swap3A_1440, %swap3A_1441] {strides = array<i32>} : memref<128x64xf32, #tpu.memory_space<vmem>>, vector<1x16xf32>,
        %swap3A_1443 = vector.shape_cast %swap3A_1442 : vector<1x16xf32> to vector<16xf32>
        %swap3A_1444 = vector.shape_cast %mul3A_1433 : vector<16xf32> to vector<1x16xf32>
        tpu.vector_store %swap3A_1439[%swap3A_1440, %swap3A_1441], %swap3A_1444 {strides = array<i32>} : memref<128x64xf32, #tpu.memory_space<vmem>>, vector<1x16xf32>,
        %add3A_1445 = arith.constant 13 : i32
        %add3A_1446 = arith.addi %add3A_151, %add3A_1445 : i32
        %get3A_1447 = arith.constant 0 : i32
        %get3A_1448 = arith.constant 0 : i32
        %get3A_1449 = tpu.memref_slice %arg10[%rem3A_115, %get3A_1447, %get3A_1448] : memref<3x128x64xf32, #tpu.memory_space<vmem>> -> memref<1x128x64xf32, #tpu.memory_space<vmem>>
        %get3A_1450 = tpu.memref_squeeze %get3A_1449 : memref<1x128x64xf32, #tpu.memory_space<vmem>> -> memref<128x64xf32, #tpu.memory_space<vmem>>
        %get3A_1451 = arith.index_cast %add3A_1446 : i32 to index
        %get3A_1452 = arith.constant 48 : index
        %get3A_1453 = tpu.vector_load %get3A_1450[%get3A_1451, %get3A_1452] {strides = array<i32>} : memref<128x64xf32, #tpu.memory_space<vmem>>, vector<1x16xf32>,
        %get3A_1454 = vector.shape_cast %get3A_1453 : vector<1x16xf32> to vector<16xf32>
        %mul3A_1455 = vector.broadcast %squeeze3A_1375 : f32 to vector<16xf32>
        %mul3A_1456 = arith.mulf %get3A_1454, %mul3A_1455 : vector<16xf32>
        %add3A_1457 = arith.constant 13 : i32
        %add3A_1458 = arith.addi %add3A_151, %add3A_1457 : i32
        %swap3A_1459 = arith.constant 0 : i32
        %swap3A_1460 = arith.constant 0 : i32
        %swap3A_1461 = tpu.memref_slice %arg10[%rem3A_115, %swap3A_1459, %swap3A_1460] : memref<3x128x64xf32, #tpu.memory_space<vmem>> -> memref<1x128x64xf32, #tpu.memory_space<vmem>>
        %swap3A_1462 = tpu.memref_squeeze %swap3A_1461 : memref<1x128x64xf32, #tpu.memory_space<vmem>> -> memref<128x64xf32, #tpu.memory_space<vmem>>
        %swap3A_1463 = arith.index_cast %add3A_1458 : i32 to index
        %swap3A_1464 = arith.constant 48 : index
        %swap3A_1465 = tpu.vector_load %swap3A_1462[%swap3A_1463, %swap3A_1464] {strides = array<i32>} : memref<128x64xf32, #tpu.memory_space<vmem>>, vector<1x16xf32>,
        %swap3A_1466 = vector.shape_cast %swap3A_1465 : vector<1x16xf32> to vector<16xf32>
        %swap3A_1467 = vector.shape_cast %mul3A_1456 : vector<16xf32> to vector<1x16xf32>
        tpu.vector_store %swap3A_1462[%swap3A_1463, %swap3A_1464], %swap3A_1467 {strides = array<i32>} : memref<128x64xf32, #tpu.memory_space<vmem>>, vector<1x16xf32>,
        %slice3A_1468 = vector.extract_strided_slice %get3A_154 {offsets = [14], sizes = [1], strides = [1]} : vector<16xf32> to vector<1xf32>
        %squeeze3A_1469 = vector.extract %slice3A_1468[0] : f32 from vector<1xf32>
        %add3A_1470 = arith.constant 14 : i32
        %add3A_1471 = arith.addi %add3A_151, %add3A_1470 : i32
        %get3A_1472 = arith.constant 0 : i32
        %get3A_1473 = arith.constant 0 : i32
        %get3A_1474 = tpu.memref_slice %arg10[%rem3A_115, %get3A_1472, %get3A_1473] : memref<3x128x64xf32, #tpu.memory_space<vmem>> -> memref<1x128x64xf32, #tpu.memory_space<vmem>>
        %get3A_1475 = tpu.memref_squeeze %get3A_1474 : memref<1x128x64xf32, #tpu.memory_space<vmem>> -> memref<128x64xf32, #tpu.memory_space<vmem>>
        %get3A_1476 = arith.index_cast %add3A_1471 : i32 to index
        %get3A_1477 = arith.constant 0 : index
        %get3A_1478 = tpu.vector_load %get3A_1475[%get3A_1476, %get3A_1477] {strides = array<i32>} : memref<128x64xf32, #tpu.memory_space<vmem>>, vector<1x16xf32>,
        %get3A_1479 = vector.shape_cast %get3A_1478 : vector<1x16xf32> to vector<16xf32>
        %mul3A_1480 = vector.broadcast %squeeze3A_1469 : f32 to vector<16xf32>
        %mul3A_1481 = arith.mulf %get3A_1479, %mul3A_1480 : vector<16xf32>
        %add3A_1482 = arith.constant 14 : i32
        %add3A_1483 = arith.addi %add3A_151, %add3A_1482 : i32
        %swap3A_1484 = arith.constant 0 : i32
        %swap3A_1485 = arith.constant 0 : i32
        %swap3A_1486 = tpu.memref_slice %arg10[%rem3A_115, %swap3A_1484, %swap3A_1485] : memref<3x128x64xf32, #tpu.memory_space<vmem>> -> memref<1x128x64xf32, #tpu.memory_space<vmem>>
        %swap3A_1487 = tpu.memref_squeeze %swap3A_1486 : memref<1x128x64xf32, #tpu.memory_space<vmem>> -> memref<128x64xf32, #tpu.memory_space<vmem>>
        %swap3A_1488 = arith.index_cast %add3A_1483 : i32 to index
        %swap3A_1489 = arith.constant 0 : index
        %swap3A_1490 = tpu.vector_load %swap3A_1487[%swap3A_1488, %swap3A_1489] {strides = array<i32>} : memref<128x64xf32, #tpu.memory_space<vmem>>, vector<1x16xf32>,
        %swap3A_1491 = vector.shape_cast %swap3A_1490 : vector<1x16xf32> to vector<16xf32>
        %swap3A_1492 = vector.shape_cast %mul3A_1481 : vector<16xf32> to vector<1x16xf32>
        tpu.vector_store %swap3A_1487[%swap3A_1488, %swap3A_1489], %swap3A_1492 {strides = array<i32>} : memref<128x64xf32, #tpu.memory_space<vmem>>, vector<1x16xf32>,
        %add3A_1493 = arith.constant 14 : i32
        %add3A_1494 = arith.addi %add3A_151, %add3A_1493 : i32
        %get3A_1495 = arith.constant 0 : i32
        %get3A_1496 = arith.constant 0 : i32
        %get3A_1497 = tpu.memref_slice %arg10[%rem3A_115, %get3A_1495, %get3A_1496] : memref<3x128x64xf32, #tpu.memory_space<vmem>> -> memref<1x128x64xf32, #tpu.memory_space<vmem>>
        %get3A_1498 = tpu.memref_squeeze %get3A_1497 : memref<1x128x64xf32, #tpu.memory_space<vmem>> -> memref<128x64xf32, #tpu.memory_space<vmem>>
        %get3A_1499 = arith.index_cast %add3A_1494 : i32 to index
        %get3A_1500 = arith.constant 16 : index
        %get3A_1501 = tpu.vector_load %get3A_1498[%get3A_1499, %get3A_1500] {strides = array<i32>} : memref<128x64xf32, #tpu.memory_space<vmem>>, vector<1x16xf32>,
        %get3A_1502 = vector.shape_cast %get3A_1501 : vector<1x16xf32> to vector<16xf32>
        %mul3A_1503 = vector.broadcast %squeeze3A_1469 : f32 to vector<16xf32>
        %mul3A_1504 = arith.mulf %get3A_1502, %mul3A_1503 : vector<16xf32>
        %add3A_1505 = arith.constant 14 : i32
        %add3A_1506 = arith.addi %add3A_151, %add3A_1505 : i32
        %swap3A_1507 = arith.constant 0 : i32
        %swap3A_1508 = arith.constant 0 : i32
        %swap3A_1509 = tpu.memref_slice %arg10[%rem3A_115, %swap3A_1507, %swap3A_1508] : memref<3x128x64xf32, #tpu.memory_space<vmem>> -> memref<1x128x64xf32, #tpu.memory_space<vmem>>
        %swap3A_1510 = tpu.memref_squeeze %swap3A_1509 : memref<1x128x64xf32, #tpu.memory_space<vmem>> -> memref<128x64xf32, #tpu.memory_space<vmem>>
        %swap3A_1511 = arith.index_cast %add3A_1506 : i32 to index
        %swap3A_1512 = arith.constant 16 : index
        %swap3A_1513 = tpu.vector_load %swap3A_1510[%swap3A_1511, %swap3A_1512] {strides = array<i32>} : memref<128x64xf32, #tpu.memory_space<vmem>>, vector<1x16xf32>,
        %swap3A_1514 = vector.shape_cast %swap3A_1513 : vector<1x16xf32> to vector<16xf32>
        %swap3A_1515 = vector.shape_cast %mul3A_1504 : vector<16xf32> to vector<1x16xf32>
        tpu.vector_store %swap3A_1510[%swap3A_1511, %swap3A_1512], %swap3A_1515 {strides = array<i32>} : memref<128x64xf32, #tpu.memory_space<vmem>>, vector<1x16xf32>,
        %add3A_1516 = arith.constant 14 : i32
        %add3A_1517 = arith.addi %add3A_151, %add3A_1516 : i32
        %get3A_1518 = arith.constant 0 : i32
        %get3A_1519 = arith.constant 0 : i32
        %get3A_1520 = tpu.memref_slice %arg10[%rem3A_115, %get3A_1518, %get3A_1519] : memref<3x128x64xf32, #tpu.memory_space<vmem>> -> memref<1x128x64xf32, #tpu.memory_space<vmem>>
        %get3A_1521 = tpu.memref_squeeze %get3A_1520 : memref<1x128x64xf32, #tpu.memory_space<vmem>> -> memref<128x64xf32, #tpu.memory_space<vmem>>
        %get3A_1522 = arith.index_cast %add3A_1517 : i32 to index
        %get3A_1523 = arith.constant 32 : index
        %get3A_1524 = tpu.vector_load %get3A_1521[%get3A_1522, %get3A_1523] {strides = array<i32>} : memref<128x64xf32, #tpu.memory_space<vmem>>, vector<1x16xf32>,
        %get3A_1525 = vector.shape_cast %get3A_1524 : vector<1x16xf32> to vector<16xf32>
        %mul3A_1526 = vector.broadcast %squeeze3A_1469 : f32 to vector<16xf32>
        %mul3A_1527 = arith.mulf %get3A_1525, %mul3A_1526 : vector<16xf32>
        %add3A_1528 = arith.constant 14 : i32
        %add3A_1529 = arith.addi %add3A_151, %add3A_1528 : i32
        %swap3A_1530 = arith.constant 0 : i32
        %swap3A_1531 = arith.constant 0 : i32
        %swap3A_1532 = tpu.memref_slice %arg10[%rem3A_115, %swap3A_1530, %swap3A_1531] : memref<3x128x64xf32, #tpu.memory_space<vmem>> -> memref<1x128x64xf32, #tpu.memory_space<vmem>>
        %swap3A_1533 = tpu.memref_squeeze %swap3A_1532 : memref<1x128x64xf32, #tpu.memory_space<vmem>> -> memref<128x64xf32, #tpu.memory_space<vmem>>
        %swap3A_1534 = arith.index_cast %add3A_1529 : i32 to index
        %swap3A_1535 = arith.constant 32 : index
        %swap3A_1536 = tpu.vector_load %swap3A_1533[%swap3A_1534, %swap3A_1535] {strides = array<i32>} : memref<128x64xf32, #tpu.memory_space<vmem>>, vector<1x16xf32>,
        %swap3A_1537 = vector.shape_cast %swap3A_1536 : vector<1x16xf32> to vector<16xf32>
        %swap3A_1538 = vector.shape_cast %mul3A_1527 : vector<16xf32> to vector<1x16xf32>
        tpu.vector_store %swap3A_1533[%swap3A_1534, %swap3A_1535], %swap3A_1538 {strides = array<i32>} : memref<128x64xf32, #tpu.memory_space<vmem>>, vector<1x16xf32>,
        %add3A_1539 = arith.constant 14 : i32
        %add3A_1540 = arith.addi %add3A_151, %add3A_1539 : i32
        %get3A_1541 = arith.constant 0 : i32
        %get3A_1542 = arith.constant 0 : i32
        %get3A_1543 = tpu.memref_slice %arg10[%rem3A_115, %get3A_1541, %get3A_1542] : memref<3x128x64xf32, #tpu.memory_space<vmem>> -> memref<1x128x64xf32, #tpu.memory_space<vmem>>
        %get3A_1544 = tpu.memref_squeeze %get3A_1543 : memref<1x128x64xf32, #tpu.memory_space<vmem>> -> memref<128x64xf32, #tpu.memory_space<vmem>>
        %get3A_1545 = arith.index_cast %add3A_1540 : i32 to index
        %get3A_1546 = arith.constant 48 : index
        %get3A_1547 = tpu.vector_load %get3A_1544[%get3A_1545, %get3A_1546] {strides = array<i32>} : memref<128x64xf32, #tpu.memory_space<vmem>>, vector<1x16xf32>,
        %get3A_1548 = vector.shape_cast %get3A_1547 : vector<1x16xf32> to vector<16xf32>
        %mul3A_1549 = vector.broadcast %squeeze3A_1469 : f32 to vector<16xf32>
        %mul3A_1550 = arith.mulf %get3A_1548, %mul3A_1549 : vector<16xf32>
        %add3A_1551 = arith.constant 14 : i32
        %add3A_1552 = arith.addi %add3A_151, %add3A_1551 : i32
        %swap3A_1553 = arith.constant 0 : i32
        %swap3A_1554 = arith.constant 0 : i32
        %swap3A_1555 = tpu.memref_slice %arg10[%rem3A_115, %swap3A_1553, %swap3A_1554] : memref<3x128x64xf32, #tpu.memory_space<vmem>> -> memref<1x128x64xf32, #tpu.memory_space<vmem>>
        %swap3A_1556 = tpu.memref_squeeze %swap3A_1555 : memref<1x128x64xf32, #tpu.memory_space<vmem>> -> memref<128x64xf32, #tpu.memory_space<vmem>>
        %swap3A_1557 = arith.index_cast %add3A_1552 : i32 to index
        %swap3A_1558 = arith.constant 48 : index
        %swap3A_1559 = tpu.vector_load %swap3A_1556[%swap3A_1557, %swap3A_1558] {strides = array<i32>} : memref<128x64xf32, #tpu.memory_space<vmem>>, vector<1x16xf32>,
        %swap3A_1560 = vector.shape_cast %swap3A_1559 : vector<1x16xf32> to vector<16xf32>
        %swap3A_1561 = vector.shape_cast %mul3A_1550 : vector<16xf32> to vector<1x16xf32>
        tpu.vector_store %swap3A_1556[%swap3A_1557, %swap3A_1558], %swap3A_1561 {strides = array<i32>} : memref<128x64xf32, #tpu.memory_space<vmem>>, vector<1x16xf32>,
        %slice3A_1562 = vector.extract_strided_slice %get3A_154 {offsets = [15], sizes = [1], strides = [1]} : vector<16xf32> to vector<1xf32>
        %squeeze3A_1563 = vector.extract %slice3A_1562[0] : f32 from vector<1xf32>
        %add3A_1564 = arith.constant 15 : i32
        %add3A_1565 = arith.addi %add3A_151, %add3A_1564 : i32
        %get3A_1566 = arith.constant 0 : i32
        %get3A_1567 = arith.constant 0 : i32
        %get3A_1568 = tpu.memref_slice %arg10[%rem3A_115, %get3A_1566, %get3A_1567] : memref<3x128x64xf32, #tpu.memory_space<vmem>> -> memref<1x128x64xf32, #tpu.memory_space<vmem>>
        %get3A_1569 = tpu.memref_squeeze %get3A_1568 : memref<1x128x64xf32, #tpu.memory_space<vmem>> -> memref<128x64xf32, #tpu.memory_space<vmem>>
        %get3A_1570 = arith.index_cast %add3A_1565 : i32 to index
        %get3A_1571 = arith.constant 0 : index
        %get3A_1572 = tpu.vector_load %get3A_1569[%get3A_1570, %get3A_1571] {strides = array<i32>} : memref<128x64xf32, #tpu.memory_space<vmem>>, vector<1x16xf32>,
        %get3A_1573 = vector.shape_cast %get3A_1572 : vector<1x16xf32> to vector<16xf32>
        %mul3A_1574 = vector.broadcast %squeeze3A_1563 : f32 to vector<16xf32>
        %mul3A_1575 = arith.mulf %get3A_1573, %mul3A_1574 : vector<16xf32>
        %add3A_1576 = arith.constant 15 : i32
        %add3A_1577 = arith.addi %add3A_151, %add3A_1576 : i32
        %swap3A_1578 = arith.constant 0 : i32
        %swap3A_1579 = arith.constant 0 : i32
        %swap3A_1580 = tpu.memref_slice %arg10[%rem3A_115, %swap3A_1578, %swap3A_1579] : memref<3x128x64xf32, #tpu.memory_space<vmem>> -> memref<1x128x64xf32, #tpu.memory_space<vmem>>
        %swap3A_1581 = tpu.memref_squeeze %swap3A_1580 : memref<1x128x64xf32, #tpu.memory_space<vmem>> -> memref<128x64xf32, #tpu.memory_space<vmem>>
        %swap3A_1582 = arith.index_cast %add3A_1577 : i32 to index
        %swap3A_1583 = arith.constant 0 : index
        %swap3A_1584 = tpu.vector_load %swap3A_1581[%swap3A_1582, %swap3A_1583] {strides = array<i32>} : memref<128x64xf32, #tpu.memory_space<vmem>>, vector<1x16xf32>,
        %swap3A_1585 = vector.shape_cast %swap3A_1584 : vector<1x16xf32> to vector<16xf32>
        %swap3A_1586 = vector.shape_cast %mul3A_1575 : vector<16xf32> to vector<1x16xf32>
        tpu.vector_store %swap3A_1581[%swap3A_1582, %swap3A_1583], %swap3A_1586 {strides = array<i32>} : memref<128x64xf32, #tpu.memory_space<vmem>>, vector<1x16xf32>,
        %add3A_1587 = arith.constant 15 : i32
        %add3A_1588 = arith.addi %add3A_151, %add3A_1587 : i32
        %get3A_1589 = arith.constant 0 : i32
        %get3A_1590 = arith.constant 0 : i32
        %get3A_1591 = tpu.memref_slice %arg10[%rem3A_115, %get3A_1589, %get3A_1590] : memref<3x128x64xf32, #tpu.memory_space<vmem>> -> memref<1x128x64xf32, #tpu.memory_space<vmem>>
        %get3A_1592 = tpu.memref_squeeze %get3A_1591 : memref<1x128x64xf32, #tpu.memory_space<vmem>> -> memref<128x64xf32, #tpu.memory_space<vmem>>
        %get3A_1593 = arith.index_cast %add3A_1588 : i32 to index
        %get3A_1594 = arith.constant 16 : index
        %get3A_1595 = tpu.vector_load %get3A_1592[%get3A_1593, %get3A_1594] {strides = array<i32>} : memref<128x64xf32, #tpu.memory_space<vmem>>, vector<1x16xf32>,
        %get3A_1596 = vector.shape_cast %get3A_1595 : vector<1x16xf32> to vector<16xf32>
        %mul3A_1597 = vector.broadcast %squeeze3A_1563 : f32 to vector<16xf32>
        %mul3A_1598 = arith.mulf %get3A_1596, %mul3A_1597 : vector<16xf32>
        %add3A_1599 = arith.constant 15 : i32
        %add3A_1600 = arith.addi %add3A_151, %add3A_1599 : i32
        %swap3A_1601 = arith.constant 0 : i32
        %swap3A_1602 = arith.constant 0 : i32
        %swap3A_1603 = tpu.memref_slice %arg10[%rem3A_115, %swap3A_1601, %swap3A_1602] : memref<3x128x64xf32, #tpu.memory_space<vmem>> -> memref<1x128x64xf32, #tpu.memory_space<vmem>>
        %swap3A_1604 = tpu.memref_squeeze %swap3A_1603 : memref<1x128x64xf32, #tpu.memory_space<vmem>> -> memref<128x64xf32, #tpu.memory_space<vmem>>
        %swap3A_1605 = arith.index_cast %add3A_1600 : i32 to index
        %swap3A_1606 = arith.constant 16 : index
        %swap3A_1607 = tpu.vector_load %swap3A_1604[%swap3A_1605, %swap3A_1606] {strides = array<i32>} : memref<128x64xf32, #tpu.memory_space<vmem>>, vector<1x16xf32>,
        %swap3A_1608 = vector.shape_cast %swap3A_1607 : vector<1x16xf32> to vector<16xf32>
        %swap3A_1609 = vector.shape_cast %mul3A_1598 : vector<16xf32> to vector<1x16xf32>
        tpu.vector_store %swap3A_1604[%swap3A_1605, %swap3A_1606], %swap3A_1609 {strides = array<i32>} : memref<128x64xf32, #tpu.memory_space<vmem>>, vector<1x16xf32>,
        %add3A_1610 = arith.constant 15 : i32
        %add3A_1611 = arith.addi %add3A_151, %add3A_1610 : i32
        %get3A_1612 = arith.constant 0 : i32
        %get3A_1613 = arith.constant 0 : i32
        %get3A_1614 = tpu.memref_slice %arg10[%rem3A_115, %get3A_1612, %get3A_1613] : memref<3x128x64xf32, #tpu.memory_space<vmem>> -> memref<1x128x64xf32, #tpu.memory_space<vmem>>
        %get3A_1615 = tpu.memref_squeeze %get3A_1614 : memref<1x128x64xf32, #tpu.memory_space<vmem>> -> memref<128x64xf32, #tpu.memory_space<vmem>>
        %get3A_1616 = arith.index_cast %add3A_1611 : i32 to index
        %get3A_1617 = arith.constant 32 : index
        %get3A_1618 = tpu.vector_load %get3A_1615[%get3A_1616, %get3A_1617] {strides = array<i32>} : memref<128x64xf32, #tpu.memory_space<vmem>>, vector<1x16xf32>,
        %get3A_1619 = vector.shape_cast %get3A_1618 : vector<1x16xf32> to vector<16xf32>
        %mul3A_1620 = vector.broadcast %squeeze3A_1563 : f32 to vector<16xf32>
        %mul3A_1621 = arith.mulf %get3A_1619, %mul3A_1620 : vector<16xf32>
        %add3A_1622 = arith.constant 15 : i32
        %add3A_1623 = arith.addi %add3A_151, %add3A_1622 : i32
        %swap3A_1624 = arith.constant 0 : i32
        %swap3A_1625 = arith.constant 0 : i32
        %swap3A_1626 = tpu.memref_slice %arg10[%rem3A_115, %swap3A_1624, %swap3A_1625] : memref<3x128x64xf32, #tpu.memory_space<vmem>> -> memref<1x128x64xf32, #tpu.memory_space<vmem>>
        %swap3A_1627 = tpu.memref_squeeze %swap3A_1626 : memref<1x128x64xf32, #tpu.memory_space<vmem>> -> memref<128x64xf32, #tpu.memory_space<vmem>>
        %swap3A_1628 = arith.index_cast %add3A_1623 : i32 to index
        %swap3A_1629 = arith.constant 32 : index
        %swap3A_1630 = tpu.vector_load %swap3A_1627[%swap3A_1628, %swap3A_1629] {strides = array<i32>} : memref<128x64xf32, #tpu.memory_space<vmem>>, vector<1x16xf32>,
        %swap3A_1631 = vector.shape_cast %swap3A_1630 : vector<1x16xf32> to vector<16xf32>
        %swap3A_1632 = vector.shape_cast %mul3A_1621 : vector<16xf32> to vector<1x16xf32>
        tpu.vector_store %swap3A_1627[%swap3A_1628, %swap3A_1629], %swap3A_1632 {strides = array<i32>} : memref<128x64xf32, #tpu.memory_space<vmem>>, vector<1x16xf32>,
        %add3A_1633 = arith.constant 15 : i32
        %add3A_1634 = arith.addi %add3A_151, %add3A_1633 : i32
        %get3A_1635 = arith.constant 0 : i32
        %get3A_1636 = arith.constant 0 : i32
        %get3A_1637 = tpu.memref_slice %arg10[%rem3A_115, %get3A_1635, %get3A_1636] : memref<3x128x64xf32, #tpu.memory_space<vmem>> -> memref<1x128x64xf32, #tpu.memory_space<vmem>>
        %get3A_1638 = tpu.memref_squeeze %get3A_1637 : memref<1x128x64xf32, #tpu.memory_space<vmem>> -> memref<128x64xf32, #tpu.memory_space<vmem>>
        %get3A_1639 = arith.index_cast %add3A_1634 : i32 to index
        %get3A_1640 = arith.constant 48 : index
        %get3A_1641 = tpu.vector_load %get3A_1638[%get3A_1639, %get3A_1640] {strides = array<i32>} : memref<128x64xf32, #tpu.memory_space<vmem>>, vector<1x16xf32>,
        %get3A_1642 = vector.shape_cast %get3A_1641 : vector<1x16xf32> to vector<16xf32>
        %mul3A_1643 = vector.broadcast %squeeze3A_1563 : f32 to vector<16xf32>
        %mul3A_1644 = arith.mulf %get3A_1642, %mul3A_1643 : vector<16xf32>
        %add3A_1645 = arith.constant 15 : i32
        %add3A_1646 = arith.addi %add3A_151, %add3A_1645 : i32
        %swap3A_1647 = arith.constant 0 : i32
        %swap3A_1648 = arith.constant 0 : i32
        %swap3A_1649 = tpu.memref_slice %arg10[%rem3A_115, %swap3A_1647, %swap3A_1648] : memref<3x128x64xf32, #tpu.memory_space<vmem>> -> memref<1x128x64xf32, #tpu.memory_space<vmem>>
        %swap3A_1650 = tpu.memref_squeeze %swap3A_1649 : memref<1x128x64xf32, #tpu.memory_space<vmem>> -> memref<128x64xf32, #tpu.memory_space<vmem>>
        %swap3A_1651 = arith.index_cast %add3A_1646 : i32 to index
        %swap3A_1652 = arith.constant 48 : index
        %swap3A_1653 = tpu.vector_load %swap3A_1650[%swap3A_1651, %swap3A_1652] {strides = array<i32>} : memref<128x64xf32, #tpu.memory_space<vmem>>, vector<1x16xf32>,
        %swap3A_1654 = vector.shape_cast %swap3A_1653 : vector<1x16xf32> to vector<16xf32>
        %swap3A_1655 = vector.shape_cast %mul3A_1644 : vector<16xf32> to vector<1x16xf32>
        tpu.vector_store %swap3A_1650[%swap3A_1651, %swap3A_1652], %swap3A_1655 {strides = array<i32>} : memref<128x64xf32, #tpu.memory_space<vmem>>, vector<1x16xf32>,
      }
      %scan3A_130 = arith.constant 8 : i32
      %gt3A = arith.constant 0 : i32
      %gt3A_131 = arith.cmpi sgt, %add3A_113, %gt3A : i32
      %convert_element_type3A = arith.extui %gt3A_131 : i1 to i32
      %cond3A = arith.constant 0 : i32
      %cond3A_132 = arith.cmpi ne, %convert_element_type3A, %cond3A : i32
      scf.if %cond3A_132 {
        %add3A_147 = arith.constant 2 : i32
        %add3A_148 = arith.addi %add3A_113, %add3A_147 : i32
        %rem3A_149 = arith.constant 3 : i32
        %rem3A_150 = arith.remsi %add3A_148, %rem3A_149 : i32
        %sub3A = arith.constant 1 : i32
        %sub3A_151 = arith.subi %add3A_113, %sub3A : i32
        %dma_wait3A_152 = arith.constant 0 : i32
        %dma_wait3A_153 = arith.constant 0 : i32
        %dma_wait3A_154 = tpu.memref_slice %arg10[%rem3A_150, %dma_wait3A_152, %dma_wait3A_153] : memref<3x128x64xf32, #tpu.memory_space<vmem>> -> memref<1x128x64xf32, #tpu.memory_space<vmem>>
        %dma_wait3A_155 = tpu.memref_squeeze %dma_wait3A_154 : memref<1x128x64xf32, #tpu.memory_space<vmem>> -> memref<128x64xf32, #tpu.memory_space<vmem>>
        %dma_wait3A_156 = arith.constant 0 : i32
        %dma_wait3A_157 = tpu.memref_slice %arg8[%sub3A_151, %dma_wait3A_156] : memref<80x128xi32, #tpu.memory_space<vmem>> -> memref<1x128xi32, #tpu.memory_space<vmem>>
        %dma_wait3A_158 = tpu.memref_squeeze %dma_wait3A_157 : memref<1x128xi32, #tpu.memory_space<vmem>> -> memref<128xi32, #tpu.memory_space<vmem>>
        %dma_wait3A_159 = arith.constant 0 : i32
        %dma_wait3A_160 = arith.constant 0 : i32
        %dma_wait3A_161 = tpu.memref_slice %arg12[%dma_wait3A_159, %dma_wait3A_160] : memref<10240x64xf32, #tpu.memory_space<vmem_shared>> -> memref<10240x64xf32, #tpu.memory_space<vmem_shared>>
        tpu.wait_indirect_dma semaphore(%arg15 : memref<!tpu.dma_semaphore, #tpu.memory_space<semaphore_mem>>) src(%dma_wait3A_155 : memref<128x64xf32, #tpu.memory_space<vmem>>) dst(%dma_wait3A_161 : memref<10240x64xf32, #tpu.memory_space<vmem_shared>>)
      } else {
      }
      %lt3A = arith.constant 78 : i32
      %lt3A_133 = arith.cmpi slt, %add3A_113, %lt3A : i32
      %convert_element_type3A_134 = arith.extui %lt3A_133 : i1 to i32
      %cond3A_135 = arith.constant 0 : i32
      %cond3A_136 = arith.cmpi ne, %convert_element_type3A_134, %cond3A_135 : i32
      scf.if %cond3A_136 {
        %add3A_147 = arith.constant 2 : i32
        %add3A_148 = arith.addi %add3A_113, %add3A_147 : i32
        %add3A_149 = arith.constant 2 : i32
        %add3A_150 = arith.addi %add3A_113, %add3A_149 : i32
        %rem3A_151 = arith.constant 3 : i32
        %rem3A_152 = arith.remsi %add3A_150, %rem3A_151 : i32
        %dma_start3A_153 = arith.constant 0 : i32
        %dma_start3A_154 = arith.constant 0 : i32
        %dma_start3A_155 = tpu.memref_slice %arg10[%rem3A_152, %dma_start3A_153, %dma_start3A_154] : memref<3x128x64xf32, #tpu.memory_space<vmem>> -> memref<1x128x64xf32, #tpu.memory_space<vmem>>
        %dma_start3A_156 = tpu.memref_squeeze %dma_start3A_155 : memref<1x128x64xf32, #tpu.memory_space<vmem>> -> memref<128x64xf32, #tpu.memory_space<vmem>>
        %dma_start3A_157 = arith.constant 0 : i32
        %dma_start3A_158 = tpu.memref_slice %arg7[%add3A_148, %dma_start3A_157] : memref<80x128xi32, #tpu.memory_space<vmem>> -> memref<1x128xi32, #tpu.memory_space<vmem>>
        %dma_start3A_159 = tpu.memref_squeeze %dma_start3A_158 : memref<1x128xi32, #tpu.memory_space<vmem>> -> memref<128xi32, #tpu.memory_space<vmem>>
        %dma_start3A_160 = arith.constant 0 : i32
        %dma_start3A_161 = arith.constant 0 : i32
        %dma_start3A_162 = tpu.memref_slice %arg2[%dma_start3A_160, %dma_start3A_161] : memref<10240x64xf32, #tpu.memory_space<hbm>> -> memref<10240x64xf32, #tpu.memory_space<hbm>>
        tpu.enqueue_indirect_dma source(%dma_start3A_162 : memref<10240x64xf32, #tpu.memory_space<hbm>>) target(%dma_start3A_156 : memref<128x64xf32, #tpu.memory_space<vmem>>) offsets(%dma_start3A_159 : memref<128xi32, #tpu.memory_space<vmem>>) semaphore(%arg14 : memref<!tpu.dma_semaphore, #tpu.memory_space<semaphore_mem>>)
      } else {
      }
      %dma_start3A_137 = arith.constant 0 : i32
      %dma_start3A_138 = arith.constant 0 : i32
      %dma_start3A_139 = tpu.memref_slice %arg10[%rem3A_115, %dma_start3A_137, %dma_start3A_138] : memref<3x128x64xf32, #tpu.memory_space<vmem>> -> memref<1x128x64xf32, #tpu.memory_space<vmem>>
      %dma_start3A_140 = tpu.memref_squeeze %dma_start3A_139 : memref<1x128x64xf32, #tpu.memory_space<vmem>> -> memref<128x64xf32, #tpu.memory_space<vmem>>
      %dma_start3A_141 = arith.constant 0 : i32
      %dma_start3A_142 = tpu.memref_slice %arg8[%add3A_113, %dma_start3A_141] : memref<80x128xi32, #tpu.memory_space<vmem>> -> memref<1x128xi32, #tpu.memory_space<vmem>>
      %dma_start3A_143 = tpu.memref_squeeze %dma_start3A_142 : memref<1x128xi32, #tpu.memory_space<vmem>> -> memref<128xi32, #tpu.memory_space<vmem>>
      %dma_start3A_144 = arith.constant 0 : i32
      %dma_start3A_145 = arith.constant 0 : i32
      %dma_start3A_146 = tpu.memref_slice %arg12[%dma_start3A_144, %dma_start3A_145] : memref<10240x64xf32, #tpu.memory_space<vmem_shared>> -> memref<10240x64xf32, #tpu.memory_space<vmem_shared>>
      tpu.enqueue_indirect_dma source(%dma_start3A_140 : memref<128x64xf32, #tpu.memory_space<vmem>>) target(%dma_start3A_146 : memref<10240x64xf32, #tpu.memory_space<vmem_shared>>) offsets(%dma_start3A_143 : memref<128xi32, #tpu.memory_space<vmem>>) semaphore(%arg15 : memref<!tpu.dma_semaphore, #tpu.memory_space<semaphore_mem>>) {add = true}
    }
    %scan3A_74 = arith.constant 80 : i32
    %rem3A = arith.constant 79 : i32
    %rem3A_75 = arith.constant 3 : i32
    %rem3A_76 = arith.remsi %rem3A, %rem3A_75 : i32
    %dma_wait3A_77 = arith.constant 79 : i32
    %dma_wait3A_78 = arith.constant 0 : i32
    %dma_wait3A_79 = arith.constant 0 : i32
    %dma_wait3A_80 = tpu.memref_slice %arg10[%rem3A_76, %dma_wait3A_78, %dma_wait3A_79] : memref<3x128x64xf32, #tpu.memory_space<vmem>> -> memref<1x128x64xf32, #tpu.memory_space<vmem>>
    %dma_wait3A_81 = tpu.memref_squeeze %dma_wait3A_80 : memref<1x128x64xf32, #tpu.memory_space<vmem>> -> memref<128x64xf32, #tpu.memory_space<vmem>>
    %dma_wait3A_82 = arith.constant 0 : i32
    %dma_wait3A_83 = tpu.memref_slice %arg8[%dma_wait3A_77, %dma_wait3A_82] : memref<80x128xi32, #tpu.memory_space<vmem>> -> memref<1x128xi32, #tpu.memory_space<vmem>>
    %dma_wait3A_84 = tpu.memref_squeeze %dma_wait3A_83 : memref<1x128xi32, #tpu.memory_space<vmem>> -> memref<128xi32, #tpu.memory_space<vmem>>
    %dma_wait3A_85 = arith.constant 0 : i32
    %dma_wait3A_86 = arith.constant 0 : i32
    %dma_wait3A_87 = tpu.memref_slice %arg12[%dma_wait3A_85, %dma_wait3A_86] : memref<10240x64xf32, #tpu.memory_space<vmem_shared>> -> memref<10240x64xf32, #tpu.memory_space<vmem_shared>>
    tpu.wait_indirect_dma semaphore(%arg15 : memref<!tpu.dma_semaphore, #tpu.memory_space<semaphore_mem>>) src(%dma_wait3A_81 : memref<128x64xf32, #tpu.memory_space<vmem>>) dst(%dma_wait3A_87 : memref<10240x64xf32, #tpu.memory_space<vmem_shared>>)
    %barrier3A_88 = arith.constant 0 : index
    tpu.barrier barrier_id(%barrier3A_88)
    %add3A_89 = arith.constant 0 : i32
    %add3A_90 = arith.addi %mul3A_2, %add3A_89 : i32
    "tpu.region"() ({
      %run_scoped3A = tpu.sem_alloc : memref<!tpu.dma_semaphore, #tpu.memory_space<semaphore_mem>>
      %dma_start3A_109 = arith.constant 0 : i32
      %dma_start3A_110 = tpu.memref_slice %arg12[%add3A_90, %dma_start3A_109] : memref<10240x64xf32, #tpu.memory_space<vmem_shared>> -> memref<128x64xf32, #tpu.memory_space<vmem_shared>>
      %dma_start3A_111 = arith.constant 0 : i32
      %dma_start3A_112 = tpu.memref_slice %arg12[%add3A_90, %dma_start3A_111] : memref<10240x64xf32, #tpu.memory_space<vmem_shared>> -> memref<128x64xf32, #tpu.memory_space<vmem_shared>>
      tpu.enqueue_dma source(%dma_start3A_112 : memref<128x64xf32, #tpu.memory_space<vmem_shared>>) target(%arg11 : memref<128x64xf32, #tpu.memory_space<vmem>>) target_semaphore(%run_scoped3A : memref<!tpu.dma_semaphore, #tpu.memory_space<semaphore_mem>>)
      %dma_wait3A_113 = arith.constant 0 : i32
      %dma_wait3A_114 = tpu.memref_slice %arg12[%add3A_90, %dma_wait3A_113] : memref<10240x64xf32, #tpu.memory_space<vmem_shared>> -> memref<128x64xf32, #tpu.memory_space<vmem_shared>>
      %dma_wait3A_115 = arith.constant 0 : i32
      %dma_wait3A_116 = tpu.memref_slice %arg12[%add3A_90, %dma_wait3A_115] : memref<10240x64xf32, #tpu.memory_space<vmem_shared>> -> memref<128x64xf32, #tpu.memory_space<vmem_shared>>
      tpu.wait_dma2 semaphore(%run_scoped3A : memref<!tpu.dma_semaphore, #tpu.memory_space<semaphore_mem>>) src(%dma_wait3A_116 : memref<128x64xf32, #tpu.memory_space<vmem_shared>>) dst(%arg11 : memref<128x64xf32, #tpu.memory_space<vmem>>)
      tpu.yield
    }) : () -> ()
    %add3A_91 = arith.constant 0 : i32
    %add3A_92 = arith.addi %mul3A_2, %add3A_91 : i32
    "tpu.region"() ({
      %run_scoped3A = tpu.sem_alloc : memref<!tpu.dma_semaphore, #tpu.memory_space<semaphore_mem>>
      %dma_start3A_109 = arith.constant 0 : i32
      %dma_start3A_110 = tpu.memref_slice %arg6[%arg0, %add3A_92, %dma_start3A_109] : memref<2x10240x64xf32, #tpu.memory_space<hbm>> -> memref<1x128x64xf32, #tpu.memory_space<hbm>>
      %dma_start3A_111 = tpu.memref_squeeze %dma_start3A_110 : memref<1x128x64xf32, #tpu.memory_space<hbm>> -> memref<128x64xf32, #tpu.memory_space<hbm>>
      %dma_start3A_112 = arith.constant 0 : i32
      %dma_start3A_113 = tpu.memref_slice %arg6[%arg0, %add3A_92, %dma_start3A_112] : memref<2x10240x64xf32, #tpu.memory_space<hbm>> -> memref<1x128x64xf32, #tpu.memory_space<hbm>>
      %dma_start3A_114 = tpu.memref_squeeze %dma_start3A_113 : memref<1x128x64xf32, #tpu.memory_space<hbm>> -> memref<128x64xf32, #tpu.memory_space<hbm>>
      tpu.enqueue_dma source(%arg11 : memref<128x64xf32, #tpu.memory_space<vmem>>) target(%dma_start3A_114 : memref<128x64xf32, #tpu.memory_space<hbm>>) target_semaphore(%run_scoped3A : memref<!tpu.dma_semaphore, #tpu.memory_space<semaphore_mem>>)
      %dma_wait3A_115 = arith.constant 0 : i32
      %dma_wait3A_116 = tpu.memref_slice %arg6[%arg0, %add3A_92, %dma_wait3A_115] : memref<2x10240x64xf32, #tpu.memory_space<hbm>> -> memref<1x128x64xf32, #tpu.memory_space<hbm>>
      %dma_wait3A_117 = tpu.memref_squeeze %dma_wait3A_116 : memref<1x128x64xf32, #tpu.memory_space<hbm>> -> memref<128x64xf32, #tpu.memory_space<hbm>>
      %dma_wait3A_118 = arith.constant 0 : i32
      %dma_wait3A_119 = tpu.memref_slice %arg6[%arg0, %add3A_92, %dma_wait3A_118] : memref<2x10240x64xf32, #tpu.memory_space<hbm>> -> memref<1x128x64xf32, #tpu.memory_space<hbm>>
      %dma_wait3A_120 = tpu.memref_squeeze %dma_wait3A_119 : memref<1x128x64xf32, #tpu.memory_space<hbm>> -> memref<128x64xf32, #tpu.memory_space<hbm>>
      tpu.wait_dma2 semaphore(%run_scoped3A : memref<!tpu.dma_semaphore, #tpu.memory_space<semaphore_mem>>) src(%arg11 : memref<128x64xf32, #tpu.memory_space<vmem>>) dst(%dma_wait3A_120 : memref<128x64xf32, #tpu.memory_space<hbm>>)
      tpu.yield
    }) : () -> ()
    %add3A_93 = arith.constant 128 : i32
    %add3A_94 = arith.addi %mul3A_2, %add3A_93 : i32
    "tpu.region"() ({
      %run_scoped3A = tpu.sem_alloc : memref<!tpu.dma_semaphore, #tpu.memory_space<semaphore_mem>>
      %dma_start3A_109 = arith.constant 0 : i32
      %dma_start3A_110 = tpu.memref_slice %arg12[%add3A_94, %dma_start3A_109] : memref<10240x64xf32, #tpu.memory_space<vmem_shared>> -> memref<128x64xf32, #tpu.memory_space<vmem_shared>>
      %dma_start3A_111 = arith.constant 0 : i32
      %dma_start3A_112 = tpu.memref_slice %arg12[%add3A_94, %dma_start3A_111] : memref<10240x64xf32, #tpu.memory_space<vmem_shared>> -> memref<128x64xf32, #tpu.memory_space<vmem_shared>>
      tpu.enqueue_dma source(%dma_start3A_112 : memref<128x64xf32, #tpu.memory_space<vmem_shared>>) target(%arg11 : memref<128x64xf32, #tpu.memory_space<vmem>>) target_semaphore(%run_scoped3A : memref<!tpu.dma_semaphore, #tpu.memory_space<semaphore_mem>>)
      %dma_wait3A_113 = arith.constant 0 : i32
      %dma_wait3A_114 = tpu.memref_slice %arg12[%add3A_94, %dma_wait3A_113] : memref<10240x64xf32, #tpu.memory_space<vmem_shared>> -> memref<128x64xf32, #tpu.memory_space<vmem_shared>>
      %dma_wait3A_115 = arith.constant 0 : i32
      %dma_wait3A_116 = tpu.memref_slice %arg12[%add3A_94, %dma_wait3A_115] : memref<10240x64xf32, #tpu.memory_space<vmem_shared>> -> memref<128x64xf32, #tpu.memory_space<vmem_shared>>
      tpu.wait_dma2 semaphore(%run_scoped3A : memref<!tpu.dma_semaphore, #tpu.memory_space<semaphore_mem>>) src(%dma_wait3A_116 : memref<128x64xf32, #tpu.memory_space<vmem_shared>>) dst(%arg11 : memref<128x64xf32, #tpu.memory_space<vmem>>)
      tpu.yield
    }) : () -> ()
    %add3A_95 = arith.constant 128 : i32
    %add3A_96 = arith.addi %mul3A_2, %add3A_95 : i32
    "tpu.region"() ({
      %run_scoped3A = tpu.sem_alloc : memref<!tpu.dma_semaphore, #tpu.memory_space<semaphore_mem>>
      %dma_start3A_109 = arith.constant 0 : i32
      %dma_start3A_110 = tpu.memref_slice %arg6[%arg0, %add3A_96, %dma_start3A_109] : memref<2x10240x64xf32, #tpu.memory_space<hbm>> -> memref<1x128x64xf32, #tpu.memory_space<hbm>>
      %dma_start3A_111 = tpu.memref_squeeze %dma_start3A_110 : memref<1x128x64xf32, #tpu.memory_space<hbm>> -> memref<128x64xf32, #tpu.memory_space<hbm>>
      %dma_start3A_112 = arith.constant 0 : i32
      %dma_start3A_113 = tpu.memref_slice %arg6[%arg0, %add3A_96, %dma_start3A_112] : memref<2x10240x64xf32, #tpu.memory_space<hbm>> -> memref<1x128x64xf32, #tpu.memory_space<hbm>>
      %dma_start3A_114 = tpu.memref_squeeze %dma_start3A_113 : memref<1x128x64xf32, #tpu.memory_space<hbm>> -> memref<128x64xf32, #tpu.memory_space<hbm>>
      tpu.enqueue_dma source(%arg11 : memref<128x64xf32, #tpu.memory_space<vmem>>) target(%dma_start3A_114 : memref<128x64xf32, #tpu.memory_space<hbm>>) target_semaphore(%run_scoped3A : memref<!tpu.dma_semaphore, #tpu.memory_space<semaphore_mem>>)
      %dma_wait3A_115 = arith.constant 0 : i32
      %dma_wait3A_116 = tpu.memref_slice %arg6[%arg0, %add3A_96, %dma_wait3A_115] : memref<2x10240x64xf32, #tpu.memory_space<hbm>> -> memref<1x128x64xf32, #tpu.memory_space<hbm>>
      %dma_wait3A_117 = tpu.memref_squeeze %dma_wait3A_116 : memref<1x128x64xf32, #tpu.memory_space<hbm>> -> memref<128x64xf32, #tpu.memory_space<hbm>>
      %dma_wait3A_118 = arith.constant 0 : i32
      %dma_wait3A_119 = tpu.memref_slice %arg6[%arg0, %add3A_96, %dma_wait3A_118] : memref<2x10240x64xf32, #tpu.memory_space<hbm>> -> memref<1x128x64xf32, #tpu.memory_space<hbm>>
      %dma_wait3A_120 = tpu.memref_squeeze %dma_wait3A_119 : memref<1x128x64xf32, #tpu.memory_space<hbm>> -> memref<128x64xf32, #tpu.memory_space<hbm>>
      tpu.wait_dma2 semaphore(%run_scoped3A : memref<!tpu.dma_semaphore, #tpu.memory_space<semaphore_mem>>) src(%arg11 : memref<128x64xf32, #tpu.memory_space<vmem>>) dst(%dma_wait3A_120 : memref<128x64xf32, #tpu.memory_space<hbm>>)
      tpu.yield
    }) : () -> ()
    %add3A_97 = arith.constant 256 : i32
    %add3A_98 = arith.addi %mul3A_2, %add3A_97 : i32
    "tpu.region"() ({
      %run_scoped3A = tpu.sem_alloc : memref<!tpu.dma_semaphore, #tpu.memory_space<semaphore_mem>>
      %dma_start3A_109 = arith.constant 0 : i32
      %dma_start3A_110 = tpu.memref_slice %arg12[%add3A_98, %dma_start3A_109] : memref<10240x64xf32, #tpu.memory_space<vmem_shared>> -> memref<128x64xf32, #tpu.memory_space<vmem_shared>>
      %dma_start3A_111 = arith.constant 0 : i32
      %dma_start3A_112 = tpu.memref_slice %arg12[%add3A_98, %dma_start3A_111] : memref<10240x64xf32, #tpu.memory_space<vmem_shared>> -> memref<128x64xf32, #tpu.memory_space<vmem_shared>>
      tpu.enqueue_dma source(%dma_start3A_112 : memref<128x64xf32, #tpu.memory_space<vmem_shared>>) target(%arg11 : memref<128x64xf32, #tpu.memory_space<vmem>>) target_semaphore(%run_scoped3A : memref<!tpu.dma_semaphore, #tpu.memory_space<semaphore_mem>>)
      %dma_wait3A_113 = arith.constant 0 : i32
      %dma_wait3A_114 = tpu.memref_slice %arg12[%add3A_98, %dma_wait3A_113] : memref<10240x64xf32, #tpu.memory_space<vmem_shared>> -> memref<128x64xf32, #tpu.memory_space<vmem_shared>>
      %dma_wait3A_115 = arith.constant 0 : i32
      %dma_wait3A_116 = tpu.memref_slice %arg12[%add3A_98, %dma_wait3A_115] : memref<10240x64xf32, #tpu.memory_space<vmem_shared>> -> memref<128x64xf32, #tpu.memory_space<vmem_shared>>
      tpu.wait_dma2 semaphore(%run_scoped3A : memref<!tpu.dma_semaphore, #tpu.memory_space<semaphore_mem>>) src(%dma_wait3A_116 : memref<128x64xf32, #tpu.memory_space<vmem_shared>>) dst(%arg11 : memref<128x64xf32, #tpu.memory_space<vmem>>)
      tpu.yield
    }) : () -> ()
    %add3A_99 = arith.constant 256 : i32
    %add3A_100 = arith.addi %mul3A_2, %add3A_99 : i32
    "tpu.region"() ({
      %run_scoped3A = tpu.sem_alloc : memref<!tpu.dma_semaphore, #tpu.memory_space<semaphore_mem>>
      %dma_start3A_109 = arith.constant 0 : i32
      %dma_start3A_110 = tpu.memref_slice %arg6[%arg0, %add3A_100, %dma_start3A_109] : memref<2x10240x64xf32, #tpu.memory_space<hbm>> -> memref<1x128x64xf32, #tpu.memory_space<hbm>>
      %dma_start3A_111 = tpu.memref_squeeze %dma_start3A_110 : memref<1x128x64xf32, #tpu.memory_space<hbm>> -> memref<128x64xf32, #tpu.memory_space<hbm>>
      %dma_start3A_112 = arith.constant 0 : i32
      %dma_start3A_113 = tpu.memref_slice %arg6[%arg0, %add3A_100, %dma_start3A_112] : memref<2x10240x64xf32, #tpu.memory_space<hbm>> -> memref<1x128x64xf32, #tpu.memory_space<hbm>>
      %dma_start3A_114 = tpu.memref_squeeze %dma_start3A_113 : memref<1x128x64xf32, #tpu.memory_space<hbm>> -> memref<128x64xf32, #tpu.memory_space<hbm>>
      tpu.enqueue_dma source(%arg11 : memref<128x64xf32, #tpu.memory_space<vmem>>) target(%dma_start3A_114 : memref<128x64xf32, #tpu.memory_space<hbm>>) target_semaphore(%run_scoped3A : memref<!tpu.dma_semaphore, #tpu.memory_space<semaphore_mem>>)
      %dma_wait3A_115 = arith.constant 0 : i32
      %dma_wait3A_116 = tpu.memref_slice %arg6[%arg0, %add3A_100, %dma_wait3A_115] : memref<2x10240x64xf32, #tpu.memory_space<hbm>> -> memref<1x128x64xf32, #tpu.memory_space<hbm>>
      %dma_wait3A_117 = tpu.memref_squeeze %dma_wait3A_116 : memref<1x128x64xf32, #tpu.memory_space<hbm>> -> memref<128x64xf32, #tpu.memory_space<hbm>>
      %dma_wait3A_118 = arith.constant 0 : i32
      %dma_wait3A_119 = tpu.memref_slice %arg6[%arg0, %add3A_100, %dma_wait3A_118] : memref<2x10240x64xf32, #tpu.memory_space<hbm>> -> memref<1x128x64xf32, #tpu.memory_space<hbm>>
      %dma_wait3A_120 = tpu.memref_squeeze %dma_wait3A_119 : memref<1x128x64xf32, #tpu.memory_space<hbm>> -> memref<128x64xf32, #tpu.memory_space<hbm>>
      tpu.wait_dma2 semaphore(%run_scoped3A : memref<!tpu.dma_semaphore, #tpu.memory_space<semaphore_mem>>) src(%arg11 : memref<128x64xf32, #tpu.memory_space<vmem>>) dst(%dma_wait3A_120 : memref<128x64xf32, #tpu.memory_space<hbm>>)
      tpu.yield
    }) : () -> ()
    %add3A_101 = arith.constant 384 : i32
    %add3A_102 = arith.addi %mul3A_2, %add3A_101 : i32
    "tpu.region"() ({
      %run_scoped3A = tpu.sem_alloc : memref<!tpu.dma_semaphore, #tpu.memory_space<semaphore_mem>>
      %dma_start3A_109 = arith.constant 0 : i32
      %dma_start3A_110 = tpu.memref_slice %arg12[%add3A_102, %dma_start3A_109] : memref<10240x64xf32, #tpu.memory_space<vmem_shared>> -> memref<128x64xf32, #tpu.memory_space<vmem_shared>>
      %dma_start3A_111 = arith.constant 0 : i32
      %dma_start3A_112 = tpu.memref_slice %arg12[%add3A_102, %dma_start3A_111] : memref<10240x64xf32, #tpu.memory_space<vmem_shared>> -> memref<128x64xf32, #tpu.memory_space<vmem_shared>>
      tpu.enqueue_dma source(%dma_start3A_112 : memref<128x64xf32, #tpu.memory_space<vmem_shared>>) target(%arg11 : memref<128x64xf32, #tpu.memory_space<vmem>>) target_semaphore(%run_scoped3A : memref<!tpu.dma_semaphore, #tpu.memory_space<semaphore_mem>>)
      %dma_wait3A_113 = arith.constant 0 : i32
      %dma_wait3A_114 = tpu.memref_slice %arg12[%add3A_102, %dma_wait3A_113] : memref<10240x64xf32, #tpu.memory_space<vmem_shared>> -> memref<128x64xf32, #tpu.memory_space<vmem_shared>>
      %dma_wait3A_115 = arith.constant 0 : i32
      %dma_wait3A_116 = tpu.memref_slice %arg12[%add3A_102, %dma_wait3A_115] : memref<10240x64xf32, #tpu.memory_space<vmem_shared>> -> memref<128x64xf32, #tpu.memory_space<vmem_shared>>
      tpu.wait_dma2 semaphore(%run_scoped3A : memref<!tpu.dma_semaphore, #tpu.memory_space<semaphore_mem>>) src(%dma_wait3A_116 : memref<128x64xf32, #tpu.memory_space<vmem_shared>>) dst(%arg11 : memref<128x64xf32, #tpu.memory_space<vmem>>)
      tpu.yield
    }) : () -> ()
    %add3A_103 = arith.constant 384 : i32
    %add3A_104 = arith.addi %mul3A_2, %add3A_103 : i32
    "tpu.region"() ({
      %run_scoped3A = tpu.sem_alloc : memref<!tpu.dma_semaphore, #tpu.memory_space<semaphore_mem>>
      %dma_start3A_109 = arith.constant 0 : i32
      %dma_start3A_110 = tpu.memref_slice %arg6[%arg0, %add3A_104, %dma_start3A_109] : memref<2x10240x64xf32, #tpu.memory_space<hbm>> -> memref<1x128x64xf32, #tpu.memory_space<hbm>>
      %dma_start3A_111 = tpu.memref_squeeze %dma_start3A_110 : memref<1x128x64xf32, #tpu.memory_space<hbm>> -> memref<128x64xf32, #tpu.memory_space<hbm>>
      %dma_start3A_112 = arith.constant 0 : i32
      %dma_start3A_113 = tpu.memref_slice %arg6[%arg0, %add3A_104, %dma_start3A_112] : memref<2x10240x64xf32, #tpu.memory_space<hbm>> -> memref<1x128x64xf32, #tpu.memory_space<hbm>>
      %dma_start3A_114 = tpu.memref_squeeze %dma_start3A_113 : memref<1x128x64xf32, #tpu.memory_space<hbm>> -> memref<128x64xf32, #tpu.memory_space<hbm>>
      tpu.enqueue_dma source(%arg11 : memref<128x64xf32, #tpu.memory_space<vmem>>) target(%dma_start3A_114 : memref<128x64xf32, #tpu.memory_space<hbm>>) target_semaphore(%run_scoped3A : memref<!tpu.dma_semaphore, #tpu.memory_space<semaphore_mem>>)
      %dma_wait3A_115 = arith.constant 0 : i32
      %dma_wait3A_116 = tpu.memref_slice %arg6[%arg0, %add3A_104, %dma_wait3A_115] : memref<2x10240x64xf32, #tpu.memory_space<hbm>> -> memref<1x128x64xf32, #tpu.memory_space<hbm>>
      %dma_wait3A_117 = tpu.memref_squeeze %dma_wait3A_116 : memref<1x128x64xf32, #tpu.memory_space<hbm>> -> memref<128x64xf32, #tpu.memory_space<hbm>>
      %dma_wait3A_118 = arith.constant 0 : i32
      %dma_wait3A_119 = tpu.memref_slice %arg6[%arg0, %add3A_104, %dma_wait3A_118] : memref<2x10240x64xf32, #tpu.memory_space<hbm>> -> memref<1x128x64xf32, #tpu.memory_space<hbm>>
      %dma_wait3A_120 = tpu.memref_squeeze %dma_wait3A_119 : memref<1x128x64xf32, #tpu.memory_space<hbm>> -> memref<128x64xf32, #tpu.memory_space<hbm>>
      tpu.wait_dma2 semaphore(%run_scoped3A : memref<!tpu.dma_semaphore, #tpu.memory_space<semaphore_mem>>) src(%arg11 : memref<128x64xf32, #tpu.memory_space<vmem>>) dst(%dma_wait3A_120 : memref<128x64xf32, #tpu.memory_space<hbm>>)
      tpu.yield
    }) : () -> ()
    %add3A_105 = arith.constant 512 : i32
    %add3A_106 = arith.addi %mul3A_2, %add3A_105 : i32
    "tpu.region"() ({
      %run_scoped3A = tpu.sem_alloc : memref<!tpu.dma_semaphore, #tpu.memory_space<semaphore_mem>>
      %dma_start3A_109 = arith.constant 0 : i32
      %dma_start3A_110 = tpu.memref_slice %arg12[%add3A_106, %dma_start3A_109] : memref<10240x64xf32, #tpu.memory_space<vmem_shared>> -> memref<128x64xf32, #tpu.memory_space<vmem_shared>>
      %dma_start3A_111 = arith.constant 0 : i32
      %dma_start3A_112 = tpu.memref_slice %arg12[%add3A_106, %dma_start3A_111] : memref<10240x64xf32, #tpu.memory_space<vmem_shared>> -> memref<128x64xf32, #tpu.memory_space<vmem_shared>>
      tpu.enqueue_dma source(%dma_start3A_112 : memref<128x64xf32, #tpu.memory_space<vmem_shared>>) target(%arg11 : memref<128x64xf32, #tpu.memory_space<vmem>>) target_semaphore(%run_scoped3A : memref<!tpu.dma_semaphore, #tpu.memory_space<semaphore_mem>>)
      %dma_wait3A_113 = arith.constant 0 : i32
      %dma_wait3A_114 = tpu.memref_slice %arg12[%add3A_106, %dma_wait3A_113] : memref<10240x64xf32, #tpu.memory_space<vmem_shared>> -> memref<128x64xf32, #tpu.memory_space<vmem_shared>>
      %dma_wait3A_115 = arith.constant 0 : i32
      %dma_wait3A_116 = tpu.memref_slice %arg12[%add3A_106, %dma_wait3A_115] : memref<10240x64xf32, #tpu.memory_space<vmem_shared>> -> memref<128x64xf32, #tpu.memory_space<vmem_shared>>
      tpu.wait_dma2 semaphore(%run_scoped3A : memref<!tpu.dma_semaphore, #tpu.memory_space<semaphore_mem>>) src(%dma_wait3A_116 : memref<128x64xf32, #tpu.memory_space<vmem_shared>>) dst(%arg11 : memref<128x64xf32, #tpu.memory_space<vmem>>)
      tpu.yield
    }) : () -> ()
    %add3A_107 = arith.constant 512 : i32
    %add3A_108 = arith.addi %mul3A_2, %add3A_107 : i32
    "tpu.region"() ({
      %run_scoped3A = tpu.sem_alloc : memref<!tpu.dma_semaphore, #tpu.memory_space<semaphore_mem>>
      %dma_start3A_109 = arith.constant 0 : i32
      %dma_start3A_110 = tpu.memref_slice %arg6[%arg0, %add3A_108, %dma_start3A_109] : memref<2x10240x64xf32, #tpu.memory_space<hbm>> -> memref<1x128x64xf32, #tpu.memory_space<hbm>>
      %dma_start3A_111 = tpu.memref_squeeze %dma_start3A_110 : memref<1x128x64xf32, #tpu.memory_space<hbm>> -> memref<128x64xf32, #tpu.memory_space<hbm>>
      %dma_start3A_112 = arith.constant 0 : i32
      %dma_start3A_113 = tpu.memref_slice %arg6[%arg0, %add3A_108, %dma_start3A_112] : memref<2x10240x64xf32, #tpu.memory_space<hbm>> -> memref<1x128x64xf32, #tpu.memory_space<hbm>>
      %dma_start3A_114 = tpu.memref_squeeze %dma_start3A_113 : memref<1x128x64xf32, #tpu.memory_space<hbm>> -> memref<128x64xf32, #tpu.memory_space<hbm>>
      tpu.enqueue_dma source(%arg11 : memref<128x64xf32, #tpu.memory_space<vmem>>) target(%dma_start3A_114 : memref<128x64xf32, #tpu.memory_space<hbm>>) target_semaphore(%run_scoped3A : memref<!tpu.dma_semaphore, #tpu.memory_space<semaphore_mem>>)
      %dma_wait3A_115 = arith.constant 0 : i32
      %dma_wait3A_116 = tpu.memref_slice %arg6[%arg0, %add3A_108, %dma_wait3A_115] : memref<2x10240x64xf32, #tpu.memory_space<hbm>> -> memref<1x128x64xf32, #tpu.memory_space<hbm>>
      %dma_wait3A_117 = tpu.memref_squeeze %dma_wait3A_116 : memref<1x128x64xf32, #tpu.memory_space<hbm>> -> memref<128x64xf32, #tpu.memory_space<hbm>>
      %dma_wait3A_118 = arith.constant 0 : i32
      %dma_wait3A_119 = tpu.memref_slice %arg6[%arg0, %add3A_108, %dma_wait3A_118] : memref<2x10240x64xf32, #tpu.memory_space<hbm>> -> memref<1x128x64xf32, #tpu.memory_space<hbm>>
      %dma_wait3A_120 = tpu.memref_squeeze %dma_wait3A_119 : memref<1x128x64xf32, #tpu.memory_space<hbm>> -> memref<128x64xf32, #tpu.memory_space<hbm>>
      tpu.wait_dma2 semaphore(%run_scoped3A : memref<!tpu.dma_semaphore, #tpu.memory_space<semaphore_mem>>) src(%arg11 : memref<128x64xf32, #tpu.memory_space<vmem>>) dst(%dma_wait3A_120 : memref<128x64xf32, #tpu.memory_space<hbm>>)
      tpu.yield
    }) : () -> ()
    return
  }
}

module attributes {stable_mosaic.version = 14 : i64} {
  func.func @body(%arg0: memref<10240x128xf32, #tpu.memory_space<vmem>>, %arg1: memref<128x64xf32, #tpu.memory_space<vmem>>, %arg2: memref<10240x64xf32, #tpu.memory_space<vmem>>) attributes {dimension_semantics = [], scalar_prefetch = 0 : i64, scratch_operands = 0 : i64, tpu.core_type = #tpu.core_type<tc>} {
    %get3A = arith.constant 0 : index
    %get3A_0 = arith.constant 0 : index
    %get3A_1 = vector.load %arg0[%get3A, %get3A_0] : memref<10240x128xf32, #tpu.memory_space<vmem>>, vector<10240x128xf32>
    %get3A_2 = arith.constant 0 : index
    %get3A_3 = arith.constant 0 : index
    %get3A_4 = vector.load %arg1[%get3A_2, %get3A_3] : memref<128x64xf32, #tpu.memory_space<vmem>>, vector<128x64xf32>
    %dot_general3A = arith.constant dense<0.000000e+00> : vector<10240x64xf32>
    %dot_general3A_5 = tpu.matmul %get3A_1, %get3A_4, %dot_general3A {dimension_numbers = #tpu.dot_dimension_numbers<[1], [0], [0], [1], [0, 0, 1, 1], [], []>, transpose_lhs_hint = false} : vector<10240x128xf32>, vector<128x64xf32>, vector<10240x64xf32> -> vector<10240x64xf32>
    %swap3A = arith.constant 0 : index
    %swap3A_6 = arith.constant 0 : index
    %swap3A_7 = vector.load %arg2[%swap3A, %swap3A_6] : memref<10240x64xf32, #tpu.memory_space<vmem>>, vector<10240x64xf32>
    tpu.vector_store %arg2[%swap3A, %swap3A_6], %dot_general3A_5 {strides = array<i32>} : memref<10240x64xf32, #tpu.memory_space<vmem>>, vector<10240x64xf32>,
    return
  }
}

module attributes {stable_mosaic.version = 14 : i64} {
  func.func @body(%arg0: memref<10240x64xf32, #tpu.memory_space<vmem>>, %arg1: memref<2x10240x1xf32, #tpu.memory_space<vmem>>, %arg2: memref<10240x64xf32, #tpu.memory_space<vmem>>, %arg3: memref<10240x1xf32, #tpu.memory_space<vmem>>) attributes {dimension_semantics = [], scalar_prefetch = 0 : i64, scratch_operands = 0 : i64, tpu.core_type = #tpu.core_type<tc>} {
    %get3A = arith.constant 0 : index
    %get3A_0 = arith.constant 0 : index
    %get3A_1 = arith.constant 0 : index
    %get3A_2 = vector.load %arg1[%get3A, %get3A_0, %get3A_1] : memref<2x10240x1xf32, #tpu.memory_space<vmem>>, vector<1x10240x1xf32>
    %get3A_3 = vector.shape_cast %get3A_2 : vector<1x10240x1xf32> to vector<10240x1xf32>
    %get3A_4 = arith.constant 1 : index
    %get3A_5 = arith.constant 0 : index
    %get3A_6 = arith.constant 0 : index
    %get3A_7 = vector.load %arg1[%get3A_4, %get3A_5, %get3A_6] : memref<2x10240x1xf32, #tpu.memory_space<vmem>>, vector<1x10240x1xf32>
    %get3A_8 = vector.shape_cast %get3A_7 : vector<1x10240x1xf32> to vector<10240x1xf32>
    %add3A = arith.addf %get3A_3, %get3A_8 : vector<10240x1xf32>
    %add3A_9 = arith.constant 1.000000e+00 : f32
    %add3A_10 = vector.broadcast %add3A_9 : f32 to vector<10240x1xf32>
    %add3A_11 = arith.addf %add3A, %add3A_10 : vector<10240x1xf32>
    %sqrt3A = math.sqrt %add3A_11 : vector<10240x1xf32>
    %div3A = arith.constant 1.000000e+00 : f32
    %div3A_12 = vector.broadcast %div3A : f32 to vector<10240x1xf32>
    %div3A_13 = arith.divf %div3A_12, %sqrt3A : vector<10240x1xf32>
    %swap3A = arith.constant 0 : index
    %swap3A_14 = arith.constant 0 : index
    %swap3A_15 = vector.load %arg3[%swap3A, %swap3A_14] : memref<10240x1xf32, #tpu.memory_space<vmem>>, vector<10240x1xf32>
    tpu.vector_store %arg3[%swap3A, %swap3A_14], %div3A_13 {strides = array<i32>} : memref<10240x1xf32, #tpu.memory_space<vmem>>, vector<10240x1xf32>,
    %get3A_16 = arith.constant 0 : index
    %get3A_17 = arith.constant 0 : index
    %get3A_18 = vector.load %arg0[%get3A_16, %get3A_17] : memref<10240x64xf32, #tpu.memory_space<vmem>>, vector<10240x64xf32>
    %mul3A = vector.broadcast %div3A_13 : vector<10240x1xf32> to vector<10240x64xf32>
    %mul3A_19 = arith.mulf %get3A_18, %mul3A : vector<10240x64xf32>
    %swap3A_20 = arith.constant 0 : index
    %swap3A_21 = arith.constant 0 : index
    %swap3A_22 = vector.load %arg2[%swap3A_20, %swap3A_21] : memref<10240x64xf32, #tpu.memory_space<vmem>>, vector<10240x64xf32>
    tpu.vector_store %arg2[%swap3A_20, %swap3A_21], %mul3A_19 {strides = array<i32>} : memref<10240x64xf32, #tpu.memory_space<vmem>>, vector<10240x64xf32>,
    return
  }
}

module attributes {stable_mosaic.version = 14 : i64} {
  func.func @body(%arg0: memref<2x10240x64xf32, #tpu.memory_space<vmem>>, %arg1: memref<10240x64xf32, #tpu.memory_space<vmem>>, %arg2: memref<10240x1xf32, #tpu.memory_space<vmem>>, %arg3: memref<1x64xf32, #tpu.memory_space<vmem>>, %arg4: memref<64x64xf32, #tpu.memory_space<vmem>>, %arg5: memref<10240x64xf32, #tpu.memory_space<vmem>>) attributes {dimension_semantics = [], scalar_prefetch = 0 : i64, scratch_operands = 0 : i64, tpu.core_type = #tpu.core_type<tc>} {
    %get3A = arith.constant 0 : index
    %get3A_0 = arith.constant 0 : index
    %get3A_1 = vector.load %arg2[%get3A, %get3A_0] : memref<10240x1xf32, #tpu.memory_space<vmem>>, vector<10240x1xf32>
    %get3A_2 = arith.constant 0 : index
    %get3A_3 = arith.constant 0 : index
    %get3A_4 = arith.constant 0 : index
    %get3A_5 = vector.load %arg0[%get3A_2, %get3A_3, %get3A_4] : memref<2x10240x64xf32, #tpu.memory_space<vmem>>, vector<1x10240x64xf32>
    %get3A_6 = vector.shape_cast %get3A_5 : vector<1x10240x64xf32> to vector<10240x64xf32>
    %get3A_7 = arith.constant 1 : index
    %get3A_8 = arith.constant 0 : index
    %get3A_9 = arith.constant 0 : index
    %get3A_10 = vector.load %arg0[%get3A_7, %get3A_8, %get3A_9] : memref<2x10240x64xf32, #tpu.memory_space<vmem>>, vector<1x10240x64xf32>
    %get3A_11 = vector.shape_cast %get3A_10 : vector<1x10240x64xf32> to vector<10240x64xf32>
    %add3A = arith.addf %get3A_6, %get3A_11 : vector<10240x64xf32>
    %get3A_12 = arith.constant 0 : index
    %get3A_13 = arith.constant 0 : index
    %get3A_14 = vector.load %arg1[%get3A_12, %get3A_13] : memref<10240x64xf32, #tpu.memory_space<vmem>>, vector<10240x64xf32>
    %add3A_15 = arith.addf %add3A, %get3A_14 : vector<10240x64xf32>
    %mul3A = vector.broadcast %get3A_1 : vector<10240x1xf32> to vector<10240x64xf32>
    %mul3A_16 = arith.mulf %add3A_15, %mul3A : vector<10240x64xf32>
    %get3A_17 = arith.constant 0 : index
    %get3A_18 = arith.constant 0 : index
    %get3A_19 = vector.load %arg3[%get3A_17, %get3A_18] : memref<1x64xf32, #tpu.memory_space<vmem>>, vector<1x64xf32>
    %add3A_20 = vector.broadcast %get3A_19 : vector<1x64xf32> to vector<10240x64xf32>
    %add3A_21 = arith.addf %mul3A_16, %add3A_20 : vector<10240x64xf32>
    %max3A = arith.constant 0.000000e+00 : f32
    %max3A_22 = vector.broadcast %max3A : f32 to vector<10240x64xf32>
    %max3A_23 = arith.maximumf %add3A_21, %max3A_22 : vector<10240x64xf32>
    %get3A_24 = arith.constant 0 : index
    %get3A_25 = arith.constant 0 : index
    %get3A_26 = vector.load %arg4[%get3A_24, %get3A_25] : memref<64x64xf32, #tpu.memory_space<vmem>>, vector<64x64xf32>
    %dot_general3A = arith.constant dense<0.000000e+00> : vector<10240x64xf32>
    %dot_general3A_27 = tpu.matmul %max3A_23, %get3A_26, %dot_general3A {dimension_numbers = #tpu.dot_dimension_numbers<[1], [0], [0], [1], [0, 0, 1, 1], [], []>, transpose_lhs_hint = false} : vector<10240x64xf32>, vector<64x64xf32>, vector<10240x64xf32> -> vector<10240x64xf32>
    %mul3A_28 = vector.broadcast %get3A_1 : vector<10240x1xf32> to vector<10240x64xf32>
    %mul3A_29 = arith.mulf %dot_general3A_27, %mul3A_28 : vector<10240x64xf32>
    %swap3A = arith.constant 0 : index
    %swap3A_30 = arith.constant 0 : index
    %swap3A_31 = vector.load %arg5[%swap3A, %swap3A_30] : memref<10240x64xf32, #tpu.memory_space<vmem>>, vector<10240x64xf32>
    tpu.vector_store %arg5[%swap3A, %swap3A_30], %mul3A_29 {strides = array<i32>} : memref<10240x64xf32, #tpu.memory_space<vmem>>, vector<10240x64xf32>,
    return
  }
}

module attributes {stable_mosaic.version = 14 : i64} {
  func.func @body(%arg0: memref<2x10240x64xf32, #tpu.memory_space<vmem>>, %arg1: memref<10240x64xf32, #tpu.memory_space<vmem>>, %arg2: memref<10240x1xf32, #tpu.memory_space<vmem>>, %arg3: memref<1x64xf32, #tpu.memory_space<vmem>>, %arg4: memref<1x10240xi32, #tpu.memory_space<vmem>>, %arg5: memref<64x64xf32, #tpu.memory_space<vmem>>, %arg6: memref<1x64xf32, #tpu.memory_space<vmem>>, %arg7: memref<64x3xf32, #tpu.memory_space<vmem>>, %arg8: memref<1x3xf32, #tpu.memory_space<vmem>>, %arg9: memref<128x3xf32, #tpu.memory_space<vmem>>) attributes {dimension_semantics = [], scalar_prefetch = 0 : i64, scratch_operands = 0 : i64, tpu.core_type = #tpu.core_type<tc>} {
    %get3A = arith.constant 0 : index
    %get3A_0 = arith.constant 0 : index
    %get3A_1 = arith.constant 0 : index
    %get3A_2 = vector.load %arg0[%get3A, %get3A_0, %get3A_1] : memref<2x10240x64xf32, #tpu.memory_space<vmem>>, vector<1x10240x64xf32>
    %get3A_3 = vector.shape_cast %get3A_2 : vector<1x10240x64xf32> to vector<10240x64xf32>
    %get3A_4 = arith.constant 1 : index
    %get3A_5 = arith.constant 0 : index
    %get3A_6 = arith.constant 0 : index
    %get3A_7 = vector.load %arg0[%get3A_4, %get3A_5, %get3A_6] : memref<2x10240x64xf32, #tpu.memory_space<vmem>>, vector<1x10240x64xf32>
    %get3A_8 = vector.shape_cast %get3A_7 : vector<1x10240x64xf32> to vector<10240x64xf32>
    %add3A = arith.addf %get3A_3, %get3A_8 : vector<10240x64xf32>
    %get3A_9 = arith.constant 0 : index
    %get3A_10 = arith.constant 0 : index
    %get3A_11 = vector.load %arg1[%get3A_9, %get3A_10] : memref<10240x64xf32, #tpu.memory_space<vmem>>, vector<10240x64xf32>
    %add3A_12 = arith.addf %add3A, %get3A_11 : vector<10240x64xf32>
    %get3A_13 = arith.constant 0 : index
    %get3A_14 = arith.constant 0 : index
    %get3A_15 = vector.load %arg2[%get3A_13, %get3A_14] : memref<10240x1xf32, #tpu.memory_space<vmem>>, vector<10240x1xf32>
    %mul3A = vector.broadcast %get3A_15 : vector<10240x1xf32> to vector<10240x64xf32>
    %mul3A_16 = arith.mulf %add3A_12, %mul3A : vector<10240x64xf32>
    %get3A_17 = arith.constant 0 : index
    %get3A_18 = arith.constant 0 : index
    %get3A_19 = vector.load %arg3[%get3A_17, %get3A_18] : memref<1x64xf32, #tpu.memory_space<vmem>>, vector<1x64xf32>
    %add3A_20 = vector.broadcast %get3A_19 : vector<1x64xf32> to vector<10240x64xf32>
    %add3A_21 = arith.addf %mul3A_16, %add3A_20 : vector<10240x64xf32>
    %max3A = arith.constant 0.000000e+00 : f32
    %max3A_22 = vector.broadcast %max3A : f32 to vector<10240x64xf32>
    %max3A_23 = arith.maximumf %add3A_21, %max3A_22 : vector<10240x64xf32>
    %iota3A = tpu.iota {dimensions = array<i32: 0>} : vector<128x10240xi32>
    %get3A_24 = arith.constant 0 : index
    %get3A_25 = arith.constant 0 : index
    %get3A_26 = vector.load %arg4[%get3A_24, %get3A_25] : memref<1x10240xi32, #tpu.memory_space<vmem>>, vector<1x10240xi32>
    %eq3A = vector.broadcast %get3A_26 : vector<1x10240xi32> to vector<128x10240xi32>
    %eq3A_27 = arith.cmpi eq, %iota3A, %eq3A : vector<128x10240xi32>
    %convert_element_type3A = arith.extui %eq3A_27 : vector<128x10240xi1> to vector<128x10240xi32>
    %convert_element_type3A_28 = arith.sitofp %convert_element_type3A : vector<128x10240xi32> to vector<128x10240xf32>
    %dot_general3A = arith.constant dense<0.000000e+00> : vector<128x64xf32>
    %dot_general3A_29 = tpu.matmul %convert_element_type3A_28, %max3A_23, %dot_general3A {dimension_numbers = #tpu.dot_dimension_numbers<[1], [0], [0], [1], [0, 0, 1, 1], [], []>, precision = #tpu.contract_precision<fp32>, transpose_lhs_hint = false} : vector<128x10240xf32>, vector<10240x64xf32>, vector<128x64xf32> -> vector<128x64xf32>
    %reduce_sum3A = arith.constant dense<0.000000e+00> : vector<128xf32>
    %reduce_sum3A_30 = vector.multi_reduction <add>, %convert_element_type3A_28, %reduce_sum3A [1] : vector<128x10240xf32> to vector<128xf32>
    %broadcast_in_dim3A = vector.shape_cast %reduce_sum3A_30 : vector<128xf32> to vector<128x1xf32>
    %max3A_31 = arith.constant 1.000000e+00 : f32
    %max3A_32 = vector.broadcast %max3A_31 : f32 to vector<128x1xf32>
    %max3A_33 = arith.maximumf %broadcast_in_dim3A, %max3A_32 : vector<128x1xf32>
    %div3A = vector.broadcast %max3A_33 : vector<128x1xf32> to vector<128x64xf32>
    %div3A_34 = arith.divf %dot_general3A_29, %div3A : vector<128x64xf32>
    %get3A_35 = arith.constant 0 : index
    %get3A_36 = arith.constant 0 : index
    %get3A_37 = vector.load %arg5[%get3A_35, %get3A_36] : memref<64x64xf32, #tpu.memory_space<vmem>>, vector<64x64xf32>
    %dot_general3A_38 = arith.constant dense<0.000000e+00> : vector<128x64xf32>
    %dot_general3A_39 = tpu.matmul %div3A_34, %get3A_37, %dot_general3A_38 {dimension_numbers = #tpu.dot_dimension_numbers<[1], [0], [0], [1], [0, 0, 1, 1], [], []>, transpose_lhs_hint = false} : vector<128x64xf32>, vector<64x64xf32>, vector<128x64xf32> -> vector<128x64xf32>
    %get3A_40 = arith.constant 0 : index
    %get3A_41 = arith.constant 0 : index
    %get3A_42 = vector.load %arg6[%get3A_40, %get3A_41] : memref<1x64xf32, #tpu.memory_space<vmem>>, vector<1x64xf32>
    %add3A_43 = vector.broadcast %get3A_42 : vector<1x64xf32> to vector<128x64xf32>
    %add3A_44 = arith.addf %dot_general3A_39, %add3A_43 : vector<128x64xf32>
    %max3A_45 = arith.constant 0.000000e+00 : f32
    %max3A_46 = vector.broadcast %max3A_45 : f32 to vector<128x64xf32>
    %max3A_47 = arith.maximumf %add3A_44, %max3A_46 : vector<128x64xf32>
    %get3A_48 = arith.constant 0 : index
    %get3A_49 = arith.constant 0 : index
    %get3A_50 = vector.load %arg7[%get3A_48, %get3A_49] : memref<64x3xf32, #tpu.memory_space<vmem>>, vector<64x3xf32>
    %dot_general3A_51 = arith.constant dense<0.000000e+00> : vector<128x3xf32>
    %dot_general3A_52 = tpu.matmul %max3A_47, %get3A_50, %dot_general3A_51 {dimension_numbers = #tpu.dot_dimension_numbers<[1], [0], [0], [1], [0, 0, 1, 1], [], []>, transpose_lhs_hint = false} : vector<128x64xf32>, vector<64x3xf32>, vector<128x3xf32> -> vector<128x3xf32>
    %get3A_53 = arith.constant 0 : index
    %get3A_54 = arith.constant 0 : index
    %get3A_55 = vector.load %arg8[%get3A_53, %get3A_54] : memref<1x3xf32, #tpu.memory_space<vmem>>, vector<1x3xf32>
    %add3A_56 = vector.broadcast %get3A_55 : vector<1x3xf32> to vector<128x3xf32>
    %add3A_57 = arith.addf %dot_general3A_52, %add3A_56 : vector<128x3xf32>
    %swap3A = arith.constant 0 : index
    %swap3A_58 = arith.constant 0 : index
    %swap3A_59 = vector.load %arg9[%swap3A, %swap3A_58] : memref<128x3xf32, #tpu.memory_space<vmem>>, vector<128x3xf32>
    tpu.vector_store %arg9[%swap3A, %swap3A_58], %add3A_57 {strides = array<i32>} : memref<128x3xf32, #tpu.memory_space<vmem>>, vector<128x3xf32>,
    return
  }
}

</mosaic_0001>

<sc_bundles>
// kernel: kernel.12.cloned.1.call-start
scs
__scs_entry_jumppad:
0x0: {  	(pc) =	sbr.rel $0x88, $3  }
0x1: {  	(tag) =	ssettag $0x0;
	lr =	simm.s32 $0x1  }
0x2: {  	[smem:$0x3F95] =	sst lr;
	_ =	strace $0xD0000000  }
0x3: {  	_ = 	snop  }
0x4: {  	_ = 	snop  }
0x5: {  	_ = 	snop  }
0x6: {  	_ = 	snop  }
0x7: {  	_ = 	snop  }
__scs_overlays_trampoline_lowered:
0x8: {  	[smem:$0x3FA4] =	sst s0  }
0x9: {  	[smem:$0x3FA5] =	sst s1  }
0xa: {  	[smem:$0x3FA6] =	sst s2  }
0xb: {  	[smem:$0x3FA7] =	sst s3  }
0xc: {  	[smem:$0x3FA8] =	sst s4  }
0xd: {  	[smem:$0x3FA9] =	sst s5  }
0xe: {  	[smem:$0x3FAA] =	sst s6  }
0xf: {  	[smem:$0x3FAB] =	sst s7  }
0x10: {  	[smem:$0x3FAC] =	sst s8  }
0x11: {  	[smem:$0x3FAD] =	sst s9;
	s0 =	simm.s32 @!p0 $0x0  }
0x12: {  	s1 =	sld [smem:$0x3F93];
	s0 =	simm.s32 @p0 $0x1  }
0x13: {  	[smem:$0x3FAE] =	sst s0;
	s0 =	simm.s32 @!p1 $0x0  }
0x14: {  	s2 =	sld [smem:$0x3F92];
	s0 =	simm.s32 @p1 $0x1  }
0x15: {  	[smem:$0x3FAF] =	sst s0;
	s0 =	simm.s32 @!p2 $0x0  }
0x16: {  	s3 =	sld [smem:$0x3FDB];
	s0 =	simm.s32 @p2 $0x1  }
0x17: {  	s4 =	simm.s32 $0x1BF5;
	[smem:$0x3FB1] =	sst s0  }
0x18: {  	s0 =	sld [smem:$0x3F94];
	_ =	swait.ge [sflag:s4], $0x0  }
0x19: {  	s7 =	sld [smem:$0x3F95]  }
0x1a: {  	s8 =	sadd.s32 $0xFFFFE003, lr  }
0x1b: {  	s9 =	sadd.s32 $0xFFFFFEF7, lr;
	s5 =	simm.s32 $0xFFFFFFFF;
	p2 =	slt.u32 s8, $0xFFFFF086  }
0x1c: {  	p1 =	slt.u32 s9, $0xF7A;
	s5 =	simm.s32 @!p2 $0x0  }
0x1d: {  	s5 =	simm.s32 @p1 $0x1;
	p0 =	seq.s32 s7, s2  }
0x1e: {  	s7 =	smul.u32 @!p0 $0xF7A, s2;
	p2 =	seq.s32 @!p0 s5, $0x0  }
0x1f: {  	s9 =	smul.u32 $0xF7A, s1;
	s8 =	simm.s32 @!p0 $0x1BF5;
	p2 =	por !p2, p0  }
0x20: {  	[sflag:s8] =	ssyncset.s32 @!p0 $0xFFFFF086;
	s6 =	sadd.s32 @!p0 s3, s7;
	s7 =	simm.s32 @!p0 $0x108  }
0x21: {  	s3 =	sadd.s32 s3, s9;
	s6 =	sadd.s32 @!p0 $0x88, s6;
	s7 =	simm.s32 @p2 $0x1082  }
0x22: {  	[simem:s7], [sflag:s8] =	dma.local @!p0 [hbm:s6], $0xF7A  }
0x23: {  	s9 =	sor.u32 $0xD0000000, s2;
	s6 =	simm.s32 $0x108;
	_ =	swait.ge @!p0 [sflag:s8], $0x0  }
0x24: {  	s3 =	sadd.s32 $0x88, s3;
	s6 =	simm.s32 @!p1 $0x1082;
	[sflag:s4] =	ssyncset.s32 $0xFFFFF086  }
0x25: {  	[simem:s6], [sflag:s4] =	dma.local [hbm:s3], $0xF7A  }
0x26: {  	[smem:$0x3F95] =	sst s1;
	(tag) =	ssettag s2;
	_ =	strace s9  }
0x27: {  	s1 =	sld [smem:$0x3FA5]  }
0x28: {  	s2 =	sld [smem:$0x3FA6]  }
0x29: {  	s4 =	sld [smem:$0x3FA8]  }
0x2a: {  	p0 =	seq.s32 s5, $0x0;
	s5 =	sld [smem:$0x3FA9]  }
0x2b: {  	s6 =	sld [smem:$0x3FAA]  }
0x2c: {  	s7 =	sld [smem:$0x3FAB]  }
0x2d: {  	s3 =	simm.s32 $0x108;
	s8 =	sld [smem:$0x3FAC]  }
0x2e: {  	s3 =	simm.s32 @!p0 $0x1082;
	s9 =	sld [smem:$0x3FAD]  }
0x2f: {  	lr =	sadd.s32 s0, s3;
	s0 =	sld [smem:$0x3FA4]  }
0x30: {  	s3 =	sld [smem:$0x3FA7]  }
0x31: {  	[smem:$0x3FB0] =	sst s10  }
0x32: {  	s10 =	sld [smem:$0x3FAE];
	_ =	sdelay $0x3  }
0x33: {  	p0 =	seq.s32 s10, $0x1;
	s10 =	sld [smem:$0x3FB0];
	_ =	sdelay $0x3  }
0x34: {  	[smem:$0x3FB0] =	sst s10  }
0x35: {  	s10 =	sld [smem:$0x3FAF];
	_ =	sdelay $0x3  }
0x36: {  	p1 =	seq.s32 s10, $0x1;
	s10 =	sld [smem:$0x3FB0];
	_ =	sdelay $0x3  }
0x37: {  	[smem:$0x3FB0] =	sst s10  }
0x38: {  	s10 =	sld [smem:$0x3FB1]  }
0x39: {  	_ = 	snop;
	(pc) =	sbr.ind lr, $3  }
0x3a: {  	_ = 	snop  }
0x3b: {  	_ = 	snop  }
0x3c: {  	p2 =	seq.s32 s10, $0x1;
	s10 =	sld [smem:$0x3FB0]  }
0x3d: {  	_ =	shalt  }
0x3e: {  	_ =	shalt  }
0x3f: {  	_ =	shalt  }
0x40: {  	_ =	shalt  }
0x41: {  	_ =	shalt  }
0x42: {  	_ =	shalt  }
0x43: {  	_ =	shalt  }
0x44: {  	_ =	shalt  }
0x45: {  	_ =	shalt  }
0x46: {  	_ =	shalt  }
0x47: {  	_ =	shalt  }
0x48: {  	_ =	shalt  }
0x49: {  	_ =	shalt  }
0x4a: {  	_ =	shalt  }
0x4b: {  	_ =	shalt  }
0x4c: {  	_ =	shalt  }
0x4d: {  	_ =	shalt  }
0x4e: {  	_ =	shalt  }
0x4f: {  	_ =	shalt  }
0x50: {  	_ =	shalt  }
0x51: {  	_ =	shalt  }
0x52: {  	_ =	shalt  }
0x53: {  	_ =	shalt  }
0x54: {  	_ =	shalt  }
0x55: {  	_ =	shalt  }
0x56: {  	_ =	shalt  }
0x57: {  	_ =	shalt  }
0x58: {  	_ =	shalt  }
0x59: {  	_ =	shalt  }
0x5a: {  	_ =	shalt  }
0x5b: {  	_ =	shalt  }
0x5c: {  	_ =	shalt  }
0x5d: {  	_ =	shalt  }
0x5e: {  	_ =	shalt  }
0x5f: {  	_ =	shalt  }
0x60: {  	_ =	shalt  }
0x61: {  	_ =	shalt  }
0x62: {  	_ =	shalt  }
0x63: {  	_ =	shalt  }
0x64: {  	_ =	shalt  }
0x65: {  	_ =	shalt  }
0x66: {  	_ =	shalt  }
0x67: {  	_ =	shalt  }
0x68: {  	_ =	shalt  }
0x69: {  	_ =	shalt  }
0x6a: {  	_ =	shalt  }
0x6b: {  	_ =	shalt  }
0x6c: {  	_ =	shalt  }
0x6d: {  	_ =	shalt  }
0x6e: {  	_ =	shalt  }
0x6f: {  	_ =	shalt  }
0x70: {  	_ =	shalt  }
0x71: {  	_ =	shalt  }
0x72: {  	_ =	shalt  }
0x73: {  	_ =	shalt  }
0x74: {  	_ =	shalt  }
0x75: {  	_ =	shalt  }
0x76: {  	_ =	shalt  }
0x77: {  	_ =	shalt  }
0x78: {  	_ =	shalt  }
0x79: {  	_ =	shalt  }
0x7a: {  	_ =	shalt  }
0x7b: {  	_ =	shalt  }
0x7c: {  	_ =	shalt  }
0x7d: {  	_ =	shalt  }
0x7e: {  	_ =	shalt  }
0x7f: {  	_ =	shalt  }
0x80: {  	_ =	shalt  }
0x81: {  	_ =	shalt  }
0x82: {  	_ =	shalt  }
0x83: {  	_ =	shalt  }
0x84: {  	_ =	shalt  }
0x85: {  	_ =	shalt  }
0x86: {  	_ =	shalt  }
0x87: {  	_ =	shalt  }
.Lfunc_end0:
.L_simem_size_0:
called_computation.1_lowered:
.L_overlay_start_0:
0x88: {  	s2 =	sld [smem:$0x3FD9]  }
0x89: {  	s3 =	sld [smem:$0x3FFE];
	_ =	sdelay $0x1  }
0x8a: {  	s1 =	srdreg.scid  }
0x8b: {  	s0 =	sand.u32 $0x1, s1  }
0x8c: {  	s16 =	sshll.u32 s0, $0xA;
	s2 =	sadd.s32 s3, s2  }
0x8d: {  	s2 =	sadd.s32 s2, s16  }
0x8e: {  	[smem:$0x3FBC] =	sst s2  }
0x8f: {  	_ = 	snop  }
0x90: {  	(tm) =	ssettm $0x1  }
0x91: {  	s17 =	sld [smem:$0x3FFB];
	_ =	sdelay $0x3  }
0x92: {  	_ =	strace s17  }
0x93: {  	s2 =	sld [smem:$0x3FFC];
	_ =	sdelay $0x3  }
0x94: {  	_ =	strace s2  }
0x95: {  	s2 =	sld [smem:$0x3FFD];
	_ =	sdelay $0x3  }
0x96: {  	_ =	strace s2  }
0x97: {  	_ =	strace $0x8FFFFFFF  }
0x98: {  	s18 =	sld [smem:$0x3FDB];
	_ =	sdelay $0x1  }
0x99: {  	s19 =	simm.s32 $_scs_section_size  }
0x9a: {  	s4 =	simm.s32 $_size__tile_overlayer_lowered;
	s5 =	simm.s32 $_tile_overlayer_lowered  }
0x9b: {  	s22 =	simm.s32 $0x1BFF;
	s21 =	sshll.u32 s5, $0x1;
	s2 =	sadd.s32 s19, s18  }
0x9c: {  	s6 =	simm.s32 $0x0;
	s20 =	sshll.u32 s4, $0x1;
	s4 =	sadd.s32 s21, s2  }
0x9d: {  	[timem:s6], [sflag:s22] =	dma.local [hbm:s4], s20  }
0x9e: {  	_ =	swait.ge [sflag:s22], s20  }
0x9f: {  	s3 =	ssub.s32 $0x0, s20;
	[sflag:s22] =	ssyncset.done $0x0  }
0xa0: {  	[sflag:s22] =	ssyncadd.s32 s3;
	_ =	sdelay $0x1  }
0xa1: {  	s23 =	simm.s32 $0x1B8B  }
0xa2: {  	_ =	swait.ge [sflag:s23], $0x1  }
0xa3: {  	[sflag:s23] =	ssyncset.done $0x0  }
0xa4: {  	s25 =	simm.s32 $0x1B8E;
	s24 =	sld [smem:$0x3FFE];
	[sflag:s23] =	ssyncadd.s32 $0xFFFFFFFF  }
0xa5: {  	s26 =	simm.s32 $execute0_lowered;
	[smem:$0x3FD2] =	sst s25  }
0xa6: {  	s4 =	sshll.u32 s26, $0x1;
	_ =	strace $0x80000049;
	[dreg:$0x1] =	wrdreg $0xFFFFFFFF  }
0xa7: {  	s28 =	simm.s32 $_size_execute0_lowered;
	s2 =	sadd.s32 s2, s4;
	[dreg:$0x0] =	wrdreg $0x0  }
0xa8: {  	s4 =	sshll.u32 s28, $0x1;
	[dreg:$0x2] =	wrdreg s2  }
0xa9: {  	[dreg:$0x3] =	wrdreg s4  }
0xaa: {  	[dreg:$0x4] =	wrdreg $0xC0  }
0xab: {  	_ =	task [dreg:s6], $0x5FFFF  }
0xac: {  	[dreg:$0x1] =	wrdreg $0xFFFFFFFF  }
0xad: {  	[dreg:$0x0] =	wrdreg $0x60  }
0xae: {  	[dreg:$0x2] =	wrdreg s24  }
0xaf: {  	[dreg:$0x3] =	wrdreg $0xF8000  }
0xb0: {  	[dreg:$0x4] =	wrdreg $0x9  }
0xb1: {  	_ =	task.clear_ibuf [dreg:s6], $0x5FFFF;
	_ =	strace $0x90000049  }
0xb2: {  	s29 =	simm.s32 $0x9;
	_ =	strace $0x8000004B  }
0xb3: {  	_ =	swait.ge [sflag:s29], $0x1  }
0xb4: {  	[sflag:s29] =	ssyncadd.s32 $0xFFFFFFFF  }
0xb5: {  	_ =	strace $0x9000004B  }
0xb6: {  	_ =	sfence  }
0xb7: {  	s30 =	sld [smem:$0x0];
	_ =	sdelay $0x2  }
0xb8: {  	s31 =	sshll.u32 s1, $0xD;
	s1 =	sshrl.u32 s1, $0x2  }
0xb9: {  	s3 =	sand.u32 $0x4000, s31;
	s1 =	sadd.s32 s1, s30  }
0xba: {  	s0 =	sor.u32 s3, s0;
	s1 =	sshll.u32 s1, $0x11  }
0xbb: {  	s0 =	sor.u32 s1, s0  }
0xbc: {  	s0 =	sadd.s32 $0x8F2B, s0  }
0xbd: {  	[sflag:s0] =	ssyncadd.remote.s32 $0x1  }
0xbe: {  	_ =	sfence.sel $0xFFFF  }
0xbf: {  	[dreg:$0x0] =	wrdreg $0xFFFFFFFF;
	(pc) =	sbr.abs _section_cstart, $3  }
0xc0: {  	[dreg:$0x1] =	wrdreg $0xFFFFFFFF  }
0xc1: {  	_ =	task.clear_ibuf [dreg:s6], $0x2FFFF;
	_ =	strace $0x9FFFFFFF  }
0xc2: {  	(tm) =	ssettm $0x7FFFFFFF  }
0xc3: {  	_ =	shalt  }
tec
execute0_lowered:
.L_overlay_start_1:
0x0: {  	(tag) =	ssettag $0x1  }
0x1: {  	s0 =	srdreg.scid;
	s1 =	rddreg [dreg:$0x0]  }
0x2: {  	s2 =	rddreg [dreg:$0x1];
	s8 =	stileid.u32  }
0x3: {  	s3 =	simm.s32 $0x0;
	s21 =	simm.s32 $0xD800;
	s22 =	simm.s32 $0x4  }
0x4: {  	s23 =	simm.s32 $0x1;
	s24 =	simm.s32 $0x80;
	s28 =	simm.s32 $0x3  }
0x5: {  	s29 =	simm.s32 $0x0;
	s0 =	sand.u32 $0x1, s0;
	[smem:$0x7FF] =	sst s3  }
0x6: {  	s12 =	smul.u32 $0xA000, s8;
	s4 =	sshll.u32 s0, $0x4;
	_ =	strace $0x8000004A  }
0x7: {  	s6 =	ssub.s32 $0x2, s0;
	s0 =	smul.u32 $0xA0000, s0;
	s4 =	sor.u32 s8, s4  }
0x8: {  	s7 =	sshrl.u32 s6, $0x1;
	s8 =	sadd.s32 s12, s2;
	s26 =	sadd.s32 $0x2000, s12  }
0x9: {  	s15 =	sadd.s32 $0x4000, s12;
	s16 =	sadd.s32 $0x6000, s12;
	s17 =	sadd.s32 $0x8000, s12  }
0xa: {  	s5 =	smul.u32 $0x500, s4;
	s4 =	sadd.s32 $0x35000, s1;
	s18 =	ssub.s32 s6, s7  }
0xb: {  	s9 =	sadd.s32 s26, s2;
	s10 =	sadd.s32 s15, s2;
	s11 =	sadd.s32 s16, s2  }
0xc: {  	s13 =	sadd.s32 s12, s0;
	s12 =	sadd.s32 s17, s2;
	s31 =	sadd.s32 s0, s16  }
0xd: {  	s30 =	sadd.s32 s0, s15;
	s13 =	sshrl.u32 s13, $0x3;
	s16 =	sshrl.u32 s31, $0x3  }
0xe: {  	s18 =	smax.u32 s18, $0x1;
	s5 =	sadd.s32 s5, s1;
	s1 =	sadd.s32 $0x49000, s1  }
0xf: {  	s25 =	sadd.s32 $0x2B000, s5;
	s6 =	sadd.s32 $0xC600, s5;
	s7 =	sadd.s32 $0x20600, s5  }
0x10: {  	s5 =	sadd.s32 s0, s26;
	s13 =	sadd.s32 s1, s13;
	s0 =	sadd.s32 s0, s17  }
0x11: {  	s16 =	sadd.s32 s1, s16;
	s26 =	simm.s32 $0x2;
	s5 =	sshrl.u32 s5, $0x3  }
0x12: {  	s0 =	sshrl.u32 s0, $0x3;
	s14 =	sadd.s32 s1, s5;
	s5 =	sshrl.u32 s30, $0x3  }
0x13: {  	v0 =	vimm.f32 $0.0e+00;
	[dreg:$0x3] =	wrdreg s25;
	s17 =	sadd.s32 s1, s0;
	s15 =	sadd.s32 s1, s5  }
.LBB2_1:
0x14: {  	s0 =	rddreg [dreg:$0x3]  }
0x15: {  	[tilespmem:s3], [sflag:$0x1] =	stream.linear.gather [hbm4b:s0+s3], $0x2800, $0x38;
	[tilespmem:$0x19800] =	vst v63  }
0x16: {  	s30 =	simm.s32 $0x2800  }
0x17: {  	[tilespmem:s30], [sflag:$0x1] =	stream.linear.gather [hbm4b:s6+s3], $0x2800, $0x38;
	[tilespmem:$0x19800] =	vst v63  }
0x18: {  	s31 =	simm.s32 $0x5000;
	s1 =	simm.s32 $0x100;
	s0 =	simm.s32 $0x0  }
0x19: {  	[tilespmem:s31], [sflag:$0x1] =	stream.linear.gather [hbm4b:s7+s3], $0x2800, $0x38;
	[tilespmem:$0x19800] =	vst v63  }
.LBB2_2:
0x1a: {  	p0 =	sne.s32 s1, $0x7F00;
	[tilespmem:s0+$0xD830] =	vst v0;
	s5 =	smov.u32 s1;
	s1 =	sadd.s32 $0x100, s1  }
.Ltmp0:
0x1b: {  	[tilespmem:s0+$0xD820] =	vst v0;
	(pc) =	sbr.rel @p0 .LBB2_2-.Ltmp0, $3  }
0x1c: {  	[tilespmem:s0+$0xD800] =	vst v0  }
0x1d: {  	[tilespmem:s0+$0xD810] =	vst v0;
	_ =	sdelay $0x1  }
0x1e: {  	s0 =	sshra.s32 s5, $0x2  }
0x1f: {  	[tilespmem:s0+$0xD830] =	vst v0  }
0x20: {  	[tilespmem:s0+$0xD820] =	vst v0  }
0x21: {  	[tilespmem:s0+$0xD800] =	vst v0  }
0x22: {  	[tilespmem:s0+$0xD810] =	vst v0  }
0x23: {  	[spmem:s8] =	stream.linear.scatter [tilespmem:s21], [sflag:$0x4], $0x2000, $0x38;
	[tilespmem:$0x19800] =	vst v63  }
0x24: {  	_ =	swait.ge [sflag:s22], $0x2000  }
0x25: {  	[sflag:s22] =	ssyncset.done $0x0  }
0x26: {  	[sflag:s22] =	ssyncadd.s32 $0xFFFFE000  }
0x27: {  	[spmem:s9] =	stream.linear.scatter [tilespmem:s21], [sflag:$0x4], $0x2000, $0x38;
	[tilespmem:$0x19800] =	vst v63  }
0x28: {  	_ =	swait.ge [sflag:s22], $0x2000  }
0x29: {  	[sflag:s22] =	ssyncset.done $0x0  }
0x2a: {  	[sflag:s22] =	ssyncadd.s32 $0xFFFFE000  }
0x2b: {  	[spmem:s10] =	stream.linear.scatter [tilespmem:s21], [sflag:$0x4], $0x2000, $0x38;
	[tilespmem:$0x19800] =	vst v63  }
0x2c: {  	_ =	swait.ge [sflag:s22], $0x2000  }
0x2d: {  	[sflag:s22] =	ssyncset.done $0x0  }
0x2e: {  	[sflag:s22] =	ssyncadd.s32 $0xFFFFE000  }
0x2f: {  	[spmem:s11] =	stream.linear.scatter [tilespmem:s21], [sflag:$0x4], $0x2000, $0x38;
	[tilespmem:$0x19800] =	vst v63  }
0x30: {  	_ =	swait.ge [sflag:s22], $0x2000  }
0x31: {  	[sflag:s22] =	ssyncset.done $0x0  }
0x32: {  	[sflag:s22] =	ssyncadd.s32 $0xFFFFE000  }
0x33: {  	[spmem:s12] =	stream.linear.scatter [tilespmem:s21], [sflag:$0x4], $0x2000, $0x38;
	[tilespmem:$0x19800] =	vst v63  }
0x34: {  	_ =	swait.ge [sflag:s22], $0x2000  }
0x35: {  	[sflag:s22] =	ssyncset.done $0x0  }
0x36: {  	[sflag:s22] =	ssyncadd.s32 $0xFFFFE000  }
0x37: {  	_ =	swait.ge [sflag:s23], $0x2800  }
0x38: {  	[sflag:s23] =	ssyncset.done $0x0  }
0x39: {  	[sflag:s23] =	ssyncadd.s32 $0xFFFFD800  }
0x3a: {  	_ =	swait.ge [sflag:s23], $0x2800  }
0x3b: {  	[sflag:s23] =	ssyncset.done $0x0  }
0x3c: {  	[sflag:s23] =	ssyncadd.s32 $0xFFFFD800  }
0x3d: {  	_ =	swait.ge [sflag:s23], $0x2800  }
0x3e: {  	[sflag:s23] =	ssyncset.done $0x0  }
0x3f: {  	[sflag:s23] =	ssyncadd.s32 $0xFFFFD800  }
0x40: {  	s30 =	simm.s32 $0x0;
	s31 =	simm.s32 $0x7800;
	[bflag:$0x0] =	sbarrier.arrive $0xFFFF  }
0x41: {  	[tilespmem:s31], [sflag:$0x2] =	stream.indirect.gather [hbm4b:s4+s24], $0x40, s30, s24, $0xb8;
	[tilespmem:$0x19800] =	vst v63  }
0x42: {  	s25 =	simm.s32 $0x9800;
	s20 =	simm.s32 $0x5000  }
0x43: {  	[tilespmem:s25], [sflag:$0x2] =	stream.indirect.gather [hbm4b:s4+s24], $0x40, s24, s24, $0xb8;
	[tilespmem:$0x19800] =	vst v63  }
.LBB2_4:
0x44: {  	s0 =	smul.u32 $0xAB, s30  }
0x45: {  	s1 =	smulhi.u32 $0xAAAAAAAB, s30;
	_ =	sdelay $0x1  }
0x46: {  	s0 =	sshrl.u32 s0, $0x9;
	s1 =	sshrl.u32 s1, $0x1  }
0x47: {  	s0 =	sand.u32 $0x7F, s0;
	s1 =	smul.u32 $0xFFFE8000, s1  }
0x48: {  	s0 =	smul.u32 $0x3, s0  }
0x49: {  	s1 =	sshra.s32 s1, $0x2  }
0x4a: {  	s0 =	ssub.s32 s30, s0;
	s5 =	sadd.s32 s1, s31  }
0x4b: {  	_ =	swait.ge [sflag:s26], $0x2000;
	s19 =	sshll.u32 s30, $0x9;
	s0 =	sand.u32 $0xFF, s0;
	v1 =	vmov s5  }
0x4c: {  	s25 =	simm.s32 $0x0;
	[sflag:s26] =	ssyncset.done $0x0;
	s0 =	sshll.u32 s0, $0xD  }
0x4d: {  	[sflag:s26] =	ssyncadd.s32 $0xFFFFE000;
	s1 =	sadd.s32 $0x7800, s0;
	s0 =	smov.u32 s20  }
.LBB2_5:
0x4e: {  	v2 =	vld [tilespmem:s0+$0x0]  }
0x4f: {  	s5 =	sshra.s32 s25, $0x2  }
0x50: {  	v3 =	vld.idx.msk [tilespmem:v1+s5+$0x0 ss:$0x1], $0xffff;
	_ =	sdelay $0x2  }
0x51: {  	v4 =	vbroadcast v2, $0x0;
	_ =	sdelay $0x1  }
0x52: {  	v3 =	vmul.f32 v4, v3;
	_ =	sdelay $0x1  }
0x53: {  	[tilespmem:v1+s5+$0x0 ss:$0x1] =	vst.idx.msk $0xffff, v3  }
0x54: {  	v3 =	vld.idx.msk [tilespmem:v1+s5+$0x10 ss:$0x1], $0xffff;
	_ =	sdelay $0x4  }
0x55: {  	v3 =	vmul.f32 v3, v4;
	_ =	sdelay $0x1  }
0x56: {  	[tilespmem:v1+s5+$0x10 ss:$0x1] =	vst.idx.msk $0xffff, v3  }
0x57: {  	v3 =	vld.idx.msk [tilespmem:v1+s5+$0x20 ss:$0x1], $0xffff;
	_ =	sdelay $0x4  }
0x58: {  	v3 =	vmul.f32 v3, v4;
	_ =	sdelay $0x1  }
0x59: {  	[tilespmem:v1+s5+$0x20 ss:$0x1] =	vst.idx.msk $0xffff, v3  }
0x5a: {  	v3 =	vld.idx.msk [tilespmem:v1+s5+$0x30 ss:$0x1], $0xffff;
	_ =	sdelay $0x4  }
0x5b: {  	v3 =	vmul.f32 v3, v4;
	_ =	sdelay $0x1  }
0x5c: {  	[tilespmem:v1+s5+$0x30 ss:$0x1] =	vst.idx.msk $0xffff, v3  }
0x5d: {  	v3 =	vld.idx.msk [tilespmem:v1+s5+$0x40 ss:$0x1], $0xffff;
	_ =	sdelay $0x2  }
0x5e: {  	v50 =	vbroadcast v2, $0x1;
	_ =	sdelay $0x1  }
0x5f: {  	v3 =	vmul.f32 v3, v50;
	_ =	sdelay $0x1  }
0x60: {  	[tilespmem:v1+s5+$0x40 ss:$0x1] =	vst.idx.msk $0xffff, v3  }
0x61: {  	v3 =	vld.idx.msk [tilespmem:v1+s5+$0x50 ss:$0x1], $0xffff;
	_ =	sdelay $0x4  }
0x62: {  	v3 =	vmul.f32 v3, v50;
	_ =	sdelay $0x1  }
0x63: {  	[tilespmem:v1+s5+$0x50 ss:$0x1] =	vst.idx.msk $0xffff, v3  }
0x64: {  	v3 =	vld.idx.msk [tilespmem:v1+s5+$0x60 ss:$0x1], $0xffff;
	_ =	sdelay $0x4  }
0x65: {  	v3 =	vmul.f32 v3, v50;
	_ =	sdelay $0x1  }
0x66: {  	[tilespmem:v1+s5+$0x60 ss:$0x1] =	vst.idx.msk $0xffff, v3  }
0x67: {  	v3 =	vld.idx.msk [tilespmem:v1+s5+$0x70 ss:$0x1], $0xffff;
	_ =	sdelay $0x4  }
0x68: {  	v3 =	vmul.f32 v3, v50;
	_ =	sdelay $0x1  }
0x69: {  	[tilespmem:v1+s5+$0x70 ss:$0x1] =	vst.idx.msk $0xffff, v3  }
0x6a: {  	v3 =	vld.idx.msk [tilespmem:v1+s5+$0x80 ss:$0x1], $0xffff;
	_ =	sdelay $0x2  }
0x6b: {  	v51 =	vbroadcast v2, $0x2;
	_ =	sdelay $0x1  }
0x6c: {  	v3 =	vmul.f32 v3, v51;
	_ =	sdelay $0x1  }
0x6d: {  	[tilespmem:v1+s5+$0x80 ss:$0x1] =	vst.idx.msk $0xffff, v3  }
0x6e: {  	v3 =	vld.idx.msk [tilespmem:v1+s5+$0x90 ss:$0x1], $0xffff;
	_ =	sdelay $0x4  }
0x6f: {  	v3 =	vmul.f32 v3, v51;
	_ =	sdelay $0x1  }
0x70: {  	[tilespmem:v1+s5+$0x90 ss:$0x1] =	vst.idx.msk $0xffff, v3  }
0x71: {  	v3 =	vld.idx.msk [tilespmem:v1+s5+$0xA0 ss:$0x1], $0xffff;
	_ =	sdelay $0x4  }
0x72: {  	v3 =	vmul.f32 v3, v51;
	_ =	sdelay $0x1  }
0x73: {  	[tilespmem:v1+s5+$0xA0 ss:$0x1] =	vst.idx.msk $0xffff, v3  }
0x74: {  	v3 =	vld.idx.msk [tilespmem:v1+s5+$0xB0 ss:$0x1], $0xffff;
	_ =	sdelay $0x4  }
0x75: {  	v3 =	vmul.f32 v3, v51;
	_ =	sdelay $0x1  }
0x76: {  	[tilespmem:v1+s5+$0xB0 ss:$0x1] =	vst.idx.msk $0xffff, v3  }
0x77: {  	v3 =	vld.idx.msk [tilespmem:v1+s5+$0xC0 ss:$0x1], $0xffff;
	_ =	sdelay $0x2  }
0x78: {  	v52 =	vbroadcast v2, $0x3;
	_ =	sdelay $0x1  }
0x79: {  	v3 =	vmul.f32 v3, v52;
	_ =	sdelay $0x1  }
0x7a: {  	[tilespmem:v1+s5+$0xC0 ss:$0x1] =	vst.idx.msk $0xffff, v3  }
0x7b: {  	v3 =	vld.idx.msk [tilespmem:v1+s5+$0xD0 ss:$0x1], $0xffff;
	_ =	sdelay $0x4  }
0x7c: {  	v3 =	vmul.f32 v3, v52;
	_ =	sdelay $0x1  }
0x7d: {  	[tilespmem:v1+s5+$0xD0 ss:$0x1] =	vst.idx.msk $0xffff, v3  }
0x7e: {  	v3 =	vld.idx.msk [tilespmem:v1+s5+$0xE0 ss:$0x1], $0xffff;
	_ =	sdelay $0x4  }
0x7f: {  	v3 =	vmul.f32 v3, v52;
	_ =	sdelay $0x1  }
0x80: {  	[tilespmem:v1+s5+$0xE0 ss:$0x1] =	vst.idx.msk $0xffff, v3  }
0x81: {  	v3 =	vld.idx.msk [tilespmem:v1+s5+$0xF0 ss:$0x1], $0xffff;
	_ =	sdelay $0x4  }
0x82: {  	v3 =	vmul.f32 v3, v52;
	_ =	sdelay $0x1  }
0x83: {  	[tilespmem:v1+s5+$0xF0 ss:$0x1] =	vst.idx.msk $0xffff, v3  }
0x84: {  	v3 =	vld.idx.msk [tilespmem:v1+s5+$0x100 ss:$0x1], $0xffff;
	_ =	sdelay $0x2  }
0x85: {  	v53 =	vbroadcast v2, $0x4;
	_ =	sdelay $0x1  }
0x86: {  	v3 =	vmul.f32 v3, v53;
	_ =	sdelay $0x1  }
0x87: {  	[tilespmem:v1+s5+$0x100 ss:$0x1] =	vst.idx.msk $0xffff, v3  }
0x88: {  	v3 =	vld.idx.msk [tilespmem:v1+s5+$0x110 ss:$0x1], $0xffff;
	_ =	sdelay $0x4  }
0x89: {  	v3 =	vmul.f32 v3, v53;
	_ =	sdelay $0x1  }
0x8a: {  	[tilespmem:v1+s5+$0x110 ss:$0x1] =	vst.idx.msk $0xffff, v3  }
0x8b: {  	v3 =	vld.idx.msk [tilespmem:v1+s5+$0x120 ss:$0x1], $0xffff;
	_ =	sdelay $0x4  }
0x8c: {  	v3 =	vmul.f32 v3, v53;
	_ =	sdelay $0x1  }
0x8d: {  	[tilespmem:v1+s5+$0x120 ss:$0x1] =	vst.idx.msk $0xffff, v3  }
0x8e: {  	v3 =	vld.idx.msk [tilespmem:v1+s5+$0x130 ss:$0x1], $0xffff;
	_ =	sdelay $0x4  }
0x8f: {  	v3 =	vmul.f32 v3, v53;
	_ =	sdelay $0x1  }
0x90: {  	[tilespmem:v1+s5+$0x130 ss:$0x1] =	vst.idx.msk $0xffff, v3  }
0x91: {  	v3 =	vld.idx.msk [tilespmem:v1+s5+$0x140 ss:$0x1], $0xffff;
	_ =	sdelay $0x2  }
0x92: {  	v54 =	vbroadcast v2, $0x5;
	_ =	sdelay $0x1  }
0x93: {  	v3 =	vmul.f32 v3, v54;
	_ =	sdelay $0x1  }
0x94: {  	[tilespmem:v1+s5+$0x140 ss:$0x1] =	vst.idx.msk $0xffff, v3  }
0x95: {  	v3 =	vld.idx.msk [tilespmem:v1+s5+$0x150 ss:$0x1], $0xffff;
	_ =	sdelay $0x4  }
0x96: {  	v3 =	vmul.f32 v3, v54;
	_ =	sdelay $0x1  }
0x97: {  	[tilespmem:v1+s5+$0x150 ss:$0x1] =	vst.idx.msk $0xffff, v3  }
0x98: {  	v3 =	vld.idx.msk [tilespmem:v1+s5+$0x160 ss:$0x1], $0xffff;
	_ =	sdelay $0x4  }
0x99: {  	v3 =	vmul.f32 v3, v54;
	_ =	sdelay $0x1  }
0x9a: {  	[tilespmem:v1+s5+$0x160 ss:$0x1] =	vst.idx.msk $0xffff, v3  }
0x9b: {  	v3 =	vld.idx.msk [tilespmem:v1+s5+$0x170 ss:$0x1], $0xffff;
	_ =	sdelay $0x4  }
0x9c: {  	v3 =	vmul.f32 v3, v54;
	_ =	sdelay $0x1  }
0x9d: {  	[tilespmem:v1+s5+$0x170 ss:$0x1] =	vst.idx.msk $0xffff, v3  }
0x9e: {  	v3 =	vld.idx.msk [tilespmem:v1+s5+$0x180 ss:$0x1], $0xffff;
	_ =	sdelay $0x2  }
0x9f: {  	v55 =	vbroadcast v2, $0x6;
	_ =	sdelay $0x1  }
0xa0: {  	v3 =	vmul.f32 v3, v55;
	_ =	sdelay $0x1  }
0xa1: {  	[tilespmem:v1+s5+$0x180 ss:$0x1] =	vst.idx.msk $0xffff, v3  }
0xa2: {  	v3 =	vld.idx.msk [tilespmem:v1+s5+$0x190 ss:$0x1], $0xffff;
	_ =	sdelay $0x4  }
0xa3: {  	v3 =	vmul.f32 v3, v55;
	_ =	sdelay $0x1  }
0xa4: {  	[tilespmem:v1+s5+$0x190 ss:$0x1] =	vst.idx.msk $0xffff, v3  }
0xa5: {  	v3 =	vld.idx.msk [tilespmem:v1+s5+$0x1A0 ss:$0x1], $0xffff;
	_ =	sdelay $0x4  }
0xa6: {  	v3 =	vmul.f32 v3, v55;
	_ =	sdelay $0x1  }
0xa7: {  	[tilespmem:v1+s5+$0x1A0 ss:$0x1] =	vst.idx.msk $0xffff, v3  }
0xa8: {  	v3 =	vld.idx.msk [tilespmem:v1+s5+$0x1B0 ss:$0x1], $0xffff;
	_ =	sdelay $0x4  }
0xa9: {  	v3 =	vmul.f32 v3, v55;
	_ =	sdelay $0x1  }
0xaa: {  	[tilespmem:v1+s5+$0x1B0 ss:$0x1] =	vst.idx.msk $0xffff, v3  }
0xab: {  	v3 =	vld.idx.msk [tilespmem:v1+s5+$0x1C0 ss:$0x1], $0xffff;
	_ =	sdelay $0x2  }
0xac: {  	v56 =	vbroadcast v2, $0x7;
	_ =	sdelay $0x1  }
0xad: {  	v3 =	vmul.f32 v3, v56;
	_ =	sdelay $0x1  }
0xae: {  	[tilespmem:v1+s5+$0x1C0 ss:$0x1] =	vst.idx.msk $0xffff, v3  }
0xaf: {  	v3 =	vld.idx.msk [tilespmem:v1+s5+$0x1D0 ss:$0x1], $0xffff;
	_ =	sdelay $0x4  }
0xb0: {  	v3 =	vmul.f32 v3, v56;
	_ =	sdelay $0x1  }
0xb1: {  	[tilespmem:v1+s5+$0x1D0 ss:$0x1] =	vst.idx.msk $0xffff, v3  }
0xb2: {  	v3 =	vld.idx.msk [tilespmem:v1+s5+$0x1E0 ss:$0x1], $0xffff;
	_ =	sdelay $0x4  }
0xb3: {  	v3 =	vmul.f32 v3, v56;
	_ =	sdelay $0x1  }
0xb4: {  	[tilespmem:v1+s5+$0x1E0 ss:$0x1] =	vst.idx.msk $0xffff, v3  }
0xb5: {  	v3 =	vld.idx.msk [tilespmem:v1+s5+$0x1F0 ss:$0x1], $0xffff;
	_ =	sdelay $0x4  }
0xb6: {  	v3 =	vmul.f32 v3, v56;
	_ =	sdelay $0x1  }
0xb7: {  	[tilespmem:v1+s5+$0x1F0 ss:$0x1] =	vst.idx.msk $0xffff, v3  }
0xb8: {  	v3 =	vld.idx.msk [tilespmem:v1+s5+$0x200 ss:$0x1], $0xffff;
	_ =	sdelay $0x2  }
0xb9: {  	v57 =	vbroadcast v2, $0x8;
	_ =	sdelay $0x1  }
0xba: {  	v3 =	vmul.f32 v3, v57;
	_ =	sdelay $0x1  }
0xbb: {  	[tilespmem:v1+s5+$0x200 ss:$0x1] =	vst.idx.msk $0xffff, v3  }
0xbc: {  	v3 =	vld.idx.msk [tilespmem:v1+s5+$0x210 ss:$0x1], $0xffff;
	_ =	sdelay $0x4  }
0xbd: {  	v3 =	vmul.f32 v3, v57;
	_ =	sdelay $0x1  }
0xbe: {  	[tilespmem:v1+s5+$0x210 ss:$0x1] =	vst.idx.msk $0xffff, v3  }
0xbf: {  	v3 =	vld.idx.msk [tilespmem:v1+s5+$0x220 ss:$0x1], $0xffff;
	_ =	sdelay $0x4  }
0xc0: {  	v3 =	vmul.f32 v3, v57;
	_ =	sdelay $0x1  }
0xc1: {  	[tilespmem:v1+s5+$0x220 ss:$0x1] =	vst.idx.msk $0xffff, v3  }
0xc2: {  	v3 =	vld.idx.msk [tilespmem:v1+s5+$0x230 ss:$0x1], $0xffff;
	_ =	sdelay $0x4  }
0xc3: {  	v3 =	vmul.f32 v3, v57;
	_ =	sdelay $0x1  }
0xc4: {  	[tilespmem:v1+s5+$0x230 ss:$0x1] =	vst.idx.msk $0xffff, v3  }
0xc5: {  	v3 =	vld.idx.msk [tilespmem:v1+s5+$0x240 ss:$0x1], $0xffff;
	_ =	sdelay $0x2  }
0xc6: {  	v58 =	vbroadcast v2, $0x9;
	_ =	sdelay $0x1  }
0xc7: {  	v3 =	vmul.f32 v3, v58;
	_ =	sdelay $0x1  }
0xc8: {  	[tilespmem:v1+s5+$0x240 ss:$0x1] =	vst.idx.msk $0xffff, v3  }
0xc9: {  	v3 =	vld.idx.msk [tilespmem:v1+s5+$0x250 ss:$0x1], $0xffff;
	_ =	sdelay $0x4  }
0xca: {  	v3 =	vmul.f32 v3, v58;
	_ =	sdelay $0x1  }
0xcb: {  	[tilespmem:v1+s5+$0x250 ss:$0x1] =	vst.idx.msk $0xffff, v3  }
0xcc: {  	v3 =	vld.idx.msk [tilespmem:v1+s5+$0x260 ss:$0x1], $0xffff;
	_ =	sdelay $0x4  }
0xcd: {  	v3 =	vmul.f32 v3, v58;
	_ =	sdelay $0x1  }
0xce: {  	[tilespmem:v1+s5+$0x260 ss:$0x1] =	vst.idx.msk $0xffff, v3  }
0xcf: {  	v3 =	vld.idx.msk [tilespmem:v1+s5+$0x270 ss:$0x1], $0xffff;
	_ =	sdelay $0x4  }
0xd0: {  	v3 =	vmul.f32 v3, v58;
	_ =	sdelay $0x1  }
0xd1: {  	[tilespmem:v1+s5+$0x270 ss:$0x1] =	vst.idx.msk $0xffff, v3  }
0xd2: {  	v3 =	vld.idx.msk [tilespmem:v1+s5+$0x280 ss:$0x1], $0xffff;
	_ =	sdelay $0x2  }
0xd3: {  	v59 =	vbroadcast v2, $0xA;
	_ =	sdelay $0x1  }
0xd4: {  	v3 =	vmul.f32 v3, v59;
	_ =	sdelay $0x1  }
0xd5: {  	[tilespmem:v1+s5+$0x280 ss:$0x1] =	vst.idx.msk $0xffff, v3  }
0xd6: {  	v3 =	vld.idx.msk [tilespmem:v1+s5+$0x290 ss:$0x1], $0xffff;
	_ =	sdelay $0x4  }
0xd7: {  	v3 =	vmul.f32 v3, v59;
	_ =	sdelay $0x1  }
0xd8: {  	[tilespmem:v1+s5+$0x290 ss:$0x1] =	vst.idx.msk $0xffff, v3  }
0xd9: {  	v3 =	vld.idx.msk [tilespmem:v1+s5+$0x2A0 ss:$0x1], $0xffff;
	_ =	sdelay $0x4  }
0xda: {  	v3 =	vmul.f32 v3, v59;
	_ =	sdelay $0x1  }
0xdb: {  	[tilespmem:v1+s5+$0x2A0 ss:$0x1] =	vst.idx.msk $0xffff, v3  }
0xdc: {  	v3 =	vld.idx.msk [tilespmem:v1+s5+$0x2B0 ss:$0x1], $0xffff;
	_ =	sdelay $0x4  }
0xdd: {  	v3 =	vmul.f32 v3, v59;
	_ =	sdelay $0x1  }
0xde: {  	[tilespmem:v1+s5+$0x2B0 ss:$0x1] =	vst.idx.msk $0xffff, v3  }
0xdf: {  	v3 =	vld.idx.msk [tilespmem:v1+s5+$0x2C0 ss:$0x1], $0xffff;
	_ =	sdelay $0x2  }
0xe0: {  	v60 =	vbroadcast v2, $0xB;
	_ =	sdelay $0x1  }
0xe1: {  	v3 =	vmul.f32 v3, v60;
	_ =	sdelay $0x1  }
0xe2: {  	[tilespmem:v1+s5+$0x2C0 ss:$0x1] =	vst.idx.msk $0xffff, v3  }
0xe3: {  	v3 =	vld.idx.msk [tilespmem:v1+s5+$0x2D0 ss:$0x1], $0xffff;
	_ =	sdelay $0x4  }
0xe4: {  	v3 =	vmul.f32 v3, v60;
	_ =	sdelay $0x1  }
0xe5: {  	[tilespmem:v1+s5+$0x2D0 ss:$0x1] =	vst.idx.msk $0xffff, v3  }
0xe6: {  	v3 =	vld.idx.msk [tilespmem:v1+s5+$0x2E0 ss:$0x1], $0xffff;
	_ =	sdelay $0x4  }
0xe7: {  	v3 =	vmul.f32 v3, v60;
	_ =	sdelay $0x1  }
0xe8: {  	[tilespmem:v1+s5+$0x2E0 ss:$0x1] =	vst.idx.msk $0xffff, v3  }
0xe9: {  	v3 =	vld.idx.msk [tilespmem:v1+s5+$0x2F0 ss:$0x1], $0xffff;
	_ =	sdelay $0x4  }
0xea: {  	v3 =	vmul.f32 v3, v60;
	_ =	sdelay $0x1  }
0xeb: {  	[tilespmem:v1+s5+$0x2F0 ss:$0x1] =	vst.idx.msk $0xffff, v3  }
0xec: {  	v3 =	vld.idx.msk [tilespmem:v1+s5+$0x300 ss:$0x1], $0xffff;
	_ =	sdelay $0x2  }
0xed: {  	v61 =	vbroadcast v2, $0xC;
	_ =	sdelay $0x1  }
0xee: {  	v3 =	vmul.f32 v3, v61;
	_ =	sdelay $0x1  }
0xef: {  	[tilespmem:v1+s5+$0x300 ss:$0x1] =	vst.idx.msk $0xffff, v3  }
0xf0: {  	v3 =	vld.idx.msk [tilespmem:v1+s5+$0x310 ss:$0x1], $0xffff;
	_ =	sdelay $0x4  }
0xf1: {  	v3 =	vmul.f32 v3, v61;
	_ =	sdelay $0x1  }
0xf2: {  	[tilespmem:v1+s5+$0x310 ss:$0x1] =	vst.idx.msk $0xffff, v3  }
0xf3: {  	v3 =	vld.idx.msk [tilespmem:v1+s5+$0x320 ss:$0x1], $0xffff;
	_ =	sdelay $0x4  }
0xf4: {  	v3 =	vmul.f32 v3, v61;
	_ =	sdelay $0x1  }
0xf5: {  	[tilespmem:v1+s5+$0x320 ss:$0x1] =	vst.idx.msk $0xffff, v3  }
0xf6: {  	v3 =	vld.idx.msk [tilespmem:v1+s5+$0x330 ss:$0x1], $0xffff;
	_ =	sdelay $0x4  }
0xf7: {  	v3 =	vmul.f32 v3, v61;
	_ =	sdelay $0x1  }
0xf8: {  	[tilespmem:v1+s5+$0x330 ss:$0x1] =	vst.idx.msk $0xffff, v3  }
0xf9: {  	v3 =	vld.idx.msk [tilespmem:v1+s5+$0x340 ss:$0x1], $0xffff;
	_ =	sdelay $0x2  }
0xfa: {  	v62 =	vbroadcast v2, $0xD;
	_ =	sdelay $0x1  }
0xfb: {  	v3 =	vmul.f32 v3, v62;
	_ =	sdelay $0x1  }
0xfc: {  	[tilespmem:v1+s5+$0x340 ss:$0x1] =	vst.idx.msk $0xffff, v3  }
0xfd: {  	v3 =	vld.idx.msk [tilespmem:v1+s5+$0x350 ss:$0x1], $0xffff;
	_ =	sdelay $0x4  }
0xfe: {  	v3 =	vmul.f32 v3, v62;
	_ =	sdelay $0x1  }
0xff: {  	[tilespmem:v1+s5+$0x350 ss:$0x1] =	vst.idx.msk $0xffff, v3  }
0x100: {  	v3 =	vld.idx.msk [tilespmem:v1+s5+$0x360 ss:$0x1], $0xffff;
	_ =	sdelay $0x4  }
0x101: {  	v3 =	vmul.f32 v3, v62;
	_ =	sdelay $0x1  }
0x102: {  	[tilespmem:v1+s5+$0x360 ss:$0x1] =	vst.idx.msk $0xffff, v3  }
0x103: {  	v3 =	vld.idx.msk [tilespmem:v1+s5+$0x370 ss:$0x1], $0xffff;
	_ =	sdelay $0x4  }
0x104: {  	v3 =	vmul.f32 v3, v62;
	_ =	sdelay $0x1  }
0x105: {  	[tilespmem:v1+s5+$0x370 ss:$0x1] =	vst.idx.msk $0xffff, v3  }
0x106: {  	v3 =	vld.idx.msk [tilespmem:v1+s5+$0x380 ss:$0x1], $0xffff;
	_ =	sdelay $0x2  }
0x107: {  	v63 =	vbroadcast v2, $0xE;
	_ =	sdelay $0x1  }
0x108: {  	v3 =	vmul.f32 v3, v63;
	_ =	sdelay $0x1  }
0x109: {  	[tilespmem:v1+s5+$0x380 ss:$0x1] =	vst.idx.msk $0xffff, v3  }
0x10a: {  	v3 =	vld.idx.msk [tilespmem:v1+s5+$0x390 ss:$0x1], $0xffff;
	_ =	sdelay $0x4  }
0x10b: {  	v3 =	vmul.f32 v3, v63;
	_ =	sdelay $0x1  }
0x10c: {  	[tilespmem:v1+s5+$0x390 ss:$0x1] =	vst.idx.msk $0xffff, v3  }
0x10d: {  	v3 =	vld.idx.msk [tilespmem:v1+s5+$0x3A0 ss:$0x1], $0xffff;
	_ =	sdelay $0x4  }
0x10e: {  	v3 =	vmul.f32 v3, v63;
	_ =	sdelay $0x1  }
0x10f: {  	[tilespmem:v1+s5+$0x3A0 ss:$0x1] =	vst.idx.msk $0xffff, v3  }
0x110: {  	v3 =	vld.idx.msk [tilespmem:v1+s5+$0x3B0 ss:$0x1], $0xffff;
	_ =	sdelay $0x4  }
0x111: {  	v3 =	vmul.f32 v3, v63;
	_ =	sdelay $0x1  }
0x112: {  	[tilespmem:v1+s5+$0x3B0 ss:$0x1] =	vst.idx.msk $0xffff, v3  }
0x113: {  	v3 =	vld.idx.msk [tilespmem:v1+s5+$0x3C0 ss:$0x1], $0xffff;
	_ =	sdelay $0x2  }
0x114: {  	v2 =	vbroadcast v2, $0xF;
	_ =	sdelay $0x1  }
0x115: {  	v3 =	vmul.f32 v3, v2;
	_ =	sdelay $0x1  }
0x116: {  	[tilespmem:v1+s5+$0x3C0 ss:$0x1] =	vst.idx.msk $0xffff, v3  }
0x117: {  	v3 =	vld.idx.msk [tilespmem:v1+s5+$0x3D0 ss:$0x1], $0xffff;
	_ =	sdelay $0x4  }
0x118: {  	v3 =	vmul.f32 v3, v2;
	_ =	sdelay $0x1  }
0x119: {  	[tilespmem:v1+s5+$0x3D0 ss:$0x1] =	vst.idx.msk $0xffff, v3  }
0x11a: {  	v3 =	vld.idx.msk [tilespmem:v1+s5+$0x3E0 ss:$0x1], $0xffff;
	_ =	sdelay $0x4  }
0x11b: {  	v3 =	vmul.f32 v3, v2;
	_ =	sdelay $0x1  }
0x11c: {  	[tilespmem:v1+s5+$0x3E0 ss:$0x1] =	vst.idx.msk $0xffff, v3  }
0x11d: {  	v3 =	vld.idx.msk [tilespmem:v1+s5+$0x3F0 ss:$0x1], $0xffff;
	_ =	sdelay $0x1  }
0x11e: {  	p0 =	sne.s32 s25, $0x7000  }
.Ltmp1:
0x11f: {  	_ = 	snop;
	(pc) =	sbr.rel @p0 .LBB2_5-.Ltmp1, $3  }
0x120: {  	_ = 	snop  }
0x121: {  	v2 =	vmul.f32 v3, v2;
	_ =	sdelay $0x1  }
0x122: {  	s0 =	sadd.s32 $0x10, s0;
	s25 =	sadd.s32 $0x1000, s25;
	[tilespmem:v1+s5+$0x3F0 ss:$0x1] =	vst.idx.msk $0xffff, v2  }
0x123: {  	p0 =	seq.s32 s30, $0x0  }
0x124: {  	s0 =	simm.s32 @!p0 $0x3  }
0x125: {  	p1 =	sgt.u32 @!p0 s30, $0x4D;
	_ =	swait.ge @!p0 [sflag:s0], $0x2000  }
0x126: {  	p1 =	por p0, !p1;
	[sflag:s0] =	ssyncset.done @!p0 $0x0  }
0x127: {  	[sflag:s0] =	ssyncadd.s32 @!p0 $0xFFFFE000;
	s0 =	sadd.s32 @p1 $0x2, s30  }
0x128: {  	s5 =	smul.u32 @p1 $0xAB, s0;
	_ =	sdelay $0x1  }
0x129: {  	s5 =	sshrl.u32 @p1 s5, $0x9  }
0x12a: {  	s5 =	sand.u32 @p1 $0x7F, s5  }
0x12b: {  	s5 =	smul.u32 @p1 $0x3, s5;
	_ =	sdelay $0x1  }
0x12c: {  	s30 =	sadd.s32 $0x1, s30;
	s5 =	ssub.s32 @p1 s0, s5  }
0x12d: {  	p0 =	sne.s32 s30, $0x50;
	s5 =	sand.u32 @p1 $0xFF, s5  }
.Ltmp2:
0x12e: {  	s0 =	sshll.u32 @p1 s0, $0x7;
	s5 =	sshll.u32 @p1 s5, $0xD;
	(pc) =	sbr.rel @p0 .LBB2_4-.Ltmp2, $4  }
0x12f: {  	s25 =	sshrl.u32 s19, $0x2;
	s0 =	sand.u32 @p1 $0x3FFFFF80, s0;
	s5 =	sadd.s32 @p1 $0x7800, s5  }
0x130: {  	[tilespmem:s5], [sflag:$0x2] =	stream.indirect.gather @p1 [hbm4b:s4+s24], $0x40, s0, s24, $0xb8;
	[tilespmem:$0x19800] =	vst v63  }
0x131: {  	s20 =	sadd.s32 $0x80, s20;
	s31 =	sadd.s32 $0x2000, s31;
	s0 =	sadd.s32 $0x2800, s25  }
0x132: {  	[spmem:s2] =	stream.indirect.scatter.add.f32 [tilespmem:s1], [sflag:$0x3], $0x40, s0, s24, $0xb8;
	[tilespmem:$0x19800] =	vst v63  }
0x133: {  	_ =	swait.ge [sflag:s28], $0x2000  }
0x134: {  	[sflag:s28] =	ssyncset.done $0x0  }
0x135: {  	[sflag:s28] =	ssyncadd.s32 $0xFFFFE000  }
0x136: {  	[bflag:$0x0] =	sbarrier.arrive $0xFFFF  }
0x137: {  	[tilespmem:s21], [sflag:$0x4] =	stream.linear.gather [spmem:s8], $0x2000, $0x38;
	[tilespmem:$0x19800] =	vst v63  }
0x138: {  	_ =	swait.ge [sflag:s22], $0x2000  }
0x139: {  	[sflag:s22] =	ssyncset.done $0x0  }
0x13a: {  	[sflag:s22] =	ssyncadd.s32 $0xFFFFE000  }
0x13b: {  	[hbm4b:s13+s3] =	stream.linear.scatter [tilespmem:s21], [sflag:$0x4], $0x2000, $0x38;
	[tilespmem:$0x19800] =	vst v63  }
0x13c: {  	_ =	swait.ge [sflag:s22], $0x2000  }
0x13d: {  	[sflag:s22] =	ssyncset.done $0x0  }
0x13e: {  	[sflag:s22] =	ssyncadd.s32 $0xFFFFE000  }
0x13f: {  	[tilespmem:s21], [sflag:$0x4] =	stream.linear.gather [spmem:s9], $0x2000, $0x38;
	[tilespmem:$0x19800] =	vst v63  }
0x140: {  	_ =	swait.ge [sflag:s22], $0x2000  }
0x141: {  	[sflag:s22] =	ssyncset.done $0x0  }
0x142: {  	[sflag:s22] =	ssyncadd.s32 $0xFFFFE000  }
0x143: {  	[hbm4b:s14+s3] =	stream.linear.scatter [tilespmem:s21], [sflag:$0x4], $0x2000, $0x38;
	[tilespmem:$0x19800] =	vst v63  }
0x144: {  	_ =	swait.ge [sflag:s22], $0x2000  }
0x145: {  	[sflag:s22] =	ssyncset.done $0x0  }
0x146: {  	[sflag:s22] =	ssyncadd.s32 $0xFFFFE000  }
0x147: {  	[tilespmem:s21], [sflag:$0x4] =	stream.linear.gather [spmem:s10], $0x2000, $0x38;
	[tilespmem:$0x19800] =	vst v63  }
0x148: {  	_ =	swait.ge [sflag:s22], $0x2000  }
0x149: {  	[sflag:s22] =	ssyncset.done $0x0  }
0x14a: {  	[sflag:s22] =	ssyncadd.s32 $0xFFFFE000  }
0x14b: {  	[hbm4b:s15+s3] =	stream.linear.scatter [tilespmem:s21], [sflag:$0x4], $0x2000, $0x38;
	[tilespmem:$0x19800] =	vst v63  }
0x14c: {  	_ =	swait.ge [sflag:s22], $0x2000  }
0x14d: {  	[sflag:s22] =	ssyncset.done $0x0  }
0x14e: {  	[sflag:s22] =	ssyncadd.s32 $0xFFFFE000  }
0x14f: {  	[tilespmem:s21], [sflag:$0x4] =	stream.linear.gather [spmem:s11], $0x2000, $0x38;
	[tilespmem:$0x19800] =	vst v63  }
0x150: {  	_ =	swait.ge [sflag:s22], $0x2000  }
0x151: {  	[sflag:s22] =	ssyncset.done $0x0  }
0x152: {  	[sflag:s22] =	ssyncadd.s32 $0xFFFFE000  }
0x153: {  	[hbm4b:s16+s3] =	stream.linear.scatter [tilespmem:s21], [sflag:$0x4], $0x2000, $0x38;
	[tilespmem:$0x19800] =	vst v63  }
0x154: {  	_ =	swait.ge [sflag:s22], $0x2000  }
0x155: {  	[sflag:s22] =	ssyncset.done $0x0  }
0x156: {  	[sflag:s22] =	ssyncadd.s32 $0xFFFFE000  }
0x157: {  	[tilespmem:s21], [sflag:$0x4] =	stream.linear.gather [spmem:s12], $0x2000, $0x38;
	[tilespmem:$0x19800] =	vst v63  }
0x158: {  	s29 =	sadd.s32 $0x1, s29;
	_ =	swait.ge [sflag:s22], $0x2000  }
0x159: {  	p0 =	sne.s32 s29, s18;
	[sflag:s22] =	ssyncset.done $0x0  }
.Ltmp3:
0x15a: {  	[sflag:s22] =	ssyncadd.s32 $0xFFFFE000;
	(pc) =	sbr.rel @p0 .LBB2_1-.Ltmp3, $4  }
0x15b: {  	[hbm4b:s17+s3] =	stream.linear.scatter [tilespmem:s21], [sflag:$0x4], $0x2000, $0x38;
	[tilespmem:$0x19800] =	vst v63  }
0x15c: {  	_ =	swait.ge [sflag:s22], $0x2000  }
0x15d: {  	[sflag:s22] =	ssyncset.done $0x0  }
0x15e: {  	[sflag:s22] =	ssyncadd.s32 $0xFFFFE000  }
0x15f: {  	_ =	sfence.sel $0x180000  }
0x160: {  	[bflag:$0x0] =	sbarrier.arrive $0xFFFF  }
0x161: {  	_ =	strace $0x9000004A  }
0x162: {  	s0 =	stileid.u32;
	[bflag:$0x2] =	sbarrier.arrive $0xFFFF  }
0x163: {  	p0 =	sne.s32 s0, $0x0;
	s0 =	rddreg [dreg:$0x2]  }
0x164: {  	s0 =	sadd.s32 @!p0 $0x100000, s0  }
0x165: {  	[sflag:s0] =	ssyncadd.tile.s32 @!p0 $0x1;
	_ =	shalt  }
.Lfunc_end2:
_tile_overlayer_lowered:
.L_overlay_start_2:
0x166: {  	(tag) =	ssettag $0x2  }
0x167: {  	s0 =	rddreg [dreg:$0x0];
	s2 =	stileid.u32  }
0x168: {  	s1 =	rddreg [dreg:$0x1];
	p0 =	sne.s32 s2, $0x0  }
0x169: {  	s3 =	rddreg [dreg:$0x2];
	[bflag:$0x3] =	sbarrier.arrive $0xFFFF;
	s2 =	simm.s32 @!p0 $0x1C04  }
0x16a: {  	[timem:s3], [sflag:s2] =	dma.local @!p0 [hbm:s0], s1  }
0x16b: {  	s0 =	simm.s32 @!p0 $0x4  }
0x16c: {  	_ =	swait.ge @!p0 [sflag:s0], s1  }
0x16d: {  	s1 =	ssub.s32 @!p0 $0x0, s1;
	[sflag:s0] =	ssyncset.done @!p0 $0x0  }
0x16e: {  	[sflag:s0] =	ssyncadd.s32 @!p0 s1  }
0x16f: {  	[bflag:$0x3] =	sbarrier.arrive $0xFFFF  }
0x170: {  	_ =	shalt  }

// kernel: kernel.15.cloned.1.call-start
scs
__scs_entry_jumppad:
0x0: {  	(pc) =	sbr.rel $0x88, $3  }
0x1: {  	(tag) =	ssettag $0x0;
	lr =	simm.s32 $0x1  }
0x2: {  	[smem:$0x3F95] =	sst lr;
	_ =	strace $0xD0000000  }
0x3: {  	_ = 	snop  }
0x4: {  	_ = 	snop  }
0x5: {  	_ = 	snop  }
0x6: {  	_ = 	snop  }
0x7: {  	_ = 	snop  }
__scs_overlays_trampoline_lowered:
0x8: {  	[smem:$0x3FA4] =	sst s0  }
0x9: {  	[smem:$0x3FA5] =	sst s1  }
0xa: {  	[smem:$0x3FA6] =	sst s2  }
0xb: {  	[smem:$0x3FA7] =	sst s3  }
0xc: {  	[smem:$0x3FA8] =	sst s4  }
0xd: {  	[smem:$0x3FA9] =	sst s5  }
0xe: {  	[smem:$0x3FAA] =	sst s6  }
0xf: {  	[smem:$0x3FAB] =	sst s7  }
0x10: {  	[smem:$0x3FAC] =	sst s8  }
0x11: {  	[smem:$0x3FAD] =	sst s9;
	s0 =	simm.s32 @!p0 $0x0  }
0x12: {  	s1 =	sld [smem:$0x3F93];
	s0 =	simm.s32 @p0 $0x1  }
0x13: {  	[smem:$0x3FAE] =	sst s0;
	s0 =	simm.s32 @!p1 $0x0  }
0x14: {  	s2 =	sld [smem:$0x3F92];
	s0 =	simm.s32 @p1 $0x1  }
0x15: {  	[smem:$0x3FAF] =	sst s0;
	s0 =	simm.s32 @!p2 $0x0  }
0x16: {  	s3 =	sld [smem:$0x3FDB];
	s0 =	simm.s32 @p2 $0x1  }
0x17: {  	s4 =	simm.s32 $0x1BF5;
	[smem:$0x3FB1] =	sst s0  }
0x18: {  	s0 =	sld [smem:$0x3F94];
	_ =	swait.ge [sflag:s4], $0x0  }
0x19: {  	s7 =	sld [smem:$0x3F95]  }
0x1a: {  	s8 =	sadd.s32 $0xFFFFE003, lr  }
0x1b: {  	s9 =	sadd.s32 $0xFFFFFEF7, lr;
	s5 =	simm.s32 $0xFFFFFFFF;
	p2 =	slt.u32 s8, $0xFFFFF086  }
0x1c: {  	p1 =	slt.u32 s9, $0xF7A;
	s5 =	simm.s32 @!p2 $0x0  }
0x1d: {  	s5 =	simm.s32 @p1 $0x1;
	p0 =	seq.s32 s7, s2  }
0x1e: {  	s7 =	smul.u32 @!p0 $0xF7A, s2;
	p2 =	seq.s32 @!p0 s5, $0x0  }
0x1f: {  	s9 =	smul.u32 $0xF7A, s1;
	s8 =	simm.s32 @!p0 $0x1BF5;
	p2 =	por !p2, p0  }
0x20: {  	[sflag:s8] =	ssyncset.s32 @!p0 $0xFFFFF086;
	s6 =	sadd.s32 @!p0 s3, s7;
	s7 =	simm.s32 @!p0 $0x108  }
0x21: {  	s3 =	sadd.s32 s3, s9;
	s6 =	sadd.s32 @!p0 $0x88, s6;
	s7 =	simm.s32 @p2 $0x1082  }
0x22: {  	[simem:s7], [sflag:s8] =	dma.local @!p0 [hbm:s6], $0xF7A  }
0x23: {  	s9 =	sor.u32 $0xD0000000, s2;
	s6 =	simm.s32 $0x108;
	_ =	swait.ge @!p0 [sflag:s8], $0x0  }
0x24: {  	s3 =	sadd.s32 $0x88, s3;
	s6 =	simm.s32 @!p1 $0x1082;
	[sflag:s4] =	ssyncset.s32 $0xFFFFF086  }
0x25: {  	[simem:s6], [sflag:s4] =	dma.local [hbm:s3], $0xF7A  }
0x26: {  	[smem:$0x3F95] =	sst s1;
	(tag) =	ssettag s2;
	_ =	strace s9  }
0x27: {  	s1 =	sld [smem:$0x3FA5]  }
0x28: {  	s2 =	sld [smem:$0x3FA6]  }
0x29: {  	s4 =	sld [smem:$0x3FA8]  }
0x2a: {  	p0 =	seq.s32 s5, $0x0;
	s5 =	sld [smem:$0x3FA9]  }
0x2b: {  	s6 =	sld [smem:$0x3FAA]  }
0x2c: {  	s7 =	sld [smem:$0x3FAB]  }
0x2d: {  	s3 =	simm.s32 $0x108;
	s8 =	sld [smem:$0x3FAC]  }
0x2e: {  	s3 =	simm.s32 @!p0 $0x1082;
	s9 =	sld [smem:$0x3FAD]  }
0x2f: {  	lr =	sadd.s32 s0, s3;
	s0 =	sld [smem:$0x3FA4]  }
0x30: {  	s3 =	sld [smem:$0x3FA7]  }
0x31: {  	[smem:$0x3FB0] =	sst s10  }
0x32: {  	s10 =	sld [smem:$0x3FAE];
	_ =	sdelay $0x3  }
0x33: {  	p0 =	seq.s32 s10, $0x1;
	s10 =	sld [smem:$0x3FB0];
	_ =	sdelay $0x3  }
0x34: {  	[smem:$0x3FB0] =	sst s10  }
0x35: {  	s10 =	sld [smem:$0x3FAF];
	_ =	sdelay $0x3  }
0x36: {  	p1 =	seq.s32 s10, $0x1;
	s10 =	sld [smem:$0x3FB0];
	_ =	sdelay $0x3  }
0x37: {  	[smem:$0x3FB0] =	sst s10  }
0x38: {  	s10 =	sld [smem:$0x3FB1]  }
0x39: {  	_ = 	snop;
	(pc) =	sbr.ind lr, $3  }
0x3a: {  	_ = 	snop  }
0x3b: {  	_ = 	snop  }
0x3c: {  	p2 =	seq.s32 s10, $0x1;
	s10 =	sld [smem:$0x3FB0]  }
0x3d: {  	_ =	shalt  }
0x3e: {  	_ =	shalt  }
0x3f: {  	_ =	shalt  }
0x40: {  	_ =	shalt  }
0x41: {  	_ =	shalt  }
0x42: {  	_ =	shalt  }
0x43: {  	_ =	shalt  }
0x44: {  	_ =	shalt  }
0x45: {  	_ =	shalt  }
0x46: {  	_ =	shalt  }
0x47: {  	_ =	shalt  }
0x48: {  	_ =	shalt  }
0x49: {  	_ =	shalt  }
0x4a: {  	_ =	shalt  }
0x4b: {  	_ =	shalt  }
0x4c: {  	_ =	shalt  }
0x4d: {  	_ =	shalt  }
0x4e: {  	_ =	shalt  }
0x4f: {  	_ =	shalt  }
0x50: {  	_ =	shalt  }
0x51: {  	_ =	shalt  }
0x52: {  	_ =	shalt  }
0x53: {  	_ =	shalt  }
0x54: {  	_ =	shalt  }
0x55: {  	_ =	shalt  }
0x56: {  	_ =	shalt  }
0x57: {  	_ =	shalt  }
0x58: {  	_ =	shalt  }
0x59: {  	_ =	shalt  }
0x5a: {  	_ =	shalt  }
0x5b: {  	_ =	shalt  }
0x5c: {  	_ =	shalt  }
0x5d: {  	_ =	shalt  }
0x5e: {  	_ =	shalt  }
0x5f: {  	_ =	shalt  }
0x60: {  	_ =	shalt  }
0x61: {  	_ =	shalt  }
0x62: {  	_ =	shalt  }
0x63: {  	_ =	shalt  }
0x64: {  	_ =	shalt  }
0x65: {  	_ =	shalt  }
0x66: {  	_ =	shalt  }
0x67: {  	_ =	shalt  }
0x68: {  	_ =	shalt  }
0x69: {  	_ =	shalt  }
0x6a: {  	_ =	shalt  }
0x6b: {  	_ =	shalt  }
0x6c: {  	_ =	shalt  }
0x6d: {  	_ =	shalt  }
0x6e: {  	_ =	shalt  }
0x6f: {  	_ =	shalt  }
0x70: {  	_ =	shalt  }
0x71: {  	_ =	shalt  }
0x72: {  	_ =	shalt  }
0x73: {  	_ =	shalt  }
0x74: {  	_ =	shalt  }
0x75: {  	_ =	shalt  }
0x76: {  	_ =	shalt  }
0x77: {  	_ =	shalt  }
0x78: {  	_ =	shalt  }
0x79: {  	_ =	shalt  }
0x7a: {  	_ =	shalt  }
0x7b: {  	_ =	shalt  }
0x7c: {  	_ =	shalt  }
0x7d: {  	_ =	shalt  }
0x7e: {  	_ =	shalt  }
0x7f: {  	_ =	shalt  }
0x80: {  	_ =	shalt  }
0x81: {  	_ =	shalt  }
0x82: {  	_ =	shalt  }
0x83: {  	_ =	shalt  }
0x84: {  	_ =	shalt  }
0x85: {  	_ =	shalt  }
0x86: {  	_ =	shalt  }
0x87: {  	_ =	shalt  }
.Lfunc_end0:
.L_simem_size_0:
called_computation.2_lowered:
.L_overlay_start_0:
0x88: {  	s2 =	sld [smem:$0x3FD9]  }
0x89: {  	s3 =	sld [smem:$0x3FFE];
	_ =	sdelay $0x1  }
0x8a: {  	s1 =	srdreg.scid  }
0x8b: {  	s0 =	sand.u32 $0x1, s1  }
0x8c: {  	s16 =	sshll.u32 s0, $0xA;
	s2 =	sadd.s32 s3, s2  }
0x8d: {  	s2 =	sadd.s32 s2, s16  }
0x8e: {  	[smem:$0x3FBC] =	sst s2  }
0x8f: {  	_ = 	snop  }
0x90: {  	(tm) =	ssettm $0x1  }
0x91: {  	s17 =	sld [smem:$0x3FFB];
	_ =	sdelay $0x3  }
0x92: {  	_ =	strace s17  }
0x93: {  	s2 =	sld [smem:$0x3FFC];
	_ =	sdelay $0x3  }
0x94: {  	_ =	strace s2  }
0x95: {  	s2 =	sld [smem:$0x3FFD];
	_ =	sdelay $0x3  }
0x96: {  	_ =	strace s2  }
0x97: {  	_ =	strace $0x8FFFFFFF  }
0x98: {  	s18 =	sld [smem:$0x3FDB];
	_ =	sdelay $0x1  }
0x99: {  	s19 =	simm.s32 $_scs_section_size  }
0x9a: {  	s4 =	simm.s32 $_size__tile_overlayer_lowered;
	s5 =	simm.s32 $_tile_overlayer_lowered  }
0x9b: {  	s22 =	simm.s32 $0x1BFF;
	s21 =	sshll.u32 s5, $0x1;
	s2 =	sadd.s32 s19, s18  }
0x9c: {  	s6 =	simm.s32 $0x0;
	s20 =	sshll.u32 s4, $0x1;
	s4 =	sadd.s32 s21, s2  }
0x9d: {  	[timem:s6], [sflag:s22] =	dma.local [hbm:s4], s20  }
0x9e: {  	_ =	swait.ge [sflag:s22], s20  }
0x9f: {  	s3 =	ssub.s32 $0x0, s20;
	[sflag:s22] =	ssyncset.done $0x0  }
0xa0: {  	[sflag:s22] =	ssyncadd.s32 s3;
	_ =	sdelay $0x1  }
0xa1: {  	s23 =	simm.s32 $0x1B8B  }
0xa2: {  	_ =	swait.ge [sflag:s23], $0x1  }
0xa3: {  	[sflag:s23] =	ssyncset.done $0x0  }
0xa4: {  	s25 =	simm.s32 $0x1B8E;
	s24 =	sld [smem:$0x3FFE];
	[sflag:s23] =	ssyncadd.s32 $0xFFFFFFFF  }
0xa5: {  	s26 =	simm.s32 $execute0_lowered;
	[smem:$0x3FD2] =	sst s25  }
0xa6: {  	s4 =	sshll.u32 s26, $0x1;
	_ =	strace $0x8000004C;
	[dreg:$0x1] =	wrdreg $0xFFFFFFFF  }
0xa7: {  	s28 =	simm.s32 $_size_execute0_lowered;
	s2 =	sadd.s32 s2, s4;
	[dreg:$0x0] =	wrdreg $0x0  }
0xa8: {  	s4 =	sshll.u32 s28, $0x1;
	[dreg:$0x2] =	wrdreg s2  }
0xa9: {  	[dreg:$0x3] =	wrdreg s4  }
0xaa: {  	[dreg:$0x4] =	wrdreg $0xC0  }
0xab: {  	_ =	task [dreg:s6], $0x5FFFF  }
0xac: {  	[dreg:$0x1] =	wrdreg $0xFFFFFFFF  }
0xad: {  	[dreg:$0x0] =	wrdreg $0x60  }
0xae: {  	[dreg:$0x2] =	wrdreg s24  }
0xaf: {  	[dreg:$0x3] =	wrdreg $0xF8000  }
0xb0: {  	[dreg:$0x4] =	wrdreg $0x9  }
0xb1: {  	_ =	task.clear_ibuf [dreg:s6], $0x5FFFF;
	_ =	strace $0x9000004C  }
0xb2: {  	s29 =	simm.s32 $0x9;
	_ =	strace $0x8000004E  }
0xb3: {  	_ =	swait.ge [sflag:s29], $0x1  }
0xb4: {  	[sflag:s29] =	ssyncadd.s32 $0xFFFFFFFF  }
0xb5: {  	_ =	strace $0x9000004E  }
0xb6: {  	_ =	sfence  }
0xb7: {  	s30 =	sld [smem:$0x0];
	_ =	sdelay $0x2  }
0xb8: {  	s31 =	sshll.u32 s1, $0xD;
	s1 =	sshrl.u32 s1, $0x2  }
0xb9: {  	s3 =	sand.u32 $0x4000, s31;
	s1 =	sadd.s32 s1, s30  }
0xba: {  	s0 =	sor.u32 s3, s0;
	s1 =	sshll.u32 s1, $0x11  }
0xbb: {  	s0 =	sor.u32 s1, s0  }
0xbc: {  	s0 =	sadd.s32 $0x8F2B, s0  }
0xbd: {  	[sflag:s0] =	ssyncadd.remote.s32 $0x1  }
0xbe: {  	_ =	sfence.sel $0xFFFF  }
0xbf: {  	[dreg:$0x0] =	wrdreg $0xFFFFFFFF;
	(pc) =	sbr.abs _section_cstart, $3  }
0xc0: {  	[dreg:$0x1] =	wrdreg $0xFFFFFFFF  }
0xc1: {  	_ =	task.clear_ibuf [dreg:s6], $0x2FFFF;
	_ =	strace $0x9FFFFFFF  }
0xc2: {  	(tm) =	ssettm $0x7FFFFFFF  }
0xc3: {  	_ =	shalt  }
tec
execute0_lowered:
.L_overlay_start_1:
0x0: {  	(tag) =	ssettag $0x1  }
0x1: {  	s0 =	srdreg.scid;
	s1 =	rddreg [dreg:$0x0]  }
0x2: {  	s2 =	rddreg [dreg:$0x1];
	s8 =	stileid.u32  }
0x3: {  	s3 =	simm.s32 $0x0;
	s21 =	simm.s32 $0xD800;
	s22 =	simm.s32 $0x4  }
0x4: {  	s23 =	simm.s32 $0x1;
	s24 =	simm.s32 $0x80;
	s28 =	simm.s32 $0x3  }
0x5: {  	s29 =	simm.s32 $0x0;
	s0 =	sand.u32 $0x1, s0;
	[smem:$0x7FF] =	sst s3  }
0x6: {  	s12 =	smul.u32 $0xA000, s8;
	s4 =	sshll.u32 s0, $0x4;
	_ =	strace $0x8000004D  }
0x7: {  	s6 =	ssub.s32 $0x2, s0;
	s0 =	smul.u32 $0xA0000, s0;
	s4 =	sor.u32 s8, s4  }
0x8: {  	s7 =	sshrl.u32 s6, $0x1;
	s8 =	sadd.s32 s12, s2;
	s26 =	sadd.s32 $0x2000, s12  }
0x9: {  	s15 =	sadd.s32 $0x4000, s12;
	s16 =	sadd.s32 $0x6000, s12;
	s17 =	sadd.s32 $0x8000, s12  }
0xa: {  	s5 =	smul.u32 $0x500, s4;
	s4 =	sadd.s32 $0x35000, s1;
	s18 =	ssub.s32 s6, s7  }
0xb: {  	s9 =	sadd.s32 s26, s2;
	s10 =	sadd.s32 s15, s2;
	s11 =	sadd.s32 s16, s2  }
0xc: {  	s13 =	sadd.s32 s12, s0;
	s12 =	sadd.s32 s17, s2;
	s31 =	sadd.s32 s0, s16  }
0xd: {  	s30 =	sadd.s32 s0, s15;
	s13 =	sshrl.u32 s13, $0x3;
	s16 =	sshrl.u32 s31, $0x3  }
0xe: {  	s18 =	smax.u32 s18, $0x1;
	s5 =	sadd.s32 s5, s1;
	s1 =	sadd.s32 $0x49000, s1  }
0xf: {  	s25 =	sadd.s32 $0x2B000, s5;
	s6 =	sadd.s32 $0xC600, s5;
	s7 =	sadd.s32 $0x20600, s5  }
0x10: {  	s5 =	sadd.s32 s0, s26;
	s13 =	sadd.s32 s1, s13;
	s0 =	sadd.s32 s0, s17  }
0x11: {  	s16 =	sadd.s32 s1, s16;
	s26 =	simm.s32 $0x2;
	s5 =	sshrl.u32 s5, $0x3  }
0x12: {  	s0 =	sshrl.u32 s0, $0x3;
	s14 =	sadd.s32 s1, s5;
	s5 =	sshrl.u32 s30, $0x3  }
0x13: {  	v0 =	vimm.f32 $0.0e+00;
	[dreg:$0x3] =	wrdreg s25;
	s17 =	sadd.s32 s1, s0;
	s15 =	sadd.s32 s1, s5  }
.LBB2_1:
0x14: {  	s0 =	rddreg [dreg:$0x3]  }
0x15: {  	[tilespmem:s3], [sflag:$0x1] =	stream.linear.gather [hbm4b:s0+s3], $0x2800, $0x38;
	[tilespmem:$0x19800] =	vst v63  }
0x16: {  	s30 =	simm.s32 $0x2800  }
0x17: {  	[tilespmem:s30], [sflag:$0x1] =	stream.linear.gather [hbm4b:s6+s3], $0x2800, $0x38;
	[tilespmem:$0x19800] =	vst v63  }
0x18: {  	s31 =	simm.s32 $0x5000;
	s1 =	simm.s32 $0x100;
	s0 =	simm.s32 $0x0  }
0x19: {  	[tilespmem:s31], [sflag:$0x1] =	stream.linear.gather [hbm4b:s7+s3], $0x2800, $0x38;
	[tilespmem:$0x19800] =	vst v63  }
.LBB2_2:
0x1a: {  	p0 =	sne.s32 s1, $0x7F00;
	[tilespmem:s0+$0xD830] =	vst v0;
	s5 =	smov.u32 s1;
	s1 =	sadd.s32 $0x100, s1  }
.Ltmp0:
0x1b: {  	[tilespmem:s0+$0xD820] =	vst v0;
	(pc) =	sbr.rel @p0 .LBB2_2-.Ltmp0, $3  }
0x1c: {  	[tilespmem:s0+$0xD800] =	vst v0  }
0x1d: {  	[tilespmem:s0+$0xD810] =	vst v0;
	_ =	sdelay $0x1  }
0x1e: {  	s0 =	sshra.s32 s5, $0x2  }
0x1f: {  	[tilespmem:s0+$0xD830] =	vst v0  }
0x20: {  	[tilespmem:s0+$0xD820] =	vst v0  }
0x21: {  	[tilespmem:s0+$0xD800] =	vst v0  }
0x22: {  	[tilespmem:s0+$0xD810] =	vst v0  }
0x23: {  	[spmem:s8] =	stream.linear.scatter [tilespmem:s21], [sflag:$0x4], $0x2000, $0x38;
	[tilespmem:$0x19800] =	vst v63  }
0x24: {  	_ =	swait.ge [sflag:s22], $0x2000  }
0x25: {  	[sflag:s22] =	ssyncset.done $0x0  }
0x26: {  	[sflag:s22] =	ssyncadd.s32 $0xFFFFE000  }
0x27: {  	[spmem:s9] =	stream.linear.scatter [tilespmem:s21], [sflag:$0x4], $0x2000, $0x38;
	[tilespmem:$0x19800] =	vst v63  }
0x28: {  	_ =	swait.ge [sflag:s22], $0x2000  }
0x29: {  	[sflag:s22] =	ssyncset.done $0x0  }
0x2a: {  	[sflag:s22] =	ssyncadd.s32 $0xFFFFE000  }
0x2b: {  	[spmem:s10] =	stream.linear.scatter [tilespmem:s21], [sflag:$0x4], $0x2000, $0x38;
	[tilespmem:$0x19800] =	vst v63  }
0x2c: {  	_ =	swait.ge [sflag:s22], $0x2000  }
0x2d: {  	[sflag:s22] =	ssyncset.done $0x0  }
0x2e: {  	[sflag:s22] =	ssyncadd.s32 $0xFFFFE000  }
0x2f: {  	[spmem:s11] =	stream.linear.scatter [tilespmem:s21], [sflag:$0x4], $0x2000, $0x38;
	[tilespmem:$0x19800] =	vst v63  }
0x30: {  	_ =	swait.ge [sflag:s22], $0x2000  }
0x31: {  	[sflag:s22] =	ssyncset.done $0x0  }
0x32: {  	[sflag:s22] =	ssyncadd.s32 $0xFFFFE000  }
0x33: {  	[spmem:s12] =	stream.linear.scatter [tilespmem:s21], [sflag:$0x4], $0x2000, $0x38;
	[tilespmem:$0x19800] =	vst v63  }
0x34: {  	_ =	swait.ge [sflag:s22], $0x2000  }
0x35: {  	[sflag:s22] =	ssyncset.done $0x0  }
0x36: {  	[sflag:s22] =	ssyncadd.s32 $0xFFFFE000  }
0x37: {  	_ =	swait.ge [sflag:s23], $0x2800  }
0x38: {  	[sflag:s23] =	ssyncset.done $0x0  }
0x39: {  	[sflag:s23] =	ssyncadd.s32 $0xFFFFD800  }
0x3a: {  	_ =	swait.ge [sflag:s23], $0x2800  }
0x3b: {  	[sflag:s23] =	ssyncset.done $0x0  }
0x3c: {  	[sflag:s23] =	ssyncadd.s32 $0xFFFFD800  }
0x3d: {  	_ =	swait.ge [sflag:s23], $0x2800  }
0x3e: {  	[sflag:s23] =	ssyncset.done $0x0  }
0x3f: {  	[sflag:s23] =	ssyncadd.s32 $0xFFFFD800  }
0x40: {  	s30 =	simm.s32 $0x0;
	s31 =	simm.s32 $0x7800;
	[bflag:$0x0] =	sbarrier.arrive $0xFFFF  }
0x41: {  	[tilespmem:s31], [sflag:$0x2] =	stream.indirect.gather [hbm4b:s4+s24], $0x40, s30, s24, $0xb8;
	[tilespmem:$0x19800] =	vst v63  }
0x42: {  	s25 =	simm.s32 $0x9800;
	s20 =	simm.s32 $0x5000  }
0x43: {  	[tilespmem:s25], [sflag:$0x2] =	stream.indirect.gather [hbm4b:s4+s24], $0x40, s24, s24, $0xb8;
	[tilespmem:$0x19800] =	vst v63  }
.LBB2_4:
0x44: {  	s0 =	smul.u32 $0xAB, s30  }
0x45: {  	s1 =	smulhi.u32 $0xAAAAAAAB, s30;
	_ =	sdelay $0x1  }
0x46: {  	s0 =	sshrl.u32 s0, $0x9;
	s1 =	sshrl.u32 s1, $0x1  }
0x47: {  	s0 =	sand.u32 $0x7F, s0;
	s1 =	smul.u32 $0xFFFE8000, s1  }
0x48: {  	s0 =	smul.u32 $0x3, s0  }
0x49: {  	s1 =	sshra.s32 s1, $0x2  }
0x4a: {  	s0 =	ssub.s32 s30, s0;
	s5 =	sadd.s32 s1, s31  }
0x4b: {  	_ =	swait.ge [sflag:s26], $0x2000;
	s19 =	sshll.u32 s30, $0x9;
	s0 =	sand.u32 $0xFF, s0;
	v1 =	vmov s5  }
0x4c: {  	s25 =	simm.s32 $0x0;
	[sflag:s26] =	ssyncset.done $0x0;
	s0 =	sshll.u32 s0, $0xD  }
0x4d: {  	[sflag:s26] =	ssyncadd.s32 $0xFFFFE000;
	s1 =	sadd.s32 $0x7800, s0;
	s0 =	smov.u32 s20  }
.LBB2_5:
0x4e: {  	v2 =	vld [tilespmem:s0+$0x0]  }
0x4f: {  	s5 =	sshra.s32 s25, $0x2  }
0x50: {  	v3 =	vld.idx.msk [tilespmem:v1+s5+$0x0 ss:$0x1], $0xffff;
	_ =	sdelay $0x2  }
0x51: {  	v4 =	vbroadcast v2, $0x0;
	_ =	sdelay $0x1  }
0x52: {  	v3 =	vmul.f32 v4, v3;
	_ =	sdelay $0x1  }
0x53: {  	[tilespmem:v1+s5+$0x0 ss:$0x1] =	vst.idx.msk $0xffff, v3  }
0x54: {  	v3 =	vld.idx.msk [tilespmem:v1+s5+$0x10 ss:$0x1], $0xffff;
	_ =	sdelay $0x4  }
0x55: {  	v3 =	vmul.f32 v3, v4;
	_ =	sdelay $0x1  }
0x56: {  	[tilespmem:v1+s5+$0x10 ss:$0x1] =	vst.idx.msk $0xffff, v3  }
0x57: {  	v3 =	vld.idx.msk [tilespmem:v1+s5+$0x20 ss:$0x1], $0xffff;
	_ =	sdelay $0x4  }
0x58: {  	v3 =	vmul.f32 v3, v4;
	_ =	sdelay $0x1  }
0x59: {  	[tilespmem:v1+s5+$0x20 ss:$0x1] =	vst.idx.msk $0xffff, v3  }
0x5a: {  	v3 =	vld.idx.msk [tilespmem:v1+s5+$0x30 ss:$0x1], $0xffff;
	_ =	sdelay $0x4  }
0x5b: {  	v3 =	vmul.f32 v3, v4;
	_ =	sdelay $0x1  }
0x5c: {  	[tilespmem:v1+s5+$0x30 ss:$0x1] =	vst.idx.msk $0xffff, v3  }
0x5d: {  	v3 =	vld.idx.msk [tilespmem:v1+s5+$0x40 ss:$0x1], $0xffff;
	_ =	sdelay $0x2  }
0x5e: {  	v50 =	vbroadcast v2, $0x1;
	_ =	sdelay $0x1  }
0x5f: {  	v3 =	vmul.f32 v3, v50;
	_ =	sdelay $0x1  }
0x60: {  	[tilespmem:v1+s5+$0x40 ss:$0x1] =	vst.idx.msk $0xffff, v3  }
0x61: {  	v3 =	vld.idx.msk [tilespmem:v1+s5+$0x50 ss:$0x1], $0xffff;
	_ =	sdelay $0x4  }
0x62: {  	v3 =	vmul.f32 v3, v50;
	_ =	sdelay $0x1  }
0x63: {  	[tilespmem:v1+s5+$0x50 ss:$0x1] =	vst.idx.msk $0xffff, v3  }
0x64: {  	v3 =	vld.idx.msk [tilespmem:v1+s5+$0x60 ss:$0x1], $0xffff;
	_ =	sdelay $0x4  }
0x65: {  	v3 =	vmul.f32 v3, v50;
	_ =	sdelay $0x1  }
0x66: {  	[tilespmem:v1+s5+$0x60 ss:$0x1] =	vst.idx.msk $0xffff, v3  }
0x67: {  	v3 =	vld.idx.msk [tilespmem:v1+s5+$0x70 ss:$0x1], $0xffff;
	_ =	sdelay $0x4  }
0x68: {  	v3 =	vmul.f32 v3, v50;
	_ =	sdelay $0x1  }
0x69: {  	[tilespmem:v1+s5+$0x70 ss:$0x1] =	vst.idx.msk $0xffff, v3  }
0x6a: {  	v3 =	vld.idx.msk [tilespmem:v1+s5+$0x80 ss:$0x1], $0xffff;
	_ =	sdelay $0x2  }
0x6b: {  	v51 =	vbroadcast v2, $0x2;
	_ =	sdelay $0x1  }
0x6c: {  	v3 =	vmul.f32 v3, v51;
	_ =	sdelay $0x1  }
0x6d: {  	[tilespmem:v1+s5+$0x80 ss:$0x1] =	vst.idx.msk $0xffff, v3  }
0x6e: {  	v3 =	vld.idx.msk [tilespmem:v1+s5+$0x90 ss:$0x1], $0xffff;
	_ =	sdelay $0x4  }
0x6f: {  	v3 =	vmul.f32 v3, v51;
	_ =	sdelay $0x1  }
0x70: {  	[tilespmem:v1+s5+$0x90 ss:$0x1] =	vst.idx.msk $0xffff, v3  }
0x71: {  	v3 =	vld.idx.msk [tilespmem:v1+s5+$0xA0 ss:$0x1], $0xffff;
	_ =	sdelay $0x4  }
0x72: {  	v3 =	vmul.f32 v3, v51;
	_ =	sdelay $0x1  }
0x73: {  	[tilespmem:v1+s5+$0xA0 ss:$0x1] =	vst.idx.msk $0xffff, v3  }
0x74: {  	v3 =	vld.idx.msk [tilespmem:v1+s5+$0xB0 ss:$0x1], $0xffff;
	_ =	sdelay $0x4  }
0x75: {  	v3 =	vmul.f32 v3, v51;
	_ =	sdelay $0x1  }
0x76: {  	[tilespmem:v1+s5+$0xB0 ss:$0x1] =	vst.idx.msk $0xffff, v3  }
0x77: {  	v3 =	vld.idx.msk [tilespmem:v1+s5+$0xC0 ss:$0x1], $0xffff;
	_ =	sdelay $0x2  }
0x78: {  	v52 =	vbroadcast v2, $0x3;
	_ =	sdelay $0x1  }
0x79: {  	v3 =	vmul.f32 v3, v52;
	_ =	sdelay $0x1  }
0x7a: {  	[tilespmem:v1+s5+$0xC0 ss:$0x1] =	vst.idx.msk $0xffff, v3  }
0x7b: {  	v3 =	vld.idx.msk [tilespmem:v1+s5+$0xD0 ss:$0x1], $0xffff;
	_ =	sdelay $0x4  }
0x7c: {  	v3 =	vmul.f32 v3, v52;
	_ =	sdelay $0x1  }
0x7d: {  	[tilespmem:v1+s5+$0xD0 ss:$0x1] =	vst.idx.msk $0xffff, v3  }
0x7e: {  	v3 =	vld.idx.msk [tilespmem:v1+s5+$0xE0 ss:$0x1], $0xffff;
	_ =	sdelay $0x4  }
0x7f: {  	v3 =	vmul.f32 v3, v52;
	_ =	sdelay $0x1  }
0x80: {  	[tilespmem:v1+s5+$0xE0 ss:$0x1] =	vst.idx.msk $0xffff, v3  }
0x81: {  	v3 =	vld.idx.msk [tilespmem:v1+s5+$0xF0 ss:$0x1], $0xffff;
	_ =	sdelay $0x4  }
0x82: {  	v3 =	vmul.f32 v3, v52;
	_ =	sdelay $0x1  }
0x83: {  	[tilespmem:v1+s5+$0xF0 ss:$0x1] =	vst.idx.msk $0xffff, v3  }
0x84: {  	v3 =	vld.idx.msk [tilespmem:v1+s5+$0x100 ss:$0x1], $0xffff;
	_ =	sdelay $0x2  }
0x85: {  	v53 =	vbroadcast v2, $0x4;
	_ =	sdelay $0x1  }
0x86: {  	v3 =	vmul.f32 v3, v53;
	_ =	sdelay $0x1  }
0x87: {  	[tilespmem:v1+s5+$0x100 ss:$0x1] =	vst.idx.msk $0xffff, v3  }
0x88: {  	v3 =	vld.idx.msk [tilespmem:v1+s5+$0x110 ss:$0x1], $0xffff;
	_ =	sdelay $0x4  }
0x89: {  	v3 =	vmul.f32 v3, v53;
	_ =	sdelay $0x1  }
0x8a: {  	[tilespmem:v1+s5+$0x110 ss:$0x1] =	vst.idx.msk $0xffff, v3  }
0x8b: {  	v3 =	vld.idx.msk [tilespmem:v1+s5+$0x120 ss:$0x1], $0xffff;
	_ =	sdelay $0x4  }
0x8c: {  	v3 =	vmul.f32 v3, v53;
	_ =	sdelay $0x1  }
0x8d: {  	[tilespmem:v1+s5+$0x120 ss:$0x1] =	vst.idx.msk $0xffff, v3  }
0x8e: {  	v3 =	vld.idx.msk [tilespmem:v1+s5+$0x130 ss:$0x1], $0xffff;
	_ =	sdelay $0x4  }
0x8f: {  	v3 =	vmul.f32 v3, v53;
	_ =	sdelay $0x1  }
0x90: {  	[tilespmem:v1+s5+$0x130 ss:$0x1] =	vst.idx.msk $0xffff, v3  }
0x91: {  	v3 =	vld.idx.msk [tilespmem:v1+s5+$0x140 ss:$0x1], $0xffff;
	_ =	sdelay $0x2  }
0x92: {  	v54 =	vbroadcast v2, $0x5;
	_ =	sdelay $0x1  }
0x93: {  	v3 =	vmul.f32 v3, v54;
	_ =	sdelay $0x1  }
0x94: {  	[tilespmem:v1+s5+$0x140 ss:$0x1] =	vst.idx.msk $0xffff, v3  }
0x95: {  	v3 =	vld.idx.msk [tilespmem:v1+s5+$0x150 ss:$0x1], $0xffff;
	_ =	sdelay $0x4  }
0x96: {  	v3 =	vmul.f32 v3, v54;
	_ =	sdelay $0x1  }
0x97: {  	[tilespmem:v1+s5+$0x150 ss:$0x1] =	vst.idx.msk $0xffff, v3  }
0x98: {  	v3 =	vld.idx.msk [tilespmem:v1+s5+$0x160 ss:$0x1], $0xffff;
	_ =	sdelay $0x4  }
0x99: {  	v3 =	vmul.f32 v3, v54;
	_ =	sdelay $0x1  }
0x9a: {  	[tilespmem:v1+s5+$0x160 ss:$0x1] =	vst.idx.msk $0xffff, v3  }
0x9b: {  	v3 =	vld.idx.msk [tilespmem:v1+s5+$0x170 ss:$0x1], $0xffff;
	_ =	sdelay $0x4  }
0x9c: {  	v3 =	vmul.f32 v3, v54;
	_ =	sdelay $0x1  }
0x9d: {  	[tilespmem:v1+s5+$0x170 ss:$0x1] =	vst.idx.msk $0xffff, v3  }
0x9e: {  	v3 =	vld.idx.msk [tilespmem:v1+s5+$0x180 ss:$0x1], $0xffff;
	_ =	sdelay $0x2  }
0x9f: {  	v55 =	vbroadcast v2, $0x6;
	_ =	sdelay $0x1  }
0xa0: {  	v3 =	vmul.f32 v3, v55;
	_ =	sdelay $0x1  }
0xa1: {  	[tilespmem:v1+s5+$0x180 ss:$0x1] =	vst.idx.msk $0xffff, v3  }
0xa2: {  	v3 =	vld.idx.msk [tilespmem:v1+s5+$0x190 ss:$0x1], $0xffff;
	_ =	sdelay $0x4  }
0xa3: {  	v3 =	vmul.f32 v3, v55;
	_ =	sdelay $0x1  }
0xa4: {  	[tilespmem:v1+s5+$0x190 ss:$0x1] =	vst.idx.msk $0xffff, v3  }
0xa5: {  	v3 =	vld.idx.msk [tilespmem:v1+s5+$0x1A0 ss:$0x1], $0xffff;
	_ =	sdelay $0x4  }
0xa6: {  	v3 =	vmul.f32 v3, v55;
	_ =	sdelay $0x1  }
0xa7: {  	[tilespmem:v1+s5+$0x1A0 ss:$0x1] =	vst.idx.msk $0xffff, v3  }
0xa8: {  	v3 =	vld.idx.msk [tilespmem:v1+s5+$0x1B0 ss:$0x1], $0xffff;
	_ =	sdelay $0x4  }
0xa9: {  	v3 =	vmul.f32 v3, v55;
	_ =	sdelay $0x1  }
0xaa: {  	[tilespmem:v1+s5+$0x1B0 ss:$0x1] =	vst.idx.msk $0xffff, v3  }
0xab: {  	v3 =	vld.idx.msk [tilespmem:v1+s5+$0x1C0 ss:$0x1], $0xffff;
	_ =	sdelay $0x2  }
0xac: {  	v56 =	vbroadcast v2, $0x7;
	_ =	sdelay $0x1  }
0xad: {  	v3 =	vmul.f32 v3, v56;
	_ =	sdelay $0x1  }
0xae: {  	[tilespmem:v1+s5+$0x1C0 ss:$0x1] =	vst.idx.msk $0xffff, v3  }
0xaf: {  	v3 =	vld.idx.msk [tilespmem:v1+s5+$0x1D0 ss:$0x1], $0xffff;
	_ =	sdelay $0x4  }
0xb0: {  	v3 =	vmul.f32 v3, v56;
	_ =	sdelay $0x1  }
0xb1: {  	[tilespmem:v1+s5+$0x1D0 ss:$0x1] =	vst.idx.msk $0xffff, v3  }
0xb2: {  	v3 =	vld.idx.msk [tilespmem:v1+s5+$0x1E0 ss:$0x1], $0xffff;
	_ =	sdelay $0x4  }
0xb3: {  	v3 =	vmul.f32 v3, v56;
	_ =	sdelay $0x1  }
0xb4: {  	[tilespmem:v1+s5+$0x1E0 ss:$0x1] =	vst.idx.msk $0xffff, v3  }
0xb5: {  	v3 =	vld.idx.msk [tilespmem:v1+s5+$0x1F0 ss:$0x1], $0xffff;
	_ =	sdelay $0x4  }
0xb6: {  	v3 =	vmul.f32 v3, v56;
	_ =	sdelay $0x1  }
0xb7: {  	[tilespmem:v1+s5+$0x1F0 ss:$0x1] =	vst.idx.msk $0xffff, v3  }
0xb8: {  	v3 =	vld.idx.msk [tilespmem:v1+s5+$0x200 ss:$0x1], $0xffff;
	_ =	sdelay $0x2  }
0xb9: {  	v57 =	vbroadcast v2, $0x8;
	_ =	sdelay $0x1  }
0xba: {  	v3 =	vmul.f32 v3, v57;
	_ =	sdelay $0x1  }
0xbb: {  	[tilespmem:v1+s5+$0x200 ss:$0x1] =	vst.idx.msk $0xffff, v3  }
0xbc: {  	v3 =	vld.idx.msk [tilespmem:v1+s5+$0x210 ss:$0x1], $0xffff;
	_ =	sdelay $0x4  }
0xbd: {  	v3 =	vmul.f32 v3, v57;
	_ =	sdelay $0x1  }
0xbe: {  	[tilespmem:v1+s5+$0x210 ss:$0x1] =	vst.idx.msk $0xffff, v3  }
0xbf: {  	v3 =	vld.idx.msk [tilespmem:v1+s5+$0x220 ss:$0x1], $0xffff;
	_ =	sdelay $0x4  }
0xc0: {  	v3 =	vmul.f32 v3, v57;
	_ =	sdelay $0x1  }
0xc1: {  	[tilespmem:v1+s5+$0x220 ss:$0x1] =	vst.idx.msk $0xffff, v3  }
0xc2: {  	v3 =	vld.idx.msk [tilespmem:v1+s5+$0x230 ss:$0x1], $0xffff;
	_ =	sdelay $0x4  }
0xc3: {  	v3 =	vmul.f32 v3, v57;
	_ =	sdelay $0x1  }
0xc4: {  	[tilespmem:v1+s5+$0x230 ss:$0x1] =	vst.idx.msk $0xffff, v3  }
0xc5: {  	v3 =	vld.idx.msk [tilespmem:v1+s5+$0x240 ss:$0x1], $0xffff;
	_ =	sdelay $0x2  }
0xc6: {  	v58 =	vbroadcast v2, $0x9;
	_ =	sdelay $0x1  }
0xc7: {  	v3 =	vmul.f32 v3, v58;
	_ =	sdelay $0x1  }
0xc8: {  	[tilespmem:v1+s5+$0x240 ss:$0x1] =	vst.idx.msk $0xffff, v3  }
0xc9: {  	v3 =	vld.idx.msk [tilespmem:v1+s5+$0x250 ss:$0x1], $0xffff;
	_ =	sdelay $0x4  }
0xca: {  	v3 =	vmul.f32 v3, v58;
	_ =	sdelay $0x1  }
0xcb: {  	[tilespmem:v1+s5+$0x250 ss:$0x1] =	vst.idx.msk $0xffff, v3  }
0xcc: {  	v3 =	vld.idx.msk [tilespmem:v1+s5+$0x260 ss:$0x1], $0xffff;
	_ =	sdelay $0x4  }
0xcd: {  	v3 =	vmul.f32 v3, v58;
	_ =	sdelay $0x1  }
0xce: {  	[tilespmem:v1+s5+$0x260 ss:$0x1] =	vst.idx.msk $0xffff, v3  }
0xcf: {  	v3 =	vld.idx.msk [tilespmem:v1+s5+$0x270 ss:$0x1], $0xffff;
	_ =	sdelay $0x4  }
0xd0: {  	v3 =	vmul.f32 v3, v58;
	_ =	sdelay $0x1  }
0xd1: {  	[tilespmem:v1+s5+$0x270 ss:$0x1] =	vst.idx.msk $0xffff, v3  }
0xd2: {  	v3 =	vld.idx.msk [tilespmem:v1+s5+$0x280 ss:$0x1], $0xffff;
	_ =	sdelay $0x2  }
0xd3: {  	v59 =	vbroadcast v2, $0xA;
	_ =	sdelay $0x1  }
0xd4: {  	v3 =	vmul.f32 v3, v59;
	_ =	sdelay $0x1  }
0xd5: {  	[tilespmem:v1+s5+$0x280 ss:$0x1] =	vst.idx.msk $0xffff, v3  }
0xd6: {  	v3 =	vld.idx.msk [tilespmem:v1+s5+$0x290 ss:$0x1], $0xffff;
	_ =	sdelay $0x4  }
0xd7: {  	v3 =	vmul.f32 v3, v59;
	_ =	sdelay $0x1  }
0xd8: {  	[tilespmem:v1+s5+$0x290 ss:$0x1] =	vst.idx.msk $0xffff, v3  }
0xd9: {  	v3 =	vld.idx.msk [tilespmem:v1+s5+$0x2A0 ss:$0x1], $0xffff;
	_ =	sdelay $0x4  }
0xda: {  	v3 =	vmul.f32 v3, v59;
	_ =	sdelay $0x1  }
0xdb: {  	[tilespmem:v1+s5+$0x2A0 ss:$0x1] =	vst.idx.msk $0xffff, v3  }
0xdc: {  	v3 =	vld.idx.msk [tilespmem:v1+s5+$0x2B0 ss:$0x1], $0xffff;
	_ =	sdelay $0x4  }
0xdd: {  	v3 =	vmul.f32 v3, v59;
	_ =	sdelay $0x1  }
0xde: {  	[tilespmem:v1+s5+$0x2B0 ss:$0x1] =	vst.idx.msk $0xffff, v3  }
0xdf: {  	v3 =	vld.idx.msk [tilespmem:v1+s5+$0x2C0 ss:$0x1], $0xffff;
	_ =	sdelay $0x2  }
0xe0: {  	v60 =	vbroadcast v2, $0xB;
	_ =	sdelay $0x1  }
0xe1: {  	v3 =	vmul.f32 v3, v60;
	_ =	sdelay $0x1  }
0xe2: {  	[tilespmem:v1+s5+$0x2C0 ss:$0x1] =	vst.idx.msk $0xffff, v3  }
0xe3: {  	v3 =	vld.idx.msk [tilespmem:v1+s5+$0x2D0 ss:$0x1], $0xffff;
	_ =	sdelay $0x4  }
0xe4: {  	v3 =	vmul.f32 v3, v60;
	_ =	sdelay $0x1  }
0xe5: {  	[tilespmem:v1+s5+$0x2D0 ss:$0x1] =	vst.idx.msk $0xffff, v3  }
0xe6: {  	v3 =	vld.idx.msk [tilespmem:v1+s5+$0x2E0 ss:$0x1], $0xffff;
	_ =	sdelay $0x4  }
0xe7: {  	v3 =	vmul.f32 v3, v60;
	_ =	sdelay $0x1  }
0xe8: {  	[tilespmem:v1+s5+$0x2E0 ss:$0x1] =	vst.idx.msk $0xffff, v3  }
0xe9: {  	v3 =	vld.idx.msk [tilespmem:v1+s5+$0x2F0 ss:$0x1], $0xffff;
	_ =	sdelay $0x4  }
0xea: {  	v3 =	vmul.f32 v3, v60;
	_ =	sdelay $0x1  }
0xeb: {  	[tilespmem:v1+s5+$0x2F0 ss:$0x1] =	vst.idx.msk $0xffff, v3  }
0xec: {  	v3 =	vld.idx.msk [tilespmem:v1+s5+$0x300 ss:$0x1], $0xffff;
	_ =	sdelay $0x2  }
0xed: {  	v61 =	vbroadcast v2, $0xC;
	_ =	sdelay $0x1  }
0xee: {  	v3 =	vmul.f32 v3, v61;
	_ =	sdelay $0x1  }
0xef: {  	[tilespmem:v1+s5+$0x300 ss:$0x1] =	vst.idx.msk $0xffff, v3  }
0xf0: {  	v3 =	vld.idx.msk [tilespmem:v1+s5+$0x310 ss:$0x1], $0xffff;
	_ =	sdelay $0x4  }
0xf1: {  	v3 =	vmul.f32 v3, v61;
	_ =	sdelay $0x1  }
0xf2: {  	[tilespmem:v1+s5+$0x310 ss:$0x1] =	vst.idx.msk $0xffff, v3  }
0xf3: {  	v3 =	vld.idx.msk [tilespmem:v1+s5+$0x320 ss:$0x1], $0xffff;
	_ =	sdelay $0x4  }
0xf4: {  	v3 =	vmul.f32 v3, v61;
	_ =	sdelay $0x1  }
0xf5: {  	[tilespmem:v1+s5+$0x320 ss:$0x1] =	vst.idx.msk $0xffff, v3  }
0xf6: {  	v3 =	vld.idx.msk [tilespmem:v1+s5+$0x330 ss:$0x1], $0xffff;
	_ =	sdelay $0x4  }
0xf7: {  	v3 =	vmul.f32 v3, v61;
	_ =	sdelay $0x1  }
0xf8: {  	[tilespmem:v1+s5+$0x330 ss:$0x1] =	vst.idx.msk $0xffff, v3  }
0xf9: {  	v3 =	vld.idx.msk [tilespmem:v1+s5+$0x340 ss:$0x1], $0xffff;
	_ =	sdelay $0x2  }
0xfa: {  	v62 =	vbroadcast v2, $0xD;
	_ =	sdelay $0x1  }
0xfb: {  	v3 =	vmul.f32 v3, v62;
	_ =	sdelay $0x1  }
0xfc: {  	[tilespmem:v1+s5+$0x340 ss:$0x1] =	vst.idx.msk $0xffff, v3  }
0xfd: {  	v3 =	vld.idx.msk [tilespmem:v1+s5+$0x350 ss:$0x1], $0xffff;
	_ =	sdelay $0x4  }
0xfe: {  	v3 =	vmul.f32 v3, v62;
	_ =	sdelay $0x1  }
0xff: {  	[tilespmem:v1+s5+$0x350 ss:$0x1] =	vst.idx.msk $0xffff, v3  }
0x100: {  	v3 =	vld.idx.msk [tilespmem:v1+s5+$0x360 ss:$0x1], $0xffff;
	_ =	sdelay $0x4  }
0x101: {  	v3 =	vmul.f32 v3, v62;
	_ =	sdelay $0x1  }
0x102: {  	[tilespmem:v1+s5+$0x360 ss:$0x1] =	vst.idx.msk $0xffff, v3  }
0x103: {  	v3 =	vld.idx.msk [tilespmem:v1+s5+$0x370 ss:$0x1], $0xffff;
	_ =	sdelay $0x4  }
0x104: {  	v3 =	vmul.f32 v3, v62;
	_ =	sdelay $0x1  }
0x105: {  	[tilespmem:v1+s5+$0x370 ss:$0x1] =	vst.idx.msk $0xffff, v3  }
0x106: {  	v3 =	vld.idx.msk [tilespmem:v1+s5+$0x380 ss:$0x1], $0xffff;
	_ =	sdelay $0x2  }
0x107: {  	v63 =	vbroadcast v2, $0xE;
	_ =	sdelay $0x1  }
0x108: {  	v3 =	vmul.f32 v3, v63;
	_ =	sdelay $0x1  }
0x109: {  	[tilespmem:v1+s5+$0x380 ss:$0x1] =	vst.idx.msk $0xffff, v3  }
0x10a: {  	v3 =	vld.idx.msk [tilespmem:v1+s5+$0x390 ss:$0x1], $0xffff;
	_ =	sdelay $0x4  }
0x10b: {  	v3 =	vmul.f32 v3, v63;
	_ =	sdelay $0x1  }
0x10c: {  	[tilespmem:v1+s5+$0x390 ss:$0x1] =	vst.idx.msk $0xffff, v3  }
0x10d: {  	v3 =	vld.idx.msk [tilespmem:v1+s5+$0x3A0 ss:$0x1], $0xffff;
	_ =	sdelay $0x4  }
0x10e: {  	v3 =	vmul.f32 v3, v63;
	_ =	sdelay $0x1  }
0x10f: {  	[tilespmem:v1+s5+$0x3A0 ss:$0x1] =	vst.idx.msk $0xffff, v3  }
0x110: {  	v3 =	vld.idx.msk [tilespmem:v1+s5+$0x3B0 ss:$0x1], $0xffff;
	_ =	sdelay $0x4  }
0x111: {  	v3 =	vmul.f32 v3, v63;
	_ =	sdelay $0x1  }
0x112: {  	[tilespmem:v1+s5+$0x3B0 ss:$0x1] =	vst.idx.msk $0xffff, v3  }
0x113: {  	v3 =	vld.idx.msk [tilespmem:v1+s5+$0x3C0 ss:$0x1], $0xffff;
	_ =	sdelay $0x2  }
0x114: {  	v2 =	vbroadcast v2, $0xF;
	_ =	sdelay $0x1  }
0x115: {  	v3 =	vmul.f32 v3, v2;
	_ =	sdelay $0x1  }
0x116: {  	[tilespmem:v1+s5+$0x3C0 ss:$0x1] =	vst.idx.msk $0xffff, v3  }
0x117: {  	v3 =	vld.idx.msk [tilespmem:v1+s5+$0x3D0 ss:$0x1], $0xffff;
	_ =	sdelay $0x4  }
0x118: {  	v3 =	vmul.f32 v3, v2;
	_ =	sdelay $0x1  }
0x119: {  	[tilespmem:v1+s5+$0x3D0 ss:$0x1] =	vst.idx.msk $0xffff, v3  }
0x11a: {  	v3 =	vld.idx.msk [tilespmem:v1+s5+$0x3E0 ss:$0x1], $0xffff;
	_ =	sdelay $0x4  }
0x11b: {  	v3 =	vmul.f32 v3, v2;
	_ =	sdelay $0x1  }
0x11c: {  	[tilespmem:v1+s5+$0x3E0 ss:$0x1] =	vst.idx.msk $0xffff, v3  }
0x11d: {  	v3 =	vld.idx.msk [tilespmem:v1+s5+$0x3F0 ss:$0x1], $0xffff;
	_ =	sdelay $0x1  }
0x11e: {  	p0 =	sne.s32 s25, $0x7000  }
.Ltmp1:
0x11f: {  	_ = 	snop;
	(pc) =	sbr.rel @p0 .LBB2_5-.Ltmp1, $3  }
0x120: {  	_ = 	snop  }
0x121: {  	v2 =	vmul.f32 v3, v2;
	_ =	sdelay $0x1  }
0x122: {  	s0 =	sadd.s32 $0x10, s0;
	s25 =	sadd.s32 $0x1000, s25;
	[tilespmem:v1+s5+$0x3F0 ss:$0x1] =	vst.idx.msk $0xffff, v2  }
0x123: {  	p0 =	seq.s32 s30, $0x0  }
0x124: {  	s0 =	simm.s32 @!p0 $0x3  }
0x125: {  	p1 =	sgt.u32 @!p0 s30, $0x4D;
	_ =	swait.ge @!p0 [sflag:s0], $0x2000  }
0x126: {  	p1 =	por p0, !p1;
	[sflag:s0] =	ssyncset.done @!p0 $0x0  }
0x127: {  	[sflag:s0] =	ssyncadd.s32 @!p0 $0xFFFFE000;
	s0 =	sadd.s32 @p1 $0x2, s30  }
0x128: {  	s5 =	smul.u32 @p1 $0xAB, s0;
	_ =	sdelay $0x1  }
0x129: {  	s5 =	sshrl.u32 @p1 s5, $0x9  }
0x12a: {  	s5 =	sand.u32 @p1 $0x7F, s5  }
0x12b: {  	s5 =	smul.u32 @p1 $0x3, s5;
	_ =	sdelay $0x1  }
0x12c: {  	s30 =	sadd.s32 $0x1, s30;
	s5 =	ssub.s32 @p1 s0, s5  }
0x12d: {  	p0 =	sne.s32 s30, $0x50;
	s5 =	sand.u32 @p1 $0xFF, s5  }
.Ltmp2:
0x12e: {  	s0 =	sshll.u32 @p1 s0, $0x7;
	s5 =	sshll.u32 @p1 s5, $0xD;
	(pc) =	sbr.rel @p0 .LBB2_4-.Ltmp2, $4  }
0x12f: {  	s25 =	sshrl.u32 s19, $0x2;
	s0 =	sand.u32 @p1 $0x3FFFFF80, s0;
	s5 =	sadd.s32 @p1 $0x7800, s5  }
0x130: {  	[tilespmem:s5], [sflag:$0x2] =	stream.indirect.gather @p1 [hbm4b:s4+s24], $0x40, s0, s24, $0xb8;
	[tilespmem:$0x19800] =	vst v63  }
0x131: {  	s20 =	sadd.s32 $0x80, s20;
	s31 =	sadd.s32 $0x2000, s31;
	s0 =	sadd.s32 $0x2800, s25  }
0x132: {  	[spmem:s2] =	stream.indirect.scatter.add.f32 [tilespmem:s1], [sflag:$0x3], $0x40, s0, s24, $0xb8;
	[tilespmem:$0x19800] =	vst v63  }
0x133: {  	_ =	swait.ge [sflag:s28], $0x2000  }
0x134: {  	[sflag:s28] =	ssyncset.done $0x0  }
0x135: {  	[sflag:s28] =	ssyncadd.s32 $0xFFFFE000  }
0x136: {  	[bflag:$0x0] =	sbarrier.arrive $0xFFFF  }
0x137: {  	[tilespmem:s21], [sflag:$0x4] =	stream.linear.gather [spmem:s8], $0x2000, $0x38;
	[tilespmem:$0x19800] =	vst v63  }
0x138: {  	_ =	swait.ge [sflag:s22], $0x2000  }
0x139: {  	[sflag:s22] =	ssyncset.done $0x0  }
0x13a: {  	[sflag:s22] =	ssyncadd.s32 $0xFFFFE000  }
0x13b: {  	[hbm4b:s13+s3] =	stream.linear.scatter [tilespmem:s21], [sflag:$0x4], $0x2000, $0x38;
	[tilespmem:$0x19800] =	vst v63  }
0x13c: {  	_ =	swait.ge [sflag:s22], $0x2000  }
0x13d: {  	[sflag:s22] =	ssyncset.done $0x0  }
0x13e: {  	[sflag:s22] =	ssyncadd.s32 $0xFFFFE000  }
0x13f: {  	[tilespmem:s21], [sflag:$0x4] =	stream.linear.gather [spmem:s9], $0x2000, $0x38;
	[tilespmem:$0x19800] =	vst v63  }
0x140: {  	_ =	swait.ge [sflag:s22], $0x2000  }
0x141: {  	[sflag:s22] =	ssyncset.done $0x0  }
0x142: {  	[sflag:s22] =	ssyncadd.s32 $0xFFFFE000  }
0x143: {  	[hbm4b:s14+s3] =	stream.linear.scatter [tilespmem:s21], [sflag:$0x4], $0x2000, $0x38;
	[tilespmem:$0x19800] =	vst v63  }
0x144: {  	_ =	swait.ge [sflag:s22], $0x2000  }
0x145: {  	[sflag:s22] =	ssyncset.done $0x0  }
0x146: {  	[sflag:s22] =	ssyncadd.s32 $0xFFFFE000  }
0x147: {  	[tilespmem:s21], [sflag:$0x4] =	stream.linear.gather [spmem:s10], $0x2000, $0x38;
	[tilespmem:$0x19800] =	vst v63  }
0x148: {  	_ =	swait.ge [sflag:s22], $0x2000  }
0x149: {  	[sflag:s22] =	ssyncset.done $0x0  }
0x14a: {  	[sflag:s22] =	ssyncadd.s32 $0xFFFFE000  }
0x14b: {  	[hbm4b:s15+s3] =	stream.linear.scatter [tilespmem:s21], [sflag:$0x4], $0x2000, $0x38;
	[tilespmem:$0x19800] =	vst v63  }
0x14c: {  	_ =	swait.ge [sflag:s22], $0x2000  }
0x14d: {  	[sflag:s22] =	ssyncset.done $0x0  }
0x14e: {  	[sflag:s22] =	ssyncadd.s32 $0xFFFFE000  }
0x14f: {  	[tilespmem:s21], [sflag:$0x4] =	stream.linear.gather [spmem:s11], $0x2000, $0x38;
	[tilespmem:$0x19800] =	vst v63  }
0x150: {  	_ =	swait.ge [sflag:s22], $0x2000  }
0x151: {  	[sflag:s22] =	ssyncset.done $0x0  }
0x152: {  	[sflag:s22] =	ssyncadd.s32 $0xFFFFE000  }
0x153: {  	[hbm4b:s16+s3] =	stream.linear.scatter [tilespmem:s21], [sflag:$0x4], $0x2000, $0x38;
	[tilespmem:$0x19800] =	vst v63  }
0x154: {  	_ =	swait.ge [sflag:s22], $0x2000  }
0x155: {  	[sflag:s22] =	ssyncset.done $0x0  }
0x156: {  	[sflag:s22] =	ssyncadd.s32 $0xFFFFE000  }
0x157: {  	[tilespmem:s21], [sflag:$0x4] =	stream.linear.gather [spmem:s12], $0x2000, $0x38;
	[tilespmem:$0x19800] =	vst v63  }
0x158: {  	s29 =	sadd.s32 $0x1, s29;
	_ =	swait.ge [sflag:s22], $0x2000  }
0x159: {  	p0 =	sne.s32 s29, s18;
	[sflag:s22] =	ssyncset.done $0x0  }
.Ltmp3:
0x15a: {  	[sflag:s22] =	ssyncadd.s32 $0xFFFFE000;
	(pc) =	sbr.rel @p0 .LBB2_1-.Ltmp3, $4  }
0x15b: {  	[hbm4b:s17+s3] =	stream.linear.scatter [tilespmem:s21], [sflag:$0x4], $0x2000, $0x38;
	[tilespmem:$0x19800] =	vst v63  }
0x15c: {  	_ =	swait.ge [sflag:s22], $0x2000  }
0x15d: {  	[sflag:s22] =	ssyncset.done $0x0  }
0x15e: {  	[sflag:s22] =	ssyncadd.s32 $0xFFFFE000  }
0x15f: {  	_ =	sfence.sel $0x180000  }
0x160: {  	[bflag:$0x0] =	sbarrier.arrive $0xFFFF  }
0x161: {  	_ =	strace $0x9000004D  }
0x162: {  	s0 =	stileid.u32;
	[bflag:$0x2] =	sbarrier.arrive $0xFFFF  }
0x163: {  	p0 =	sne.s32 s0, $0x0;
	s0 =	rddreg [dreg:$0x2]  }
0x164: {  	s0 =	sadd.s32 @!p0 $0x100000, s0  }
0x165: {  	[sflag:s0] =	ssyncadd.tile.s32 @!p0 $0x1;
	_ =	shalt  }
.Lfunc_end2:
_tile_overlayer_lowered:
.L_overlay_start_2:
0x166: {  	(tag) =	ssettag $0x2  }
0x167: {  	s0 =	rddreg [dreg:$0x0];
	s2 =	stileid.u32  }
0x168: {  	s1 =	rddreg [dreg:$0x1];
	p0 =	sne.s32 s2, $0x0  }
0x169: {  	s3 =	rddreg [dreg:$0x2];
	[bflag:$0x3] =	sbarrier.arrive $0xFFFF;
	s2 =	simm.s32 @!p0 $0x1C04  }
0x16a: {  	[timem:s3], [sflag:s2] =	dma.local @!p0 [hbm:s0], s1  }
0x16b: {  	s0 =	simm.s32 @!p0 $0x4  }
0x16c: {  	_ =	swait.ge @!p0 [sflag:s0], s1  }
0x16d: {  	s1 =	ssub.s32 @!p0 $0x0, s1;
	[sflag:s0] =	ssyncset.done @!p0 $0x0  }
0x16e: {  	[sflag:s0] =	ssyncadd.s32 @!p0 s1  }
0x16f: {  	[bflag:$0x3] =	sbarrier.arrive $0xFFFF  }
0x170: {  	_ =	shalt  }

// kernel: kernel.9.cloned.1.call-start
scs
__scs_entry_jumppad:
0x0: {  	(pc) =	sbr.rel $0x88, $3  }
0x1: {  	(tag) =	ssettag $0x0;
	lr =	simm.s32 $0x1  }
0x2: {  	[smem:$0x3F95] =	sst lr;
	_ =	strace $0xD0000000  }
0x3: {  	_ = 	snop  }
0x4: {  	_ = 	snop  }
0x5: {  	_ = 	snop  }
0x6: {  	_ = 	snop  }
0x7: {  	_ = 	snop  }
__scs_overlays_trampoline_lowered:
0x8: {  	[smem:$0x3FA4] =	sst s0  }
0x9: {  	[smem:$0x3FA5] =	sst s1  }
0xa: {  	[smem:$0x3FA6] =	sst s2  }
0xb: {  	[smem:$0x3FA7] =	sst s3  }
0xc: {  	[smem:$0x3FA8] =	sst s4  }
0xd: {  	[smem:$0x3FA9] =	sst s5  }
0xe: {  	[smem:$0x3FAA] =	sst s6  }
0xf: {  	[smem:$0x3FAB] =	sst s7  }
0x10: {  	[smem:$0x3FAC] =	sst s8  }
0x11: {  	[smem:$0x3FAD] =	sst s9;
	s0 =	simm.s32 @!p0 $0x0  }
0x12: {  	s1 =	sld [smem:$0x3F93];
	s0 =	simm.s32 @p0 $0x1  }
0x13: {  	[smem:$0x3FAE] =	sst s0;
	s0 =	simm.s32 @!p1 $0x0  }
0x14: {  	s2 =	sld [smem:$0x3F92];
	s0 =	simm.s32 @p1 $0x1  }
0x15: {  	[smem:$0x3FAF] =	sst s0;
	s0 =	simm.s32 @!p2 $0x0  }
0x16: {  	s3 =	sld [smem:$0x3FDB];
	s0 =	simm.s32 @p2 $0x1  }
0x17: {  	s4 =	simm.s32 $0x1BF5;
	[smem:$0x3FB1] =	sst s0  }
0x18: {  	s0 =	sld [smem:$0x3F94];
	_ =	swait.ge [sflag:s4], $0x0  }
0x19: {  	s7 =	sld [smem:$0x3F95]  }
0x1a: {  	s8 =	sadd.s32 $0xFFFFE003, lr  }
0x1b: {  	s9 =	sadd.s32 $0xFFFFFEF7, lr;
	s5 =	simm.s32 $0xFFFFFFFF;
	p2 =	slt.u32 s8, $0xFFFFF086  }
0x1c: {  	p1 =	slt.u32 s9, $0xF7A;
	s5 =	simm.s32 @!p2 $0x0  }
0x1d: {  	s5 =	simm.s32 @p1 $0x1;
	p0 =	seq.s32 s7, s2  }
0x1e: {  	s7 =	smul.u32 @!p0 $0xF7A, s2;
	p2 =	seq.s32 @!p0 s5, $0x0  }
0x1f: {  	s9 =	smul.u32 $0xF7A, s1;
	s8 =	simm.s32 @!p0 $0x1BF5;
	p2 =	por !p2, p0  }
0x20: {  	[sflag:s8] =	ssyncset.s32 @!p0 $0xFFFFF086;
	s6 =	sadd.s32 @!p0 s3, s7;
	s7 =	simm.s32 @!p0 $0x108  }
0x21: {  	s3 =	sadd.s32 s3, s9;
	s6 =	sadd.s32 @!p0 $0x88, s6;
	s7 =	simm.s32 @p2 $0x1082  }
0x22: {  	[simem:s7], [sflag:s8] =	dma.local @!p0 [hbm:s6], $0xF7A  }
0x23: {  	s9 =	sor.u32 $0xD0000000, s2;
	s6 =	simm.s32 $0x108;
	_ =	swait.ge @!p0 [sflag:s8], $0x0  }
0x24: {  	s3 =	sadd.s32 $0x88, s3;
	s6 =	simm.s32 @!p1 $0x1082;
	[sflag:s4] =	ssyncset.s32 $0xFFFFF086  }
0x25: {  	[simem:s6], [sflag:s4] =	dma.local [hbm:s3], $0xF7A  }
0x26: {  	[smem:$0x3F95] =	sst s1;
	(tag) =	ssettag s2;
	_ =	strace s9  }
0x27: {  	s1 =	sld [smem:$0x3FA5]  }
0x28: {  	s2 =	sld [smem:$0x3FA6]  }
0x29: {  	s4 =	sld [smem:$0x3FA8]  }
0x2a: {  	p0 =	seq.s32 s5, $0x0;
	s5 =	sld [smem:$0x3FA9]  }
0x2b: {  	s6 =	sld [smem:$0x3FAA]  }
0x2c: {  	s7 =	sld [smem:$0x3FAB]  }
0x2d: {  	s3 =	simm.s32 $0x108;
	s8 =	sld [smem:$0x3FAC]  }
0x2e: {  	s3 =	simm.s32 @!p0 $0x1082;
	s9 =	sld [smem:$0x3FAD]  }
0x2f: {  	lr =	sadd.s32 s0, s3;
	s0 =	sld [smem:$0x3FA4]  }
0x30: {  	s3 =	sld [smem:$0x3FA7]  }
0x31: {  	[smem:$0x3FB0] =	sst s10  }
0x32: {  	s10 =	sld [smem:$0x3FAE];
	_ =	sdelay $0x3  }
0x33: {  	p0 =	seq.s32 s10, $0x1;
	s10 =	sld [smem:$0x3FB0];
	_ =	sdelay $0x3  }
0x34: {  	[smem:$0x3FB0] =	sst s10  }
0x35: {  	s10 =	sld [smem:$0x3FAF];
	_ =	sdelay $0x3  }
0x36: {  	p1 =	seq.s32 s10, $0x1;
	s10 =	sld [smem:$0x3FB0];
	_ =	sdelay $0x3  }
0x37: {  	[smem:$0x3FB0] =	sst s10  }
0x38: {  	s10 =	sld [smem:$0x3FB1]  }
0x39: {  	_ = 	snop;
	(pc) =	sbr.ind lr, $3  }
0x3a: {  	_ = 	snop  }
0x3b: {  	_ = 	snop  }
0x3c: {  	p2 =	seq.s32 s10, $0x1;
	s10 =	sld [smem:$0x3FB0]  }
0x3d: {  	_ =	shalt  }
0x3e: {  	_ =	shalt  }
0x3f: {  	_ =	shalt  }
0x40: {  	_ =	shalt  }
0x41: {  	_ =	shalt  }
0x42: {  	_ =	shalt  }
0x43: {  	_ =	shalt  }
0x44: {  	_ =	shalt  }
0x45: {  	_ =	shalt  }
0x46: {  	_ =	shalt  }
0x47: {  	_ =	shalt  }
0x48: {  	_ =	shalt  }
0x49: {  	_ =	shalt  }
0x4a: {  	_ =	shalt  }
0x4b: {  	_ =	shalt  }
0x4c: {  	_ =	shalt  }
0x4d: {  	_ =	shalt  }
0x4e: {  	_ =	shalt  }
0x4f: {  	_ =	shalt  }
0x50: {  	_ =	shalt  }
0x51: {  	_ =	shalt  }
0x52: {  	_ =	shalt  }
0x53: {  	_ =	shalt  }
0x54: {  	_ =	shalt  }
0x55: {  	_ =	shalt  }
0x56: {  	_ =	shalt  }
0x57: {  	_ =	shalt  }
0x58: {  	_ =	shalt  }
0x59: {  	_ =	shalt  }
0x5a: {  	_ =	shalt  }
0x5b: {  	_ =	shalt  }
0x5c: {  	_ =	shalt  }
0x5d: {  	_ =	shalt  }
0x5e: {  	_ =	shalt  }
0x5f: {  	_ =	shalt  }
0x60: {  	_ =	shalt  }
0x61: {  	_ =	shalt  }
0x62: {  	_ =	shalt  }
0x63: {  	_ =	shalt  }
0x64: {  	_ =	shalt  }
0x65: {  	_ =	shalt  }
0x66: {  	_ =	shalt  }
0x67: {  	_ =	shalt  }
0x68: {  	_ =	shalt  }
0x69: {  	_ =	shalt  }
0x6a: {  	_ =	shalt  }
0x6b: {  	_ =	shalt  }
0x6c: {  	_ =	shalt  }
0x6d: {  	_ =	shalt  }
0x6e: {  	_ =	shalt  }
0x6f: {  	_ =	shalt  }
0x70: {  	_ =	shalt  }
0x71: {  	_ =	shalt  }
0x72: {  	_ =	shalt  }
0x73: {  	_ =	shalt  }
0x74: {  	_ =	shalt  }
0x75: {  	_ =	shalt  }
0x76: {  	_ =	shalt  }
0x77: {  	_ =	shalt  }
0x78: {  	_ =	shalt  }
0x79: {  	_ =	shalt  }
0x7a: {  	_ =	shalt  }
0x7b: {  	_ =	shalt  }
0x7c: {  	_ =	shalt  }
0x7d: {  	_ =	shalt  }
0x7e: {  	_ =	shalt  }
0x7f: {  	_ =	shalt  }
0x80: {  	_ =	shalt  }
0x81: {  	_ =	shalt  }
0x82: {  	_ =	shalt  }
0x83: {  	_ =	shalt  }
0x84: {  	_ =	shalt  }
0x85: {  	_ =	shalt  }
0x86: {  	_ =	shalt  }
0x87: {  	_ =	shalt  }
.Lfunc_end0:
.L_simem_size_0:
called_computation_lowered:
.L_overlay_start_0:
0x88: {  	s2 =	sld [smem:$0x3FD9]  }
0x89: {  	s3 =	sld [smem:$0x3FFE];
	_ =	sdelay $0x1  }
0x8a: {  	s1 =	srdreg.scid  }
0x8b: {  	s0 =	sand.u32 $0x1, s1  }
0x8c: {  	s16 =	sshll.u32 s0, $0xA;
	s2 =	sadd.s32 s3, s2  }
0x8d: {  	s2 =	sadd.s32 s2, s16  }
0x8e: {  	[smem:$0x3FBC] =	sst s2  }
0x8f: {  	_ = 	snop  }
0x90: {  	(tm) =	ssettm $0x1  }
0x91: {  	s17 =	sld [smem:$0x3FFB];
	_ =	sdelay $0x3  }
0x92: {  	_ =	strace s17  }
0x93: {  	s2 =	sld [smem:$0x3FFC];
	_ =	sdelay $0x3  }
0x94: {  	_ =	strace s2  }
0x95: {  	s2 =	sld [smem:$0x3FFD];
	_ =	sdelay $0x3  }
0x96: {  	_ =	strace s2  }
0x97: {  	_ =	strace $0x8FFFFFFF  }
0x98: {  	s18 =	sld [smem:$0x3FDB];
	_ =	sdelay $0x1  }
0x99: {  	s19 =	simm.s32 $_scs_section_size  }
0x9a: {  	s4 =	simm.s32 $_size__tile_overlayer_lowered;
	s5 =	simm.s32 $_tile_overlayer_lowered  }
0x9b: {  	s22 =	simm.s32 $0x1BFF;
	s21 =	sshll.u32 s5, $0x1;
	s2 =	sadd.s32 s19, s18  }
0x9c: {  	s6 =	simm.s32 $0x0;
	s20 =	sshll.u32 s4, $0x1;
	s4 =	sadd.s32 s21, s2  }
0x9d: {  	[timem:s6], [sflag:s22] =	dma.local [hbm:s4], s20  }
0x9e: {  	_ =	swait.ge [sflag:s22], s20  }
0x9f: {  	s3 =	ssub.s32 $0x0, s20;
	[sflag:s22] =	ssyncset.done $0x0  }
0xa0: {  	[sflag:s22] =	ssyncadd.s32 s3;
	_ =	sdelay $0x1  }
0xa1: {  	s23 =	simm.s32 $0x1B8B  }
0xa2: {  	_ =	swait.ge [sflag:s23], $0x1  }
0xa3: {  	[sflag:s23] =	ssyncset.done $0x0  }
0xa4: {  	s25 =	simm.s32 $0x1B8E;
	s24 =	sld [smem:$0x3FFE];
	[sflag:s23] =	ssyncadd.s32 $0xFFFFFFFF  }
0xa5: {  	s26 =	simm.s32 $execute0_lowered;
	[smem:$0x3FD2] =	sst s25  }
0xa6: {  	s4 =	sshll.u32 s26, $0x1;
	_ =	strace $0x80000046;
	[dreg:$0x1] =	wrdreg $0xFFFFFFFF  }
0xa7: {  	s28 =	simm.s32 $_size_execute0_lowered;
	s2 =	sadd.s32 s2, s4;
	[dreg:$0x0] =	wrdreg $0x0  }
0xa8: {  	s4 =	sshll.u32 s28, $0x1;
	[dreg:$0x2] =	wrdreg s2  }
0xa9: {  	[dreg:$0x3] =	wrdreg s4  }
0xaa: {  	[dreg:$0x4] =	wrdreg $0xC0  }
0xab: {  	_ =	task [dreg:s6], $0x5FFFF  }
0xac: {  	[dreg:$0x1] =	wrdreg $0xFFFFFFFF  }
0xad: {  	[dreg:$0x0] =	wrdreg $0x60  }
0xae: {  	[dreg:$0x2] =	wrdreg s24  }
0xaf: {  	[dreg:$0x3] =	wrdreg $0x52800  }
0xb0: {  	[dreg:$0x4] =	wrdreg $0x9  }
0xb1: {  	_ =	task.clear_ibuf [dreg:s6], $0x5FFFF;
	_ =	strace $0x90000046  }
0xb2: {  	s29 =	simm.s32 $0x9;
	_ =	strace $0x80000048  }
0xb3: {  	_ =	swait.ge [sflag:s29], $0x1  }
0xb4: {  	[sflag:s29] =	ssyncadd.s32 $0xFFFFFFFF  }
0xb5: {  	_ =	strace $0x90000048  }
0xb6: {  	_ =	sfence  }
0xb7: {  	s30 =	sld [smem:$0x0];
	_ =	sdelay $0x2  }
0xb8: {  	s31 =	sshll.u32 s1, $0xD;
	s1 =	sshrl.u32 s1, $0x2  }
0xb9: {  	s3 =	sand.u32 $0x4000, s31;
	s1 =	sadd.s32 s1, s30  }
0xba: {  	s0 =	sor.u32 s3, s0;
	s1 =	sshll.u32 s1, $0x11  }
0xbb: {  	s0 =	sor.u32 s1, s0  }
0xbc: {  	s0 =	sadd.s32 $0x8F2B, s0  }
0xbd: {  	[sflag:s0] =	ssyncadd.remote.s32 $0x1  }
0xbe: {  	_ =	sfence.sel $0xFFFF  }
0xbf: {  	[dreg:$0x0] =	wrdreg $0xFFFFFFFF;
	(pc) =	sbr.abs _section_cstart, $3  }
0xc0: {  	[dreg:$0x1] =	wrdreg $0xFFFFFFFF  }
0xc1: {  	_ =	task.clear_ibuf [dreg:s6], $0x2FFFF;
	_ =	strace $0x9FFFFFFF  }
0xc2: {  	(tm) =	ssettm $0x7FFFFFFF  }
0xc3: {  	_ =	shalt  }
tec
execute0_lowered:
.L_overlay_start_1:
0x0: {  	(tag) =	ssettag $0x1  }
0x1: {  	s4 =	rddreg [dreg:$0x0]  }
0x2: {  	s1 =	rddreg [dreg:$0x1]  }
0x3: {  	s2 =	srdreg.scid;
	s0 =	rddreg [dreg:$0x2];
	s3 =	simm.s32 $0x0  }
0x4: {  	s10 =	simm.s32 $0x2800;
	s11 =	simm.s32 $0x5000;
	s12 =	simm.s32 $0x2  }
0x5: {  	s13 =	simm.s32 $0x80;
	s14 =	simm.s32 $0x100;
	s15 =	simm.s32 $0x0  }
0x6: {  	s5 =	sand.u32 $0x1, s2;
	s2 =	stileid.u32;
	[smem:$0x7FF] =	sst s3  }
0x7: {  	s6 =	sshll.u32 s5, $0x4;
	s7 =	smul.u32 $0x500, s2;
	s8 =	sshll.u32 s5, $0x7  }
0x8: {  	s5 =	ssub.s32 $0x2, s5;
	s31 =	smul.u32 $0xA00, s2;
	s6 =	sor.u32 s2, s6  }
0x9: {  	s9 =	sshrl.u32 s5, $0x1;
	s6 =	smul.u32 $0x500, s6;
	s7 =	sor.u32 s8, s7  }
0xa: {  	_ =	strace $0x80000047;
	s9 =	ssub.s32 s5, s9;
	s7 =	sshrl.u32 s7, $0x3  }
0xb: {  	s8 =	sshrl.u32 s31, $0x2;
	s6 =	sadd.s32 s6, s4;
	s7 =	sadd.s32 s7, s4  }
0xc: {  	s4 =	sadd.s32 $0x2600, s6;
	s5 =	sadd.s32 $0x16600, s6;
	s6 =	sadd.s32 s8, s1  }
0xd: {  	v0 =	vimm.f32 $0.0e+00;
	s7 =	sadd.s32 $0x2A600, s7;
	s8 =	smax.u32 s9, $0x1;
	s9 =	simm.s32 $0x1  }
.LBB2_1:
0xe: {  	[tilespmem:s3], [sflag:$0x1] =	stream.linear.gather [hbm4b:s4+s3], $0x2800, $0x38;
	[tilespmem:$0x5500] =	vst v63  }
0xf: {  	_ =	swait.ge [sflag:s9], $0x2800  }
0x10: {  	[sflag:s9] =	ssyncset.done $0x0  }
0x11: {  	[sflag:s9] =	ssyncadd.s32 $0xFFFFD800  }
0x12: {  	[tilespmem:s10], [sflag:$0x1] =	stream.linear.gather [hbm4b:s5+s3], $0x2800, $0x38;
	[tilespmem:$0x5500] =	vst v63  }
0x13: {  	_ =	swait.ge [sflag:s9], $0x2800  }
0x14: {  	[sflag:s9] =	ssyncset.done $0x0  }
0x15: {  	[sflag:s9] =	ssyncadd.s32 $0xFFFFD800  }
0x16: {  	[tilespmem:$0x5000] =	vst v0  }
0x17: {  	[tilespmem:$0x5010] =	vst v0  }
0x18: {  	[tilespmem:$0x5020] =	vst v0  }
0x19: {  	[tilespmem:$0x5030] =	vst v0  }
0x1a: {  	[tilespmem:$0x5040] =	vst v0  }
0x1b: {  	[tilespmem:$0x5050] =	vst v0  }
0x1c: {  	[tilespmem:$0x5060] =	vst v0  }
0x1d: {  	[tilespmem:$0x5070] =	vst v0  }
0x1e: {  	[tilespmem:$0x5080] =	vst v0  }
0x1f: {  	[tilespmem:$0x5090] =	vst v0  }
0x20: {  	[tilespmem:$0x50A0] =	vst v0  }
0x21: {  	[tilespmem:$0x50B0] =	vst v0  }
0x22: {  	[tilespmem:$0x50C0] =	vst v0  }
0x23: {  	[tilespmem:$0x50D0] =	vst v0  }
0x24: {  	[tilespmem:$0x50E0] =	vst v0  }
0x25: {  	[tilespmem:$0x50F0] =	vst v0  }
0x26: {  	[tilespmem:$0x5100] =	vst v0  }
0x27: {  	[tilespmem:$0x5110] =	vst v0  }
0x28: {  	[tilespmem:$0x5120] =	vst v0  }
0x29: {  	[tilespmem:$0x5130] =	vst v0  }
0x2a: {  	[tilespmem:$0x5140] =	vst v0  }
0x2b: {  	[tilespmem:$0x5150] =	vst v0  }
0x2c: {  	[tilespmem:$0x5160] =	vst v0  }
0x2d: {  	[tilespmem:$0x5170] =	vst v0  }
0x2e: {  	[tilespmem:$0x5180] =	vst v0  }
0x2f: {  	[tilespmem:$0x5190] =	vst v0  }
0x30: {  	[tilespmem:$0x51A0] =	vst v0  }
0x31: {  	[tilespmem:$0x51B0] =	vst v0  }
0x32: {  	[tilespmem:$0x51C0] =	vst v0  }
0x33: {  	[tilespmem:$0x51D0] =	vst v0  }
0x34: {  	[tilespmem:$0x51E0] =	vst v0  }
0x35: {  	[tilespmem:$0x51F0] =	vst v0  }
0x36: {  	[tilespmem:$0x5200] =	vst v0  }
0x37: {  	[tilespmem:$0x5210] =	vst v0  }
0x38: {  	[tilespmem:$0x5220] =	vst v0  }
0x39: {  	[tilespmem:$0x5230] =	vst v0  }
0x3a: {  	[tilespmem:$0x5240] =	vst v0  }
0x3b: {  	[tilespmem:$0x5250] =	vst v0  }
0x3c: {  	[tilespmem:$0x5260] =	vst v0  }
0x3d: {  	[tilespmem:$0x5270] =	vst v0  }
0x3e: {  	[spmem:s6] =	stream.linear.scatter [tilespmem:s11], [sflag:$0x2], $0x280, $0x38;
	[tilespmem:$0x5500] =	vst v63  }
0x3f: {  	_ =	swait.ge [sflag:s12], $0x280  }
0x40: {  	[sflag:s12] =	ssyncset.done $0x0  }
0x41: {  	[sflag:s12] =	ssyncadd.s32 $0xFFFFFD80  }
0x42: {  	s16 =	simm.s32 $0x0;
	s17 =	simm.s32 $0x2800;
	[bflag:$0x0] =	sbarrier.arrive $0xFFFF  }
0x43: {  	[spmem:s1] =	stream.indirect.scatter.add.f32 [tilespmem:s17], [sflag:$0x2], $0x1, s16, s13, $0xb8;
	[tilespmem:$0x5500] =	vst v63  }
0x44: {  	s16 =	simm.s32 $0x200;
	_ =	swait.ge [sflag:s12], $0x80  }
.LBB2_2:
0x45: {  	s17 =	sshra.s32 s16, $0x2;
	[sflag:s12] =	ssyncset.done $0x0;
	p0 =	sne.s32 s16, $0x9E00  }
.Ltmp0:
0x46: {  	s18 =	sadd.s32 $0x2800, s17;
	[sflag:s12] =	ssyncadd.s32 $0xFFFFFF80;
	(pc) =	sbr.rel @p0 .LBB2_2-.Ltmp0, $3  }
0x47: {  	[spmem:s1] =	stream.indirect.scatter.add.f32 [tilespmem:s18], [sflag:$0x2], $0x1, s17, s13, $0xb8;
	[tilespmem:$0x5500] =	vst v63  }
0x48: {  	s16 =	sadd.s32 $0x200, s16;
	_ =	sdelay $0x1  }
0x49: {  	_ =	swait.ge [sflag:s12], $0x80  }
0x4a: {  	[sflag:s12] =	ssyncset.done $0x0  }
0x4b: {  	[sflag:s12] =	ssyncadd.s32 $0xFFFFFF80  }
0x4c: {  	[bflag:$0x0] =	sbarrier.arrive $0xFFFF  }
0x4d: {  	[tilespmem:s11], [sflag:$0x2] =	stream.linear.gather [spmem:s6], $0x280, $0x38;
	[tilespmem:$0x5500] =	vst v63  }
0x4e: {  	s15 =	sadd.s32 $0x1, s15;
	_ =	swait.ge [sflag:s12], $0x280  }
0x4f: {  	p0 =	sne.s32 s15, s8;
	[sflag:s12] =	ssyncset.done $0x0  }
.Ltmp1:
0x50: {  	[sflag:s12] =	ssyncadd.s32 $0xFFFFFD80;
	(pc) =	sbr.rel @p0 .LBB2_1-.Ltmp1, $4  }
0x51: {  	[hbm4b:s7+s13] =	stream.strided.scatter [tilespmem:s11], [sflag:$0x2], $0x280, s14, s13, $0x38;
	[tilespmem:$0x5500] =	vst v63  }
0x52: {  	_ =	swait.ge [sflag:s12], $0x280  }
0x53: {  	[sflag:s12] =	ssyncset.done $0x0  }
0x54: {  	[sflag:s12] =	ssyncadd.s32 $0xFFFFFD80  }
0x55: {  	_ =	sfence.sel $0x180000  }
0x56: {  	[bflag:$0x0] =	sbarrier.arrive $0xFFFF  }
0x57: {  	p0 =	sne.s32 s2, $0x0;
	_ =	strace $0x90000047  }
0x58: {  	s0 =	sadd.s32 @!p0 $0x100000, s0;
	[bflag:$0x2] =	sbarrier.arrive $0xFFFF  }
0x59: {  	[sflag:s0] =	ssyncadd.tile.s32 @!p0 $0x1;
	_ =	shalt  }
.Lfunc_end2:
_tile_overlayer_lowered:
.L_overlay_start_2:
0x5a: {  	(tag) =	ssettag $0x2  }
0x5b: {  	s0 =	rddreg [dreg:$0x0];
	s2 =	stileid.u32  }
0x5c: {  	s1 =	rddreg [dreg:$0x1];
	p0 =	sne.s32 s2, $0x0  }
0x5d: {  	s3 =	rddreg [dreg:$0x2];
	[bflag:$0x3] =	sbarrier.arrive $0xFFFF;
	s2 =	simm.s32 @!p0 $0x1C02  }
0x5e: {  	[timem:s3], [sflag:s2] =	dma.local @!p0 [hbm:s0], s1  }
0x5f: {  	s0 =	simm.s32 @!p0 $0x2  }
0x60: {  	_ =	swait.ge @!p0 [sflag:s0], s1  }
0x61: {  	s1 =	ssub.s32 @!p0 $0x0, s1;
	[sflag:s0] =	ssyncset.done @!p0 $0x0  }
0x62: {  	[sflag:s0] =	ssyncadd.s32 @!p0 s1  }
0x63: {  	[bflag:$0x3] =	sbarrier.arrive $0xFFFF  }
0x64: {  	_ =	shalt  }

</sc_bundles>
